<compile_context>
chip_gen: v7x
topology: tpu7x:2x2x1
jax: 0.10.2.dev20260603
libtpu: 0.0.44.dev20260713+nightly
codegen_flags: <defaults>
</compile_context>

<pallas_src>
import functools

import jax
import jax.numpy as jnp
from jax import lax
from jax.experimental import pallas as pl
from jax.experimental.pallas import tpu as pltpu
from jax.experimental.pallas import tpu_sc as plsc

B, C, T, K, GROUPS, WIDTH = 4, 128, 2048, 16, 32, 128
NBLK = 4
RB = T // NBLK
F32 = jnp.float32
NEG = -3.0e38



def _block_diag(w):
    g, og, ig = w.shape
    eye = jnp.eye(g, dtype=w.dtype)
    big = jnp.einsum('goi,gh->gohi', w, eye)
    return big.reshape(g * og, g * ig)



def _prep_body(x_ref, w1_ref, b1_ref, w2s_ref, b2_ref, w3_ref, b3_ref,
               at_ref, bmt_ref, sb1_ref, tfull_ref, s1a_ref, s1b_ref):
    xb = x_ref[0]
    t1 = jnp.maximum(
        jnp.dot(w1_ref[...], xb, preferred_element_type=F32) + b1_ref[...], 0.0)
    zcol = jnp.zeros((WIDTH, 1), F32)
    t1m = jnp.concatenate([zcol, t1[:, :-1]], axis=1)
    t1p = jnp.concatenate([t1[:, 1:], zcol], axis=1)
    t2 = (jnp.dot(w2s_ref[0], t1m, preferred_element_type=F32)
          + jnp.dot(w2s_ref[1], t1, preferred_element_type=F32)
          + jnp.dot(w2s_ref[2], t1p, preferred_element_type=F32)
          + b2_ref[...])
    t2 = jnp.maximum(t2, 0.0)
    t3 = jnp.dot(w3_ref[...], t2, preferred_element_type=F32) + b3_ref[...]
    tfull_ref[0] = t3 + xb
    dn = (((0,), (0,)), ((), ()))
    s1a_ref[0] = lax.dot_general(xb, at_ref[...], dn, preferred_element_type=F32)
    s1b_ref[0] = (lax.dot_general(xb, bmt_ref[...], dn,
                                  preferred_element_type=F32) + sb1_ref[...])


def _prep_call(x, w1, b1c, w2s, b2c, w3, b3c, at, bmt, sb1r):
    full2 = lambda a: pl.BlockSpec(a.shape, lambda b: (0,) * a.ndim)
    return pl.pallas_call(
        _prep_body,
        grid=(B,),
        in_specs=[
            pl.BlockSpec((1, C, T), lambda b: (b, 0, 0)),
            full2(w1), full2(b1c), full2(w2s), full2(b2c), full2(w3),
            full2(b3c), full2(at), full2(bmt), full2(sb1r),
        ],
        out_specs=[
            pl.BlockSpec((1, C, T), lambda b: (b, 0, 0)),
            pl.BlockSpec((1, T, WIDTH), lambda b: (b, 0, 0)),
            pl.BlockSpec((1, T, WIDTH), lambda b: (b, 0, 0)),
        ],
        out_shape=[
            jax.ShapeDtypeStruct((B, C, T), F32),
            jax.ShapeDtypeStruct((B, T, WIDTH), F32),
            jax.ShapeDtypeStruct((B, T, WIDTH), F32),
        ],
        compiler_params=pltpu.CompilerParams(
            dimension_semantics=("parallel",)),
    )(x, w1, b1c, w2s, b2c, w3, b3c, at, bmt, sb1r)



GB = 2


def _pair_body(xall_ref, xrow_ref, idx_ref, *, b0):
    nb = pl.program_id(0) % NBLK
    boff = (b0 + pl.program_id(0) // NBLK) * T
    xb = xall_ref[0]
    xr = xrow_ref[0]
    xx = jnp.sum(xb * xb, axis=0, keepdims=True)
    p2 = lax.dot_general(xr, xb, (((0,), (0,)), ((), ())),
                         preferred_element_type=F32)
    inner = -2.0 * p2
    rows = lax.broadcasted_iota(jnp.int32, (RB, RB), 0)
    colsq = lax.broadcasted_iota(jnp.int32, (RB, RB), 1)
    xxslice = jnp.sum(xr * xr, axis=0, keepdims=True)
    xxcol = jnp.sum(jnp.where(rows == colsq, xxslice, 0.0),
                    axis=1, keepdims=True)
    p = (-xxcol - inner) - xx
    colsn = -lax.broadcasted_iota(jnp.int32, (RB, T), 1).astype(F32)
    jprev = -(lax.broadcasted_iota(jnp.int32, (RB, 1), 0)
              + nb * RB).astype(F32)
    picks = [jprev]
    for _ in range(K - 1):
        p = jnp.where(colsn == jprev, NEG, p)
        m = jnp.max(p, axis=1, keepdims=True)
        cand = jnp.where(p == m, colsn, float(-T))
        jprev = jnp.max(cand, axis=1, keepdims=True)
        picks.append(jprev)
    idxf = jnp.concatenate(picks, axis=1)
    idx_ref[0] = (-idxf).astype(jnp.int32) + boff


def _pair_call(x, b0):
    return pl.pallas_call(
        functools.partial(_pair_body, b0=b0),
        grid=(GB * NBLK,),
        in_specs=[
            pl.BlockSpec((1, C, T), lambda g: (b0 + g // NBLK, 0, 0)),
            pl.BlockSpec((1, C, RB), lambda g: (b0 + g // NBLK, 0, g % NBLK)),
        ],
        out_specs=pl.BlockSpec((1, RB, K), lambda g: (g // NBLK, g % NBLK, 0)),
        out_shape=jax.ShapeDtypeStruct((GB, T, K), jnp.int32),
        compiler_params=pltpu.CompilerParams(
            dimension_semantics=("arbitrary",)),
    )(x, x)



TOTB = T * K
CH = 128


def _sc_gather(idx2d, table):
    nrows = idx2d.shape[0] * CH
    info = plsc.get_sparse_core_info()
    nc, ns = info.num_cores, info.num_subcores
    nw = nc * ns
    per_w = nrows // nw
    nchunk = per_w // CH

    nbuf = 4

    @functools.partial(
        pl.kernel,
        mesh=plsc.VectorSubcoreMesh(core_axis_name="c", subcore_axis_name="s"),
        out_type=jax.ShapeDtypeStruct((nrows, WIDTH), F32),
        scratch_types=[
            pltpu.VMEM((nchunk, CH), jnp.int32),
            pltpu.VMEM((nbuf, CH, WIDTH), F32),
        ] + [pltpu.SemaphoreType.DMA] * (2 * nbuf),
    )
    def _gather(idx_hbm, table_hbm, out_hbm, idx_v, rows_v, *sems):
        gsems, wsems = sems[:nbuf], sems[nbuf:]
        wid = lax.axis_index("s") * nc + lax.axis_index("c")
        base = wid * per_w
        pltpu.sync_copy(idx_hbm.at[pl.ds(wid * nchunk, nchunk)], idx_v)

        def gstart(c, s):
            pltpu.async_copy(table_hbm.at[idx_v.at[c]], rows_v.at[s],
                             gsems[s])

        def gwait(s):
            pltpu.make_async_copy(out_hbm.at[pl.ds(base, CH)], rows_v.at[s],
                                  gsems[s]).wait()

        def wstart(c, s):
            pltpu.async_copy(rows_v.at[s], out_hbm.at[pl.ds(base + c * CH, CH)],
                             wsems[s])

        def wwait(s):
            pltpu.make_async_copy(rows_v.at[s], out_hbm.at[pl.ds(base, CH)],
                                  wsems[s]).wait()

        for s in range(nbuf):
            gstart(s, s)

        def body(grp, carry):
            for s in range(nbuf):
                c = grp * nbuf + s
                gwait(s)
                wstart(c, s)

                @pl.when(c + nbuf < nchunk)
                def _():
                    wwait(s)
                    gstart(c + nbuf, s)

            return carry

        lax.fori_loop(0, nchunk // nbuf, body, 0)
        for s in range(nbuf):
            wwait(s)

    return _gather(idx2d, table)



def _edge_body(g_ref, s1b_ref, tf_ref, w2t_ref, sb2_ref, w3_ref, sb3_ref,
               out_ref):
    g3 = g_ref[...].reshape(RB, K, WIDTH)
    s1b = s1b_ref[0]
    h = jnp.maximum(g3 + s1b[:, None, :], 0.0)
    s2 = jnp.maximum(
        jnp.dot(h.reshape(RB * K, WIDTH), w2t_ref[...],
                preferred_element_type=F32) + sb2_ref[...], 0.0)
    s23 = s2.reshape(RB, K, WIDTH)
    w3 = w3_ref[...]
    m = jnp.full((C, RB), NEG, F32)
    for k in range(K):
        s3t = lax.dot_general(w3, s23[:, k, :], (((1,), (1,)), ((), ())),
                              preferred_element_type=F32)
        m = jnp.maximum(m, s3t)
    out_ref[0] = jnp.maximum(tf_ref[0] + m + sb3_ref[...], 0.0)


def _edge_call(g, s1b, acc, w2t, sb2r, w3, sb3c, b0):
    full2 = lambda a: pl.BlockSpec(a.shape, lambda g_: (0,) * a.ndim)
    return pl.pallas_call(
        _edge_body,
        grid=(GB * NBLK,),
        in_specs=[
            pl.BlockSpec((RB * K, WIDTH), lambda g_: (g_, 0)),
            pl.BlockSpec((1, RB, WIDTH),
                         lambda g_: (b0 + g_ // NBLK, g_ % NBLK, 0)),
            pl.BlockSpec((1, C, RB),
                         lambda g_: (b0 + g_ // NBLK, 0, g_ % NBLK)),
            full2(w2t), full2(sb2r), full2(w3), full2(sb3c),
        ],
        out_specs=pl.BlockSpec((1, C, RB),
                               lambda g_: (b0 + g_ // NBLK, 0, g_ % NBLK)),
        out_shape=jax.ShapeDtypeStruct((B, C, T), F32),
        input_output_aliases={2: 0},
        compiler_params=pltpu.CompilerParams(
            dimension_semantics=("arbitrary",)),
    )(g, s1b, acc, w2t, sb2r, w3, sb3c)



def kernel(x, tw1, tb1, tw2, tb2, tw3, tb3, sw1, sb1, sw2, sb2, sw3, sb3):
    w1 = tw1[:, :, 0]
    w2s = jnp.stack([_block_diag(tw2[:, :, s].reshape(GROUPS, WIDTH // GROUPS,
                                                      WIDTH // GROUPS))
                     for s in range(3)])
    w3 = tw3[:, :, 0]
    b1c = tb1.reshape(WIDTH, 1)
    b2c = tb2.reshape(WIDTH, 1)
    b3c = tb3.reshape(C, 1)
    at = sw1[:, :C, 0, 0].T
    bmt = sw1[:, C:, 0, 0].T
    sb1r = sb1.reshape(1, WIDTH)
    w2t = _block_diag(sw2[:, :, 0, 0].reshape(GROUPS, WIDTH // GROUPS,
                                              WIDTH // GROUPS)).T
    sb2r = sb2.reshape(1, WIDTH)
    w3e = sw3[:, :, 0, 0]
    sb3c = sb3.reshape(C, 1)

    tfull, s1a, s1b = _prep_call(x, w1, b1c, w2s, b2c, w3, b3c, at, bmt, sb1r)
    table = s1a.reshape(B * T, WIDTH)
    gs = []
    for b0 in range(0, B, GB):
        idx_g = _pair_call(x, b0)
        gs.append(_sc_gather(idx_g.reshape(GB * TOTB // CH, CH), table))
    acc = tfull
    for i, b0 in enumerate(range(0, B, GB)):
        acc = _edge_call(gs[i], s1b, acc, w2t, sb2r, w3e, sb3c, b0)
    return acc

# --- scband reference (transcript-rebuilt; emitter-appended) ---
"""Pipeline reference for scband-gcne-xt-19284403159426 (READ-ONLY COPY).

The authoritative reference and input builder live on the scoring server;
editing this copy changes nothing except your own understanding.
"""

import jax, jax.numpy as jnp
import numpy as np

B, C_IN, C_OUT, T, K, GROUPS, WIDTH = 4, 128, 128, 2048, 16, 32, 128


def _kaiming(key, shape):
    fan_out = shape[0] * int(np.prod(shape[2:]))
    return jax.random.normal(key, shape, dtype=jnp.float32) * np.float32(np.sqrt(2.0 / fan_out))


def setup_inputs(seed: int = 0) -> dict:
    key = jax.random.key(seed)
    ks = jax.random.split(key, 8)
    return {
        "x": jax.random.normal(ks[0], (B, C_IN, T), dtype=jnp.float32),
        "tw1": _kaiming(ks[1], (WIDTH, C_IN, 1)),
        "tb1": jnp.zeros((WIDTH,), jnp.float32),
        "tw2": _kaiming(ks[2], (WIDTH, WIDTH // GROUPS, 3)),
        "tb2": jnp.zeros((WIDTH,), jnp.float32),
        "tw3": _kaiming(ks[3], (C_OUT, WIDTH, 1)),
        "tb3": jnp.zeros((C_OUT,), jnp.float32),
        "sw1": _kaiming(ks[4], (WIDTH, 2 * C_IN, 1, 1)),
        "sb1": jnp.zeros((WIDTH,), jnp.float32),
        "sw2": _kaiming(ks[5], (WIDTH, WIDTH // GROUPS, 1, 1)),
        "sb2": jnp.zeros((WIDTH,), jnp.float32),
        "sw3": _kaiming(ks[6], (C_OUT, WIDTH, 1, 1)),
        "sb3": jnp.zeros((C_OUT,), jnp.float32),
    }


def _conv1d(x, w, b, groups=1, padding=0):
    out = jax.lax.conv_general_dilated(
        x, w, window_strides=(1,), padding=[(padding, padding)],
        feature_group_count=groups, dimension_numbers=('NCH', 'OIH', 'NCH'))
    return out + b[None, :, None]


def _conv2d_1x1(x, w, b, groups=1):
    Bb, C, N, Kk = x.shape
    O = w.shape[0]
    if groups == 1:
        out = jnp.einsum('bcnk,oc->bonk', x, w[:, :, 0, 0])
    else:
        xg = x.reshape(Bb, groups, C // groups, N, Kk)
        wg = w[:, :, 0, 0].reshape(groups, O // groups, C // groups)
        out = jnp.einsum('bgcnk,goc->bgonk', xg, wg).reshape(Bb, O, N, Kk)
    return out + b[None, :, None, None]


def _graph_feature(x, k):
    # knn(x, type='dis') from original code: pairwise negative squared distance + topk
    xx = jnp.sum(x * x, axis=1, keepdims=True)            # (B,1,N)
    inner = -2.0 * jnp.einsum('bcm,bcn->bmn', x, x)       # (B,N,N) == -2 * y^T @ x
    pairwise = -xx - inner - jnp.swapaxes(xx, 1, 2)        # (B,N,N)
    _, idx = jax.lax.top_k(pairwise, k)                    # (B,N,k)
    xt = jnp.swapaxes(x, 1, 2)                             # (B,N,C) -- gather (SparseCore-style)
    feature = jax.vmap(lambda pts, ind: pts[ind])(xt, idx)  # (B,N,k,C)
    xrep = jnp.broadcast_to(xt[:, :, None, :], feature.shape)
    feat = jnp.concatenate([feature, xrep], axis=3)        # style=1: cat(feature, x) -> (B,N,k,2C)
    return jnp.transpose(feat, (0, 3, 1, 2))               # (B,2C,N,k)


def reference(x, tw1, tb1, tw2, tb2, tw3, tb3, sw1, sb1, sw2, sb2, sw3, sb3):
    identity = x
    # temporal branch (bottleneck 1x1 -> grouped k=3 -> 1x1)
    t = jax.nn.relu(_conv1d(x, tw1, tb1))
    t = jax.nn.relu(_conv1d(t, tw2, tb2, groups=GROUPS, padding=1))
    tout = _conv1d(t, tw3, tb3)
    # semantic graph branch (kNN graph feature -> 1x1 convs -> max over neighbors)
    xf = _graph_feature(x, K)
    s = jax.nn.relu(_conv2d_1x1(xf, sw1, sb1))
    s = jax.nn.relu(_conv2d_1x1(s, sw2, sb2, groups=GROUPS))
    s = _conv2d_1x1(s, sw3, sb3)
    sout = jnp.max(s, axis=-1)                             # (B,C_out,T)
    return jax.nn.relu(tout + identity + sout)

if __name__ == "__main__":
    import jax
    _d = setup_inputs()
    print(jax.jit(kernel)(*tuple(_d.values())))

</pallas_src>

<mosaic_0001>
#map = affine_map<(d0, d1) -> (0, 0)>
module attributes {stable_mosaic.version = 14 : i64} {
  func.func @_gather(%arg0: i32, %arg1: i32, %arg2: memref<512x128xi32, #tpu.memory_space<hbm>>, %arg3: memref<8192x128xf32, #tpu.memory_space<hbm>>, %arg4: memref<65536x128xf32, #tpu.memory_space<hbm>>, %arg5: memref<16x128xi32, #tpu.memory_space<vmem>>, %arg6: memref<4x128x128xf32, #tpu.memory_space<vmem>>, %arg7: memref<!tpu.dma_semaphore, #tpu.memory_space<semaphore_mem>>, %arg8: memref<!tpu.dma_semaphore, #tpu.memory_space<semaphore_mem>>, %arg9: memref<!tpu.dma_semaphore, #tpu.memory_space<semaphore_mem>>, %arg10: memref<!tpu.dma_semaphore, #tpu.memory_space<semaphore_mem>>, %arg11: memref<!tpu.dma_semaphore, #tpu.memory_space<semaphore_mem>>, %arg12: memref<!tpu.dma_semaphore, #tpu.memory_space<semaphore_mem>>, %arg13: memref<!tpu.dma_semaphore, #tpu.memory_space<semaphore_mem>>, %arg14: memref<!tpu.dma_semaphore, #tpu.memory_space<semaphore_mem>>) attributes {dimension_semantics = [#tpu.dimension_semantics<core_parallel>, #tpu.dimension_semantics<subcore_parallel>], iteration_bounds = array<i64: 2, 16>, scalar_prefetch = 0 : i64, scratch_operands = 10 : i64, tpu.core_type = #tpu.core_type<sc_vector_subcore>, window_params = [{transform_indices = #map}, {transform_indices = #map}, {transform_indices = #map}]} {
    %mul3A = arith.constant 2 : i32
    %mul3A_0 = arith.muli %arg1, %mul3A : i32
    %add3A = arith.addi %mul3A_0, %arg0 : i32
    %mul3A_1 = arith.constant 2048 : i32
    %mul3A_2 = arith.muli %add3A, %mul3A_1 : i32
    %mul3A_3 = arith.constant 16 : i32
    %mul3A_4 = arith.muli %add3A, %mul3A_3 : i32
    "tpu.region"() ({
      %run_scoped3A = tpu.sem_alloc : memref<!tpu.dma_semaphore, #tpu.memory_space<semaphore_mem>>
      %dma_start3A_108 = arith.constant 0 : i32
      %dma_start3A_109 = tpu.memref_slice %arg2[%mul3A_4, %dma_start3A_108] : memref<512x128xi32, #tpu.memory_space<hbm>> -> memref<16x128xi32, #tpu.memory_space<hbm>>
      %dma_start3A_110 = arith.constant 0 : i32
      %dma_start3A_111 = tpu.memref_slice %arg2[%mul3A_4, %dma_start3A_110] : memref<512x128xi32, #tpu.memory_space<hbm>> -> memref<16x128xi32, #tpu.memory_space<hbm>>
      tpu.enqueue_dma source(%dma_start3A_111 : memref<16x128xi32, #tpu.memory_space<hbm>>) target(%arg5 : memref<16x128xi32, #tpu.memory_space<vmem>>) target_semaphore(%run_scoped3A : memref<!tpu.dma_semaphore, #tpu.memory_space<semaphore_mem>>)
      %dma_wait3A_112 = arith.constant 0 : i32
      %dma_wait3A_113 = tpu.memref_slice %arg2[%mul3A_4, %dma_wait3A_112] : memref<512x128xi32, #tpu.memory_space<hbm>> -> memref<16x128xi32, #tpu.memory_space<hbm>>
      %dma_wait3A_114 = arith.constant 0 : i32
      %dma_wait3A_115 = tpu.memref_slice %arg2[%mul3A_4, %dma_wait3A_114] : memref<512x128xi32, #tpu.memory_space<hbm>> -> memref<16x128xi32, #tpu.memory_space<hbm>>
      tpu.wait_dma2 semaphore(%run_scoped3A : memref<!tpu.dma_semaphore, #tpu.memory_space<semaphore_mem>>) src(%dma_wait3A_115 : memref<16x128xi32, #tpu.memory_space<hbm>>) dst(%arg5 : memref<16x128xi32, #tpu.memory_space<vmem>>)
      tpu.yield
    }) : () -> ()
    %dma_start3A = arith.constant 0 : i32
    %dma_start3A_5 = arith.constant 0 : i32
    %dma_start3A_6 = arith.constant 0 : i32
    %dma_start3A_7 = arith.constant 0 : i32
    %dma_start3A_8 = tpu.memref_slice %arg6[%dma_start3A_5, %dma_start3A_6, %dma_start3A_7] : memref<4x128x128xf32, #tpu.memory_space<vmem>> -> memref<1x128x128xf32, #tpu.memory_space<vmem>>
    %dma_start3A_9 = tpu.memref_squeeze %dma_start3A_8 : memref<1x128x128xf32, #tpu.memory_space<vmem>> -> memref<128x128xf32, #tpu.memory_space<vmem>>
    %dma_start3A_10 = arith.constant 0 : i32
    %dma_start3A_11 = tpu.memref_slice %arg5[%dma_start3A, %dma_start3A_10] : memref<16x128xi32, #tpu.memory_space<vmem>> -> memref<1x128xi32, #tpu.memory_space<vmem>>
    %dma_start3A_12 = tpu.memref_squeeze %dma_start3A_11 : memref<1x128xi32, #tpu.memory_space<vmem>> -> memref<128xi32, #tpu.memory_space<vmem>>
    %dma_start3A_13 = arith.constant 0 : i32
    %dma_start3A_14 = arith.constant 0 : i32
    %dma_start3A_15 = tpu.memref_slice %arg3[%dma_start3A_13, %dma_start3A_14] : memref<8192x128xf32, #tpu.memory_space<hbm>> -> memref<8192x128xf32, #tpu.memory_space<hbm>>
    tpu.enqueue_indirect_dma source(%dma_start3A_15 : memref<8192x128xf32, #tpu.memory_space<hbm>>) target(%dma_start3A_9 : memref<128x128xf32, #tpu.memory_space<vmem>>) offsets(%dma_start3A_12 : memref<128xi32, #tpu.memory_space<vmem>>) semaphore(%arg7 : memref<!tpu.dma_semaphore, #tpu.memory_space<semaphore_mem>>)
    %dma_start3A_16 = arith.constant 1 : i32
    %dma_start3A_17 = arith.constant 1 : i32
    %dma_start3A_18 = arith.constant 0 : i32
    %dma_start3A_19 = arith.constant 0 : i32
    %dma_start3A_20 = tpu.memref_slice %arg6[%dma_start3A_17, %dma_start3A_18, %dma_start3A_19] : memref<4x128x128xf32, #tpu.memory_space<vmem>> -> memref<1x128x128xf32, #tpu.memory_space<vmem>>
    %dma_start3A_21 = tpu.memref_squeeze %dma_start3A_20 : memref<1x128x128xf32, #tpu.memory_space<vmem>> -> memref<128x128xf32, #tpu.memory_space<vmem>>
    %dma_start3A_22 = arith.constant 0 : i32
    %dma_start3A_23 = tpu.memref_slice %arg5[%dma_start3A_16, %dma_start3A_22] : memref<16x128xi32, #tpu.memory_space<vmem>> -> memref<1x128xi32, #tpu.memory_space<vmem>>
    %dma_start3A_24 = tpu.memref_squeeze %dma_start3A_23 : memref<1x128xi32, #tpu.memory_space<vmem>> -> memref<128xi32, #tpu.memory_space<vmem>>
    %dma_start3A_25 = arith.constant 0 : i32
    %dma_start3A_26 = arith.constant 0 : i32
    %dma_start3A_27 = tpu.memref_slice %arg3[%dma_start3A_25, %dma_start3A_26] : memref<8192x128xf32, #tpu.memory_space<hbm>> -> memref<8192x128xf32, #tpu.memory_space<hbm>>
    tpu.enqueue_indirect_dma source(%dma_start3A_27 : memref<8192x128xf32, #tpu.memory_space<hbm>>) target(%dma_start3A_21 : memref<128x128xf32, #tpu.memory_space<vmem>>) offsets(%dma_start3A_24 : memref<128xi32, #tpu.memory_space<vmem>>) semaphore(%arg8 : memref<!tpu.dma_semaphore, #tpu.memory_space<semaphore_mem>>)
    %dma_start3A_28 = arith.constant 2 : i32
    %dma_start3A_29 = arith.constant 2 : i32
    %dma_start3A_30 = arith.constant 0 : i32
    %dma_start3A_31 = arith.constant 0 : i32
    %dma_start3A_32 = tpu.memref_slice %arg6[%dma_start3A_29, %dma_start3A_30, %dma_start3A_31] : memref<4x128x128xf32, #tpu.memory_space<vmem>> -> memref<1x128x128xf32, #tpu.memory_space<vmem>>
    %dma_start3A_33 = tpu.memref_squeeze %dma_start3A_32 : memref<1x128x128xf32, #tpu.memory_space<vmem>> -> memref<128x128xf32, #tpu.memory_space<vmem>>
    %dma_start3A_34 = arith.constant 0 : i32
    %dma_start3A_35 = tpu.memref_slice %arg5[%dma_start3A_28, %dma_start3A_34] : memref<16x128xi32, #tpu.memory_space<vmem>> -> memref<1x128xi32, #tpu.memory_space<vmem>>
    %dma_start3A_36 = tpu.memref_squeeze %dma_start3A_35 : memref<1x128xi32, #tpu.memory_space<vmem>> -> memref<128xi32, #tpu.memory_space<vmem>>
    %dma_start3A_37 = arith.constant 0 : i32
    %dma_start3A_38 = arith.constant 0 : i32
    %dma_start3A_39 = tpu.memref_slice %arg3[%dma_start3A_37, %dma_start3A_38] : memref<8192x128xf32, #tpu.memory_space<hbm>> -> memref<8192x128xf32, #tpu.memory_space<hbm>>
    tpu.enqueue_indirect_dma source(%dma_start3A_39 : memref<8192x128xf32, #tpu.memory_space<hbm>>) target(%dma_start3A_33 : memref<128x128xf32, #tpu.memory_space<vmem>>) offsets(%dma_start3A_36 : memref<128xi32, #tpu.memory_space<vmem>>) semaphore(%arg9 : memref<!tpu.dma_semaphore, #tpu.memory_space<semaphore_mem>>)
    %dma_start3A_40 = arith.constant 3 : i32
    %dma_start3A_41 = arith.constant 3 : i32
    %dma_start3A_42 = arith.constant 0 : i32
    %dma_start3A_43 = arith.constant 0 : i32
    %dma_start3A_44 = tpu.memref_slice %arg6[%dma_start3A_41, %dma_start3A_42, %dma_start3A_43] : memref<4x128x128xf32, #tpu.memory_space<vmem>> -> memref<1x128x128xf32, #tpu.memory_space<vmem>>
    %dma_start3A_45 = tpu.memref_squeeze %dma_start3A_44 : memref<1x128x128xf32, #tpu.memory_space<vmem>> -> memref<128x128xf32, #tpu.memory_space<vmem>>
    %dma_start3A_46 = arith.constant 0 : i32
    %dma_start3A_47 = tpu.memref_slice %arg5[%dma_start3A_40, %dma_start3A_46] : memref<16x128xi32, #tpu.memory_space<vmem>> -> memref<1x128xi32, #tpu.memory_space<vmem>>
    %dma_start3A_48 = tpu.memref_squeeze %dma_start3A_47 : memref<1x128xi32, #tpu.memory_space<vmem>> -> memref<128xi32, #tpu.memory_space<vmem>>
    %dma_start3A_49 = arith.constant 0 : i32
    %dma_start3A_50 = arith.constant 0 : i32
    %dma_start3A_51 = tpu.memref_slice %arg3[%dma_start3A_49, %dma_start3A_50] : memref<8192x128xf32, #tpu.memory_space<hbm>> -> memref<8192x128xf32, #tpu.memory_space<hbm>>
    tpu.enqueue_indirect_dma source(%dma_start3A_51 : memref<8192x128xf32, #tpu.memory_space<hbm>>) target(%dma_start3A_45 : memref<128x128xf32, #tpu.memory_space<vmem>>) offsets(%dma_start3A_48 : memref<128xi32, #tpu.memory_space<vmem>>) semaphore(%arg10 : memref<!tpu.dma_semaphore, #tpu.memory_space<semaphore_mem>>)
    %scan3A = arith.constant 0 : i32
    %scan3A_52 = arith.constant 0 : i32
    %scan3A_53 = arith.constant 4 : i32
    %scan3A_54 = arith.addi %scan3A_52, %scan3A_53 : i32
    %scan3A_55 = arith.constant 1 : i32
    scf.for %scan3A_108 = %scan3A_52 to %scan3A_54 step %scan3A_55  : i32 {
      %mul3A_109 = arith.constant 4 : i32
      %mul3A_110 = arith.muli %scan3A_108, %mul3A_109 : i32
      %add3A_111 = arith.constant 0 : i32
      %add3A_112 = arith.addi %mul3A_110, %add3A_111 : i32
      %dma_wait3A_113 = arith.constant 0 : i32
      %dma_wait3A_114 = arith.constant 0 : i32
      %dma_wait3A_115 = arith.constant 0 : i32
      %dma_wait3A_116 = tpu.memref_slice %arg6[%dma_wait3A_113, %dma_wait3A_114, %dma_wait3A_115] : memref<4x128x128xf32, #tpu.memory_space<vmem>> -> memref<1x128x128xf32, #tpu.memory_space<vmem>>
      %dma_wait3A_117 = tpu.memref_squeeze %dma_wait3A_116 : memref<1x128x128xf32, #tpu.memory_space<vmem>> -> memref<128x128xf32, #tpu.memory_space<vmem>>
      %dma_wait3A_118 = arith.constant 0 : i32
      %dma_wait3A_119 = tpu.memref_slice %arg4[%mul3A_2, %dma_wait3A_118] : memref<65536x128xf32, #tpu.memory_space<hbm>> -> memref<128x128xf32, #tpu.memory_space<hbm>>
      %dma_wait3A_120 = arith.constant 0 : i32
      %dma_wait3A_121 = arith.constant 0 : i32
      %dma_wait3A_122 = tpu.memref_slice %arg6[%dma_wait3A_113, %dma_wait3A_120, %dma_wait3A_121] : memref<4x128x128xf32, #tpu.memory_space<vmem>> -> memref<1x128x128xf32, #tpu.memory_space<vmem>>
      %dma_wait3A_123 = tpu.memref_squeeze %dma_wait3A_122 : memref<1x128x128xf32, #tpu.memory_space<vmem>> -> memref<128x128xf32, #tpu.memory_space<vmem>>
      %dma_wait3A_124 = arith.constant 0 : i32
      %dma_wait3A_125 = tpu.memref_slice %arg4[%mul3A_2, %dma_wait3A_124] : memref<65536x128xf32, #tpu.memory_space<hbm>> -> memref<128x128xf32, #tpu.memory_space<hbm>>
      tpu.wait_dma2 semaphore(%arg7 : memref<!tpu.dma_semaphore, #tpu.memory_space<semaphore_mem>>) src(%dma_wait3A_125 : memref<128x128xf32, #tpu.memory_space<hbm>>) dst(%dma_wait3A_123 : memref<128x128xf32, #tpu.memory_space<vmem>>)
      %mul3A_126 = arith.constant 128 : i32
      %mul3A_127 = arith.muli %add3A_112, %mul3A_126 : i32
      %add3A_128 = arith.addi %mul3A_2, %mul3A_127 : i32
      %dma_start3A_129 = arith.constant 0 : i32
      %dma_start3A_130 = arith.constant 0 : i32
      %dma_start3A_131 = arith.constant 0 : i32
      %dma_start3A_132 = tpu.memref_slice %arg6[%dma_start3A_129, %dma_start3A_130, %dma_start3A_131] : memref<4x128x128xf32, #tpu.memory_space<vmem>> -> memref<1x128x128xf32, #tpu.memory_space<vmem>>
      %dma_start3A_133 = tpu.memref_squeeze %dma_start3A_132 : memref<1x128x128xf32, #tpu.memory_space<vmem>> -> memref<128x128xf32, #tpu.memory_space<vmem>>
      %dma_start3A_134 = arith.constant 0 : i32
      %dma_start3A_135 = tpu.memref_slice %arg4[%add3A_128, %dma_start3A_134] : memref<65536x128xf32, #tpu.memory_space<hbm>> -> memref<128x128xf32, #tpu.memory_space<hbm>>
      %dma_start3A_136 = arith.constant 0 : i32
      %dma_start3A_137 = tpu.memref_slice %arg4[%add3A_128, %dma_start3A_136] : memref<65536x128xf32, #tpu.memory_space<hbm>> -> memref<128x128xf32, #tpu.memory_space<hbm>>
      %dma_start3A_138 = arith.constant 0 : i32
      %dma_start3A_139 = arith.constant 0 : i32
      %dma_start3A_140 = tpu.memref_slice %arg6[%dma_start3A_129, %dma_start3A_138, %dma_start3A_139] : memref<4x128x128xf32, #tpu.memory_space<vmem>> -> memref<1x128x128xf32, #tpu.memory_space<vmem>>
      %dma_start3A_141 = tpu.memref_squeeze %dma_start3A_140 : memref<1x128x128xf32, #tpu.memory_space<vmem>> -> memref<128x128xf32, #tpu.memory_space<vmem>>
      tpu.enqueue_dma source(%dma_start3A_141 : memref<128x128xf32, #tpu.memory_space<vmem>>) target(%dma_start3A_137 : memref<128x128xf32, #tpu.memory_space<hbm>>) target_semaphore(%arg11 : memref<!tpu.dma_semaphore, #tpu.memory_space<semaphore_mem>>)
      %add3A_142 = arith.constant 4 : i32
      %add3A_143 = arith.addi %add3A_112, %add3A_142 : i32
      %lt3A = arith.constant 16 : i32
      %lt3A_144 = arith.cmpi slt, %add3A_143, %lt3A : i32
      %convert_element_type3A = arith.extui %lt3A_144 : i1 to i32
      %cond3A = arith.constant 0 : i32
      %cond3A_145 = arith.cmpi ne, %convert_element_type3A, %cond3A : i32
      scf.if %cond3A_145 {
        %dma_wait3A_266 = arith.constant 0 : i32
        %dma_wait3A_267 = arith.constant 0 : i32
        %dma_wait3A_268 = arith.constant 0 : i32
        %dma_wait3A_269 = tpu.memref_slice %arg6[%dma_wait3A_266, %dma_wait3A_267, %dma_wait3A_268] : memref<4x128x128xf32, #tpu.memory_space<vmem>> -> memref<1x128x128xf32, #tpu.memory_space<vmem>>
        %dma_wait3A_270 = tpu.memref_squeeze %dma_wait3A_269 : memref<1x128x128xf32, #tpu.memory_space<vmem>> -> memref<128x128xf32, #tpu.memory_space<vmem>>
        %dma_wait3A_271 = arith.constant 0 : i32
        %dma_wait3A_272 = tpu.memref_slice %arg4[%mul3A_2, %dma_wait3A_271] : memref<65536x128xf32, #tpu.memory_space<hbm>> -> memref<128x128xf32, #tpu.memory_space<hbm>>
        %dma_wait3A_273 = arith.constant 0 : i32
        %dma_wait3A_274 = tpu.memref_slice %arg4[%mul3A_2, %dma_wait3A_273] : memref<65536x128xf32, #tpu.memory_space<hbm>> -> memref<128x128xf32, #tpu.memory_space<hbm>>
        %dma_wait3A_275 = arith.constant 0 : i32
        %dma_wait3A_276 = arith.constant 0 : i32
        %dma_wait3A_277 = tpu.memref_slice %arg6[%dma_wait3A_266, %dma_wait3A_275, %dma_wait3A_276] : memref<4x128x128xf32, #tpu.memory_space<vmem>> -> memref<1x128x128xf32, #tpu.memory_space<vmem>>
        %dma_wait3A_278 = tpu.memref_squeeze %dma_wait3A_277 : memref<1x128x128xf32, #tpu.memory_space<vmem>> -> memref<128x128xf32, #tpu.memory_space<vmem>>
        tpu.wait_dma2 semaphore(%arg11 : memref<!tpu.dma_semaphore, #tpu.memory_space<semaphore_mem>>) src(%dma_wait3A_278 : memref<128x128xf32, #tpu.memory_space<vmem>>) dst(%dma_wait3A_274 : memref<128x128xf32, #tpu.memory_space<hbm>>)
        %add3A_279 = arith.constant 4 : i32
        %add3A_280 = arith.addi %add3A_112, %add3A_279 : i32
        %dma_start3A_281 = arith.constant 0 : i32
        %dma_start3A_282 = arith.constant 0 : i32
        %dma_start3A_283 = arith.constant 0 : i32
        %dma_start3A_284 = tpu.memref_slice %arg6[%dma_start3A_281, %dma_start3A_282, %dma_start3A_283] : memref<4x128x128xf32, #tpu.memory_space<vmem>> -> memref<1x128x128xf32, #tpu.memory_space<vmem>>
        %dma_start3A_285 = tpu.memref_squeeze %dma_start3A_284 : memref<1x128x128xf32, #tpu.memory_space<vmem>> -> memref<128x128xf32, #tpu.memory_space<vmem>>
        %dma_start3A_286 = arith.constant 0 : i32
        %dma_start3A_287 = tpu.memref_slice %arg5[%add3A_280, %dma_start3A_286] : memref<16x128xi32, #tpu.memory_space<vmem>> -> memref<1x128xi32, #tpu.memory_space<vmem>>
        %dma_start3A_288 = tpu.memref_squeeze %dma_start3A_287 : memref<1x128xi32, #tpu.memory_space<vmem>> -> memref<128xi32, #tpu.memory_space<vmem>>
        %dma_start3A_289 = arith.constant 0 : i32
        %dma_start3A_290 = arith.constant 0 : i32
        %dma_start3A_291 = tpu.memref_slice %arg3[%dma_start3A_289, %dma_start3A_290] : memref<8192x128xf32, #tpu.memory_space<hbm>> -> memref<8192x128xf32, #tpu.memory_space<hbm>>
        tpu.enqueue_indirect_dma source(%dma_start3A_291 : memref<8192x128xf32, #tpu.memory_space<hbm>>) target(%dma_start3A_285 : memref<128x128xf32, #tpu.memory_space<vmem>>) offsets(%dma_start3A_288 : memref<128xi32, #tpu.memory_space<vmem>>) semaphore(%arg7 : memref<!tpu.dma_semaphore, #tpu.memory_space<semaphore_mem>>)
      } else {
      }
      %mul3A_146 = arith.constant 4 : i32
      %mul3A_147 = arith.muli %scan3A_108, %mul3A_146 : i32
      %add3A_148 = arith.constant 1 : i32
      %add3A_149 = arith.addi %mul3A_147, %add3A_148 : i32
      %dma_wait3A_150 = arith.constant 1 : i32
      %dma_wait3A_151 = arith.constant 0 : i32
      %dma_wait3A_152 = arith.constant 0 : i32
      %dma_wait3A_153 = tpu.memref_slice %arg6[%dma_wait3A_150, %dma_wait3A_151, %dma_wait3A_152] : memref<4x128x128xf32, #tpu.memory_space<vmem>> -> memref<1x128x128xf32, #tpu.memory_space<vmem>>
      %dma_wait3A_154 = tpu.memref_squeeze %dma_wait3A_153 : memref<1x128x128xf32, #tpu.memory_space<vmem>> -> memref<128x128xf32, #tpu.memory_space<vmem>>
      %dma_wait3A_155 = arith.constant 0 : i32
      %dma_wait3A_156 = tpu.memref_slice %arg4[%mul3A_2, %dma_wait3A_155] : memref<65536x128xf32, #tpu.memory_space<hbm>> -> memref<128x128xf32, #tpu.memory_space<hbm>>
      %dma_wait3A_157 = arith.constant 0 : i32
      %dma_wait3A_158 = arith.constant 0 : i32
      %dma_wait3A_159 = tpu.memref_slice %arg6[%dma_wait3A_150, %dma_wait3A_157, %dma_wait3A_158] : memref<4x128x128xf32, #tpu.memory_space<vmem>> -> memref<1x128x128xf32, #tpu.memory_space<vmem>>
      %dma_wait3A_160 = tpu.memref_squeeze %dma_wait3A_159 : memref<1x128x128xf32, #tpu.memory_space<vmem>> -> memref<128x128xf32, #tpu.memory_space<vmem>>
      %dma_wait3A_161 = arith.constant 0 : i32
      %dma_wait3A_162 = tpu.memref_slice %arg4[%mul3A_2, %dma_wait3A_161] : memref<65536x128xf32, #tpu.memory_space<hbm>> -> memref<128x128xf32, #tpu.memory_space<hbm>>
      tpu.wait_dma2 semaphore(%arg8 : memref<!tpu.dma_semaphore, #tpu.memory_space<semaphore_mem>>) src(%dma_wait3A_162 : memref<128x128xf32, #tpu.memory_space<hbm>>) dst(%dma_wait3A_160 : memref<128x128xf32, #tpu.memory_space<vmem>>)
      %mul3A_163 = arith.constant 128 : i32
      %mul3A_164 = arith.muli %add3A_149, %mul3A_163 : i32
      %add3A_165 = arith.addi %mul3A_2, %mul3A_164 : i32
      %dma_start3A_166 = arith.constant 1 : i32
      %dma_start3A_167 = arith.constant 0 : i32
      %dma_start3A_168 = arith.constant 0 : i32
      %dma_start3A_169 = tpu.memref_slice %arg6[%dma_start3A_166, %dma_start3A_167, %dma_start3A_168] : memref<4x128x128xf32, #tpu.memory_space<vmem>> -> memref<1x128x128xf32, #tpu.memory_space<vmem>>
      %dma_start3A_170 = tpu.memref_squeeze %dma_start3A_169 : memref<1x128x128xf32, #tpu.memory_space<vmem>> -> memref<128x128xf32, #tpu.memory_space<vmem>>
      %dma_start3A_171 = arith.constant 0 : i32
      %dma_start3A_172 = tpu.memref_slice %arg4[%add3A_165, %dma_start3A_171] : memref<65536x128xf32, #tpu.memory_space<hbm>> -> memref<128x128xf32, #tpu.memory_space<hbm>>
      %dma_start3A_173 = arith.constant 0 : i32
      %dma_start3A_174 = tpu.memref_slice %arg4[%add3A_165, %dma_start3A_173] : memref<65536x128xf32, #tpu.memory_space<hbm>> -> memref<128x128xf32, #tpu.memory_space<hbm>>
      %dma_start3A_175 = arith.constant 0 : i32
      %dma_start3A_176 = arith.constant 0 : i32
      %dma_start3A_177 = tpu.memref_slice %arg6[%dma_start3A_166, %dma_start3A_175, %dma_start3A_176] : memref<4x128x128xf32, #tpu.memory_space<vmem>> -> memref<1x128x128xf32, #tpu.memory_space<vmem>>
      %dma_start3A_178 = tpu.memref_squeeze %dma_start3A_177 : memref<1x128x128xf32, #tpu.memory_space<vmem>> -> memref<128x128xf32, #tpu.memory_space<vmem>>
      tpu.enqueue_dma source(%dma_start3A_178 : memref<128x128xf32, #tpu.memory_space<vmem>>) target(%dma_start3A_174 : memref<128x128xf32, #tpu.memory_space<hbm>>) target_semaphore(%arg12 : memref<!tpu.dma_semaphore, #tpu.memory_space<semaphore_mem>>)
      %add3A_179 = arith.constant 4 : i32
      %add3A_180 = arith.addi %add3A_149, %add3A_179 : i32
      %lt3A_181 = arith.constant 16 : i32
      %lt3A_182 = arith.cmpi slt, %add3A_180, %lt3A_181 : i32
      %convert_element_type3A_183 = arith.extui %lt3A_182 : i1 to i32
      %cond3A_184 = arith.constant 0 : i32
      %cond3A_185 = arith.cmpi ne, %convert_element_type3A_183, %cond3A_184 : i32
      scf.if %cond3A_185 {
        %dma_wait3A_266 = arith.constant 1 : i32
        %dma_wait3A_267 = arith.constant 0 : i32
        %dma_wait3A_268 = arith.constant 0 : i32
        %dma_wait3A_269 = tpu.memref_slice %arg6[%dma_wait3A_266, %dma_wait3A_267, %dma_wait3A_268] : memref<4x128x128xf32, #tpu.memory_space<vmem>> -> memref<1x128x128xf32, #tpu.memory_space<vmem>>
        %dma_wait3A_270 = tpu.memref_squeeze %dma_wait3A_269 : memref<1x128x128xf32, #tpu.memory_space<vmem>> -> memref<128x128xf32, #tpu.memory_space<vmem>>
        %dma_wait3A_271 = arith.constant 0 : i32
        %dma_wait3A_272 = tpu.memref_slice %arg4[%mul3A_2, %dma_wait3A_271] : memref<65536x128xf32, #tpu.memory_space<hbm>> -> memref<128x128xf32, #tpu.memory_space<hbm>>
        %dma_wait3A_273 = arith.constant 0 : i32
        %dma_wait3A_274 = tpu.memref_slice %arg4[%mul3A_2, %dma_wait3A_273] : memref<65536x128xf32, #tpu.memory_space<hbm>> -> memref<128x128xf32, #tpu.memory_space<hbm>>
        %dma_wait3A_275 = arith.constant 0 : i32
        %dma_wait3A_276 = arith.constant 0 : i32
        %dma_wait3A_277 = tpu.memref_slice %arg6[%dma_wait3A_266, %dma_wait3A_275, %dma_wait3A_276] : memref<4x128x128xf32, #tpu.memory_space<vmem>> -> memref<1x128x128xf32, #tpu.memory_space<vmem>>
        %dma_wait3A_278 = tpu.memref_squeeze %dma_wait3A_277 : memref<1x128x128xf32, #tpu.memory_space<vmem>> -> memref<128x128xf32, #tpu.memory_space<vmem>>
        tpu.wait_dma2 semaphore(%arg12 : memref<!tpu.dma_semaphore, #tpu.memory_space<semaphore_mem>>) src(%dma_wait3A_278 : memref<128x128xf32, #tpu.memory_space<vmem>>) dst(%dma_wait3A_274 : memref<128x128xf32, #tpu.memory_space<hbm>>)
        %add3A_279 = arith.constant 4 : i32
        %add3A_280 = arith.addi %add3A_149, %add3A_279 : i32
        %dma_start3A_281 = arith.constant 1 : i32
        %dma_start3A_282 = arith.constant 0 : i32
        %dma_start3A_283 = arith.constant 0 : i32
        %dma_start3A_284 = tpu.memref_slice %arg6[%dma_start3A_281, %dma_start3A_282, %dma_start3A_283] : memref<4x128x128xf32, #tpu.memory_space<vmem>> -> memref<1x128x128xf32, #tpu.memory_space<vmem>>
        %dma_start3A_285 = tpu.memref_squeeze %dma_start3A_284 : memref<1x128x128xf32, #tpu.memory_space<vmem>> -> memref<128x128xf32, #tpu.memory_space<vmem>>
        %dma_start3A_286 = arith.constant 0 : i32
        %dma_start3A_287 = tpu.memref_slice %arg5[%add3A_280, %dma_start3A_286] : memref<16x128xi32, #tpu.memory_space<vmem>> -> memref<1x128xi32, #tpu.memory_space<vmem>>
        %dma_start3A_288 = tpu.memref_squeeze %dma_start3A_287 : memref<1x128xi32, #tpu.memory_space<vmem>> -> memref<128xi32, #tpu.memory_space<vmem>>
        %dma_start3A_289 = arith.constant 0 : i32
        %dma_start3A_290 = arith.constant 0 : i32
        %dma_start3A_291 = tpu.memref_slice %arg3[%dma_start3A_289, %dma_start3A_290] : memref<8192x128xf32, #tpu.memory_space<hbm>> -> memref<8192x128xf32, #tpu.memory_space<hbm>>
        tpu.enqueue_indirect_dma source(%dma_start3A_291 : memref<8192x128xf32, #tpu.memory_space<hbm>>) target(%dma_start3A_285 : memref<128x128xf32, #tpu.memory_space<vmem>>) offsets(%dma_start3A_288 : memref<128xi32, #tpu.memory_space<vmem>>) semaphore(%arg8 : memref<!tpu.dma_semaphore, #tpu.memory_space<semaphore_mem>>)
      } else {
      }
      %mul3A_186 = arith.constant 4 : i32
      %mul3A_187 = arith.muli %scan3A_108, %mul3A_186 : i32
      %add3A_188 = arith.constant 2 : i32
      %add3A_189 = arith.addi %mul3A_187, %add3A_188 : i32
      %dma_wait3A_190 = arith.constant 2 : i32
      %dma_wait3A_191 = arith.constant 0 : i32
      %dma_wait3A_192 = arith.constant 0 : i32
      %dma_wait3A_193 = tpu.memref_slice %arg6[%dma_wait3A_190, %dma_wait3A_191, %dma_wait3A_192] : memref<4x128x128xf32, #tpu.memory_space<vmem>> -> memref<1x128x128xf32, #tpu.memory_space<vmem>>
      %dma_wait3A_194 = tpu.memref_squeeze %dma_wait3A_193 : memref<1x128x128xf32, #tpu.memory_space<vmem>> -> memref<128x128xf32, #tpu.memory_space<vmem>>
      %dma_wait3A_195 = arith.constant 0 : i32
      %dma_wait3A_196 = tpu.memref_slice %arg4[%mul3A_2, %dma_wait3A_195] : memref<65536x128xf32, #tpu.memory_space<hbm>> -> memref<128x128xf32, #tpu.memory_space<hbm>>
      %dma_wait3A_197 = arith.constant 0 : i32
      %dma_wait3A_198 = arith.constant 0 : i32
      %dma_wait3A_199 = tpu.memref_slice %arg6[%dma_wait3A_190, %dma_wait3A_197, %dma_wait3A_198] : memref<4x128x128xf32, #tpu.memory_space<vmem>> -> memref<1x128x128xf32, #tpu.memory_space<vmem>>
      %dma_wait3A_200 = tpu.memref_squeeze %dma_wait3A_199 : memref<1x128x128xf32, #tpu.memory_space<vmem>> -> memref<128x128xf32, #tpu.memory_space<vmem>>
      %dma_wait3A_201 = arith.constant 0 : i32
      %dma_wait3A_202 = tpu.memref_slice %arg4[%mul3A_2, %dma_wait3A_201] : memref<65536x128xf32, #tpu.memory_space<hbm>> -> memref<128x128xf32, #tpu.memory_space<hbm>>
      tpu.wait_dma2 semaphore(%arg9 : memref<!tpu.dma_semaphore, #tpu.memory_space<semaphore_mem>>) src(%dma_wait3A_202 : memref<128x128xf32, #tpu.memory_space<hbm>>) dst(%dma_wait3A_200 : memref<128x128xf32, #tpu.memory_space<vmem>>)
      %mul3A_203 = arith.constant 128 : i32
      %mul3A_204 = arith.muli %add3A_189, %mul3A_203 : i32
      %add3A_205 = arith.addi %mul3A_2, %mul3A_204 : i32
      %dma_start3A_206 = arith.constant 2 : i32
      %dma_start3A_207 = arith.constant 0 : i32
      %dma_start3A_208 = arith.constant 0 : i32
      %dma_start3A_209 = tpu.memref_slice %arg6[%dma_start3A_206, %dma_start3A_207, %dma_start3A_208] : memref<4x128x128xf32, #tpu.memory_space<vmem>> -> memref<1x128x128xf32, #tpu.memory_space<vmem>>
      %dma_start3A_210 = tpu.memref_squeeze %dma_start3A_209 : memref<1x128x128xf32, #tpu.memory_space<vmem>> -> memref<128x128xf32, #tpu.memory_space<vmem>>
      %dma_start3A_211 = arith.constant 0 : i32
      %dma_start3A_212 = tpu.memref_slice %arg4[%add3A_205, %dma_start3A_211] : memref<65536x128xf32, #tpu.memory_space<hbm>> -> memref<128x128xf32, #tpu.memory_space<hbm>>
      %dma_start3A_213 = arith.constant 0 : i32
      %dma_start3A_214 = tpu.memref_slice %arg4[%add3A_205, %dma_start3A_213] : memref<65536x128xf32, #tpu.memory_space<hbm>> -> memref<128x128xf32, #tpu.memory_space<hbm>>
      %dma_start3A_215 = arith.constant 0 : i32
      %dma_start3A_216 = arith.constant 0 : i32
      %dma_start3A_217 = tpu.memref_slice %arg6[%dma_start3A_206, %dma_start3A_215, %dma_start3A_216] : memref<4x128x128xf32, #tpu.memory_space<vmem>> -> memref<1x128x128xf32, #tpu.memory_space<vmem>>
      %dma_start3A_218 = tpu.memref_squeeze %dma_start3A_217 : memref<1x128x128xf32, #tpu.memory_space<vmem>> -> memref<128x128xf32, #tpu.memory_space<vmem>>
      tpu.enqueue_dma source(%dma_start3A_218 : memref<128x128xf32, #tpu.memory_space<vmem>>) target(%dma_start3A_214 : memref<128x128xf32, #tpu.memory_space<hbm>>) target_semaphore(%arg13 : memref<!tpu.dma_semaphore, #tpu.memory_space<semaphore_mem>>)
      %add3A_219 = arith.constant 4 : i32
      %add3A_220 = arith.addi %add3A_189, %add3A_219 : i32
      %lt3A_221 = arith.constant 16 : i32
      %lt3A_222 = arith.cmpi slt, %add3A_220, %lt3A_221 : i32
      %convert_element_type3A_223 = arith.extui %lt3A_222 : i1 to i32
      %cond3A_224 = arith.constant 0 : i32
      %cond3A_225 = arith.cmpi ne, %convert_element_type3A_223, %cond3A_224 : i32
      scf.if %cond3A_225 {
        %dma_wait3A_266 = arith.constant 2 : i32
        %dma_wait3A_267 = arith.constant 0 : i32
        %dma_wait3A_268 = arith.constant 0 : i32
        %dma_wait3A_269 = tpu.memref_slice %arg6[%dma_wait3A_266, %dma_wait3A_267, %dma_wait3A_268] : memref<4x128x128xf32, #tpu.memory_space<vmem>> -> memref<1x128x128xf32, #tpu.memory_space<vmem>>
        %dma_wait3A_270 = tpu.memref_squeeze %dma_wait3A_269 : memref<1x128x128xf32, #tpu.memory_space<vmem>> -> memref<128x128xf32, #tpu.memory_space<vmem>>
        %dma_wait3A_271 = arith.constant 0 : i32
        %dma_wait3A_272 = tpu.memref_slice %arg4[%mul3A_2, %dma_wait3A_271] : memref<65536x128xf32, #tpu.memory_space<hbm>> -> memref<128x128xf32, #tpu.memory_space<hbm>>
        %dma_wait3A_273 = arith.constant 0 : i32
        %dma_wait3A_274 = tpu.memref_slice %arg4[%mul3A_2, %dma_wait3A_273] : memref<65536x128xf32, #tpu.memory_space<hbm>> -> memref<128x128xf32, #tpu.memory_space<hbm>>
        %dma_wait3A_275 = arith.constant 0 : i32
        %dma_wait3A_276 = arith.constant 0 : i32
        %dma_wait3A_277 = tpu.memref_slice %arg6[%dma_wait3A_266, %dma_wait3A_275, %dma_wait3A_276] : memref<4x128x128xf32, #tpu.memory_space<vmem>> -> memref<1x128x128xf32, #tpu.memory_space<vmem>>
        %dma_wait3A_278 = tpu.memref_squeeze %dma_wait3A_277 : memref<1x128x128xf32, #tpu.memory_space<vmem>> -> memref<128x128xf32, #tpu.memory_space<vmem>>
        tpu.wait_dma2 semaphore(%arg13 : memref<!tpu.dma_semaphore, #tpu.memory_space<semaphore_mem>>) src(%dma_wait3A_278 : memref<128x128xf32, #tpu.memory_space<vmem>>) dst(%dma_wait3A_274 : memref<128x128xf32, #tpu.memory_space<hbm>>)
        %add3A_279 = arith.constant 4 : i32
        %add3A_280 = arith.addi %add3A_189, %add3A_279 : i32
        %dma_start3A_281 = arith.constant 2 : i32
        %dma_start3A_282 = arith.constant 0 : i32
        %dma_start3A_283 = arith.constant 0 : i32
        %dma_start3A_284 = tpu.memref_slice %arg6[%dma_start3A_281, %dma_start3A_282, %dma_start3A_283] : memref<4x128x128xf32, #tpu.memory_space<vmem>> -> memref<1x128x128xf32, #tpu.memory_space<vmem>>
        %dma_start3A_285 = tpu.memref_squeeze %dma_start3A_284 : memref<1x128x128xf32, #tpu.memory_space<vmem>> -> memref<128x128xf32, #tpu.memory_space<vmem>>
        %dma_start3A_286 = arith.constant 0 : i32
        %dma_start3A_287 = tpu.memref_slice %arg5[%add3A_280, %dma_start3A_286] : memref<16x128xi32, #tpu.memory_space<vmem>> -> memref<1x128xi32, #tpu.memory_space<vmem>>
        %dma_start3A_288 = tpu.memref_squeeze %dma_start3A_287 : memref<1x128xi32, #tpu.memory_space<vmem>> -> memref<128xi32, #tpu.memory_space<vmem>>
        %dma_start3A_289 = arith.constant 0 : i32
        %dma_start3A_290 = arith.constant 0 : i32
        %dma_start3A_291 = tpu.memref_slice %arg3[%dma_start3A_289, %dma_start3A_290] : memref<8192x128xf32, #tpu.memory_space<hbm>> -> memref<8192x128xf32, #tpu.memory_space<hbm>>
        tpu.enqueue_indirect_dma source(%dma_start3A_291 : memref<8192x128xf32, #tpu.memory_space<hbm>>) target(%dma_start3A_285 : memref<128x128xf32, #tpu.memory_space<vmem>>) offsets(%dma_start3A_288 : memref<128xi32, #tpu.memory_space<vmem>>) semaphore(%arg9 : memref<!tpu.dma_semaphore, #tpu.memory_space<semaphore_mem>>)
      } else {
      }
      %mul3A_226 = arith.constant 4 : i32
      %mul3A_227 = arith.muli %scan3A_108, %mul3A_226 : i32
      %add3A_228 = arith.constant 3 : i32
      %add3A_229 = arith.addi %mul3A_227, %add3A_228 : i32
      %dma_wait3A_230 = arith.constant 3 : i32
      %dma_wait3A_231 = arith.constant 0 : i32
      %dma_wait3A_232 = arith.constant 0 : i32
      %dma_wait3A_233 = tpu.memref_slice %arg6[%dma_wait3A_230, %dma_wait3A_231, %dma_wait3A_232] : memref<4x128x128xf32, #tpu.memory_space<vmem>> -> memref<1x128x128xf32, #tpu.memory_space<vmem>>
      %dma_wait3A_234 = tpu.memref_squeeze %dma_wait3A_233 : memref<1x128x128xf32, #tpu.memory_space<vmem>> -> memref<128x128xf32, #tpu.memory_space<vmem>>
      %dma_wait3A_235 = arith.constant 0 : i32
      %dma_wait3A_236 = tpu.memref_slice %arg4[%mul3A_2, %dma_wait3A_235] : memref<65536x128xf32, #tpu.memory_space<hbm>> -> memref<128x128xf32, #tpu.memory_space<hbm>>
      %dma_wait3A_237 = arith.constant 0 : i32
      %dma_wait3A_238 = arith.constant 0 : i32
      %dma_wait3A_239 = tpu.memref_slice %arg6[%dma_wait3A_230, %dma_wait3A_237, %dma_wait3A_238] : memref<4x128x128xf32, #tpu.memory_space<vmem>> -> memref<1x128x128xf32, #tpu.memory_space<vmem>>
      %dma_wait3A_240 = tpu.memref_squeeze %dma_wait3A_239 : memref<1x128x128xf32, #tpu.memory_space<vmem>> -> memref<128x128xf32, #tpu.memory_space<vmem>>
      %dma_wait3A_241 = arith.constant 0 : i32
      %dma_wait3A_242 = tpu.memref_slice %arg4[%mul3A_2, %dma_wait3A_241] : memref<65536x128xf32, #tpu.memory_space<hbm>> -> memref<128x128xf32, #tpu.memory_space<hbm>>
      tpu.wait_dma2 semaphore(%arg10 : memref<!tpu.dma_semaphore, #tpu.memory_space<semaphore_mem>>) src(%dma_wait3A_242 : memref<128x128xf32, #tpu.memory_space<hbm>>) dst(%dma_wait3A_240 : memref<128x128xf32, #tpu.memory_space<vmem>>)
      %mul3A_243 = arith.constant 128 : i32
      %mul3A_244 = arith.muli %add3A_229, %mul3A_243 : i32
      %add3A_245 = arith.addi %mul3A_2, %mul3A_244 : i32
      %dma_start3A_246 = arith.constant 3 : i32
      %dma_start3A_247 = arith.constant 0 : i32
      %dma_start3A_248 = arith.constant 0 : i32
      %dma_start3A_249 = tpu.memref_slice %arg6[%dma_start3A_246, %dma_start3A_247, %dma_start3A_248] : memref<4x128x128xf32, #tpu.memory_space<vmem>> -> memref<1x128x128xf32, #tpu.memory_space<vmem>>
      %dma_start3A_250 = tpu.memref_squeeze %dma_start3A_249 : memref<1x128x128xf32, #tpu.memory_space<vmem>> -> memref<128x128xf32, #tpu.memory_space<vmem>>
      %dma_start3A_251 = arith.constant 0 : i32
      %dma_start3A_252 = tpu.memref_slice %arg4[%add3A_245, %dma_start3A_251] : memref<65536x128xf32, #tpu.memory_space<hbm>> -> memref<128x128xf32, #tpu.memory_space<hbm>>
      %dma_start3A_253 = arith.constant 0 : i32
      %dma_start3A_254 = tpu.memref_slice %arg4[%add3A_245, %dma_start3A_253] : memref<65536x128xf32, #tpu.memory_space<hbm>> -> memref<128x128xf32, #tpu.memory_space<hbm>>
      %dma_start3A_255 = arith.constant 0 : i32
      %dma_start3A_256 = arith.constant 0 : i32
      %dma_start3A_257 = tpu.memref_slice %arg6[%dma_start3A_246, %dma_start3A_255, %dma_start3A_256] : memref<4x128x128xf32, #tpu.memory_space<vmem>> -> memref<1x128x128xf32, #tpu.memory_space<vmem>>
      %dma_start3A_258 = tpu.memref_squeeze %dma_start3A_257 : memref<1x128x128xf32, #tpu.memory_space<vmem>> -> memref<128x128xf32, #tpu.memory_space<vmem>>
      tpu.enqueue_dma source(%dma_start3A_258 : memref<128x128xf32, #tpu.memory_space<vmem>>) target(%dma_start3A_254 : memref<128x128xf32, #tpu.memory_space<hbm>>) target_semaphore(%arg14 : memref<!tpu.dma_semaphore, #tpu.memory_space<semaphore_mem>>)
      %add3A_259 = arith.constant 4 : i32
      %add3A_260 = arith.addi %add3A_229, %add3A_259 : i32
      %lt3A_261 = arith.constant 16 : i32
      %lt3A_262 = arith.cmpi slt, %add3A_260, %lt3A_261 : i32
      %convert_element_type3A_263 = arith.extui %lt3A_262 : i1 to i32
      %cond3A_264 = arith.constant 0 : i32
      %cond3A_265 = arith.cmpi ne, %convert_element_type3A_263, %cond3A_264 : i32
      scf.if %cond3A_265 {
        %dma_wait3A_266 = arith.constant 3 : i32
        %dma_wait3A_267 = arith.constant 0 : i32
        %dma_wait3A_268 = arith.constant 0 : i32
        %dma_wait3A_269 = tpu.memref_slice %arg6[%dma_wait3A_266, %dma_wait3A_267, %dma_wait3A_268] : memref<4x128x128xf32, #tpu.memory_space<vmem>> -> memref<1x128x128xf32, #tpu.memory_space<vmem>>
        %dma_wait3A_270 = tpu.memref_squeeze %dma_wait3A_269 : memref<1x128x128xf32, #tpu.memory_space<vmem>> -> memref<128x128xf32, #tpu.memory_space<vmem>>
        %dma_wait3A_271 = arith.constant 0 : i32
        %dma_wait3A_272 = tpu.memref_slice %arg4[%mul3A_2, %dma_wait3A_271] : memref<65536x128xf32, #tpu.memory_space<hbm>> -> memref<128x128xf32, #tpu.memory_space<hbm>>
        %dma_wait3A_273 = arith.constant 0 : i32
        %dma_wait3A_274 = tpu.memref_slice %arg4[%mul3A_2, %dma_wait3A_273] : memref<65536x128xf32, #tpu.memory_space<hbm>> -> memref<128x128xf32, #tpu.memory_space<hbm>>
        %dma_wait3A_275 = arith.constant 0 : i32
        %dma_wait3A_276 = arith.constant 0 : i32
        %dma_wait3A_277 = tpu.memref_slice %arg6[%dma_wait3A_266, %dma_wait3A_275, %dma_wait3A_276] : memref<4x128x128xf32, #tpu.memory_space<vmem>> -> memref<1x128x128xf32, #tpu.memory_space<vmem>>
        %dma_wait3A_278 = tpu.memref_squeeze %dma_wait3A_277 : memref<1x128x128xf32, #tpu.memory_space<vmem>> -> memref<128x128xf32, #tpu.memory_space<vmem>>
        tpu.wait_dma2 semaphore(%arg14 : memref<!tpu.dma_semaphore, #tpu.memory_space<semaphore_mem>>) src(%dma_wait3A_278 : memref<128x128xf32, #tpu.memory_space<vmem>>) dst(%dma_wait3A_274 : memref<128x128xf32, #tpu.memory_space<hbm>>)
        %add3A_279 = arith.constant 4 : i32
        %add3A_280 = arith.addi %add3A_229, %add3A_279 : i32
        %dma_start3A_281 = arith.constant 3 : i32
        %dma_start3A_282 = arith.constant 0 : i32
        %dma_start3A_283 = arith.constant 0 : i32
        %dma_start3A_284 = tpu.memref_slice %arg6[%dma_start3A_281, %dma_start3A_282, %dma_start3A_283] : memref<4x128x128xf32, #tpu.memory_space<vmem>> -> memref<1x128x128xf32, #tpu.memory_space<vmem>>
        %dma_start3A_285 = tpu.memref_squeeze %dma_start3A_284 : memref<1x128x128xf32, #tpu.memory_space<vmem>> -> memref<128x128xf32, #tpu.memory_space<vmem>>
        %dma_start3A_286 = arith.constant 0 : i32
        %dma_start3A_287 = tpu.memref_slice %arg5[%add3A_280, %dma_start3A_286] : memref<16x128xi32, #tpu.memory_space<vmem>> -> memref<1x128xi32, #tpu.memory_space<vmem>>
        %dma_start3A_288 = tpu.memref_squeeze %dma_start3A_287 : memref<1x128xi32, #tpu.memory_space<vmem>> -> memref<128xi32, #tpu.memory_space<vmem>>
        %dma_start3A_289 = arith.constant 0 : i32
        %dma_start3A_290 = arith.constant 0 : i32
        %dma_start3A_291 = tpu.memref_slice %arg3[%dma_start3A_289, %dma_start3A_290] : memref<8192x128xf32, #tpu.memory_space<hbm>> -> memref<8192x128xf32, #tpu.memory_space<hbm>>
        tpu.enqueue_indirect_dma source(%dma_start3A_291 : memref<8192x128xf32, #tpu.memory_space<hbm>>) target(%dma_start3A_285 : memref<128x128xf32, #tpu.memory_space<vmem>>) offsets(%dma_start3A_288 : memref<128xi32, #tpu.memory_space<vmem>>) semaphore(%arg10 : memref<!tpu.dma_semaphore, #tpu.memory_space<semaphore_mem>>)
      } else {
      }
    }
    %scan3A_56 = arith.constant 4 : i32
    %dma_wait3A = arith.constant 0 : i32
    %dma_wait3A_57 = arith.constant 0 : i32
    %dma_wait3A_58 = arith.constant 0 : i32
    %dma_wait3A_59 = tpu.memref_slice %arg6[%dma_wait3A, %dma_wait3A_57, %dma_wait3A_58] : memref<4x128x128xf32, #tpu.memory_space<vmem>> -> memref<1x128x128xf32, #tpu.memory_space<vmem>>
    %dma_wait3A_60 = tpu.memref_squeeze %dma_wait3A_59 : memref<1x128x128xf32, #tpu.memory_space<vmem>> -> memref<128x128xf32, #tpu.memory_space<vmem>>
    %dma_wait3A_61 = arith.constant 0 : i32
    %dma_wait3A_62 = tpu.memref_slice %arg4[%mul3A_2, %dma_wait3A_61] : memref<65536x128xf32, #tpu.memory_space<hbm>> -> memref<128x128xf32, #tpu.memory_space<hbm>>
    %dma_wait3A_63 = arith.constant 0 : i32
    %dma_wait3A_64 = tpu.memref_slice %arg4[%mul3A_2, %dma_wait3A_63] : memref<65536x128xf32, #tpu.memory_space<hbm>> -> memref<128x128xf32, #tpu.memory_space<hbm>>
    %dma_wait3A_65 = arith.constant 0 : i32
    %dma_wait3A_66 = arith.constant 0 : i32
    %dma_wait3A_67 = tpu.memref_slice %arg6[%dma_wait3A, %dma_wait3A_65, %dma_wait3A_66] : memref<4x128x128xf32, #tpu.memory_space<vmem>> -> memref<1x128x128xf32, #tpu.memory_space<vmem>>
    %dma_wait3A_68 = tpu.memref_squeeze %dma_wait3A_67 : memref<1x128x128xf32, #tpu.memory_space<vmem>> -> memref<128x128xf32, #tpu.memory_space<vmem>>
    tpu.wait_dma2 semaphore(%arg11 : memref<!tpu.dma_semaphore, #tpu.memory_space<semaphore_mem>>) src(%dma_wait3A_68 : memref<128x128xf32, #tpu.memory_space<vmem>>) dst(%dma_wait3A_64 : memref<128x128xf32, #tpu.memory_space<hbm>>)
    %dma_wait3A_69 = arith.constant 1 : i32
    %dma_wait3A_70 = arith.constant 0 : i32
    %dma_wait3A_71 = arith.constant 0 : i32
    %dma_wait3A_72 = tpu.memref_slice %arg6[%dma_wait3A_69, %dma_wait3A_70, %dma_wait3A_71] : memref<4x128x128xf32, #tpu.memory_space<vmem>> -> memref<1x128x128xf32, #tpu.memory_space<vmem>>
    %dma_wait3A_73 = tpu.memref_squeeze %dma_wait3A_72 : memref<1x128x128xf32, #tpu.memory_space<vmem>> -> memref<128x128xf32, #tpu.memory_space<vmem>>
    %dma_wait3A_74 = arith.constant 0 : i32
    %dma_wait3A_75 = tpu.memref_slice %arg4[%mul3A_2, %dma_wait3A_74] : memref<65536x128xf32, #tpu.memory_space<hbm>> -> memref<128x128xf32, #tpu.memory_space<hbm>>
    %dma_wait3A_76 = arith.constant 0 : i32
    %dma_wait3A_77 = tpu.memref_slice %arg4[%mul3A_2, %dma_wait3A_76] : memref<65536x128xf32, #tpu.memory_space<hbm>> -> memref<128x128xf32, #tpu.memory_space<hbm>>
    %dma_wait3A_78 = arith.constant 0 : i32
    %dma_wait3A_79 = arith.constant 0 : i32
    %dma_wait3A_80 = tpu.memref_slice %arg6[%dma_wait3A_69, %dma_wait3A_78, %dma_wait3A_79] : memref<4x128x128xf32, #tpu.memory_space<vmem>> -> memref<1x128x128xf32, #tpu.memory_space<vmem>>
    %dma_wait3A_81 = tpu.memref_squeeze %dma_wait3A_80 : memref<1x128x128xf32, #tpu.memory_space<vmem>> -> memref<128x128xf32, #tpu.memory_space<vmem>>
    tpu.wait_dma2 semaphore(%arg12 : memref<!tpu.dma_semaphore, #tpu.memory_space<semaphore_mem>>) src(%dma_wait3A_81 : memref<128x128xf32, #tpu.memory_space<vmem>>) dst(%dma_wait3A_77 : memref<128x128xf32, #tpu.memory_space<hbm>>)
    %dma_wait3A_82 = arith.constant 2 : i32
    %dma_wait3A_83 = arith.constant 0 : i32
    %dma_wait3A_84 = arith.constant 0 : i32
    %dma_wait3A_85 = tpu.memref_slice %arg6[%dma_wait3A_82, %dma_wait3A_83, %dma_wait3A_84] : memref<4x128x128xf32, #tpu.memory_space<vmem>> -> memref<1x128x128xf32, #tpu.memory_space<vmem>>
    %dma_wait3A_86 = tpu.memref_squeeze %dma_wait3A_85 : memref<1x128x128xf32, #tpu.memory_space<vmem>> -> memref<128x128xf32, #tpu.memory_space<vmem>>
    %dma_wait3A_87 = arith.constant 0 : i32
    %dma_wait3A_88 = tpu.memref_slice %arg4[%mul3A_2, %dma_wait3A_87] : memref<65536x128xf32, #tpu.memory_space<hbm>> -> memref<128x128xf32, #tpu.memory_space<hbm>>
    %dma_wait3A_89 = arith.constant 0 : i32
    %dma_wait3A_90 = tpu.memref_slice %arg4[%mul3A_2, %dma_wait3A_89] : memref<65536x128xf32, #tpu.memory_space<hbm>> -> memref<128x128xf32, #tpu.memory_space<hbm>>
    %dma_wait3A_91 = arith.constant 0 : i32
    %dma_wait3A_92 = arith.constant 0 : i32
    %dma_wait3A_93 = tpu.memref_slice %arg6[%dma_wait3A_82, %dma_wait3A_91, %dma_wait3A_92] : memref<4x128x128xf32, #tpu.memory_space<vmem>> -> memref<1x128x128xf32, #tpu.memory_space<vmem>>
    %dma_wait3A_94 = tpu.memref_squeeze %dma_wait3A_93 : memref<1x128x128xf32, #tpu.memory_space<vmem>> -> memref<128x128xf32, #tpu.memory_space<vmem>>
    tpu.wait_dma2 semaphore(%arg13 : memref<!tpu.dma_semaphore, #tpu.memory_space<semaphore_mem>>) src(%dma_wait3A_94 : memref<128x128xf32, #tpu.memory_space<vmem>>) dst(%dma_wait3A_90 : memref<128x128xf32, #tpu.memory_space<hbm>>)
    %dma_wait3A_95 = arith.constant 3 : i32
    %dma_wait3A_96 = arith.constant 0 : i32
    %dma_wait3A_97 = arith.constant 0 : i32
    %dma_wait3A_98 = tpu.memref_slice %arg6[%dma_wait3A_95, %dma_wait3A_96, %dma_wait3A_97] : memref<4x128x128xf32, #tpu.memory_space<vmem>> -> memref<1x128x128xf32, #tpu.memory_space<vmem>>
    %dma_wait3A_99 = tpu.memref_squeeze %dma_wait3A_98 : memref<1x128x128xf32, #tpu.memory_space<vmem>> -> memref<128x128xf32, #tpu.memory_space<vmem>>
    %dma_wait3A_100 = arith.constant 0 : i32
    %dma_wait3A_101 = tpu.memref_slice %arg4[%mul3A_2, %dma_wait3A_100] : memref<65536x128xf32, #tpu.memory_space<hbm>> -> memref<128x128xf32, #tpu.memory_space<hbm>>
    %dma_wait3A_102 = arith.constant 0 : i32
    %dma_wait3A_103 = tpu.memref_slice %arg4[%mul3A_2, %dma_wait3A_102] : memref<65536x128xf32, #tpu.memory_space<hbm>> -> memref<128x128xf32, #tpu.memory_space<hbm>>
    %dma_wait3A_104 = arith.constant 0 : i32
    %dma_wait3A_105 = arith.constant 0 : i32
    %dma_wait3A_106 = tpu.memref_slice %arg6[%dma_wait3A_95, %dma_wait3A_104, %dma_wait3A_105] : memref<4x128x128xf32, #tpu.memory_space<vmem>> -> memref<1x128x128xf32, #tpu.memory_space<vmem>>
    %dma_wait3A_107 = tpu.memref_squeeze %dma_wait3A_106 : memref<1x128x128xf32, #tpu.memory_space<vmem>> -> memref<128x128xf32, #tpu.memory_space<vmem>>
    tpu.wait_dma2 semaphore(%arg14 : memref<!tpu.dma_semaphore, #tpu.memory_space<semaphore_mem>>) src(%dma_wait3A_107 : memref<128x128xf32, #tpu.memory_space<vmem>>) dst(%dma_wait3A_103 : memref<128x128xf32, #tpu.memory_space<hbm>>)
    return
  }
}

#map = affine_map<(d0, d1) -> (0, 0)>
module attributes {stable_mosaic.version = 14 : i64} {
  func.func @_gather(%arg0: i32, %arg1: i32, %arg2: memref<512x128xi32, #tpu.memory_space<hbm>>, %arg3: memref<8192x128xf32, #tpu.memory_space<hbm>>, %arg4: memref<65536x128xf32, #tpu.memory_space<hbm>>, %arg5: memref<16x128xi32, #tpu.memory_space<vmem>>, %arg6: memref<4x128x128xf32, #tpu.memory_space<vmem>>, %arg7: memref<!tpu.dma_semaphore, #tpu.memory_space<semaphore_mem>>, %arg8: memref<!tpu.dma_semaphore, #tpu.memory_space<semaphore_mem>>, %arg9: memref<!tpu.dma_semaphore, #tpu.memory_space<semaphore_mem>>, %arg10: memref<!tpu.dma_semaphore, #tpu.memory_space<semaphore_mem>>, %arg11: memref<!tpu.dma_semaphore, #tpu.memory_space<semaphore_mem>>, %arg12: memref<!tpu.dma_semaphore, #tpu.memory_space<semaphore_mem>>, %arg13: memref<!tpu.dma_semaphore, #tpu.memory_space<semaphore_mem>>, %arg14: memref<!tpu.dma_semaphore, #tpu.memory_space<semaphore_mem>>) attributes {dimension_semantics = [#tpu.dimension_semantics<core_parallel>, #tpu.dimension_semantics<subcore_parallel>], iteration_bounds = array<i64: 2, 16>, scalar_prefetch = 0 : i64, scratch_operands = 10 : i64, tpu.core_type = #tpu.core_type<sc_vector_subcore>, window_params = [{transform_indices = #map}, {transform_indices = #map}, {transform_indices = #map}]} {
    %mul3A = arith.constant 2 : i32
    %mul3A_0 = arith.muli %arg1, %mul3A : i32
    %add3A = arith.addi %mul3A_0, %arg0 : i32
    %mul3A_1 = arith.constant 2048 : i32
    %mul3A_2 = arith.muli %add3A, %mul3A_1 : i32
    %mul3A_3 = arith.constant 16 : i32
    %mul3A_4 = arith.muli %add3A, %mul3A_3 : i32
    "tpu.region"() ({
      %run_scoped3A = tpu.sem_alloc : memref<!tpu.dma_semaphore, #tpu.memory_space<semaphore_mem>>
      %dma_start3A_108 = arith.constant 0 : i32
      %dma_start3A_109 = tpu.memref_slice %arg2[%mul3A_4, %dma_start3A_108] : memref<512x128xi32, #tpu.memory_space<hbm>> -> memref<16x128xi32, #tpu.memory_space<hbm>>
      %dma_start3A_110 = arith.constant 0 : i32
      %dma_start3A_111 = tpu.memref_slice %arg2[%mul3A_4, %dma_start3A_110] : memref<512x128xi32, #tpu.memory_space<hbm>> -> memref<16x128xi32, #tpu.memory_space<hbm>>
      tpu.enqueue_dma source(%dma_start3A_111 : memref<16x128xi32, #tpu.memory_space<hbm>>) target(%arg5 : memref<16x128xi32, #tpu.memory_space<vmem>>) target_semaphore(%run_scoped3A : memref<!tpu.dma_semaphore, #tpu.memory_space<semaphore_mem>>)
      %dma_wait3A_112 = arith.constant 0 : i32
      %dma_wait3A_113 = tpu.memref_slice %arg2[%mul3A_4, %dma_wait3A_112] : memref<512x128xi32, #tpu.memory_space<hbm>> -> memref<16x128xi32, #tpu.memory_space<hbm>>
      %dma_wait3A_114 = arith.constant 0 : i32
      %dma_wait3A_115 = tpu.memref_slice %arg2[%mul3A_4, %dma_wait3A_114] : memref<512x128xi32, #tpu.memory_space<hbm>> -> memref<16x128xi32, #tpu.memory_space<hbm>>
      tpu.wait_dma2 semaphore(%run_scoped3A : memref<!tpu.dma_semaphore, #tpu.memory_space<semaphore_mem>>) src(%dma_wait3A_115 : memref<16x128xi32, #tpu.memory_space<hbm>>) dst(%arg5 : memref<16x128xi32, #tpu.memory_space<vmem>>)
      tpu.yield
    }) : () -> ()
    %dma_start3A = arith.constant 0 : i32
    %dma_start3A_5 = arith.constant 0 : i32
    %dma_start3A_6 = arith.constant 0 : i32
    %dma_start3A_7 = arith.constant 0 : i32
    %dma_start3A_8 = tpu.memref_slice %arg6[%dma_start3A_5, %dma_start3A_6, %dma_start3A_7] : memref<4x128x128xf32, #tpu.memory_space<vmem>> -> memref<1x128x128xf32, #tpu.memory_space<vmem>>
    %dma_start3A_9 = tpu.memref_squeeze %dma_start3A_8 : memref<1x128x128xf32, #tpu.memory_space<vmem>> -> memref<128x128xf32, #tpu.memory_space<vmem>>
    %dma_start3A_10 = arith.constant 0 : i32
    %dma_start3A_11 = tpu.memref_slice %arg5[%dma_start3A, %dma_start3A_10] : memref<16x128xi32, #tpu.memory_space<vmem>> -> memref<1x128xi32, #tpu.memory_space<vmem>>
    %dma_start3A_12 = tpu.memref_squeeze %dma_start3A_11 : memref<1x128xi32, #tpu.memory_space<vmem>> -> memref<128xi32, #tpu.memory_space<vmem>>
    %dma_start3A_13 = arith.constant 0 : i32
    %dma_start3A_14 = arith.constant 0 : i32
    %dma_start3A_15 = tpu.memref_slice %arg3[%dma_start3A_13, %dma_start3A_14] : memref<8192x128xf32, #tpu.memory_space<hbm>> -> memref<8192x128xf32, #tpu.memory_space<hbm>>
    tpu.enqueue_indirect_dma source(%dma_start3A_15 : memref<8192x128xf32, #tpu.memory_space<hbm>>) target(%dma_start3A_9 : memref<128x128xf32, #tpu.memory_space<vmem>>) offsets(%dma_start3A_12 : memref<128xi32, #tpu.memory_space<vmem>>) semaphore(%arg7 : memref<!tpu.dma_semaphore, #tpu.memory_space<semaphore_mem>>)
    %dma_start3A_16 = arith.constant 1 : i32
    %dma_start3A_17 = arith.constant 1 : i32
    %dma_start3A_18 = arith.constant 0 : i32
    %dma_start3A_19 = arith.constant 0 : i32
    %dma_start3A_20 = tpu.memref_slice %arg6[%dma_start3A_17, %dma_start3A_18, %dma_start3A_19] : memref<4x128x128xf32, #tpu.memory_space<vmem>> -> memref<1x128x128xf32, #tpu.memory_space<vmem>>
    %dma_start3A_21 = tpu.memref_squeeze %dma_start3A_20 : memref<1x128x128xf32, #tpu.memory_space<vmem>> -> memref<128x128xf32, #tpu.memory_space<vmem>>
    %dma_start3A_22 = arith.constant 0 : i32
    %dma_start3A_23 = tpu.memref_slice %arg5[%dma_start3A_16, %dma_start3A_22] : memref<16x128xi32, #tpu.memory_space<vmem>> -> memref<1x128xi32, #tpu.memory_space<vmem>>
    %dma_start3A_24 = tpu.memref_squeeze %dma_start3A_23 : memref<1x128xi32, #tpu.memory_space<vmem>> -> memref<128xi32, #tpu.memory_space<vmem>>
    %dma_start3A_25 = arith.constant 0 : i32
    %dma_start3A_26 = arith.constant 0 : i32
    %dma_start3A_27 = tpu.memref_slice %arg3[%dma_start3A_25, %dma_start3A_26] : memref<8192x128xf32, #tpu.memory_space<hbm>> -> memref<8192x128xf32, #tpu.memory_space<hbm>>
    tpu.enqueue_indirect_dma source(%dma_start3A_27 : memref<8192x128xf32, #tpu.memory_space<hbm>>) target(%dma_start3A_21 : memref<128x128xf32, #tpu.memory_space<vmem>>) offsets(%dma_start3A_24 : memref<128xi32, #tpu.memory_space<vmem>>) semaphore(%arg8 : memref<!tpu.dma_semaphore, #tpu.memory_space<semaphore_mem>>)
    %dma_start3A_28 = arith.constant 2 : i32
    %dma_start3A_29 = arith.constant 2 : i32
    %dma_start3A_30 = arith.constant 0 : i32
    %dma_start3A_31 = arith.constant 0 : i32
    %dma_start3A_32 = tpu.memref_slice %arg6[%dma_start3A_29, %dma_start3A_30, %dma_start3A_31] : memref<4x128x128xf32, #tpu.memory_space<vmem>> -> memref<1x128x128xf32, #tpu.memory_space<vmem>>
    %dma_start3A_33 = tpu.memref_squeeze %dma_start3A_32 : memref<1x128x128xf32, #tpu.memory_space<vmem>> -> memref<128x128xf32, #tpu.memory_space<vmem>>
    %dma_start3A_34 = arith.constant 0 : i32
    %dma_start3A_35 = tpu.memref_slice %arg5[%dma_start3A_28, %dma_start3A_34] : memref<16x128xi32, #tpu.memory_space<vmem>> -> memref<1x128xi32, #tpu.memory_space<vmem>>
    %dma_start3A_36 = tpu.memref_squeeze %dma_start3A_35 : memref<1x128xi32, #tpu.memory_space<vmem>> -> memref<128xi32, #tpu.memory_space<vmem>>
    %dma_start3A_37 = arith.constant 0 : i32
    %dma_start3A_38 = arith.constant 0 : i32
    %dma_start3A_39 = tpu.memref_slice %arg3[%dma_start3A_37, %dma_start3A_38] : memref<8192x128xf32, #tpu.memory_space<hbm>> -> memref<8192x128xf32, #tpu.memory_space<hbm>>
    tpu.enqueue_indirect_dma source(%dma_start3A_39 : memref<8192x128xf32, #tpu.memory_space<hbm>>) target(%dma_start3A_33 : memref<128x128xf32, #tpu.memory_space<vmem>>) offsets(%dma_start3A_36 : memref<128xi32, #tpu.memory_space<vmem>>) semaphore(%arg9 : memref<!tpu.dma_semaphore, #tpu.memory_space<semaphore_mem>>)
    %dma_start3A_40 = arith.constant 3 : i32
    %dma_start3A_41 = arith.constant 3 : i32
    %dma_start3A_42 = arith.constant 0 : i32
    %dma_start3A_43 = arith.constant 0 : i32
    %dma_start3A_44 = tpu.memref_slice %arg6[%dma_start3A_41, %dma_start3A_42, %dma_start3A_43] : memref<4x128x128xf32, #tpu.memory_space<vmem>> -> memref<1x128x128xf32, #tpu.memory_space<vmem>>
    %dma_start3A_45 = tpu.memref_squeeze %dma_start3A_44 : memref<1x128x128xf32, #tpu.memory_space<vmem>> -> memref<128x128xf32, #tpu.memory_space<vmem>>
    %dma_start3A_46 = arith.constant 0 : i32
    %dma_start3A_47 = tpu.memref_slice %arg5[%dma_start3A_40, %dma_start3A_46] : memref<16x128xi32, #tpu.memory_space<vmem>> -> memref<1x128xi32, #tpu.memory_space<vmem>>
    %dma_start3A_48 = tpu.memref_squeeze %dma_start3A_47 : memref<1x128xi32, #tpu.memory_space<vmem>> -> memref<128xi32, #tpu.memory_space<vmem>>
    %dma_start3A_49 = arith.constant 0 : i32
    %dma_start3A_50 = arith.constant 0 : i32
    %dma_start3A_51 = tpu.memref_slice %arg3[%dma_start3A_49, %dma_start3A_50] : memref<8192x128xf32, #tpu.memory_space<hbm>> -> memref<8192x128xf32, #tpu.memory_space<hbm>>
    tpu.enqueue_indirect_dma source(%dma_start3A_51 : memref<8192x128xf32, #tpu.memory_space<hbm>>) target(%dma_start3A_45 : memref<128x128xf32, #tpu.memory_space<vmem>>) offsets(%dma_start3A_48 : memref<128xi32, #tpu.memory_space<vmem>>) semaphore(%arg10 : memref<!tpu.dma_semaphore, #tpu.memory_space<semaphore_mem>>)
    %scan3A = arith.constant 0 : i32
    %scan3A_52 = arith.constant 0 : i32
    %scan3A_53 = arith.constant 4 : i32
    %scan3A_54 = arith.addi %scan3A_52, %scan3A_53 : i32
    %scan3A_55 = arith.constant 1 : i32
    scf.for %scan3A_108 = %scan3A_52 to %scan3A_54 step %scan3A_55  : i32 {
      %mul3A_109 = arith.constant 4 : i32
      %mul3A_110 = arith.muli %scan3A_108, %mul3A_109 : i32
      %add3A_111 = arith.constant 0 : i32
      %add3A_112 = arith.addi %mul3A_110, %add3A_111 : i32
      %dma_wait3A_113 = arith.constant 0 : i32
      %dma_wait3A_114 = arith.constant 0 : i32
      %dma_wait3A_115 = arith.constant 0 : i32
      %dma_wait3A_116 = tpu.memref_slice %arg6[%dma_wait3A_113, %dma_wait3A_114, %dma_wait3A_115] : memref<4x128x128xf32, #tpu.memory_space<vmem>> -> memref<1x128x128xf32, #tpu.memory_space<vmem>>
      %dma_wait3A_117 = tpu.memref_squeeze %dma_wait3A_116 : memref<1x128x128xf32, #tpu.memory_space<vmem>> -> memref<128x128xf32, #tpu.memory_space<vmem>>
      %dma_wait3A_118 = arith.constant 0 : i32
      %dma_wait3A_119 = tpu.memref_slice %arg4[%mul3A_2, %dma_wait3A_118] : memref<65536x128xf32, #tpu.memory_space<hbm>> -> memref<128x128xf32, #tpu.memory_space<hbm>>
      %dma_wait3A_120 = arith.constant 0 : i32
      %dma_wait3A_121 = arith.constant 0 : i32
      %dma_wait3A_122 = tpu.memref_slice %arg6[%dma_wait3A_113, %dma_wait3A_120, %dma_wait3A_121] : memref<4x128x128xf32, #tpu.memory_space<vmem>> -> memref<1x128x128xf32, #tpu.memory_space<vmem>>
      %dma_wait3A_123 = tpu.memref_squeeze %dma_wait3A_122 : memref<1x128x128xf32, #tpu.memory_space<vmem>> -> memref<128x128xf32, #tpu.memory_space<vmem>>
      %dma_wait3A_124 = arith.constant 0 : i32
      %dma_wait3A_125 = tpu.memref_slice %arg4[%mul3A_2, %dma_wait3A_124] : memref<65536x128xf32, #tpu.memory_space<hbm>> -> memref<128x128xf32, #tpu.memory_space<hbm>>
      tpu.wait_dma2 semaphore(%arg7 : memref<!tpu.dma_semaphore, #tpu.memory_space<semaphore_mem>>) src(%dma_wait3A_125 : memref<128x128xf32, #tpu.memory_space<hbm>>) dst(%dma_wait3A_123 : memref<128x128xf32, #tpu.memory_space<vmem>>)
      %mul3A_126 = arith.constant 128 : i32
      %mul3A_127 = arith.muli %add3A_112, %mul3A_126 : i32
      %add3A_128 = arith.addi %mul3A_2, %mul3A_127 : i32
      %dma_start3A_129 = arith.constant 0 : i32
      %dma_start3A_130 = arith.constant 0 : i32
      %dma_start3A_131 = arith.constant 0 : i32
      %dma_start3A_132 = tpu.memref_slice %arg6[%dma_start3A_129, %dma_start3A_130, %dma_start3A_131] : memref<4x128x128xf32, #tpu.memory_space<vmem>> -> memref<1x128x128xf32, #tpu.memory_space<vmem>>
      %dma_start3A_133 = tpu.memref_squeeze %dma_start3A_132 : memref<1x128x128xf32, #tpu.memory_space<vmem>> -> memref<128x128xf32, #tpu.memory_space<vmem>>
      %dma_start3A_134 = arith.constant 0 : i32
      %dma_start3A_135 = tpu.memref_slice %arg4[%add3A_128, %dma_start3A_134] : memref<65536x128xf32, #tpu.memory_space<hbm>> -> memref<128x128xf32, #tpu.memory_space<hbm>>
      %dma_start3A_136 = arith.constant 0 : i32
      %dma_start3A_137 = tpu.memref_slice %arg4[%add3A_128, %dma_start3A_136] : memref<65536x128xf32, #tpu.memory_space<hbm>> -> memref<128x128xf32, #tpu.memory_space<hbm>>
      %dma_start3A_138 = arith.constant 0 : i32
      %dma_start3A_139 = arith.constant 0 : i32
      %dma_start3A_140 = tpu.memref_slice %arg6[%dma_start3A_129, %dma_start3A_138, %dma_start3A_139] : memref<4x128x128xf32, #tpu.memory_space<vmem>> -> memref<1x128x128xf32, #tpu.memory_space<vmem>>
      %dma_start3A_141 = tpu.memref_squeeze %dma_start3A_140 : memref<1x128x128xf32, #tpu.memory_space<vmem>> -> memref<128x128xf32, #tpu.memory_space<vmem>>
      tpu.enqueue_dma source(%dma_start3A_141 : memref<128x128xf32, #tpu.memory_space<vmem>>) target(%dma_start3A_137 : memref<128x128xf32, #tpu.memory_space<hbm>>) target_semaphore(%arg11 : memref<!tpu.dma_semaphore, #tpu.memory_space<semaphore_mem>>)
      %add3A_142 = arith.constant 4 : i32
      %add3A_143 = arith.addi %add3A_112, %add3A_142 : i32
      %lt3A = arith.constant 16 : i32
      %lt3A_144 = arith.cmpi slt, %add3A_143, %lt3A : i32
      %convert_element_type3A = arith.extui %lt3A_144 : i1 to i32
      %cond3A = arith.constant 0 : i32
      %cond3A_145 = arith.cmpi ne, %convert_element_type3A, %cond3A : i32
      scf.if %cond3A_145 {
        %dma_wait3A_266 = arith.constant 0 : i32
        %dma_wait3A_267 = arith.constant 0 : i32
        %dma_wait3A_268 = arith.constant 0 : i32
        %dma_wait3A_269 = tpu.memref_slice %arg6[%dma_wait3A_266, %dma_wait3A_267, %dma_wait3A_268] : memref<4x128x128xf32, #tpu.memory_space<vmem>> -> memref<1x128x128xf32, #tpu.memory_space<vmem>>
        %dma_wait3A_270 = tpu.memref_squeeze %dma_wait3A_269 : memref<1x128x128xf32, #tpu.memory_space<vmem>> -> memref<128x128xf32, #tpu.memory_space<vmem>>
        %dma_wait3A_271 = arith.constant 0 : i32
        %dma_wait3A_272 = tpu.memref_slice %arg4[%mul3A_2, %dma_wait3A_271] : memref<65536x128xf32, #tpu.memory_space<hbm>> -> memref<128x128xf32, #tpu.memory_space<hbm>>
        %dma_wait3A_273 = arith.constant 0 : i32
        %dma_wait3A_274 = tpu.memref_slice %arg4[%mul3A_2, %dma_wait3A_273] : memref<65536x128xf32, #tpu.memory_space<hbm>> -> memref<128x128xf32, #tpu.memory_space<hbm>>
        %dma_wait3A_275 = arith.constant 0 : i32
        %dma_wait3A_276 = arith.constant 0 : i32
        %dma_wait3A_277 = tpu.memref_slice %arg6[%dma_wait3A_266, %dma_wait3A_275, %dma_wait3A_276] : memref<4x128x128xf32, #tpu.memory_space<vmem>> -> memref<1x128x128xf32, #tpu.memory_space<vmem>>
        %dma_wait3A_278 = tpu.memref_squeeze %dma_wait3A_277 : memref<1x128x128xf32, #tpu.memory_space<vmem>> -> memref<128x128xf32, #tpu.memory_space<vmem>>
        tpu.wait_dma2 semaphore(%arg11 : memref<!tpu.dma_semaphore, #tpu.memory_space<semaphore_mem>>) src(%dma_wait3A_278 : memref<128x128xf32, #tpu.memory_space<vmem>>) dst(%dma_wait3A_274 : memref<128x128xf32, #tpu.memory_space<hbm>>)
        %add3A_279 = arith.constant 4 : i32
        %add3A_280 = arith.addi %add3A_112, %add3A_279 : i32
        %dma_start3A_281 = arith.constant 0 : i32
        %dma_start3A_282 = arith.constant 0 : i32
        %dma_start3A_283 = arith.constant 0 : i32
        %dma_start3A_284 = tpu.memref_slice %arg6[%dma_start3A_281, %dma_start3A_282, %dma_start3A_283] : memref<4x128x128xf32, #tpu.memory_space<vmem>> -> memref<1x128x128xf32, #tpu.memory_space<vmem>>
        %dma_start3A_285 = tpu.memref_squeeze %dma_start3A_284 : memref<1x128x128xf32, #tpu.memory_space<vmem>> -> memref<128x128xf32, #tpu.memory_space<vmem>>
        %dma_start3A_286 = arith.constant 0 : i32
        %dma_start3A_287 = tpu.memref_slice %arg5[%add3A_280, %dma_start3A_286] : memref<16x128xi32, #tpu.memory_space<vmem>> -> memref<1x128xi32, #tpu.memory_space<vmem>>
        %dma_start3A_288 = tpu.memref_squeeze %dma_start3A_287 : memref<1x128xi32, #tpu.memory_space<vmem>> -> memref<128xi32, #tpu.memory_space<vmem>>
        %dma_start3A_289 = arith.constant 0 : i32
        %dma_start3A_290 = arith.constant 0 : i32
        %dma_start3A_291 = tpu.memref_slice %arg3[%dma_start3A_289, %dma_start3A_290] : memref<8192x128xf32, #tpu.memory_space<hbm>> -> memref<8192x128xf32, #tpu.memory_space<hbm>>
        tpu.enqueue_indirect_dma source(%dma_start3A_291 : memref<8192x128xf32, #tpu.memory_space<hbm>>) target(%dma_start3A_285 : memref<128x128xf32, #tpu.memory_space<vmem>>) offsets(%dma_start3A_288 : memref<128xi32, #tpu.memory_space<vmem>>) semaphore(%arg7 : memref<!tpu.dma_semaphore, #tpu.memory_space<semaphore_mem>>)
      } else {
      }
      %mul3A_146 = arith.constant 4 : i32
      %mul3A_147 = arith.muli %scan3A_108, %mul3A_146 : i32
      %add3A_148 = arith.constant 1 : i32
      %add3A_149 = arith.addi %mul3A_147, %add3A_148 : i32
      %dma_wait3A_150 = arith.constant 1 : i32
      %dma_wait3A_151 = arith.constant 0 : i32
      %dma_wait3A_152 = arith.constant 0 : i32
      %dma_wait3A_153 = tpu.memref_slice %arg6[%dma_wait3A_150, %dma_wait3A_151, %dma_wait3A_152] : memref<4x128x128xf32, #tpu.memory_space<vmem>> -> memref<1x128x128xf32, #tpu.memory_space<vmem>>
      %dma_wait3A_154 = tpu.memref_squeeze %dma_wait3A_153 : memref<1x128x128xf32, #tpu.memory_space<vmem>> -> memref<128x128xf32, #tpu.memory_space<vmem>>
      %dma_wait3A_155 = arith.constant 0 : i32
      %dma_wait3A_156 = tpu.memref_slice %arg4[%mul3A_2, %dma_wait3A_155] : memref<65536x128xf32, #tpu.memory_space<hbm>> -> memref<128x128xf32, #tpu.memory_space<hbm>>
      %dma_wait3A_157 = arith.constant 0 : i32
      %dma_wait3A_158 = arith.constant 0 : i32
      %dma_wait3A_159 = tpu.memref_slice %arg6[%dma_wait3A_150, %dma_wait3A_157, %dma_wait3A_158] : memref<4x128x128xf32, #tpu.memory_space<vmem>> -> memref<1x128x128xf32, #tpu.memory_space<vmem>>
      %dma_wait3A_160 = tpu.memref_squeeze %dma_wait3A_159 : memref<1x128x128xf32, #tpu.memory_space<vmem>> -> memref<128x128xf32, #tpu.memory_space<vmem>>
      %dma_wait3A_161 = arith.constant 0 : i32
      %dma_wait3A_162 = tpu.memref_slice %arg4[%mul3A_2, %dma_wait3A_161] : memref<65536x128xf32, #tpu.memory_space<hbm>> -> memref<128x128xf32, #tpu.memory_space<hbm>>
      tpu.wait_dma2 semaphore(%arg8 : memref<!tpu.dma_semaphore, #tpu.memory_space<semaphore_mem>>) src(%dma_wait3A_162 : memref<128x128xf32, #tpu.memory_space<hbm>>) dst(%dma_wait3A_160 : memref<128x128xf32, #tpu.memory_space<vmem>>)
      %mul3A_163 = arith.constant 128 : i32
      %mul3A_164 = arith.muli %add3A_149, %mul3A_163 : i32
      %add3A_165 = arith.addi %mul3A_2, %mul3A_164 : i32
      %dma_start3A_166 = arith.constant 1 : i32
      %dma_start3A_167 = arith.constant 0 : i32
      %dma_start3A_168 = arith.constant 0 : i32
      %dma_start3A_169 = tpu.memref_slice %arg6[%dma_start3A_166, %dma_start3A_167, %dma_start3A_168] : memref<4x128x128xf32, #tpu.memory_space<vmem>> -> memref<1x128x128xf32, #tpu.memory_space<vmem>>
      %dma_start3A_170 = tpu.memref_squeeze %dma_start3A_169 : memref<1x128x128xf32, #tpu.memory_space<vmem>> -> memref<128x128xf32, #tpu.memory_space<vmem>>
      %dma_start3A_171 = arith.constant 0 : i32
      %dma_start3A_172 = tpu.memref_slice %arg4[%add3A_165, %dma_start3A_171] : memref<65536x128xf32, #tpu.memory_space<hbm>> -> memref<128x128xf32, #tpu.memory_space<hbm>>
      %dma_start3A_173 = arith.constant 0 : i32
      %dma_start3A_174 = tpu.memref_slice %arg4[%add3A_165, %dma_start3A_173] : memref<65536x128xf32, #tpu.memory_space<hbm>> -> memref<128x128xf32, #tpu.memory_space<hbm>>
      %dma_start3A_175 = arith.constant 0 : i32
      %dma_start3A_176 = arith.constant 0 : i32
      %dma_start3A_177 = tpu.memref_slice %arg6[%dma_start3A_166, %dma_start3A_175, %dma_start3A_176] : memref<4x128x128xf32, #tpu.memory_space<vmem>> -> memref<1x128x128xf32, #tpu.memory_space<vmem>>
      %dma_start3A_178 = tpu.memref_squeeze %dma_start3A_177 : memref<1x128x128xf32, #tpu.memory_space<vmem>> -> memref<128x128xf32, #tpu.memory_space<vmem>>
      tpu.enqueue_dma source(%dma_start3A_178 : memref<128x128xf32, #tpu.memory_space<vmem>>) target(%dma_start3A_174 : memref<128x128xf32, #tpu.memory_space<hbm>>) target_semaphore(%arg12 : memref<!tpu.dma_semaphore, #tpu.memory_space<semaphore_mem>>)
      %add3A_179 = arith.constant 4 : i32
      %add3A_180 = arith.addi %add3A_149, %add3A_179 : i32
      %lt3A_181 = arith.constant 16 : i32
      %lt3A_182 = arith.cmpi slt, %add3A_180, %lt3A_181 : i32
      %convert_element_type3A_183 = arith.extui %lt3A_182 : i1 to i32
      %cond3A_184 = arith.constant 0 : i32
      %cond3A_185 = arith.cmpi ne, %convert_element_type3A_183, %cond3A_184 : i32
      scf.if %cond3A_185 {
        %dma_wait3A_266 = arith.constant 1 : i32
        %dma_wait3A_267 = arith.constant 0 : i32
        %dma_wait3A_268 = arith.constant 0 : i32
        %dma_wait3A_269 = tpu.memref_slice %arg6[%dma_wait3A_266, %dma_wait3A_267, %dma_wait3A_268] : memref<4x128x128xf32, #tpu.memory_space<vmem>> -> memref<1x128x128xf32, #tpu.memory_space<vmem>>
        %dma_wait3A_270 = tpu.memref_squeeze %dma_wait3A_269 : memref<1x128x128xf32, #tpu.memory_space<vmem>> -> memref<128x128xf32, #tpu.memory_space<vmem>>
        %dma_wait3A_271 = arith.constant 0 : i32
        %dma_wait3A_272 = tpu.memref_slice %arg4[%mul3A_2, %dma_wait3A_271] : memref<65536x128xf32, #tpu.memory_space<hbm>> -> memref<128x128xf32, #tpu.memory_space<hbm>>
        %dma_wait3A_273 = arith.constant 0 : i32
        %dma_wait3A_274 = tpu.memref_slice %arg4[%mul3A_2, %dma_wait3A_273] : memref<65536x128xf32, #tpu.memory_space<hbm>> -> memref<128x128xf32, #tpu.memory_space<hbm>>
        %dma_wait3A_275 = arith.constant 0 : i32
        %dma_wait3A_276 = arith.constant 0 : i32
        %dma_wait3A_277 = tpu.memref_slice %arg6[%dma_wait3A_266, %dma_wait3A_275, %dma_wait3A_276] : memref<4x128x128xf32, #tpu.memory_space<vmem>> -> memref<1x128x128xf32, #tpu.memory_space<vmem>>
        %dma_wait3A_278 = tpu.memref_squeeze %dma_wait3A_277 : memref<1x128x128xf32, #tpu.memory_space<vmem>> -> memref<128x128xf32, #tpu.memory_space<vmem>>
        tpu.wait_dma2 semaphore(%arg12 : memref<!tpu.dma_semaphore, #tpu.memory_space<semaphore_mem>>) src(%dma_wait3A_278 : memref<128x128xf32, #tpu.memory_space<vmem>>) dst(%dma_wait3A_274 : memref<128x128xf32, #tpu.memory_space<hbm>>)
        %add3A_279 = arith.constant 4 : i32
        %add3A_280 = arith.addi %add3A_149, %add3A_279 : i32
        %dma_start3A_281 = arith.constant 1 : i32
        %dma_start3A_282 = arith.constant 0 : i32
        %dma_start3A_283 = arith.constant 0 : i32
        %dma_start3A_284 = tpu.memref_slice %arg6[%dma_start3A_281, %dma_start3A_282, %dma_start3A_283] : memref<4x128x128xf32, #tpu.memory_space<vmem>> -> memref<1x128x128xf32, #tpu.memory_space<vmem>>
        %dma_start3A_285 = tpu.memref_squeeze %dma_start3A_284 : memref<1x128x128xf32, #tpu.memory_space<vmem>> -> memref<128x128xf32, #tpu.memory_space<vmem>>
        %dma_start3A_286 = arith.constant 0 : i32
        %dma_start3A_287 = tpu.memref_slice %arg5[%add3A_280, %dma_start3A_286] : memref<16x128xi32, #tpu.memory_space<vmem>> -> memref<1x128xi32, #tpu.memory_space<vmem>>
        %dma_start3A_288 = tpu.memref_squeeze %dma_start3A_287 : memref<1x128xi32, #tpu.memory_space<vmem>> -> memref<128xi32, #tpu.memory_space<vmem>>
        %dma_start3A_289 = arith.constant 0 : i32
        %dma_start3A_290 = arith.constant 0 : i32
        %dma_start3A_291 = tpu.memref_slice %arg3[%dma_start3A_289, %dma_start3A_290] : memref<8192x128xf32, #tpu.memory_space<hbm>> -> memref<8192x128xf32, #tpu.memory_space<hbm>>
        tpu.enqueue_indirect_dma source(%dma_start3A_291 : memref<8192x128xf32, #tpu.memory_space<hbm>>) target(%dma_start3A_285 : memref<128x128xf32, #tpu.memory_space<vmem>>) offsets(%dma_start3A_288 : memref<128xi32, #tpu.memory_space<vmem>>) semaphore(%arg8 : memref<!tpu.dma_semaphore, #tpu.memory_space<semaphore_mem>>)
      } else {
      }
      %mul3A_186 = arith.constant 4 : i32
      %mul3A_187 = arith.muli %scan3A_108, %mul3A_186 : i32
      %add3A_188 = arith.constant 2 : i32
      %add3A_189 = arith.addi %mul3A_187, %add3A_188 : i32
      %dma_wait3A_190 = arith.constant 2 : i32
      %dma_wait3A_191 = arith.constant 0 : i32
      %dma_wait3A_192 = arith.constant 0 : i32
      %dma_wait3A_193 = tpu.memref_slice %arg6[%dma_wait3A_190, %dma_wait3A_191, %dma_wait3A_192] : memref<4x128x128xf32, #tpu.memory_space<vmem>> -> memref<1x128x128xf32, #tpu.memory_space<vmem>>
      %dma_wait3A_194 = tpu.memref_squeeze %dma_wait3A_193 : memref<1x128x128xf32, #tpu.memory_space<vmem>> -> memref<128x128xf32, #tpu.memory_space<vmem>>
      %dma_wait3A_195 = arith.constant 0 : i32
      %dma_wait3A_196 = tpu.memref_slice %arg4[%mul3A_2, %dma_wait3A_195] : memref<65536x128xf32, #tpu.memory_space<hbm>> -> memref<128x128xf32, #tpu.memory_space<hbm>>
      %dma_wait3A_197 = arith.constant 0 : i32
      %dma_wait3A_198 = arith.constant 0 : i32
      %dma_wait3A_199 = tpu.memref_slice %arg6[%dma_wait3A_190, %dma_wait3A_197, %dma_wait3A_198] : memref<4x128x128xf32, #tpu.memory_space<vmem>> -> memref<1x128x128xf32, #tpu.memory_space<vmem>>
      %dma_wait3A_200 = tpu.memref_squeeze %dma_wait3A_199 : memref<1x128x128xf32, #tpu.memory_space<vmem>> -> memref<128x128xf32, #tpu.memory_space<vmem>>
      %dma_wait3A_201 = arith.constant 0 : i32
      %dma_wait3A_202 = tpu.memref_slice %arg4[%mul3A_2, %dma_wait3A_201] : memref<65536x128xf32, #tpu.memory_space<hbm>> -> memref<128x128xf32, #tpu.memory_space<hbm>>
      tpu.wait_dma2 semaphore(%arg9 : memref<!tpu.dma_semaphore, #tpu.memory_space<semaphore_mem>>) src(%dma_wait3A_202 : memref<128x128xf32, #tpu.memory_space<hbm>>) dst(%dma_wait3A_200 : memref<128x128xf32, #tpu.memory_space<vmem>>)
      %mul3A_203 = arith.constant 128 : i32
      %mul3A_204 = arith.muli %add3A_189, %mul3A_203 : i32
      %add3A_205 = arith.addi %mul3A_2, %mul3A_204 : i32
      %dma_start3A_206 = arith.constant 2 : i32
      %dma_start3A_207 = arith.constant 0 : i32
      %dma_start3A_208 = arith.constant 0 : i32
      %dma_start3A_209 = tpu.memref_slice %arg6[%dma_start3A_206, %dma_start3A_207, %dma_start3A_208] : memref<4x128x128xf32, #tpu.memory_space<vmem>> -> memref<1x128x128xf32, #tpu.memory_space<vmem>>
      %dma_start3A_210 = tpu.memref_squeeze %dma_start3A_209 : memref<1x128x128xf32, #tpu.memory_space<vmem>> -> memref<128x128xf32, #tpu.memory_space<vmem>>
      %dma_start3A_211 = arith.constant 0 : i32
      %dma_start3A_212 = tpu.memref_slice %arg4[%add3A_205, %dma_start3A_211] : memref<65536x128xf32, #tpu.memory_space<hbm>> -> memref<128x128xf32, #tpu.memory_space<hbm>>
      %dma_start3A_213 = arith.constant 0 : i32
      %dma_start3A_214 = tpu.memref_slice %arg4[%add3A_205, %dma_start3A_213] : memref<65536x128xf32, #tpu.memory_space<hbm>> -> memref<128x128xf32, #tpu.memory_space<hbm>>
      %dma_start3A_215 = arith.constant 0 : i32
      %dma_start3A_216 = arith.constant 0 : i32
      %dma_start3A_217 = tpu.memref_slice %arg6[%dma_start3A_206, %dma_start3A_215, %dma_start3A_216] : memref<4x128x128xf32, #tpu.memory_space<vmem>> -> memref<1x128x128xf32, #tpu.memory_space<vmem>>
      %dma_start3A_218 = tpu.memref_squeeze %dma_start3A_217 : memref<1x128x128xf32, #tpu.memory_space<vmem>> -> memref<128x128xf32, #tpu.memory_space<vmem>>
      tpu.enqueue_dma source(%dma_start3A_218 : memref<128x128xf32, #tpu.memory_space<vmem>>) target(%dma_start3A_214 : memref<128x128xf32, #tpu.memory_space<hbm>>) target_semaphore(%arg13 : memref<!tpu.dma_semaphore, #tpu.memory_space<semaphore_mem>>)
      %add3A_219 = arith.constant 4 : i32
      %add3A_220 = arith.addi %add3A_189, %add3A_219 : i32
      %lt3A_221 = arith.constant 16 : i32
      %lt3A_222 = arith.cmpi slt, %add3A_220, %lt3A_221 : i32
      %convert_element_type3A_223 = arith.extui %lt3A_222 : i1 to i32
      %cond3A_224 = arith.constant 0 : i32
      %cond3A_225 = arith.cmpi ne, %convert_element_type3A_223, %cond3A_224 : i32
      scf.if %cond3A_225 {
        %dma_wait3A_266 = arith.constant 2 : i32
        %dma_wait3A_267 = arith.constant 0 : i32
        %dma_wait3A_268 = arith.constant 0 : i32
        %dma_wait3A_269 = tpu.memref_slice %arg6[%dma_wait3A_266, %dma_wait3A_267, %dma_wait3A_268] : memref<4x128x128xf32, #tpu.memory_space<vmem>> -> memref<1x128x128xf32, #tpu.memory_space<vmem>>
        %dma_wait3A_270 = tpu.memref_squeeze %dma_wait3A_269 : memref<1x128x128xf32, #tpu.memory_space<vmem>> -> memref<128x128xf32, #tpu.memory_space<vmem>>
        %dma_wait3A_271 = arith.constant 0 : i32
        %dma_wait3A_272 = tpu.memref_slice %arg4[%mul3A_2, %dma_wait3A_271] : memref<65536x128xf32, #tpu.memory_space<hbm>> -> memref<128x128xf32, #tpu.memory_space<hbm>>
        %dma_wait3A_273 = arith.constant 0 : i32
        %dma_wait3A_274 = tpu.memref_slice %arg4[%mul3A_2, %dma_wait3A_273] : memref<65536x128xf32, #tpu.memory_space<hbm>> -> memref<128x128xf32, #tpu.memory_space<hbm>>
        %dma_wait3A_275 = arith.constant 0 : i32
        %dma_wait3A_276 = arith.constant 0 : i32
        %dma_wait3A_277 = tpu.memref_slice %arg6[%dma_wait3A_266, %dma_wait3A_275, %dma_wait3A_276] : memref<4x128x128xf32, #tpu.memory_space<vmem>> -> memref<1x128x128xf32, #tpu.memory_space<vmem>>
        %dma_wait3A_278 = tpu.memref_squeeze %dma_wait3A_277 : memref<1x128x128xf32, #tpu.memory_space<vmem>> -> memref<128x128xf32, #tpu.memory_space<vmem>>
        tpu.wait_dma2 semaphore(%arg13 : memref<!tpu.dma_semaphore, #tpu.memory_space<semaphore_mem>>) src(%dma_wait3A_278 : memref<128x128xf32, #tpu.memory_space<vmem>>) dst(%dma_wait3A_274 : memref<128x128xf32, #tpu.memory_space<hbm>>)
        %add3A_279 = arith.constant 4 : i32
        %add3A_280 = arith.addi %add3A_189, %add3A_279 : i32
        %dma_start3A_281 = arith.constant 2 : i32
        %dma_start3A_282 = arith.constant 0 : i32
        %dma_start3A_283 = arith.constant 0 : i32
        %dma_start3A_284 = tpu.memref_slice %arg6[%dma_start3A_281, %dma_start3A_282, %dma_start3A_283] : memref<4x128x128xf32, #tpu.memory_space<vmem>> -> memref<1x128x128xf32, #tpu.memory_space<vmem>>
        %dma_start3A_285 = tpu.memref_squeeze %dma_start3A_284 : memref<1x128x128xf32, #tpu.memory_space<vmem>> -> memref<128x128xf32, #tpu.memory_space<vmem>>
        %dma_start3A_286 = arith.constant 0 : i32
        %dma_start3A_287 = tpu.memref_slice %arg5[%add3A_280, %dma_start3A_286] : memref<16x128xi32, #tpu.memory_space<vmem>> -> memref<1x128xi32, #tpu.memory_space<vmem>>
        %dma_start3A_288 = tpu.memref_squeeze %dma_start3A_287 : memref<1x128xi32, #tpu.memory_space<vmem>> -> memref<128xi32, #tpu.memory_space<vmem>>
        %dma_start3A_289 = arith.constant 0 : i32
        %dma_start3A_290 = arith.constant 0 : i32
        %dma_start3A_291 = tpu.memref_slice %arg3[%dma_start3A_289, %dma_start3A_290] : memref<8192x128xf32, #tpu.memory_space<hbm>> -> memref<8192x128xf32, #tpu.memory_space<hbm>>
        tpu.enqueue_indirect_dma source(%dma_start3A_291 : memref<8192x128xf32, #tpu.memory_space<hbm>>) target(%dma_start3A_285 : memref<128x128xf32, #tpu.memory_space<vmem>>) offsets(%dma_start3A_288 : memref<128xi32, #tpu.memory_space<vmem>>) semaphore(%arg9 : memref<!tpu.dma_semaphore, #tpu.memory_space<semaphore_mem>>)
      } else {
      }
      %mul3A_226 = arith.constant 4 : i32
      %mul3A_227 = arith.muli %scan3A_108, %mul3A_226 : i32
      %add3A_228 = arith.constant 3 : i32
      %add3A_229 = arith.addi %mul3A_227, %add3A_228 : i32
      %dma_wait3A_230 = arith.constant 3 : i32
      %dma_wait3A_231 = arith.constant 0 : i32
      %dma_wait3A_232 = arith.constant 0 : i32
      %dma_wait3A_233 = tpu.memref_slice %arg6[%dma_wait3A_230, %dma_wait3A_231, %dma_wait3A_232] : memref<4x128x128xf32, #tpu.memory_space<vmem>> -> memref<1x128x128xf32, #tpu.memory_space<vmem>>
      %dma_wait3A_234 = tpu.memref_squeeze %dma_wait3A_233 : memref<1x128x128xf32, #tpu.memory_space<vmem>> -> memref<128x128xf32, #tpu.memory_space<vmem>>
      %dma_wait3A_235 = arith.constant 0 : i32
      %dma_wait3A_236 = tpu.memref_slice %arg4[%mul3A_2, %dma_wait3A_235] : memref<65536x128xf32, #tpu.memory_space<hbm>> -> memref<128x128xf32, #tpu.memory_space<hbm>>
      %dma_wait3A_237 = arith.constant 0 : i32
      %dma_wait3A_238 = arith.constant 0 : i32
      %dma_wait3A_239 = tpu.memref_slice %arg6[%dma_wait3A_230, %dma_wait3A_237, %dma_wait3A_238] : memref<4x128x128xf32, #tpu.memory_space<vmem>> -> memref<1x128x128xf32, #tpu.memory_space<vmem>>
      %dma_wait3A_240 = tpu.memref_squeeze %dma_wait3A_239 : memref<1x128x128xf32, #tpu.memory_space<vmem>> -> memref<128x128xf32, #tpu.memory_space<vmem>>
      %dma_wait3A_241 = arith.constant 0 : i32
      %dma_wait3A_242 = tpu.memref_slice %arg4[%mul3A_2, %dma_wait3A_241] : memref<65536x128xf32, #tpu.memory_space<hbm>> -> memref<128x128xf32, #tpu.memory_space<hbm>>
      tpu.wait_dma2 semaphore(%arg10 : memref<!tpu.dma_semaphore, #tpu.memory_space<semaphore_mem>>) src(%dma_wait3A_242 : memref<128x128xf32, #tpu.memory_space<hbm>>) dst(%dma_wait3A_240 : memref<128x128xf32, #tpu.memory_space<vmem>>)
      %mul3A_243 = arith.constant 128 : i32
      %mul3A_244 = arith.muli %add3A_229, %mul3A_243 : i32
      %add3A_245 = arith.addi %mul3A_2, %mul3A_244 : i32
      %dma_start3A_246 = arith.constant 3 : i32
      %dma_start3A_247 = arith.constant 0 : i32
      %dma_start3A_248 = arith.constant 0 : i32
      %dma_start3A_249 = tpu.memref_slice %arg6[%dma_start3A_246, %dma_start3A_247, %dma_start3A_248] : memref<4x128x128xf32, #tpu.memory_space<vmem>> -> memref<1x128x128xf32, #tpu.memory_space<vmem>>
      %dma_start3A_250 = tpu.memref_squeeze %dma_start3A_249 : memref<1x128x128xf32, #tpu.memory_space<vmem>> -> memref<128x128xf32, #tpu.memory_space<vmem>>
      %dma_start3A_251 = arith.constant 0 : i32
      %dma_start3A_252 = tpu.memref_slice %arg4[%add3A_245, %dma_start3A_251] : memref<65536x128xf32, #tpu.memory_space<hbm>> -> memref<128x128xf32, #tpu.memory_space<hbm>>
      %dma_start3A_253 = arith.constant 0 : i32
      %dma_start3A_254 = tpu.memref_slice %arg4[%add3A_245, %dma_start3A_253] : memref<65536x128xf32, #tpu.memory_space<hbm>> -> memref<128x128xf32, #tpu.memory_space<hbm>>
      %dma_start3A_255 = arith.constant 0 : i32
      %dma_start3A_256 = arith.constant 0 : i32
      %dma_start3A_257 = tpu.memref_slice %arg6[%dma_start3A_246, %dma_start3A_255, %dma_start3A_256] : memref<4x128x128xf32, #tpu.memory_space<vmem>> -> memref<1x128x128xf32, #tpu.memory_space<vmem>>
      %dma_start3A_258 = tpu.memref_squeeze %dma_start3A_257 : memref<1x128x128xf32, #tpu.memory_space<vmem>> -> memref<128x128xf32, #tpu.memory_space<vmem>>
      tpu.enqueue_dma source(%dma_start3A_258 : memref<128x128xf32, #tpu.memory_space<vmem>>) target(%dma_start3A_254 : memref<128x128xf32, #tpu.memory_space<hbm>>) target_semaphore(%arg14 : memref<!tpu.dma_semaphore, #tpu.memory_space<semaphore_mem>>)
      %add3A_259 = arith.constant 4 : i32
      %add3A_260 = arith.addi %add3A_229, %add3A_259 : i32
      %lt3A_261 = arith.constant 16 : i32
      %lt3A_262 = arith.cmpi slt, %add3A_260, %lt3A_261 : i32
      %convert_element_type3A_263 = arith.extui %lt3A_262 : i1 to i32
      %cond3A_264 = arith.constant 0 : i32
      %cond3A_265 = arith.cmpi ne, %convert_element_type3A_263, %cond3A_264 : i32
      scf.if %cond3A_265 {
        %dma_wait3A_266 = arith.constant 3 : i32
        %dma_wait3A_267 = arith.constant 0 : i32
        %dma_wait3A_268 = arith.constant 0 : i32
        %dma_wait3A_269 = tpu.memref_slice %arg6[%dma_wait3A_266, %dma_wait3A_267, %dma_wait3A_268] : memref<4x128x128xf32, #tpu.memory_space<vmem>> -> memref<1x128x128xf32, #tpu.memory_space<vmem>>
        %dma_wait3A_270 = tpu.memref_squeeze %dma_wait3A_269 : memref<1x128x128xf32, #tpu.memory_space<vmem>> -> memref<128x128xf32, #tpu.memory_space<vmem>>
        %dma_wait3A_271 = arith.constant 0 : i32
        %dma_wait3A_272 = tpu.memref_slice %arg4[%mul3A_2, %dma_wait3A_271] : memref<65536x128xf32, #tpu.memory_space<hbm>> -> memref<128x128xf32, #tpu.memory_space<hbm>>
        %dma_wait3A_273 = arith.constant 0 : i32
        %dma_wait3A_274 = tpu.memref_slice %arg4[%mul3A_2, %dma_wait3A_273] : memref<65536x128xf32, #tpu.memory_space<hbm>> -> memref<128x128xf32, #tpu.memory_space<hbm>>
        %dma_wait3A_275 = arith.constant 0 : i32
        %dma_wait3A_276 = arith.constant 0 : i32
        %dma_wait3A_277 = tpu.memref_slice %arg6[%dma_wait3A_266, %dma_wait3A_275, %dma_wait3A_276] : memref<4x128x128xf32, #tpu.memory_space<vmem>> -> memref<1x128x128xf32, #tpu.memory_space<vmem>>
        %dma_wait3A_278 = tpu.memref_squeeze %dma_wait3A_277 : memref<1x128x128xf32, #tpu.memory_space<vmem>> -> memref<128x128xf32, #tpu.memory_space<vmem>>
        tpu.wait_dma2 semaphore(%arg14 : memref<!tpu.dma_semaphore, #tpu.memory_space<semaphore_mem>>) src(%dma_wait3A_278 : memref<128x128xf32, #tpu.memory_space<vmem>>) dst(%dma_wait3A_274 : memref<128x128xf32, #tpu.memory_space<hbm>>)
        %add3A_279 = arith.constant 4 : i32
        %add3A_280 = arith.addi %add3A_229, %add3A_279 : i32
        %dma_start3A_281 = arith.constant 3 : i32
        %dma_start3A_282 = arith.constant 0 : i32
        %dma_start3A_283 = arith.constant 0 : i32
        %dma_start3A_284 = tpu.memref_slice %arg6[%dma_start3A_281, %dma_start3A_282, %dma_start3A_283] : memref<4x128x128xf32, #tpu.memory_space<vmem>> -> memref<1x128x128xf32, #tpu.memory_space<vmem>>
        %dma_start3A_285 = tpu.memref_squeeze %dma_start3A_284 : memref<1x128x128xf32, #tpu.memory_space<vmem>> -> memref<128x128xf32, #tpu.memory_space<vmem>>
        %dma_start3A_286 = arith.constant 0 : i32
        %dma_start3A_287 = tpu.memref_slice %arg5[%add3A_280, %dma_start3A_286] : memref<16x128xi32, #tpu.memory_space<vmem>> -> memref<1x128xi32, #tpu.memory_space<vmem>>
        %dma_start3A_288 = tpu.memref_squeeze %dma_start3A_287 : memref<1x128xi32, #tpu.memory_space<vmem>> -> memref<128xi32, #tpu.memory_space<vmem>>
        %dma_start3A_289 = arith.constant 0 : i32
        %dma_start3A_290 = arith.constant 0 : i32
        %dma_start3A_291 = tpu.memref_slice %arg3[%dma_start3A_289, %dma_start3A_290] : memref<8192x128xf32, #tpu.memory_space<hbm>> -> memref<8192x128xf32, #tpu.memory_space<hbm>>
        tpu.enqueue_indirect_dma source(%dma_start3A_291 : memref<8192x128xf32, #tpu.memory_space<hbm>>) target(%dma_start3A_285 : memref<128x128xf32, #tpu.memory_space<vmem>>) offsets(%dma_start3A_288 : memref<128xi32, #tpu.memory_space<vmem>>) semaphore(%arg10 : memref<!tpu.dma_semaphore, #tpu.memory_space<semaphore_mem>>)
      } else {
      }
    }
    %scan3A_56 = arith.constant 4 : i32
    %dma_wait3A = arith.constant 0 : i32
    %dma_wait3A_57 = arith.constant 0 : i32
    %dma_wait3A_58 = arith.constant 0 : i32
    %dma_wait3A_59 = tpu.memref_slice %arg6[%dma_wait3A, %dma_wait3A_57, %dma_wait3A_58] : memref<4x128x128xf32, #tpu.memory_space<vmem>> -> memref<1x128x128xf32, #tpu.memory_space<vmem>>
    %dma_wait3A_60 = tpu.memref_squeeze %dma_wait3A_59 : memref<1x128x128xf32, #tpu.memory_space<vmem>> -> memref<128x128xf32, #tpu.memory_space<vmem>>
    %dma_wait3A_61 = arith.constant 0 : i32
    %dma_wait3A_62 = tpu.memref_slice %arg4[%mul3A_2, %dma_wait3A_61] : memref<65536x128xf32, #tpu.memory_space<hbm>> -> memref<128x128xf32, #tpu.memory_space<hbm>>
    %dma_wait3A_63 = arith.constant 0 : i32
    %dma_wait3A_64 = tpu.memref_slice %arg4[%mul3A_2, %dma_wait3A_63] : memref<65536x128xf32, #tpu.memory_space<hbm>> -> memref<128x128xf32, #tpu.memory_space<hbm>>
    %dma_wait3A_65 = arith.constant 0 : i32
    %dma_wait3A_66 = arith.constant 0 : i32
    %dma_wait3A_67 = tpu.memref_slice %arg6[%dma_wait3A, %dma_wait3A_65, %dma_wait3A_66] : memref<4x128x128xf32, #tpu.memory_space<vmem>> -> memref<1x128x128xf32, #tpu.memory_space<vmem>>
    %dma_wait3A_68 = tpu.memref_squeeze %dma_wait3A_67 : memref<1x128x128xf32, #tpu.memory_space<vmem>> -> memref<128x128xf32, #tpu.memory_space<vmem>>
    tpu.wait_dma2 semaphore(%arg11 : memref<!tpu.dma_semaphore, #tpu.memory_space<semaphore_mem>>) src(%dma_wait3A_68 : memref<128x128xf32, #tpu.memory_space<vmem>>) dst(%dma_wait3A_64 : memref<128x128xf32, #tpu.memory_space<hbm>>)
    %dma_wait3A_69 = arith.constant 1 : i32
    %dma_wait3A_70 = arith.constant 0 : i32
    %dma_wait3A_71 = arith.constant 0 : i32
    %dma_wait3A_72 = tpu.memref_slice %arg6[%dma_wait3A_69, %dma_wait3A_70, %dma_wait3A_71] : memref<4x128x128xf32, #tpu.memory_space<vmem>> -> memref<1x128x128xf32, #tpu.memory_space<vmem>>
    %dma_wait3A_73 = tpu.memref_squeeze %dma_wait3A_72 : memref<1x128x128xf32, #tpu.memory_space<vmem>> -> memref<128x128xf32, #tpu.memory_space<vmem>>
    %dma_wait3A_74 = arith.constant 0 : i32
    %dma_wait3A_75 = tpu.memref_slice %arg4[%mul3A_2, %dma_wait3A_74] : memref<65536x128xf32, #tpu.memory_space<hbm>> -> memref<128x128xf32, #tpu.memory_space<hbm>>
    %dma_wait3A_76 = arith.constant 0 : i32
    %dma_wait3A_77 = tpu.memref_slice %arg4[%mul3A_2, %dma_wait3A_76] : memref<65536x128xf32, #tpu.memory_space<hbm>> -> memref<128x128xf32, #tpu.memory_space<hbm>>
    %dma_wait3A_78 = arith.constant 0 : i32
    %dma_wait3A_79 = arith.constant 0 : i32
    %dma_wait3A_80 = tpu.memref_slice %arg6[%dma_wait3A_69, %dma_wait3A_78, %dma_wait3A_79] : memref<4x128x128xf32, #tpu.memory_space<vmem>> -> memref<1x128x128xf32, #tpu.memory_space<vmem>>
    %dma_wait3A_81 = tpu.memref_squeeze %dma_wait3A_80 : memref<1x128x128xf32, #tpu.memory_space<vmem>> -> memref<128x128xf32, #tpu.memory_space<vmem>>
    tpu.wait_dma2 semaphore(%arg12 : memref<!tpu.dma_semaphore, #tpu.memory_space<semaphore_mem>>) src(%dma_wait3A_81 : memref<128x128xf32, #tpu.memory_space<vmem>>) dst(%dma_wait3A_77 : memref<128x128xf32, #tpu.memory_space<hbm>>)
    %dma_wait3A_82 = arith.constant 2 : i32
    %dma_wait3A_83 = arith.constant 0 : i32
    %dma_wait3A_84 = arith.constant 0 : i32
    %dma_wait3A_85 = tpu.memref_slice %arg6[%dma_wait3A_82, %dma_wait3A_83, %dma_wait3A_84] : memref<4x128x128xf32, #tpu.memory_space<vmem>> -> memref<1x128x128xf32, #tpu.memory_space<vmem>>
    %dma_wait3A_86 = tpu.memref_squeeze %dma_wait3A_85 : memref<1x128x128xf32, #tpu.memory_space<vmem>> -> memref<128x128xf32, #tpu.memory_space<vmem>>
    %dma_wait3A_87 = arith.constant 0 : i32
    %dma_wait3A_88 = tpu.memref_slice %arg4[%mul3A_2, %dma_wait3A_87] : memref<65536x128xf32, #tpu.memory_space<hbm>> -> memref<128x128xf32, #tpu.memory_space<hbm>>
    %dma_wait3A_89 = arith.constant 0 : i32
    %dma_wait3A_90 = tpu.memref_slice %arg4[%mul3A_2, %dma_wait3A_89] : memref<65536x128xf32, #tpu.memory_space<hbm>> -> memref<128x128xf32, #tpu.memory_space<hbm>>
    %dma_wait3A_91 = arith.constant 0 : i32
    %dma_wait3A_92 = arith.constant 0 : i32
    %dma_wait3A_93 = tpu.memref_slice %arg6[%dma_wait3A_82, %dma_wait3A_91, %dma_wait3A_92] : memref<4x128x128xf32, #tpu.memory_space<vmem>> -> memref<1x128x128xf32, #tpu.memory_space<vmem>>
    %dma_wait3A_94 = tpu.memref_squeeze %dma_wait3A_93 : memref<1x128x128xf32, #tpu.memory_space<vmem>> -> memref<128x128xf32, #tpu.memory_space<vmem>>
    tpu.wait_dma2 semaphore(%arg13 : memref<!tpu.dma_semaphore, #tpu.memory_space<semaphore_mem>>) src(%dma_wait3A_94 : memref<128x128xf32, #tpu.memory_space<vmem>>) dst(%dma_wait3A_90 : memref<128x128xf32, #tpu.memory_space<hbm>>)
    %dma_wait3A_95 = arith.constant 3 : i32
    %dma_wait3A_96 = arith.constant 0 : i32
    %dma_wait3A_97 = arith.constant 0 : i32
    %dma_wait3A_98 = tpu.memref_slice %arg6[%dma_wait3A_95, %dma_wait3A_96, %dma_wait3A_97] : memref<4x128x128xf32, #tpu.memory_space<vmem>> -> memref<1x128x128xf32, #tpu.memory_space<vmem>>
    %dma_wait3A_99 = tpu.memref_squeeze %dma_wait3A_98 : memref<1x128x128xf32, #tpu.memory_space<vmem>> -> memref<128x128xf32, #tpu.memory_space<vmem>>
    %dma_wait3A_100 = arith.constant 0 : i32
    %dma_wait3A_101 = tpu.memref_slice %arg4[%mul3A_2, %dma_wait3A_100] : memref<65536x128xf32, #tpu.memory_space<hbm>> -> memref<128x128xf32, #tpu.memory_space<hbm>>
    %dma_wait3A_102 = arith.constant 0 : i32
    %dma_wait3A_103 = tpu.memref_slice %arg4[%mul3A_2, %dma_wait3A_102] : memref<65536x128xf32, #tpu.memory_space<hbm>> -> memref<128x128xf32, #tpu.memory_space<hbm>>
    %dma_wait3A_104 = arith.constant 0 : i32
    %dma_wait3A_105 = arith.constant 0 : i32
    %dma_wait3A_106 = tpu.memref_slice %arg6[%dma_wait3A_95, %dma_wait3A_104, %dma_wait3A_105] : memref<4x128x128xf32, #tpu.memory_space<vmem>> -> memref<1x128x128xf32, #tpu.memory_space<vmem>>
    %dma_wait3A_107 = tpu.memref_squeeze %dma_wait3A_106 : memref<1x128x128xf32, #tpu.memory_space<vmem>> -> memref<128x128xf32, #tpu.memory_space<vmem>>
    tpu.wait_dma2 semaphore(%arg14 : memref<!tpu.dma_semaphore, #tpu.memory_space<semaphore_mem>>) src(%dma_wait3A_107 : memref<128x128xf32, #tpu.memory_space<vmem>>) dst(%dma_wait3A_103 : memref<128x128xf32, #tpu.memory_space<hbm>>)
    return
  }
}

module attributes {stable_mosaic.version = 14 : i64} {
  func.func @_pair_body(%arg0: i32, %arg1: memref<1x128x2048xf32, #tpu.memory_space<vmem>>, %arg2: memref<1x128x512xf32, #tpu.memory_space<vmem>>, %arg3: memref<1x512x16xi32, #tpu.memory_space<vmem>>) attributes {dimension_semantics = [#tpu.dimension_semantics<arbitrary>], iteration_bounds = array<i64: 8>, scalar_prefetch = 0 : i64, scratch_operands = 0 : i64, tpu.core_type = #tpu.core_type<tc>, window_params = [{transform_indices = @transform_0, window_bounds = array<i64: 1, 128, 2048>}, {transform_indices = @transform_1, window_bounds = array<i64: 1, 128, 512>}, {transform_indices = @transform_2, window_bounds = array<i64: 1, 512, 16>}]} {
    %jit3A = arith.constant 4 : i32
    %eq3A = arith.constant 0 : i32
    %eq3A_0 = arith.cmpi eq, %jit3A, %eq3A : i32
    %jit3A_1 = arith.constant 1 : i32
    %select_n3A = arith.select %eq3A_0, %jit3A_1, %jit3A : i32
    %rem3A = arith.remsi %arg0, %select_n3A : i32
    %ne3A = arith.constant 0 : i32
    %ne3A_2 = arith.cmpi ne, %rem3A, %ne3A : i32
    %lt3A = arith.constant 0 : i32
    %lt3A_3 = arith.cmpi slt, %rem3A, %lt3A : i32
    %lt3A_4 = arith.constant 0 : i32
    %lt3A_5 = arith.cmpi slt, %select_n3A, %lt3A_4 : i32
    %ne3A_6 = arith.xori %lt3A_3, %lt3A_5 : i1
    %and3A = arith.andi %ne3A_6, %ne3A_2 : i1
    %add3A = arith.addi %rem3A, %select_n3A : i32
    %select_n3A_7 = arith.select %and3A, %add3A, %rem3A : i32
    %jit3A_8 = arith.constant 4 : i32
    %div3A = arith.divsi %arg0, %jit3A_8 : i32
    %sign3A = arith.constant 0 : i32
    %sign3A_9 = arith.cmpi sgt, %arg0, %sign3A : i32
    %sign3A_10 = arith.extui %sign3A_9 : i1 to i32
    %sign3A_11 = arith.constant 0 : i32
    %sign3A_12 = arith.cmpi slt, %arg0, %sign3A_11 : i32
    %sign3A_13 = arith.extui %sign3A_12 : i1 to i32
    %sign3A_14 = arith.subi %sign3A_10, %sign3A_13 : i32
    %sign3A_15 = arith.constant 0 : i32
    %sign3A_16 = arith.cmpi sgt, %jit3A_8, %sign3A_15 : i32
    %sign3A_17 = arith.extui %sign3A_16 : i1 to i32
    %sign3A_18 = arith.constant 0 : i32
    %sign3A_19 = arith.cmpi slt, %jit3A_8, %sign3A_18 : i32
    %sign3A_20 = arith.extui %sign3A_19 : i1 to i32
    %sign3A_21 = arith.subi %sign3A_17, %sign3A_20 : i32
    %ne3A_22 = arith.cmpi ne, %sign3A_14, %sign3A_21 : i32
    %rem3A_23 = arith.remsi %arg0, %jit3A_8 : i32
    %ne3A_24 = arith.constant 0 : i32
    %ne3A_25 = arith.cmpi ne, %rem3A_23, %ne3A_24 : i32
    %and3A_26 = arith.andi %ne3A_22, %ne3A_25 : i1
    %sub3A = arith.constant 1 : i32
    %sub3A_27 = arith.subi %div3A, %sub3A : i32
    %select_n3A_28 = arith.select %and3A_26, %sub3A_27, %div3A : i32
    %add3A_29 = arith.constant 0 : i32
    %add3A_30 = arith.addi %add3A_29, %select_n3A_28 : i32
    %mul3A = arith.constant 2048 : i32
    %mul3A_31 = arith.muli %add3A_30, %mul3A : i32
    %get3A = arith.constant 0 : index
    %get3A_32 = arith.constant 0 : index
    %get3A_33 = arith.constant 0 : index
    %get3A_34 = vector.load %arg1[%get3A, %get3A_32, %get3A_33] : memref<1x128x2048xf32, #tpu.memory_space<vmem>>, vector<1x128x2048xf32>
    %get3A_35 = vector.shape_cast %get3A_34 : vector<1x128x2048xf32> to vector<128x2048xf32>
    %get3A_36 = arith.constant 0 : index
    %get3A_37 = arith.constant 0 : index
    %get3A_38 = arith.constant 0 : index
    %get3A_39 = vector.load %arg2[%get3A_36, %get3A_37, %get3A_38] : memref<1x128x512xf32, #tpu.memory_space<vmem>>, vector<1x128x512xf32>
    %get3A_40 = vector.shape_cast %get3A_39 : vector<1x128x512xf32> to vector<128x512xf32>
    %mul3A_41 = arith.mulf %get3A_35, %get3A_35 : vector<128x2048xf32>
    %reduce_sum3A = arith.constant dense<0.000000e+00> : vector<2048xf32>
    %reduce_sum3A_42 = vector.multi_reduction <add>, %mul3A_41, %reduce_sum3A [0] : vector<128x2048xf32> to vector<2048xf32>
    %broadcast_in_dim3A = vector.shape_cast %reduce_sum3A_42 : vector<2048xf32> to vector<1x2048xf32>
    %dot_general3A = arith.constant dense<0.000000e+00> : vector<512x2048xf32>
    %dot_general3A_43 = tpu.matmul %get3A_40, %get3A_35, %dot_general3A {dimension_numbers = #tpu.dot_dimension_numbers<[0], [0], [1], [1], [0, 1, 1, 1], [], []>, transpose_lhs_hint = false} : vector<128x512xf32>, vector<128x2048xf32>, vector<512x2048xf32> -> vector<512x2048xf32>
    %mul3A_44 = arith.constant -2.000000e+00 : f32
    %mul3A_45 = vector.broadcast %mul3A_44 : f32 to vector<512x2048xf32>
    %mul3A_46 = arith.mulf %mul3A_45, %dot_general3A_43 : vector<512x2048xf32>
    %iota3A = tpu.iota {dimensions = array<i32: 0>} : vector<512x512xi32>
    %iota3A_47 = tpu.iota {dimensions = array<i32: 1>} : vector<512x512xi32>
    %mul3A_48 = arith.mulf %get3A_40, %get3A_40 : vector<128x512xf32>
    %reduce_sum3A_49 = arith.constant dense<0.000000e+00> : vector<512xf32>
    %reduce_sum3A_50 = vector.multi_reduction <add>, %mul3A_48, %reduce_sum3A_49 [0] : vector<128x512xf32> to vector<512xf32>
    %broadcast_in_dim3A_51 = vector.shape_cast %reduce_sum3A_50 : vector<512xf32> to vector<1x512xf32>
    %eq3A_52 = arith.cmpi eq, %iota3A, %iota3A_47 : vector<512x512xi32>
    %jit3A_53 = arith.constant 0.000000e+00 : f32
    %broadcast_in_dim3A_54 = vector.shape_cast %broadcast_in_dim3A_51 : vector<1x512xf32> to vector<1x512xf32>
    %broadcast_in_dim3A_55 = vector.broadcast %broadcast_in_dim3A_54 : vector<1x512xf32> to vector<512x512xf32>
    %broadcast_in_dim3A_56 = vector.broadcast %jit3A_53 : f32 to vector<512x512xf32>
    %select_n3A_57 = arith.select %eq3A_52, %broadcast_in_dim3A_55, %broadcast_in_dim3A_56 : vector<512x512xi1>, vector<512x512xf32>
    %reduce_sum3A_58 = arith.constant dense<0.000000e+00> : vector<512xf32>
    %reduce_sum3A_59 = vector.multi_reduction <add>, %select_n3A_57, %reduce_sum3A_58 [1] : vector<512x512xf32> to vector<512xf32>
    %broadcast_in_dim3A_60 = vector.shape_cast %reduce_sum3A_59 : vector<512xf32> to vector<512x1xf32>
    %neg3A = arith.constant 0.000000e+00 : f32
    %neg3A_61 = vector.broadcast %neg3A : f32 to vector<512x1xf32>
    %neg3A_62 = arith.subf %neg3A_61, %broadcast_in_dim3A_60 : vector<512x1xf32>
    %sub3A_63 = vector.broadcast %neg3A_62 : vector<512x1xf32> to vector<512x2048xf32>
    %sub3A_64 = arith.subf %sub3A_63, %mul3A_46 : vector<512x2048xf32>
    %sub3A_65 = vector.broadcast %broadcast_in_dim3A : vector<1x2048xf32> to vector<512x2048xf32>
    %sub3A_66 = arith.subf %sub3A_64, %sub3A_65 : vector<512x2048xf32>
    %iota3A_67 = tpu.iota {dimensions = array<i32: 1>} : vector<512x2048xi32>
    %convert_element_type3A = arith.sitofp %iota3A_67 : vector<512x2048xi32> to vector<512x2048xf32>
    %neg3A_68 = arith.constant 0.000000e+00 : f32
    %neg3A_69 = vector.broadcast %neg3A_68 : f32 to vector<512x2048xf32>
    %neg3A_70 = arith.subf %neg3A_69, %convert_element_type3A : vector<512x2048xf32>
    %iota3A_71 = tpu.iota {dimensions = array<i32: 0>} : vector<512x1xi32>
    %mul3A_72 = arith.constant 512 : i32
    %mul3A_73 = arith.muli %select_n3A_7, %mul3A_72 : i32
    %add3A_74 = vector.broadcast %mul3A_73 : i32 to vector<512x1xi32>
    %add3A_75 = arith.addi %iota3A_71, %add3A_74 : vector<512x1xi32>
    %convert_element_type3A_76 = arith.sitofp %add3A_75 : vector<512x1xi32> to vector<512x1xf32>
    %neg3A_77 = arith.constant 0.000000e+00 : f32
    %neg3A_78 = vector.broadcast %neg3A_77 : f32 to vector<512x1xf32>
    %neg3A_79 = arith.subf %neg3A_78, %convert_element_type3A_76 : vector<512x1xf32>
    %eq3A_80 = vector.broadcast %neg3A_79 : vector<512x1xf32> to vector<512x2048xf32>
    %eq3A_81 = arith.cmpf oeq, %neg3A_70, %eq3A_80 : vector<512x2048xf32>
    %jit3A_82 = arith.constant -3.000000e+38 : f32
    %broadcast_in_dim3A_83 = vector.broadcast %jit3A_82 : f32 to vector<512x2048xf32>
    %select_n3A_84 = arith.select %eq3A_81, %broadcast_in_dim3A_83, %sub3A_66 : vector<512x2048xi1>, vector<512x2048xf32>
    %reduce_max3A = arith.constant dense<0xFF800000> : vector<512xf32>
    %reduce_max3A_85 = vector.multi_reduction <maximumf>, %select_n3A_84, %reduce_max3A [1] : vector<512x2048xf32> to vector<512xf32>
    %broadcast_in_dim3A_86 = vector.shape_cast %reduce_max3A_85 : vector<512xf32> to vector<512x1xf32>
    %eq3A_87 = vector.broadcast %broadcast_in_dim3A_86 : vector<512x1xf32> to vector<512x2048xf32>
    %eq3A_88 = arith.cmpf oeq, %select_n3A_84, %eq3A_87 : vector<512x2048xf32>
    %jit3A_89 = arith.constant -2.048000e+03 : f32
    %broadcast_in_dim3A_90 = vector.broadcast %jit3A_89 : f32 to vector<512x2048xf32>
    %select_n3A_91 = arith.select %eq3A_88, %neg3A_70, %broadcast_in_dim3A_90 : vector<512x2048xi1>, vector<512x2048xf32>
    %reduce_max3A_92 = arith.constant dense<0xFF800000> : vector<512xf32>
    %reduce_max3A_93 = vector.multi_reduction <maximumf>, %select_n3A_91, %reduce_max3A_92 [1] : vector<512x2048xf32> to vector<512xf32>
    %broadcast_in_dim3A_94 = vector.shape_cast %reduce_max3A_93 : vector<512xf32> to vector<512x1xf32>
    %eq3A_95 = vector.broadcast %broadcast_in_dim3A_94 : vector<512x1xf32> to vector<512x2048xf32>
    %eq3A_96 = arith.cmpf oeq, %neg3A_70, %eq3A_95 : vector<512x2048xf32>
    %jit3A_97 = arith.constant -3.000000e+38 : f32
    %broadcast_in_dim3A_98 = vector.broadcast %jit3A_97 : f32 to vector<512x2048xf32>
    %select_n3A_99 = arith.select %eq3A_96, %broadcast_in_dim3A_98, %select_n3A_84 : vector<512x2048xi1>, vector<512x2048xf32>
    %reduce_max3A_100 = arith.constant dense<0xFF800000> : vector<512xf32>
    %reduce_max3A_101 = vector.multi_reduction <maximumf>, %select_n3A_99, %reduce_max3A_100 [1] : vector<512x2048xf32> to vector<512xf32>
    %broadcast_in_dim3A_102 = vector.shape_cast %reduce_max3A_101 : vector<512xf32> to vector<512x1xf32>
    %eq3A_103 = vector.broadcast %broadcast_in_dim3A_102 : vector<512x1xf32> to vector<512x2048xf32>
    %eq3A_104 = arith.cmpf oeq, %select_n3A_99, %eq3A_103 : vector<512x2048xf32>
    %jit3A_105 = arith.constant -2.048000e+03 : f32
    %broadcast_in_dim3A_106 = vector.broadcast %jit3A_105 : f32 to vector<512x2048xf32>
    %select_n3A_107 = arith.select %eq3A_104, %neg3A_70, %broadcast_in_dim3A_106 : vector<512x2048xi1>, vector<512x2048xf32>
    %reduce_max3A_108 = arith.constant dense<0xFF800000> : vector<512xf32>
    %reduce_max3A_109 = vector.multi_reduction <maximumf>, %select_n3A_107, %reduce_max3A_108 [1] : vector<512x2048xf32> to vector<512xf32>
    %broadcast_in_dim3A_110 = vector.shape_cast %reduce_max3A_109 : vector<512xf32> to vector<512x1xf32>
    %eq3A_111 = vector.broadcast %broadcast_in_dim3A_110 : vector<512x1xf32> to vector<512x2048xf32>
    %eq3A_112 = arith.cmpf oeq, %neg3A_70, %eq3A_111 : vector<512x2048xf32>
    %jit3A_113 = arith.constant -3.000000e+38 : f32
    %broadcast_in_dim3A_114 = vector.broadcast %jit3A_113 : f32 to vector<512x2048xf32>
    %select_n3A_115 = arith.select %eq3A_112, %broadcast_in_dim3A_114, %select_n3A_99 : vector<512x2048xi1>, vector<512x2048xf32>
    %reduce_max3A_116 = arith.constant dense<0xFF800000> : vector<512xf32>
    %reduce_max3A_117 = vector.multi_reduction <maximumf>, %select_n3A_115, %reduce_max3A_116 [1] : vector<512x2048xf32> to vector<512xf32>
    %broadcast_in_dim3A_118 = vector.shape_cast %reduce_max3A_117 : vector<512xf32> to vector<512x1xf32>
    %eq3A_119 = vector.broadcast %broadcast_in_dim3A_118 : vector<512x1xf32> to vector<512x2048xf32>
    %eq3A_120 = arith.cmpf oeq, %select_n3A_115, %eq3A_119 : vector<512x2048xf32>
    %jit3A_121 = arith.constant -2.048000e+03 : f32
    %broadcast_in_dim3A_122 = vector.broadcast %jit3A_121 : f32 to vector<512x2048xf32>
    %select_n3A_123 = arith.select %eq3A_120, %neg3A_70, %broadcast_in_dim3A_122 : vector<512x2048xi1>, vector<512x2048xf32>
    %reduce_max3A_124 = arith.constant dense<0xFF800000> : vector<512xf32>
    %reduce_max3A_125 = vector.multi_reduction <maximumf>, %select_n3A_123, %reduce_max3A_124 [1] : vector<512x2048xf32> to vector<512xf32>
    %broadcast_in_dim3A_126 = vector.shape_cast %reduce_max3A_125 : vector<512xf32> to vector<512x1xf32>
    %eq3A_127 = vector.broadcast %broadcast_in_dim3A_126 : vector<512x1xf32> to vector<512x2048xf32>
    %eq3A_128 = arith.cmpf oeq, %neg3A_70, %eq3A_127 : vector<512x2048xf32>
    %jit3A_129 = arith.constant -3.000000e+38 : f32
    %broadcast_in_dim3A_130 = vector.broadcast %jit3A_129 : f32 to vector<512x2048xf32>
    %select_n3A_131 = arith.select %eq3A_128, %broadcast_in_dim3A_130, %select_n3A_115 : vector<512x2048xi1>, vector<512x2048xf32>
    %reduce_max3A_132 = arith.constant dense<0xFF800000> : vector<512xf32>
    %reduce_max3A_133 = vector.multi_reduction <maximumf>, %select_n3A_131, %reduce_max3A_132 [1] : vector<512x2048xf32> to vector<512xf32>
    %broadcast_in_dim3A_134 = vector.shape_cast %reduce_max3A_133 : vector<512xf32> to vector<512x1xf32>
    %eq3A_135 = vector.broadcast %broadcast_in_dim3A_134 : vector<512x1xf32> to vector<512x2048xf32>
    %eq3A_136 = arith.cmpf oeq, %select_n3A_131, %eq3A_135 : vector<512x2048xf32>
    %jit3A_137 = arith.constant -2.048000e+03 : f32
    %broadcast_in_dim3A_138 = vector.broadcast %jit3A_137 : f32 to vector<512x2048xf32>
    %select_n3A_139 = arith.select %eq3A_136, %neg3A_70, %broadcast_in_dim3A_138 : vector<512x2048xi1>, vector<512x2048xf32>
    %reduce_max3A_140 = arith.constant dense<0xFF800000> : vector<512xf32>
    %reduce_max3A_141 = vector.multi_reduction <maximumf>, %select_n3A_139, %reduce_max3A_140 [1] : vector<512x2048xf32> to vector<512xf32>
    %broadcast_in_dim3A_142 = vector.shape_cast %reduce_max3A_141 : vector<512xf32> to vector<512x1xf32>
    %eq3A_143 = vector.broadcast %broadcast_in_dim3A_142 : vector<512x1xf32> to vector<512x2048xf32>
    %eq3A_144 = arith.cmpf oeq, %neg3A_70, %eq3A_143 : vector<512x2048xf32>
    %jit3A_145 = arith.constant -3.000000e+38 : f32
    %broadcast_in_dim3A_146 = vector.broadcast %jit3A_145 : f32 to vector<512x2048xf32>
    %select_n3A_147 = arith.select %eq3A_144, %broadcast_in_dim3A_146, %select_n3A_131 : vector<512x2048xi1>, vector<512x2048xf32>
    %reduce_max3A_148 = arith.constant dense<0xFF800000> : vector<512xf32>
    %reduce_max3A_149 = vector.multi_reduction <maximumf>, %select_n3A_147, %reduce_max3A_148 [1] : vector<512x2048xf32> to vector<512xf32>
    %broadcast_in_dim3A_150 = vector.shape_cast %reduce_max3A_149 : vector<512xf32> to vector<512x1xf32>
    %eq3A_151 = vector.broadcast %broadcast_in_dim3A_150 : vector<512x1xf32> to vector<512x2048xf32>
    %eq3A_152 = arith.cmpf oeq, %select_n3A_147, %eq3A_151 : vector<512x2048xf32>
    %jit3A_153 = arith.constant -2.048000e+03 : f32
    %broadcast_in_dim3A_154 = vector.broadcast %jit3A_153 : f32 to vector<512x2048xf32>
    %select_n3A_155 = arith.select %eq3A_152, %neg3A_70, %broadcast_in_dim3A_154 : vector<512x2048xi1>, vector<512x2048xf32>
    %reduce_max3A_156 = arith.constant dense<0xFF800000> : vector<512xf32>
    %reduce_max3A_157 = vector.multi_reduction <maximumf>, %select_n3A_155, %reduce_max3A_156 [1] : vector<512x2048xf32> to vector<512xf32>
    %broadcast_in_dim3A_158 = vector.shape_cast %reduce_max3A_157 : vector<512xf32> to vector<512x1xf32>
    %eq3A_159 = vector.broadcast %broadcast_in_dim3A_158 : vector<512x1xf32> to vector<512x2048xf32>
    %eq3A_160 = arith.cmpf oeq, %neg3A_70, %eq3A_159 : vector<512x2048xf32>
    %jit3A_161 = arith.constant -3.000000e+38 : f32
    %broadcast_in_dim3A_162 = vector.broadcast %jit3A_161 : f32 to vector<512x2048xf32>
    %select_n3A_163 = arith.select %eq3A_160, %broadcast_in_dim3A_162, %select_n3A_147 : vector<512x2048xi1>, vector<512x2048xf32>
    %reduce_max3A_164 = arith.constant dense<0xFF800000> : vector<512xf32>
    %reduce_max3A_165 = vector.multi_reduction <maximumf>, %select_n3A_163, %reduce_max3A_164 [1] : vector<512x2048xf32> to vector<512xf32>
    %broadcast_in_dim3A_166 = vector.shape_cast %reduce_max3A_165 : vector<512xf32> to vector<512x1xf32>
    %eq3A_167 = vector.broadcast %broadcast_in_dim3A_166 : vector<512x1xf32> to vector<512x2048xf32>
    %eq3A_168 = arith.cmpf oeq, %select_n3A_163, %eq3A_167 : vector<512x2048xf32>
    %jit3A_169 = arith.constant -2.048000e+03 : f32
    %broadcast_in_dim3A_170 = vector.broadcast %jit3A_169 : f32 to vector<512x2048xf32>
    %select_n3A_171 = arith.select %eq3A_168, %neg3A_70, %broadcast_in_dim3A_170 : vector<512x2048xi1>, vector<512x2048xf32>
    %reduce_max3A_172 = arith.constant dense<0xFF800000> : vector<512xf32>
    %reduce_max3A_173 = vector.multi_reduction <maximumf>, %select_n3A_171, %reduce_max3A_172 [1] : vector<512x2048xf32> to vector<512xf32>
    %broadcast_in_dim3A_174 = vector.shape_cast %reduce_max3A_173 : vector<512xf32> to vector<512x1xf32>
    %eq3A_175 = vector.broadcast %broadcast_in_dim3A_174 : vector<512x1xf32> to vector<512x2048xf32>
    %eq3A_176 = arith.cmpf oeq, %neg3A_70, %eq3A_175 : vector<512x2048xf32>
    %jit3A_177 = arith.constant -3.000000e+38 : f32
    %broadcast_in_dim3A_178 = vector.broadcast %jit3A_177 : f32 to vector<512x2048xf32>
    %select_n3A_179 = arith.select %eq3A_176, %broadcast_in_dim3A_178, %select_n3A_163 : vector<512x2048xi1>, vector<512x2048xf32>
    %reduce_max3A_180 = arith.constant dense<0xFF800000> : vector<512xf32>
    %reduce_max3A_181 = vector.multi_reduction <maximumf>, %select_n3A_179, %reduce_max3A_180 [1] : vector<512x2048xf32> to vector<512xf32>
    %broadcast_in_dim3A_182 = vector.shape_cast %reduce_max3A_181 : vector<512xf32> to vector<512x1xf32>
    %eq3A_183 = vector.broadcast %broadcast_in_dim3A_182 : vector<512x1xf32> to vector<512x2048xf32>
    %eq3A_184 = arith.cmpf oeq, %select_n3A_179, %eq3A_183 : vector<512x2048xf32>
    %jit3A_185 = arith.constant -2.048000e+03 : f32
    %broadcast_in_dim3A_186 = vector.broadcast %jit3A_185 : f32 to vector<512x2048xf32>
    %select_n3A_187 = arith.select %eq3A_184, %neg3A_70, %broadcast_in_dim3A_186 : vector<512x2048xi1>, vector<512x2048xf32>
    %reduce_max3A_188 = arith.constant dense<0xFF800000> : vector<512xf32>
    %reduce_max3A_189 = vector.multi_reduction <maximumf>, %select_n3A_187, %reduce_max3A_188 [1] : vector<512x2048xf32> to vector<512xf32>
    %broadcast_in_dim3A_190 = vector.shape_cast %reduce_max3A_189 : vector<512xf32> to vector<512x1xf32>
    %eq3A_191 = vector.broadcast %broadcast_in_dim3A_190 : vector<512x1xf32> to vector<512x2048xf32>
    %eq3A_192 = arith.cmpf oeq, %neg3A_70, %eq3A_191 : vector<512x2048xf32>
    %jit3A_193 = arith.constant -3.000000e+38 : f32
    %broadcast_in_dim3A_194 = vector.broadcast %jit3A_193 : f32 to vector<512x2048xf32>
    %select_n3A_195 = arith.select %eq3A_192, %broadcast_in_dim3A_194, %select_n3A_179 : vector<512x2048xi1>, vector<512x2048xf32>
    %reduce_max3A_196 = arith.constant dense<0xFF800000> : vector<512xf32>
    %reduce_max3A_197 = vector.multi_reduction <maximumf>, %select_n3A_195, %reduce_max3A_196 [1] : vector<512x2048xf32> to vector<512xf32>
    %broadcast_in_dim3A_198 = vector.shape_cast %reduce_max3A_197 : vector<512xf32> to vector<512x1xf32>
    %eq3A_199 = vector.broadcast %broadcast_in_dim3A_198 : vector<512x1xf32> to vector<512x2048xf32>
    %eq3A_200 = arith.cmpf oeq, %select_n3A_195, %eq3A_199 : vector<512x2048xf32>
    %jit3A_201 = arith.constant -2.048000e+03 : f32
    %broadcast_in_dim3A_202 = vector.broadcast %jit3A_201 : f32 to vector<512x2048xf32>
    %select_n3A_203 = arith.select %eq3A_200, %neg3A_70, %broadcast_in_dim3A_202 : vector<512x2048xi1>, vector<512x2048xf32>
    %reduce_max3A_204 = arith.constant dense<0xFF800000> : vector<512xf32>
    %reduce_max3A_205 = vector.multi_reduction <maximumf>, %select_n3A_203, %reduce_max3A_204 [1] : vector<512x2048xf32> to vector<512xf32>
    %broadcast_in_dim3A_206 = vector.shape_cast %reduce_max3A_205 : vector<512xf32> to vector<512x1xf32>
    %eq3A_207 = vector.broadcast %broadcast_in_dim3A_206 : vector<512x1xf32> to vector<512x2048xf32>
    %eq3A_208 = arith.cmpf oeq, %neg3A_70, %eq3A_207 : vector<512x2048xf32>
    %jit3A_209 = arith.constant -3.000000e+38 : f32
    %broadcast_in_dim3A_210 = vector.broadcast %jit3A_209 : f32 to vector<512x2048xf32>
    %select_n3A_211 = arith.select %eq3A_208, %broadcast_in_dim3A_210, %select_n3A_195 : vector<512x2048xi1>, vector<512x2048xf32>
    %reduce_max3A_212 = arith.constant dense<0xFF800000> : vector<512xf32>
    %reduce_max3A_213 = vector.multi_reduction <maximumf>, %select_n3A_211, %reduce_max3A_212 [1] : vector<512x2048xf32> to vector<512xf32>
    %broadcast_in_dim3A_214 = vector.shape_cast %reduce_max3A_213 : vector<512xf32> to vector<512x1xf32>
    %eq3A_215 = vector.broadcast %broadcast_in_dim3A_214 : vector<512x1xf32> to vector<512x2048xf32>
    %eq3A_216 = arith.cmpf oeq, %select_n3A_211, %eq3A_215 : vector<512x2048xf32>
    %jit3A_217 = arith.constant -2.048000e+03 : f32
    %broadcast_in_dim3A_218 = vector.broadcast %jit3A_217 : f32 to vector<512x2048xf32>
    %select_n3A_219 = arith.select %eq3A_216, %neg3A_70, %broadcast_in_dim3A_218 : vector<512x2048xi1>, vector<512x2048xf32>
    %reduce_max3A_220 = arith.constant dense<0xFF800000> : vector<512xf32>
    %reduce_max3A_221 = vector.multi_reduction <maximumf>, %select_n3A_219, %reduce_max3A_220 [1] : vector<512x2048xf32> to vector<512xf32>
    %broadcast_in_dim3A_222 = vector.shape_cast %reduce_max3A_221 : vector<512xf32> to vector<512x1xf32>
    %eq3A_223 = vector.broadcast %broadcast_in_dim3A_222 : vector<512x1xf32> to vector<512x2048xf32>
    %eq3A_224 = arith.cmpf oeq, %neg3A_70, %eq3A_223 : vector<512x2048xf32>
    %jit3A_225 = arith.constant -3.000000e+38 : f32
    %broadcast_in_dim3A_226 = vector.broadcast %jit3A_225 : f32 to vector<512x2048xf32>
    %select_n3A_227 = arith.select %eq3A_224, %broadcast_in_dim3A_226, %select_n3A_211 : vector<512x2048xi1>, vector<512x2048xf32>
    %reduce_max3A_228 = arith.constant dense<0xFF800000> : vector<512xf32>
    %reduce_max3A_229 = vector.multi_reduction <maximumf>, %select_n3A_227, %reduce_max3A_228 [1] : vector<512x2048xf32> to vector<512xf32>
    %broadcast_in_dim3A_230 = vector.shape_cast %reduce_max3A_229 : vector<512xf32> to vector<512x1xf32>
    %eq3A_231 = vector.broadcast %broadcast_in_dim3A_230 : vector<512x1xf32> to vector<512x2048xf32>
    %eq3A_232 = arith.cmpf oeq, %select_n3A_227, %eq3A_231 : vector<512x2048xf32>
    %jit3A_233 = arith.constant -2.048000e+03 : f32
    %broadcast_in_dim3A_234 = vector.broadcast %jit3A_233 : f32 to vector<512x2048xf32>
    %select_n3A_235 = arith.select %eq3A_232, %neg3A_70, %broadcast_in_dim3A_234 : vector<512x2048xi1>, vector<512x2048xf32>
    %reduce_max3A_236 = arith.constant dense<0xFF800000> : vector<512xf32>
    %reduce_max3A_237 = vector.multi_reduction <maximumf>, %select_n3A_235, %reduce_max3A_236 [1] : vector<512x2048xf32> to vector<512xf32>
    %broadcast_in_dim3A_238 = vector.shape_cast %reduce_max3A_237 : vector<512xf32> to vector<512x1xf32>
    %eq3A_239 = vector.broadcast %broadcast_in_dim3A_238 : vector<512x1xf32> to vector<512x2048xf32>
    %eq3A_240 = arith.cmpf oeq, %neg3A_70, %eq3A_239 : vector<512x2048xf32>
    %jit3A_241 = arith.constant -3.000000e+38 : f32
    %broadcast_in_dim3A_242 = vector.broadcast %jit3A_241 : f32 to vector<512x2048xf32>
    %select_n3A_243 = arith.select %eq3A_240, %broadcast_in_dim3A_242, %select_n3A_227 : vector<512x2048xi1>, vector<512x2048xf32>
    %reduce_max3A_244 = arith.constant dense<0xFF800000> : vector<512xf32>
    %reduce_max3A_245 = vector.multi_reduction <maximumf>, %select_n3A_243, %reduce_max3A_244 [1] : vector<512x2048xf32> to vector<512xf32>
    %broadcast_in_dim3A_246 = vector.shape_cast %reduce_max3A_245 : vector<512xf32> to vector<512x1xf32>
    %eq3A_247 = vector.broadcast %broadcast_in_dim3A_246 : vector<512x1xf32> to vector<512x2048xf32>
    %eq3A_248 = arith.cmpf oeq, %select_n3A_243, %eq3A_247 : vector<512x2048xf32>
    %jit3A_249 = arith.constant -2.048000e+03 : f32
    %broadcast_in_dim3A_250 = vector.broadcast %jit3A_249 : f32 to vector<512x2048xf32>
    %select_n3A_251 = arith.select %eq3A_248, %neg3A_70, %broadcast_in_dim3A_250 : vector<512x2048xi1>, vector<512x2048xf32>
    %reduce_max3A_252 = arith.constant dense<0xFF800000> : vector<512xf32>
    %reduce_max3A_253 = vector.multi_reduction <maximumf>, %select_n3A_251, %reduce_max3A_252 [1] : vector<512x2048xf32> to vector<512xf32>
    %broadcast_in_dim3A_254 = vector.shape_cast %reduce_max3A_253 : vector<512xf32> to vector<512x1xf32>
    %eq3A_255 = vector.broadcast %broadcast_in_dim3A_254 : vector<512x1xf32> to vector<512x2048xf32>
    %eq3A_256 = arith.cmpf oeq, %neg3A_70, %eq3A_255 : vector<512x2048xf32>
    %jit3A_257 = arith.constant -3.000000e+38 : f32
    %broadcast_in_dim3A_258 = vector.broadcast %jit3A_257 : f32 to vector<512x2048xf32>
    %select_n3A_259 = arith.select %eq3A_256, %broadcast_in_dim3A_258, %select_n3A_243 : vector<512x2048xi1>, vector<512x2048xf32>
    %reduce_max3A_260 = arith.constant dense<0xFF800000> : vector<512xf32>
    %reduce_max3A_261 = vector.multi_reduction <maximumf>, %select_n3A_259, %reduce_max3A_260 [1] : vector<512x2048xf32> to vector<512xf32>
    %broadcast_in_dim3A_262 = vector.shape_cast %reduce_max3A_261 : vector<512xf32> to vector<512x1xf32>
    %eq3A_263 = vector.broadcast %broadcast_in_dim3A_262 : vector<512x1xf32> to vector<512x2048xf32>
    %eq3A_264 = arith.cmpf oeq, %select_n3A_259, %eq3A_263 : vector<512x2048xf32>
    %jit3A_265 = arith.constant -2.048000e+03 : f32
    %broadcast_in_dim3A_266 = vector.broadcast %jit3A_265 : f32 to vector<512x2048xf32>
    %select_n3A_267 = arith.select %eq3A_264, %neg3A_70, %broadcast_in_dim3A_266 : vector<512x2048xi1>, vector<512x2048xf32>
    %reduce_max3A_268 = arith.constant dense<0xFF800000> : vector<512xf32>
    %reduce_max3A_269 = vector.multi_reduction <maximumf>, %select_n3A_267, %reduce_max3A_268 [1] : vector<512x2048xf32> to vector<512xf32>
    %broadcast_in_dim3A_270 = vector.shape_cast %reduce_max3A_269 : vector<512xf32> to vector<512x1xf32>
    %eq3A_271 = vector.broadcast %broadcast_in_dim3A_270 : vector<512x1xf32> to vector<512x2048xf32>
    %eq3A_272 = arith.cmpf oeq, %neg3A_70, %eq3A_271 : vector<512x2048xf32>
    %jit3A_273 = arith.constant -3.000000e+38 : f32
    %broadcast_in_dim3A_274 = vector.broadcast %jit3A_273 : f32 to vector<512x2048xf32>
    %select_n3A_275 = arith.select %eq3A_272, %broadcast_in_dim3A_274, %select_n3A_259 : vector<512x2048xi1>, vector<512x2048xf32>
    %reduce_max3A_276 = arith.constant dense<0xFF800000> : vector<512xf32>
    %reduce_max3A_277 = vector.multi_reduction <maximumf>, %select_n3A_275, %reduce_max3A_276 [1] : vector<512x2048xf32> to vector<512xf32>
    %broadcast_in_dim3A_278 = vector.shape_cast %reduce_max3A_277 : vector<512xf32> to vector<512x1xf32>
    %eq3A_279 = vector.broadcast %broadcast_in_dim3A_278 : vector<512x1xf32> to vector<512x2048xf32>
    %eq3A_280 = arith.cmpf oeq, %select_n3A_275, %eq3A_279 : vector<512x2048xf32>
    %jit3A_281 = arith.constant -2.048000e+03 : f32
    %broadcast_in_dim3A_282 = vector.broadcast %jit3A_281 : f32 to vector<512x2048xf32>
    %select_n3A_283 = arith.select %eq3A_280, %neg3A_70, %broadcast_in_dim3A_282 : vector<512x2048xi1>, vector<512x2048xf32>
    %reduce_max3A_284 = arith.constant dense<0xFF800000> : vector<512xf32>
    %reduce_max3A_285 = vector.multi_reduction <maximumf>, %select_n3A_283, %reduce_max3A_284 [1] : vector<512x2048xf32> to vector<512xf32>
    %broadcast_in_dim3A_286 = vector.shape_cast %reduce_max3A_285 : vector<512xf32> to vector<512x1xf32>
    %eq3A_287 = vector.broadcast %broadcast_in_dim3A_286 : vector<512x1xf32> to vector<512x2048xf32>
    %eq3A_288 = arith.cmpf oeq, %neg3A_70, %eq3A_287 : vector<512x2048xf32>
    %jit3A_289 = arith.constant -3.000000e+38 : f32
    %broadcast_in_dim3A_290 = vector.broadcast %jit3A_289 : f32 to vector<512x2048xf32>
    %select_n3A_291 = arith.select %eq3A_288, %broadcast_in_dim3A_290, %select_n3A_275 : vector<512x2048xi1>, vector<512x2048xf32>
    %reduce_max3A_292 = arith.constant dense<0xFF800000> : vector<512xf32>
    %reduce_max3A_293 = vector.multi_reduction <maximumf>, %select_n3A_291, %reduce_max3A_292 [1] : vector<512x2048xf32> to vector<512xf32>
    %broadcast_in_dim3A_294 = vector.shape_cast %reduce_max3A_293 : vector<512xf32> to vector<512x1xf32>
    %eq3A_295 = vector.broadcast %broadcast_in_dim3A_294 : vector<512x1xf32> to vector<512x2048xf32>
    %eq3A_296 = arith.cmpf oeq, %select_n3A_291, %eq3A_295 : vector<512x2048xf32>
    %jit3A_297 = arith.constant -2.048000e+03 : f32
    %broadcast_in_dim3A_298 = vector.broadcast %jit3A_297 : f32 to vector<512x2048xf32>
    %select_n3A_299 = arith.select %eq3A_296, %neg3A_70, %broadcast_in_dim3A_298 : vector<512x2048xi1>, vector<512x2048xf32>
    %reduce_max3A_300 = arith.constant dense<0xFF800000> : vector<512xf32>
    %reduce_max3A_301 = vector.multi_reduction <maximumf>, %select_n3A_299, %reduce_max3A_300 [1] : vector<512x2048xf32> to vector<512xf32>
    %broadcast_in_dim3A_302 = vector.shape_cast %reduce_max3A_301 : vector<512xf32> to vector<512x1xf32>
    %eq3A_303 = vector.broadcast %broadcast_in_dim3A_302 : vector<512x1xf32> to vector<512x2048xf32>
    %eq3A_304 = arith.cmpf oeq, %neg3A_70, %eq3A_303 : vector<512x2048xf32>
    %jit3A_305 = arith.constant -3.000000e+38 : f32
    %broadcast_in_dim3A_306 = vector.broadcast %jit3A_305 : f32 to vector<512x2048xf32>
    %select_n3A_307 = arith.select %eq3A_304, %broadcast_in_dim3A_306, %select_n3A_291 : vector<512x2048xi1>, vector<512x2048xf32>
    %reduce_max3A_308 = arith.constant dense<0xFF800000> : vector<512xf32>
    %reduce_max3A_309 = vector.multi_reduction <maximumf>, %select_n3A_307, %reduce_max3A_308 [1] : vector<512x2048xf32> to vector<512xf32>
    %broadcast_in_dim3A_310 = vector.shape_cast %reduce_max3A_309 : vector<512xf32> to vector<512x1xf32>
    %eq3A_311 = vector.broadcast %broadcast_in_dim3A_310 : vector<512x1xf32> to vector<512x2048xf32>
    %eq3A_312 = arith.cmpf oeq, %select_n3A_307, %eq3A_311 : vector<512x2048xf32>
    %jit3A_313 = arith.constant -2.048000e+03 : f32
    %broadcast_in_dim3A_314 = vector.broadcast %jit3A_313 : f32 to vector<512x2048xf32>
    %select_n3A_315 = arith.select %eq3A_312, %neg3A_70, %broadcast_in_dim3A_314 : vector<512x2048xi1>, vector<512x2048xf32>
    %reduce_max3A_316 = arith.constant dense<0xFF800000> : vector<512xf32>
    %reduce_max3A_317 = vector.multi_reduction <maximumf>, %select_n3A_315, %reduce_max3A_316 [1] : vector<512x2048xf32> to vector<512xf32>
    %broadcast_in_dim3A_318 = vector.shape_cast %reduce_max3A_317 : vector<512xf32> to vector<512x1xf32>
    %concatenate3A = tpu.concatenate %neg3A_79, %broadcast_in_dim3A_94, %broadcast_in_dim3A_110, %broadcast_in_dim3A_126, %broadcast_in_dim3A_142, %broadcast_in_dim3A_158, %broadcast_in_dim3A_174, %broadcast_in_dim3A_190, %broadcast_in_dim3A_206, %broadcast_in_dim3A_222, %broadcast_in_dim3A_238, %broadcast_in_dim3A_254, %broadcast_in_dim3A_270, %broadcast_in_dim3A_286, %broadcast_in_dim3A_302, %broadcast_in_dim3A_318 in 1 : vector<512x1xf32>, vector<512x1xf32>, vector<512x1xf32>, vector<512x1xf32>, vector<512x1xf32>, vector<512x1xf32>, vector<512x1xf32>, vector<512x1xf32>, vector<512x1xf32>, vector<512x1xf32>, vector<512x1xf32>, vector<512x1xf32>, vector<512x1xf32>, vector<512x1xf32>, vector<512x1xf32>, vector<512x1xf32> -> vector<512x16xf32>
    %neg3A_319 = arith.constant 0.000000e+00 : f32
    %neg3A_320 = vector.broadcast %neg3A_319 : f32 to vector<512x16xf32>
    %neg3A_321 = arith.subf %neg3A_320, %concatenate3A : vector<512x16xf32>
    %convert_element_type3A_322 = arith.fptosi %neg3A_321 : vector<512x16xf32> to vector<512x16xi32>
    %add3A_323 = vector.broadcast %mul3A_31 : i32 to vector<512x16xi32>
    %add3A_324 = arith.addi %convert_element_type3A_322, %add3A_323 : vector<512x16xi32>
    %swap3A = arith.constant 0 : index
    %swap3A_325 = arith.constant 0 : index
    %swap3A_326 = arith.constant 0 : index
    %swap3A_327 = vector.load %arg3[%swap3A, %swap3A_325, %swap3A_326] : memref<1x512x16xi32, #tpu.memory_space<vmem>>, vector<1x512x16xi32>
    %swap3A_328 = vector.shape_cast %swap3A_327 : vector<1x512x16xi32> to vector<512x16xi32>
    %swap3A_329 = vector.shape_cast %add3A_324 : vector<512x16xi32> to vector<1x512x16xi32>
    tpu.vector_store %arg3[%swap3A, %swap3A_325, %swap3A_326], %swap3A_329 {strides = array<i32>} : memref<1x512x16xi32, #tpu.memory_space<vmem>>, vector<1x512x16xi32>,
    return
  }
  func.func @transform_0(%arg0: i32) -> (i32, i32, i32) {
    %jit3A = arith.constant 4 : i32
    %div3A = arith.divsi %arg0, %jit3A : i32
    %sign3A = arith.constant 0 : i32
    %sign3A_0 = arith.cmpi sgt, %arg0, %sign3A : i32
    %sign3A_1 = arith.extui %sign3A_0 : i1 to i32
    %sign3A_2 = arith.constant 0 : i32
    %sign3A_3 = arith.cmpi slt, %arg0, %sign3A_2 : i32
    %sign3A_4 = arith.extui %sign3A_3 : i1 to i32
    %sign3A_5 = arith.subi %sign3A_1, %sign3A_4 : i32
    %sign3A_6 = arith.constant 0 : i32
    %sign3A_7 = arith.cmpi sgt, %jit3A, %sign3A_6 : i32
    %sign3A_8 = arith.extui %sign3A_7 : i1 to i32
    %sign3A_9 = arith.constant 0 : i32
    %sign3A_10 = arith.cmpi slt, %jit3A, %sign3A_9 : i32
    %sign3A_11 = arith.extui %sign3A_10 : i1 to i32
    %sign3A_12 = arith.subi %sign3A_8, %sign3A_11 : i32
    %ne3A = arith.cmpi ne, %sign3A_5, %sign3A_12 : i32
    %rem3A = arith.remsi %arg0, %jit3A : i32
    %ne3A_13 = arith.constant 0 : i32
    %ne3A_14 = arith.cmpi ne, %rem3A, %ne3A_13 : i32
    %and3A = arith.andi %ne3A, %ne3A_14 : i1
    %sub3A = arith.constant 1 : i32
    %sub3A_15 = arith.subi %div3A, %sub3A : i32
    %select_n3A = arith.select %and3A, %sub3A_15, %div3A : i32
    %add3A = arith.constant 0 : i32
    %add3A_16 = arith.addi %add3A, %select_n3A : i32
    %c0_i32 = arith.constant 0 : i32
    %c0_i32_17 = arith.constant 0 : i32
    %c0_i32_18 = arith.constant 0 : i32
    return %add3A_16, %c0_i32, %c0_i32_17 : i32, i32, i32
  }
  func.func @transform_1(%arg0: i32) -> (i32, i32, i32) {
    %jit3A = arith.constant 4 : i32
    %div3A = arith.divsi %arg0, %jit3A : i32
    %sign3A = arith.constant 0 : i32
    %sign3A_0 = arith.cmpi sgt, %arg0, %sign3A : i32
    %sign3A_1 = arith.extui %sign3A_0 : i1 to i32
    %sign3A_2 = arith.constant 0 : i32
    %sign3A_3 = arith.cmpi slt, %arg0, %sign3A_2 : i32
    %sign3A_4 = arith.extui %sign3A_3 : i1 to i32
    %sign3A_5 = arith.subi %sign3A_1, %sign3A_4 : i32
    %sign3A_6 = arith.constant 0 : i32
    %sign3A_7 = arith.cmpi sgt, %jit3A, %sign3A_6 : i32
    %sign3A_8 = arith.extui %sign3A_7 : i1 to i32
    %sign3A_9 = arith.constant 0 : i32
    %sign3A_10 = arith.cmpi slt, %jit3A, %sign3A_9 : i32
    %sign3A_11 = arith.extui %sign3A_10 : i1 to i32
    %sign3A_12 = arith.subi %sign3A_8, %sign3A_11 : i32
    %ne3A = arith.cmpi ne, %sign3A_5, %sign3A_12 : i32
    %rem3A = arith.remsi %arg0, %jit3A : i32
    %ne3A_13 = arith.constant 0 : i32
    %ne3A_14 = arith.cmpi ne, %rem3A, %ne3A_13 : i32
    %and3A = arith.andi %ne3A, %ne3A_14 : i1
    %sub3A = arith.constant 1 : i32
    %sub3A_15 = arith.subi %div3A, %sub3A : i32
    %select_n3A = arith.select %and3A, %sub3A_15, %div3A : i32
    %add3A = arith.constant 0 : i32
    %add3A_16 = arith.addi %add3A, %select_n3A : i32
    %jit3A_17 = arith.constant 4 : i32
    %eq3A = arith.constant 0 : i32
    %eq3A_18 = arith.cmpi eq, %jit3A_17, %eq3A : i32
    %jit3A_19 = arith.constant 1 : i32
    %select_n3A_20 = arith.select %eq3A_18, %jit3A_19, %jit3A_17 : i32
    %rem3A_21 = arith.remsi %arg0, %select_n3A_20 : i32
    %ne3A_22 = arith.constant 0 : i32
    %ne3A_23 = arith.cmpi ne, %rem3A_21, %ne3A_22 : i32
    %lt3A = arith.constant 0 : i32
    %lt3A_24 = arith.cmpi slt, %rem3A_21, %lt3A : i32
    %lt3A_25 = arith.constant 0 : i32
    %lt3A_26 = arith.cmpi slt, %select_n3A_20, %lt3A_25 : i32
    %ne3A_27 = arith.xori %lt3A_24, %lt3A_26 : i1
    %and3A_28 = arith.andi %ne3A_27, %ne3A_23 : i1
    %add3A_29 = arith.addi %rem3A_21, %select_n3A_20 : i32
    %select_n3A_30 = arith.select %and3A_28, %add3A_29, %rem3A_21 : i32
    %c0_i32 = arith.constant 0 : i32
    %c0_i32_31 = arith.constant 0 : i32
    return %add3A_16, %c0_i32, %select_n3A_30 : i32, i32, i32
  }
  func.func @transform_2(%arg0: i32) -> (i32, i32, i32) {
    %jit3A = arith.constant 4 : i32
    %div3A = arith.divsi %arg0, %jit3A : i32
    %sign3A = arith.constant 0 : i32
    %sign3A_0 = arith.cmpi sgt, %arg0, %sign3A : i32
    %sign3A_1 = arith.extui %sign3A_0 : i1 to i32
    %sign3A_2 = arith.constant 0 : i32
    %sign3A_3 = arith.cmpi slt, %arg0, %sign3A_2 : i32
    %sign3A_4 = arith.extui %sign3A_3 : i1 to i32
    %sign3A_5 = arith.subi %sign3A_1, %sign3A_4 : i32
    %sign3A_6 = arith.constant 0 : i32
    %sign3A_7 = arith.cmpi sgt, %jit3A, %sign3A_6 : i32
    %sign3A_8 = arith.extui %sign3A_7 : i1 to i32
    %sign3A_9 = arith.constant 0 : i32
    %sign3A_10 = arith.cmpi slt, %jit3A, %sign3A_9 : i32
    %sign3A_11 = arith.extui %sign3A_10 : i1 to i32
    %sign3A_12 = arith.subi %sign3A_8, %sign3A_11 : i32
    %ne3A = arith.cmpi ne, %sign3A_5, %sign3A_12 : i32
    %rem3A = arith.remsi %arg0, %jit3A : i32
    %ne3A_13 = arith.constant 0 : i32
    %ne3A_14 = arith.cmpi ne, %rem3A, %ne3A_13 : i32
    %and3A = arith.andi %ne3A, %ne3A_14 : i1
    %sub3A = arith.constant 1 : i32
    %sub3A_15 = arith.subi %div3A, %sub3A : i32
    %select_n3A = arith.select %and3A, %sub3A_15, %div3A : i32
    %jit3A_16 = arith.constant 4 : i32
    %eq3A = arith.constant 0 : i32
    %eq3A_17 = arith.cmpi eq, %jit3A_16, %eq3A : i32
    %jit3A_18 = arith.constant 1 : i32
    %select_n3A_19 = arith.select %eq3A_17, %jit3A_18, %jit3A_16 : i32
    %rem3A_20 = arith.remsi %arg0, %select_n3A_19 : i32
    %ne3A_21 = arith.constant 0 : i32
    %ne3A_22 = arith.cmpi ne, %rem3A_20, %ne3A_21 : i32
    %lt3A = arith.constant 0 : i32
    %lt3A_23 = arith.cmpi slt, %rem3A_20, %lt3A : i32
    %lt3A_24 = arith.constant 0 : i32
    %lt3A_25 = arith.cmpi slt, %select_n3A_19, %lt3A_24 : i32
    %ne3A_26 = arith.xori %lt3A_23, %lt3A_25 : i1
    %and3A_27 = arith.andi %ne3A_26, %ne3A_22 : i1
    %add3A = arith.addi %rem3A_20, %select_n3A_19 : i32
    %select_n3A_28 = arith.select %and3A_27, %add3A, %rem3A_20 : i32
    %c0_i32 = arith.constant 0 : i32
    %c0_i32_29 = arith.constant 0 : i32
    return %select_n3A, %select_n3A_28, %c0_i32 : i32, i32, i32
  }
}

module attributes {stable_mosaic.version = 14 : i64} {
  func.func @_prep_body(%arg0: i32, %arg1: memref<1x128x2048xf32, #tpu.memory_space<vmem>>, %arg2: memref<128x128xf32, #tpu.memory_space<vmem>>, %arg3: memref<128x1xf32, #tpu.memory_space<vmem>>, %arg4: memref<3x128x128xf32, #tpu.memory_space<vmem>>, %arg5: memref<128x1xf32, #tpu.memory_space<vmem>>, %arg6: memref<128x128xf32, #tpu.memory_space<vmem>>, %arg7: memref<128x1xf32, #tpu.memory_space<vmem>>, %arg8: memref<128x128xf32, #tpu.memory_space<vmem>>, %arg9: memref<128x128xf32, #tpu.memory_space<vmem>>, %arg10: memref<1x128xf32, #tpu.memory_space<vmem>>, %arg11: memref<1x128x2048xf32, #tpu.memory_space<vmem>>, %arg12: memref<1x2048x128xf32, #tpu.memory_space<vmem>>, %arg13: memref<1x2048x128xf32, #tpu.memory_space<vmem>>) attributes {dimension_semantics = [#tpu.dimension_semantics<parallel>], iteration_bounds = array<i64: 4>, scalar_prefetch = 0 : i64, scratch_operands = 0 : i64, tpu.core_type = #tpu.core_type<tc>, window_params = [{transform_indices = @transform_0, window_bounds = array<i64: 1, 128, 2048>}, {pipeline_mode = #tpu.pipeline_mode<synchronous>, transform_indices = @transform_1, window_bounds = array<i64: 128, 128>}, {pipeline_mode = #tpu.pipeline_mode<synchronous>, transform_indices = @transform_2, window_bounds = array<i64: 128, 1>}, {pipeline_mode = #tpu.pipeline_mode<synchronous>, transform_indices = @transform_3, window_bounds = array<i64: 3, 128, 128>}, {pipeline_mode = #tpu.pipeline_mode<synchronous>, transform_indices = @transform_4, window_bounds = array<i64: 128, 1>}, {pipeline_mode = #tpu.pipeline_mode<synchronous>, transform_indices = @transform_5, window_bounds = array<i64: 128, 128>}, {pipeline_mode = #tpu.pipeline_mode<synchronous>, transform_indices = @transform_6, window_bounds = array<i64: 128, 1>}, {pipeline_mode = #tpu.pipeline_mode<synchronous>, transform_indices = @transform_7, window_bounds = array<i64: 128, 128>}, {pipeline_mode = #tpu.pipeline_mode<synchronous>, transform_indices = @transform_8, window_bounds = array<i64: 128, 128>}, {pipeline_mode = #tpu.pipeline_mode<synchronous>, transform_indices = @transform_9, window_bounds = array<i64: 1, 128>}, {transform_indices = @transform_10, window_bounds = array<i64: 1, 128, 2048>}, {transform_indices = @transform_11, window_bounds = array<i64: 1, 2048, 128>}, {transform_indices = @transform_12, window_bounds = array<i64: 1, 2048, 128>}]} {
    %get3A = arith.constant 0 : index
    %get3A_0 = arith.constant 0 : index
    %get3A_1 = arith.constant 0 : index
    %get3A_2 = vector.load %arg1[%get3A, %get3A_0, %get3A_1] : memref<1x128x2048xf32, #tpu.memory_space<vmem>>, vector<1x128x2048xf32>
    %get3A_3 = vector.shape_cast %get3A_2 : vector<1x128x2048xf32> to vector<128x2048xf32>
    %get3A_4 = arith.constant 0 : index
    %get3A_5 = arith.constant 0 : index
    %get3A_6 = vector.load %arg2[%get3A_4, %get3A_5] : memref<128x128xf32, #tpu.memory_space<vmem>>, vector<128x128xf32>
    %dot_general3A = arith.constant dense<0.000000e+00> : vector<128x2048xf32>
    %dot_general3A_7 = tpu.matmul %get3A_6, %get3A_3, %dot_general3A {dimension_numbers = #tpu.dot_dimension_numbers<[1], [0], [0], [1], [0, 0, 1, 1], [], []>, transpose_lhs_hint = false} : vector<128x128xf32>, vector<128x2048xf32>, vector<128x2048xf32> -> vector<128x2048xf32>
    %get3A_8 = arith.constant 0 : index
    %get3A_9 = arith.constant 0 : index
    %get3A_10 = vector.load %arg3[%get3A_8, %get3A_9] : memref<128x1xf32, #tpu.memory_space<vmem>>, vector<128x1xf32>
    %add3A = vector.broadcast %get3A_10 : vector<128x1xf32> to vector<128x2048xf32>
    %add3A_11 = arith.addf %dot_general3A_7, %add3A : vector<128x2048xf32>
    %max3A = arith.constant 0.000000e+00 : f32
    %max3A_12 = vector.broadcast %max3A : f32 to vector<128x2048xf32>
    %max3A_13 = arith.maximumf %add3A_11, %max3A_12 : vector<128x2048xf32>
    %broadcast_in_dim3A = arith.constant 0.000000e+00 : f32
    %broadcast_in_dim3A_14 = vector.broadcast %broadcast_in_dim3A : f32 to vector<128x1xf32>
    %slice3A = vector.extract_strided_slice %max3A_13 {offsets = [0, 0], sizes = [128, 2047], strides = [1, 1]} : vector<128x2048xf32> to vector<128x2047xf32>
    %concatenate3A = tpu.concatenate %broadcast_in_dim3A_14, %slice3A in 1 : vector<128x1xf32>, vector<128x2047xf32> -> vector<128x2048xf32>
    %slice3A_15 = vector.extract_strided_slice %max3A_13 {offsets = [0, 1], sizes = [128, 2047], strides = [1, 1]} : vector<128x2048xf32> to vector<128x2047xf32>
    %concatenate3A_16 = tpu.concatenate %slice3A_15, %broadcast_in_dim3A_14 in 1 : vector<128x2047xf32>, vector<128x1xf32> -> vector<128x2048xf32>
    %get3A_17 = arith.constant 0 : index
    %get3A_18 = arith.constant 0 : index
    %get3A_19 = arith.constant 0 : index
    %get3A_20 = vector.load %arg4[%get3A_17, %get3A_18, %get3A_19] : memref<3x128x128xf32, #tpu.memory_space<vmem>>, vector<1x128x128xf32>
    %get3A_21 = vector.shape_cast %get3A_20 : vector<1x128x128xf32> to vector<128x128xf32>
    %dot_general3A_22 = arith.constant dense<0.000000e+00> : vector<128x2048xf32>
    %dot_general3A_23 = tpu.matmul %get3A_21, %concatenate3A, %dot_general3A_22 {dimension_numbers = #tpu.dot_dimension_numbers<[1], [0], [0], [1], [0, 0, 1, 1], [], []>, transpose_lhs_hint = false} : vector<128x128xf32>, vector<128x2048xf32>, vector<128x2048xf32> -> vector<128x2048xf32>
    %get3A_24 = arith.constant 1 : index
    %get3A_25 = arith.constant 0 : index
    %get3A_26 = arith.constant 0 : index
    %get3A_27 = vector.load %arg4[%get3A_24, %get3A_25, %get3A_26] : memref<3x128x128xf32, #tpu.memory_space<vmem>>, vector<1x128x128xf32>
    %get3A_28 = vector.shape_cast %get3A_27 : vector<1x128x128xf32> to vector<128x128xf32>
    %dot_general3A_29 = arith.constant dense<0.000000e+00> : vector<128x2048xf32>
    %dot_general3A_30 = tpu.matmul %get3A_28, %max3A_13, %dot_general3A_29 {dimension_numbers = #tpu.dot_dimension_numbers<[1], [0], [0], [1], [0, 0, 1, 1], [], []>, transpose_lhs_hint = false} : vector<128x128xf32>, vector<128x2048xf32>, vector<128x2048xf32> -> vector<128x2048xf32>
    %add3A_31 = arith.addf %dot_general3A_23, %dot_general3A_30 : vector<128x2048xf32>
    %get3A_32 = arith.constant 2 : index
    %get3A_33 = arith.constant 0 : index
    %get3A_34 = arith.constant 0 : index
    %get3A_35 = vector.load %arg4[%get3A_32, %get3A_33, %get3A_34] : memref<3x128x128xf32, #tpu.memory_space<vmem>>, vector<1x128x128xf32>
    %get3A_36 = vector.shape_cast %get3A_35 : vector<1x128x128xf32> to vector<128x128xf32>
    %dot_general3A_37 = arith.constant dense<0.000000e+00> : vector<128x2048xf32>
    %dot_general3A_38 = tpu.matmul %get3A_36, %concatenate3A_16, %dot_general3A_37 {dimension_numbers = #tpu.dot_dimension_numbers<[1], [0], [0], [1], [0, 0, 1, 1], [], []>, transpose_lhs_hint = false} : vector<128x128xf32>, vector<128x2048xf32>, vector<128x2048xf32> -> vector<128x2048xf32>
    %add3A_39 = arith.addf %add3A_31, %dot_general3A_38 : vector<128x2048xf32>
    %get3A_40 = arith.constant 0 : index
    %get3A_41 = arith.constant 0 : index
    %get3A_42 = vector.load %arg5[%get3A_40, %get3A_41] : memref<128x1xf32, #tpu.memory_space<vmem>>, vector<128x1xf32>
    %add3A_43 = vector.broadcast %get3A_42 : vector<128x1xf32> to vector<128x2048xf32>
    %add3A_44 = arith.addf %add3A_39, %add3A_43 : vector<128x2048xf32>
    %max3A_45 = arith.constant 0.000000e+00 : f32
    %max3A_46 = vector.broadcast %max3A_45 : f32 to vector<128x2048xf32>
    %max3A_47 = arith.maximumf %add3A_44, %max3A_46 : vector<128x2048xf32>
    %get3A_48 = arith.constant 0 : index
    %get3A_49 = arith.constant 0 : index
    %get3A_50 = vector.load %arg6[%get3A_48, %get3A_49] : memref<128x128xf32, #tpu.memory_space<vmem>>, vector<128x128xf32>
    %dot_general3A_51 = arith.constant dense<0.000000e+00> : vector<128x2048xf32>
    %dot_general3A_52 = tpu.matmul %get3A_50, %max3A_47, %dot_general3A_51 {dimension_numbers = #tpu.dot_dimension_numbers<[1], [0], [0], [1], [0, 0, 1, 1], [], []>, transpose_lhs_hint = false} : vector<128x128xf32>, vector<128x2048xf32>, vector<128x2048xf32> -> vector<128x2048xf32>
    %get3A_53 = arith.constant 0 : index
    %get3A_54 = arith.constant 0 : index
    %get3A_55 = vector.load %arg7[%get3A_53, %get3A_54] : memref<128x1xf32, #tpu.memory_space<vmem>>, vector<128x1xf32>
    %add3A_56 = vector.broadcast %get3A_55 : vector<128x1xf32> to vector<128x2048xf32>
    %add3A_57 = arith.addf %dot_general3A_52, %add3A_56 : vector<128x2048xf32>
    %add3A_58 = arith.addf %add3A_57, %get3A_3 : vector<128x2048xf32>
    %swap3A = arith.constant 0 : index
    %swap3A_59 = arith.constant 0 : index
    %swap3A_60 = arith.constant 0 : index
    %swap3A_61 = vector.load %arg11[%swap3A, %swap3A_59, %swap3A_60] : memref<1x128x2048xf32, #tpu.memory_space<vmem>>, vector<1x128x2048xf32>
    %swap3A_62 = vector.shape_cast %swap3A_61 : vector<1x128x2048xf32> to vector<128x2048xf32>
    %swap3A_63 = vector.shape_cast %add3A_58 : vector<128x2048xf32> to vector<1x128x2048xf32>
    tpu.vector_store %arg11[%swap3A, %swap3A_59, %swap3A_60], %swap3A_63 {strides = array<i32>} : memref<1x128x2048xf32, #tpu.memory_space<vmem>>, vector<1x128x2048xf32>,
    %get3A_64 = arith.constant 0 : index
    %get3A_65 = arith.constant 0 : index
    %get3A_66 = vector.load %arg8[%get3A_64, %get3A_65] : memref<128x128xf32, #tpu.memory_space<vmem>>, vector<128x128xf32>
    %dot_general3A_67 = arith.constant dense<0.000000e+00> : vector<2048x128xf32>
    %dot_general3A_68 = tpu.matmul %get3A_3, %get3A_66, %dot_general3A_67 {dimension_numbers = #tpu.dot_dimension_numbers<[0], [0], [1], [1], [0, 1, 1, 1], [], []>, transpose_lhs_hint = false} : vector<128x2048xf32>, vector<128x128xf32>, vector<2048x128xf32> -> vector<2048x128xf32>
    %swap3A_69 = arith.constant 0 : index
    %swap3A_70 = arith.constant 0 : index
    %swap3A_71 = arith.constant 0 : index
    %swap3A_72 = vector.load %arg12[%swap3A_69, %swap3A_70, %swap3A_71] : memref<1x2048x128xf32, #tpu.memory_space<vmem>>, vector<1x2048x128xf32>
    %swap3A_73 = vector.shape_cast %swap3A_72 : vector<1x2048x128xf32> to vector<2048x128xf32>
    %swap3A_74 = vector.shape_cast %dot_general3A_68 : vector<2048x128xf32> to vector<1x2048x128xf32>
    tpu.vector_store %arg12[%swap3A_69, %swap3A_70, %swap3A_71], %swap3A_74 {strides = array<i32>} : memref<1x2048x128xf32, #tpu.memory_space<vmem>>, vector<1x2048x128xf32>,
    %get3A_75 = arith.constant 0 : index
    %get3A_76 = arith.constant 0 : index
    %get3A_77 = vector.load %arg9[%get3A_75, %get3A_76] : memref<128x128xf32, #tpu.memory_space<vmem>>, vector<128x128xf32>
    %dot_general3A_78 = arith.constant dense<0.000000e+00> : vector<2048x128xf32>
    %dot_general3A_79 = tpu.matmul %get3A_3, %get3A_77, %dot_general3A_78 {dimension_numbers = #tpu.dot_dimension_numbers<[0], [0], [1], [1], [0, 1, 1, 1], [], []>, transpose_lhs_hint = false} : vector<128x2048xf32>, vector<128x128xf32>, vector<2048x128xf32> -> vector<2048x128xf32>
    %get3A_80 = arith.constant 0 : index
    %get3A_81 = arith.constant 0 : index
    %get3A_82 = vector.load %arg10[%get3A_80, %get3A_81] : memref<1x128xf32, #tpu.memory_space<vmem>>, vector<1x128xf32>
    %add3A_83 = vector.broadcast %get3A_82 : vector<1x128xf32> to vector<2048x128xf32>
    %add3A_84 = arith.addf %dot_general3A_79, %add3A_83 : vector<2048x128xf32>
    %swap3A_85 = arith.constant 0 : index
    %swap3A_86 = arith.constant 0 : index
    %swap3A_87 = arith.constant 0 : index
    %swap3A_88 = vector.load %arg13[%swap3A_85, %swap3A_86, %swap3A_87] : memref<1x2048x128xf32, #tpu.memory_space<vmem>>, vector<1x2048x128xf32>
    %swap3A_89 = vector.shape_cast %swap3A_88 : vector<1x2048x128xf32> to vector<2048x128xf32>
    %swap3A_90 = vector.shape_cast %add3A_84 : vector<2048x128xf32> to vector<1x2048x128xf32>
    tpu.vector_store %arg13[%swap3A_85, %swap3A_86, %swap3A_87], %swap3A_90 {strides = array<i32>} : memref<1x2048x128xf32, #tpu.memory_space<vmem>>, vector<1x2048x128xf32>,
    return
  }
  func.func @transform_0(%arg0: i32) -> (i32, i32, i32) {
    %c0_i32 = arith.constant 0 : i32
    %c0_i32_0 = arith.constant 0 : i32
    %c0_i32_1 = arith.constant 0 : i32
    return %arg0, %c0_i32, %c0_i32_0 : i32, i32, i32
  }
  func.func @transform_1(%arg0: i32) -> (i32, i32) {
    %c0_i32 = arith.constant 0 : i32
    %c0_i32_0 = arith.constant 0 : i32
    %c0_i32_1 = arith.constant 0 : i32
    return %c0_i32, %c0_i32_0 : i32, i32
  }
  func.func @transform_2(%arg0: i32) -> (i32, i32) {
    %c0_i32 = arith.constant 0 : i32
    %c0_i32_0 = arith.constant 0 : i32
    %c0_i32_1 = arith.constant 0 : i32
    return %c0_i32, %c0_i32_0 : i32, i32
  }
  func.func @transform_3(%arg0: i32) -> (i32, i32, i32) {
    %c0_i32 = arith.constant 0 : i32
    %c0_i32_0 = arith.constant 0 : i32
    %c0_i32_1 = arith.constant 0 : i32
    %c0_i32_2 = arith.constant 0 : i32
    return %c0_i32, %c0_i32_0, %c0_i32_1 : i32, i32, i32
  }
  func.func @transform_4(%arg0: i32) -> (i32, i32) {
    %c0_i32 = arith.constant 0 : i32
    %c0_i32_0 = arith.constant 0 : i32
    %c0_i32_1 = arith.constant 0 : i32
    return %c0_i32, %c0_i32_0 : i32, i32
  }
  func.func @transform_5(%arg0: i32) -> (i32, i32) {
    %c0_i32 = arith.constant 0 : i32
    %c0_i32_0 = arith.constant 0 : i32
    %c0_i32_1 = arith.constant 0 : i32
    return %c0_i32, %c0_i32_0 : i32, i32
  }
  func.func @transform_6(%arg0: i32) -> (i32, i32) {
    %c0_i32 = arith.constant 0 : i32
    %c0_i32_0 = arith.constant 0 : i32
    %c0_i32_1 = arith.constant 0 : i32
    return %c0_i32, %c0_i32_0 : i32, i32
  }
  func.func @transform_7(%arg0: i32) -> (i32, i32) {
    %c0_i32 = arith.constant 0 : i32
    %c0_i32_0 = arith.constant 0 : i32
    %c0_i32_1 = arith.constant 0 : i32
    return %c0_i32, %c0_i32_0 : i32, i32
  }
  func.func @transform_8(%arg0: i32) -> (i32, i32) {
    %c0_i32 = arith.constant 0 : i32
    %c0_i32_0 = arith.constant 0 : i32
    %c0_i32_1 = arith.constant 0 : i32
    return %c0_i32, %c0_i32_0 : i32, i32
  }
  func.func @transform_9(%arg0: i32) -> (i32, i32) {
    %c0_i32 = arith.constant 0 : i32
    %c0_i32_0 = arith.constant 0 : i32
    %c0_i32_1 = arith.constant 0 : i32
    return %c0_i32, %c0_i32_0 : i32, i32
  }
  func.func @transform_10(%arg0: i32) -> (i32, i32, i32) {
    %c0_i32 = arith.constant 0 : i32
    %c0_i32_0 = arith.constant 0 : i32
    %c0_i32_1 = arith.constant 0 : i32
    return %arg0, %c0_i32, %c0_i32_0 : i32, i32, i32
  }
  func.func @transform_11(%arg0: i32) -> (i32, i32, i32) {
    %c0_i32 = arith.constant 0 : i32
    %c0_i32_0 = arith.constant 0 : i32
    %c0_i32_1 = arith.constant 0 : i32
    return %arg0, %c0_i32, %c0_i32_0 : i32, i32, i32
  }
  func.func @transform_12(%arg0: i32) -> (i32, i32, i32) {
    %c0_i32 = arith.constant 0 : i32
    %c0_i32_0 = arith.constant 0 : i32
    %c0_i32_1 = arith.constant 0 : i32
    return %arg0, %c0_i32, %c0_i32_0 : i32, i32, i32
  }
}

module attributes {stable_mosaic.version = 14 : i64} {
  func.func @_pair_body(%arg0: i32, %arg1: memref<1x128x2048xf32, #tpu.memory_space<vmem>>, %arg2: memref<1x128x512xf32, #tpu.memory_space<vmem>>, %arg3: memref<1x512x16xi32, #tpu.memory_space<vmem>>) attributes {dimension_semantics = [#tpu.dimension_semantics<arbitrary>], iteration_bounds = array<i64: 8>, scalar_prefetch = 0 : i64, scratch_operands = 0 : i64, tpu.core_type = #tpu.core_type<tc>, window_params = [{transform_indices = @transform_0, window_bounds = array<i64: 1, 128, 2048>}, {transform_indices = @transform_1, window_bounds = array<i64: 1, 128, 512>}, {transform_indices = @transform_2, window_bounds = array<i64: 1, 512, 16>}]} {
    %jit3A = arith.constant 4 : i32
    %eq3A = arith.constant 0 : i32
    %eq3A_0 = arith.cmpi eq, %jit3A, %eq3A : i32
    %jit3A_1 = arith.constant 1 : i32
    %select_n3A = arith.select %eq3A_0, %jit3A_1, %jit3A : i32
    %rem3A = arith.remsi %arg0, %select_n3A : i32
    %ne3A = arith.constant 0 : i32
    %ne3A_2 = arith.cmpi ne, %rem3A, %ne3A : i32
    %lt3A = arith.constant 0 : i32
    %lt3A_3 = arith.cmpi slt, %rem3A, %lt3A : i32
    %lt3A_4 = arith.constant 0 : i32
    %lt3A_5 = arith.cmpi slt, %select_n3A, %lt3A_4 : i32
    %ne3A_6 = arith.xori %lt3A_3, %lt3A_5 : i1
    %and3A = arith.andi %ne3A_6, %ne3A_2 : i1
    %add3A = arith.addi %rem3A, %select_n3A : i32
    %select_n3A_7 = arith.select %and3A, %add3A, %rem3A : i32
    %jit3A_8 = arith.constant 4 : i32
    %div3A = arith.divsi %arg0, %jit3A_8 : i32
    %sign3A = arith.constant 0 : i32
    %sign3A_9 = arith.cmpi sgt, %arg0, %sign3A : i32
    %sign3A_10 = arith.extui %sign3A_9 : i1 to i32
    %sign3A_11 = arith.constant 0 : i32
    %sign3A_12 = arith.cmpi slt, %arg0, %sign3A_11 : i32
    %sign3A_13 = arith.extui %sign3A_12 : i1 to i32
    %sign3A_14 = arith.subi %sign3A_10, %sign3A_13 : i32
    %sign3A_15 = arith.constant 0 : i32
    %sign3A_16 = arith.cmpi sgt, %jit3A_8, %sign3A_15 : i32
    %sign3A_17 = arith.extui %sign3A_16 : i1 to i32
    %sign3A_18 = arith.constant 0 : i32
    %sign3A_19 = arith.cmpi slt, %jit3A_8, %sign3A_18 : i32
    %sign3A_20 = arith.extui %sign3A_19 : i1 to i32
    %sign3A_21 = arith.subi %sign3A_17, %sign3A_20 : i32
    %ne3A_22 = arith.cmpi ne, %sign3A_14, %sign3A_21 : i32
    %rem3A_23 = arith.remsi %arg0, %jit3A_8 : i32
    %ne3A_24 = arith.constant 0 : i32
    %ne3A_25 = arith.cmpi ne, %rem3A_23, %ne3A_24 : i32
    %and3A_26 = arith.andi %ne3A_22, %ne3A_25 : i1
    %sub3A = arith.constant 1 : i32
    %sub3A_27 = arith.subi %div3A, %sub3A : i32
    %select_n3A_28 = arith.select %and3A_26, %sub3A_27, %div3A : i32
    %add3A_29 = arith.constant 2 : i32
    %add3A_30 = arith.addi %add3A_29, %select_n3A_28 : i32
    %mul3A = arith.constant 2048 : i32
    %mul3A_31 = arith.muli %add3A_30, %mul3A : i32
    %get3A = arith.constant 0 : index
    %get3A_32 = arith.constant 0 : index
    %get3A_33 = arith.constant 0 : index
    %get3A_34 = vector.load %arg1[%get3A, %get3A_32, %get3A_33] : memref<1x128x2048xf32, #tpu.memory_space<vmem>>, vector<1x128x2048xf32>
    %get3A_35 = vector.shape_cast %get3A_34 : vector<1x128x2048xf32> to vector<128x2048xf32>
    %get3A_36 = arith.constant 0 : index
    %get3A_37 = arith.constant 0 : index
    %get3A_38 = arith.constant 0 : index
    %get3A_39 = vector.load %arg2[%get3A_36, %get3A_37, %get3A_38] : memref<1x128x512xf32, #tpu.memory_space<vmem>>, vector<1x128x512xf32>
    %get3A_40 = vector.shape_cast %get3A_39 : vector<1x128x512xf32> to vector<128x512xf32>
    %mul3A_41 = arith.mulf %get3A_35, %get3A_35 : vector<128x2048xf32>
    %reduce_sum3A = arith.constant dense<0.000000e+00> : vector<2048xf32>
    %reduce_sum3A_42 = vector.multi_reduction <add>, %mul3A_41, %reduce_sum3A [0] : vector<128x2048xf32> to vector<2048xf32>
    %broadcast_in_dim3A = vector.shape_cast %reduce_sum3A_42 : vector<2048xf32> to vector<1x2048xf32>
    %dot_general3A = arith.constant dense<0.000000e+00> : vector<512x2048xf32>
    %dot_general3A_43 = tpu.matmul %get3A_40, %get3A_35, %dot_general3A {dimension_numbers = #tpu.dot_dimension_numbers<[0], [0], [1], [1], [0, 1, 1, 1], [], []>, transpose_lhs_hint = false} : vector<128x512xf32>, vector<128x2048xf32>, vector<512x2048xf32> -> vector<512x2048xf32>
    %mul3A_44 = arith.constant -2.000000e+00 : f32
    %mul3A_45 = vector.broadcast %mul3A_44 : f32 to vector<512x2048xf32>
    %mul3A_46 = arith.mulf %mul3A_45, %dot_general3A_43 : vector<512x2048xf32>
    %iota3A = tpu.iota {dimensions = array<i32: 0>} : vector<512x512xi32>
    %iota3A_47 = tpu.iota {dimensions = array<i32: 1>} : vector<512x512xi32>
    %mul3A_48 = arith.mulf %get3A_40, %get3A_40 : vector<128x512xf32>
    %reduce_sum3A_49 = arith.constant dense<0.000000e+00> : vector<512xf32>
    %reduce_sum3A_50 = vector.multi_reduction <add>, %mul3A_48, %reduce_sum3A_49 [0] : vector<128x512xf32> to vector<512xf32>
    %broadcast_in_dim3A_51 = vector.shape_cast %reduce_sum3A_50 : vector<512xf32> to vector<1x512xf32>
    %eq3A_52 = arith.cmpi eq, %iota3A, %iota3A_47 : vector<512x512xi32>
    %jit3A_53 = arith.constant 0.000000e+00 : f32
    %broadcast_in_dim3A_54 = vector.shape_cast %broadcast_in_dim3A_51 : vector<1x512xf32> to vector<1x512xf32>
    %broadcast_in_dim3A_55 = vector.broadcast %broadcast_in_dim3A_54 : vector<1x512xf32> to vector<512x512xf32>
    %broadcast_in_dim3A_56 = vector.broadcast %jit3A_53 : f32 to vector<512x512xf32>
    %select_n3A_57 = arith.select %eq3A_52, %broadcast_in_dim3A_55, %broadcast_in_dim3A_56 : vector<512x512xi1>, vector<512x512xf32>
    %reduce_sum3A_58 = arith.constant dense<0.000000e+00> : vector<512xf32>
    %reduce_sum3A_59 = vector.multi_reduction <add>, %select_n3A_57, %reduce_sum3A_58 [1] : vector<512x512xf32> to vector<512xf32>
    %broadcast_in_dim3A_60 = vector.shape_cast %reduce_sum3A_59 : vector<512xf32> to vector<512x1xf32>
    %neg3A = arith.constant 0.000000e+00 : f32
    %neg3A_61 = vector.broadcast %neg3A : f32 to vector<512x1xf32>
    %neg3A_62 = arith.subf %neg3A_61, %broadcast_in_dim3A_60 : vector<512x1xf32>
    %sub3A_63 = vector.broadcast %neg3A_62 : vector<512x1xf32> to vector<512x2048xf32>
    %sub3A_64 = arith.subf %sub3A_63, %mul3A_46 : vector<512x2048xf32>
    %sub3A_65 = vector.broadcast %broadcast_in_dim3A : vector<1x2048xf32> to vector<512x2048xf32>
    %sub3A_66 = arith.subf %sub3A_64, %sub3A_65 : vector<512x2048xf32>
    %iota3A_67 = tpu.iota {dimensions = array<i32: 1>} : vector<512x2048xi32>
    %convert_element_type3A = arith.sitofp %iota3A_67 : vector<512x2048xi32> to vector<512x2048xf32>
    %neg3A_68 = arith.constant 0.000000e+00 : f32
    %neg3A_69 = vector.broadcast %neg3A_68 : f32 to vector<512x2048xf32>
    %neg3A_70 = arith.subf %neg3A_69, %convert_element_type3A : vector<512x2048xf32>
    %iota3A_71 = tpu.iota {dimensions = array<i32: 0>} : vector<512x1xi32>
    %mul3A_72 = arith.constant 512 : i32
    %mul3A_73 = arith.muli %select_n3A_7, %mul3A_72 : i32
    %add3A_74 = vector.broadcast %mul3A_73 : i32 to vector<512x1xi32>
    %add3A_75 = arith.addi %iota3A_71, %add3A_74 : vector<512x1xi32>
    %convert_element_type3A_76 = arith.sitofp %add3A_75 : vector<512x1xi32> to vector<512x1xf32>
    %neg3A_77 = arith.constant 0.000000e+00 : f32
    %neg3A_78 = vector.broadcast %neg3A_77 : f32 to vector<512x1xf32>
    %neg3A_79 = arith.subf %neg3A_78, %convert_element_type3A_76 : vector<512x1xf32>
    %eq3A_80 = vector.broadcast %neg3A_79 : vector<512x1xf32> to vector<512x2048xf32>
    %eq3A_81 = arith.cmpf oeq, %neg3A_70, %eq3A_80 : vector<512x2048xf32>
    %jit3A_82 = arith.constant -3.000000e+38 : f32
    %broadcast_in_dim3A_83 = vector.broadcast %jit3A_82 : f32 to vector<512x2048xf32>
    %select_n3A_84 = arith.select %eq3A_81, %broadcast_in_dim3A_83, %sub3A_66 : vector<512x2048xi1>, vector<512x2048xf32>
    %reduce_max3A = arith.constant dense<0xFF800000> : vector<512xf32>
    %reduce_max3A_85 = vector.multi_reduction <maximumf>, %select_n3A_84, %reduce_max3A [1] : vector<512x2048xf32> to vector<512xf32>
    %broadcast_in_dim3A_86 = vector.shape_cast %reduce_max3A_85 : vector<512xf32> to vector<512x1xf32>
    %eq3A_87 = vector.broadcast %broadcast_in_dim3A_86 : vector<512x1xf32> to vector<512x2048xf32>
    %eq3A_88 = arith.cmpf oeq, %select_n3A_84, %eq3A_87 : vector<512x2048xf32>
    %jit3A_89 = arith.constant -2.048000e+03 : f32
    %broadcast_in_dim3A_90 = vector.broadcast %jit3A_89 : f32 to vector<512x2048xf32>
    %select_n3A_91 = arith.select %eq3A_88, %neg3A_70, %broadcast_in_dim3A_90 : vector<512x2048xi1>, vector<512x2048xf32>
    %reduce_max3A_92 = arith.constant dense<0xFF800000> : vector<512xf32>
    %reduce_max3A_93 = vector.multi_reduction <maximumf>, %select_n3A_91, %reduce_max3A_92 [1] : vector<512x2048xf32> to vector<512xf32>
    %broadcast_in_dim3A_94 = vector.shape_cast %reduce_max3A_93 : vector<512xf32> to vector<512x1xf32>
    %eq3A_95 = vector.broadcast %broadcast_in_dim3A_94 : vector<512x1xf32> to vector<512x2048xf32>
    %eq3A_96 = arith.cmpf oeq, %neg3A_70, %eq3A_95 : vector<512x2048xf32>
    %jit3A_97 = arith.constant -3.000000e+38 : f32
    %broadcast_in_dim3A_98 = vector.broadcast %jit3A_97 : f32 to vector<512x2048xf32>
    %select_n3A_99 = arith.select %eq3A_96, %broadcast_in_dim3A_98, %select_n3A_84 : vector<512x2048xi1>, vector<512x2048xf32>
    %reduce_max3A_100 = arith.constant dense<0xFF800000> : vector<512xf32>
    %reduce_max3A_101 = vector.multi_reduction <maximumf>, %select_n3A_99, %reduce_max3A_100 [1] : vector<512x2048xf32> to vector<512xf32>
    %broadcast_in_dim3A_102 = vector.shape_cast %reduce_max3A_101 : vector<512xf32> to vector<512x1xf32>
    %eq3A_103 = vector.broadcast %broadcast_in_dim3A_102 : vector<512x1xf32> to vector<512x2048xf32>
    %eq3A_104 = arith.cmpf oeq, %select_n3A_99, %eq3A_103 : vector<512x2048xf32>
    %jit3A_105 = arith.constant -2.048000e+03 : f32
    %broadcast_in_dim3A_106 = vector.broadcast %jit3A_105 : f32 to vector<512x2048xf32>
    %select_n3A_107 = arith.select %eq3A_104, %neg3A_70, %broadcast_in_dim3A_106 : vector<512x2048xi1>, vector<512x2048xf32>
    %reduce_max3A_108 = arith.constant dense<0xFF800000> : vector<512xf32>
    %reduce_max3A_109 = vector.multi_reduction <maximumf>, %select_n3A_107, %reduce_max3A_108 [1] : vector<512x2048xf32> to vector<512xf32>
    %broadcast_in_dim3A_110 = vector.shape_cast %reduce_max3A_109 : vector<512xf32> to vector<512x1xf32>
    %eq3A_111 = vector.broadcast %broadcast_in_dim3A_110 : vector<512x1xf32> to vector<512x2048xf32>
    %eq3A_112 = arith.cmpf oeq, %neg3A_70, %eq3A_111 : vector<512x2048xf32>
    %jit3A_113 = arith.constant -3.000000e+38 : f32
    %broadcast_in_dim3A_114 = vector.broadcast %jit3A_113 : f32 to vector<512x2048xf32>
    %select_n3A_115 = arith.select %eq3A_112, %broadcast_in_dim3A_114, %select_n3A_99 : vector<512x2048xi1>, vector<512x2048xf32>
    %reduce_max3A_116 = arith.constant dense<0xFF800000> : vector<512xf32>
    %reduce_max3A_117 = vector.multi_reduction <maximumf>, %select_n3A_115, %reduce_max3A_116 [1] : vector<512x2048xf32> to vector<512xf32>
    %broadcast_in_dim3A_118 = vector.shape_cast %reduce_max3A_117 : vector<512xf32> to vector<512x1xf32>
    %eq3A_119 = vector.broadcast %broadcast_in_dim3A_118 : vector<512x1xf32> to vector<512x2048xf32>
    %eq3A_120 = arith.cmpf oeq, %select_n3A_115, %eq3A_119 : vector<512x2048xf32>
    %jit3A_121 = arith.constant -2.048000e+03 : f32
    %broadcast_in_dim3A_122 = vector.broadcast %jit3A_121 : f32 to vector<512x2048xf32>
    %select_n3A_123 = arith.select %eq3A_120, %neg3A_70, %broadcast_in_dim3A_122 : vector<512x2048xi1>, vector<512x2048xf32>
    %reduce_max3A_124 = arith.constant dense<0xFF800000> : vector<512xf32>
    %reduce_max3A_125 = vector.multi_reduction <maximumf>, %select_n3A_123, %reduce_max3A_124 [1] : vector<512x2048xf32> to vector<512xf32>
    %broadcast_in_dim3A_126 = vector.shape_cast %reduce_max3A_125 : vector<512xf32> to vector<512x1xf32>
    %eq3A_127 = vector.broadcast %broadcast_in_dim3A_126 : vector<512x1xf32> to vector<512x2048xf32>
    %eq3A_128 = arith.cmpf oeq, %neg3A_70, %eq3A_127 : vector<512x2048xf32>
    %jit3A_129 = arith.constant -3.000000e+38 : f32
    %broadcast_in_dim3A_130 = vector.broadcast %jit3A_129 : f32 to vector<512x2048xf32>
    %select_n3A_131 = arith.select %eq3A_128, %broadcast_in_dim3A_130, %select_n3A_115 : vector<512x2048xi1>, vector<512x2048xf32>
    %reduce_max3A_132 = arith.constant dense<0xFF800000> : vector<512xf32>
    %reduce_max3A_133 = vector.multi_reduction <maximumf>, %select_n3A_131, %reduce_max3A_132 [1] : vector<512x2048xf32> to vector<512xf32>
    %broadcast_in_dim3A_134 = vector.shape_cast %reduce_max3A_133 : vector<512xf32> to vector<512x1xf32>
    %eq3A_135 = vector.broadcast %broadcast_in_dim3A_134 : vector<512x1xf32> to vector<512x2048xf32>
    %eq3A_136 = arith.cmpf oeq, %select_n3A_131, %eq3A_135 : vector<512x2048xf32>
    %jit3A_137 = arith.constant -2.048000e+03 : f32
    %broadcast_in_dim3A_138 = vector.broadcast %jit3A_137 : f32 to vector<512x2048xf32>
    %select_n3A_139 = arith.select %eq3A_136, %neg3A_70, %broadcast_in_dim3A_138 : vector<512x2048xi1>, vector<512x2048xf32>
    %reduce_max3A_140 = arith.constant dense<0xFF800000> : vector<512xf32>
    %reduce_max3A_141 = vector.multi_reduction <maximumf>, %select_n3A_139, %reduce_max3A_140 [1] : vector<512x2048xf32> to vector<512xf32>
    %broadcast_in_dim3A_142 = vector.shape_cast %reduce_max3A_141 : vector<512xf32> to vector<512x1xf32>
    %eq3A_143 = vector.broadcast %broadcast_in_dim3A_142 : vector<512x1xf32> to vector<512x2048xf32>
    %eq3A_144 = arith.cmpf oeq, %neg3A_70, %eq3A_143 : vector<512x2048xf32>
    %jit3A_145 = arith.constant -3.000000e+38 : f32
    %broadcast_in_dim3A_146 = vector.broadcast %jit3A_145 : f32 to vector<512x2048xf32>
    %select_n3A_147 = arith.select %eq3A_144, %broadcast_in_dim3A_146, %select_n3A_131 : vector<512x2048xi1>, vector<512x2048xf32>
    %reduce_max3A_148 = arith.constant dense<0xFF800000> : vector<512xf32>
    %reduce_max3A_149 = vector.multi_reduction <maximumf>, %select_n3A_147, %reduce_max3A_148 [1] : vector<512x2048xf32> to vector<512xf32>
    %broadcast_in_dim3A_150 = vector.shape_cast %reduce_max3A_149 : vector<512xf32> to vector<512x1xf32>
    %eq3A_151 = vector.broadcast %broadcast_in_dim3A_150 : vector<512x1xf32> to vector<512x2048xf32>
    %eq3A_152 = arith.cmpf oeq, %select_n3A_147, %eq3A_151 : vector<512x2048xf32>
    %jit3A_153 = arith.constant -2.048000e+03 : f32
    %broadcast_in_dim3A_154 = vector.broadcast %jit3A_153 : f32 to vector<512x2048xf32>
    %select_n3A_155 = arith.select %eq3A_152, %neg3A_70, %broadcast_in_dim3A_154 : vector<512x2048xi1>, vector<512x2048xf32>
    %reduce_max3A_156 = arith.constant dense<0xFF800000> : vector<512xf32>
    %reduce_max3A_157 = vector.multi_reduction <maximumf>, %select_n3A_155, %reduce_max3A_156 [1] : vector<512x2048xf32> to vector<512xf32>
    %broadcast_in_dim3A_158 = vector.shape_cast %reduce_max3A_157 : vector<512xf32> to vector<512x1xf32>
    %eq3A_159 = vector.broadcast %broadcast_in_dim3A_158 : vector<512x1xf32> to vector<512x2048xf32>
    %eq3A_160 = arith.cmpf oeq, %neg3A_70, %eq3A_159 : vector<512x2048xf32>
    %jit3A_161 = arith.constant -3.000000e+38 : f32
    %broadcast_in_dim3A_162 = vector.broadcast %jit3A_161 : f32 to vector<512x2048xf32>
    %select_n3A_163 = arith.select %eq3A_160, %broadcast_in_dim3A_162, %select_n3A_147 : vector<512x2048xi1>, vector<512x2048xf32>
    %reduce_max3A_164 = arith.constant dense<0xFF800000> : vector<512xf32>
    %reduce_max3A_165 = vector.multi_reduction <maximumf>, %select_n3A_163, %reduce_max3A_164 [1] : vector<512x2048xf32> to vector<512xf32>
    %broadcast_in_dim3A_166 = vector.shape_cast %reduce_max3A_165 : vector<512xf32> to vector<512x1xf32>
    %eq3A_167 = vector.broadcast %broadcast_in_dim3A_166 : vector<512x1xf32> to vector<512x2048xf32>
    %eq3A_168 = arith.cmpf oeq, %select_n3A_163, %eq3A_167 : vector<512x2048xf32>
    %jit3A_169 = arith.constant -2.048000e+03 : f32
    %broadcast_in_dim3A_170 = vector.broadcast %jit3A_169 : f32 to vector<512x2048xf32>
    %select_n3A_171 = arith.select %eq3A_168, %neg3A_70, %broadcast_in_dim3A_170 : vector<512x2048xi1>, vector<512x2048xf32>
    %reduce_max3A_172 = arith.constant dense<0xFF800000> : vector<512xf32>
    %reduce_max3A_173 = vector.multi_reduction <maximumf>, %select_n3A_171, %reduce_max3A_172 [1] : vector<512x2048xf32> to vector<512xf32>
    %broadcast_in_dim3A_174 = vector.shape_cast %reduce_max3A_173 : vector<512xf32> to vector<512x1xf32>
    %eq3A_175 = vector.broadcast %broadcast_in_dim3A_174 : vector<512x1xf32> to vector<512x2048xf32>
    %eq3A_176 = arith.cmpf oeq, %neg3A_70, %eq3A_175 : vector<512x2048xf32>
    %jit3A_177 = arith.constant -3.000000e+38 : f32
    %broadcast_in_dim3A_178 = vector.broadcast %jit3A_177 : f32 to vector<512x2048xf32>
    %select_n3A_179 = arith.select %eq3A_176, %broadcast_in_dim3A_178, %select_n3A_163 : vector<512x2048xi1>, vector<512x2048xf32>
    %reduce_max3A_180 = arith.constant dense<0xFF800000> : vector<512xf32>
    %reduce_max3A_181 = vector.multi_reduction <maximumf>, %select_n3A_179, %reduce_max3A_180 [1] : vector<512x2048xf32> to vector<512xf32>
    %broadcast_in_dim3A_182 = vector.shape_cast %reduce_max3A_181 : vector<512xf32> to vector<512x1xf32>
    %eq3A_183 = vector.broadcast %broadcast_in_dim3A_182 : vector<512x1xf32> to vector<512x2048xf32>
    %eq3A_184 = arith.cmpf oeq, %select_n3A_179, %eq3A_183 : vector<512x2048xf32>
    %jit3A_185 = arith.constant -2.048000e+03 : f32
    %broadcast_in_dim3A_186 = vector.broadcast %jit3A_185 : f32 to vector<512x2048xf32>
    %select_n3A_187 = arith.select %eq3A_184, %neg3A_70, %broadcast_in_dim3A_186 : vector<512x2048xi1>, vector<512x2048xf32>
    %reduce_max3A_188 = arith.constant dense<0xFF800000> : vector<512xf32>
    %reduce_max3A_189 = vector.multi_reduction <maximumf>, %select_n3A_187, %reduce_max3A_188 [1] : vector<512x2048xf32> to vector<512xf32>
    %broadcast_in_dim3A_190 = vector.shape_cast %reduce_max3A_189 : vector<512xf32> to vector<512x1xf32>
    %eq3A_191 = vector.broadcast %broadcast_in_dim3A_190 : vector<512x1xf32> to vector<512x2048xf32>
    %eq3A_192 = arith.cmpf oeq, %neg3A_70, %eq3A_191 : vector<512x2048xf32>
    %jit3A_193 = arith.constant -3.000000e+38 : f32
    %broadcast_in_dim3A_194 = vector.broadcast %jit3A_193 : f32 to vector<512x2048xf32>
    %select_n3A_195 = arith.select %eq3A_192, %broadcast_in_dim3A_194, %select_n3A_179 : vector<512x2048xi1>, vector<512x2048xf32>
    %reduce_max3A_196 = arith.constant dense<0xFF800000> : vector<512xf32>
    %reduce_max3A_197 = vector.multi_reduction <maximumf>, %select_n3A_195, %reduce_max3A_196 [1] : vector<512x2048xf32> to vector<512xf32>
    %broadcast_in_dim3A_198 = vector.shape_cast %reduce_max3A_197 : vector<512xf32> to vector<512x1xf32>
    %eq3A_199 = vector.broadcast %broadcast_in_dim3A_198 : vector<512x1xf32> to vector<512x2048xf32>
    %eq3A_200 = arith.cmpf oeq, %select_n3A_195, %eq3A_199 : vector<512x2048xf32>
    %jit3A_201 = arith.constant -2.048000e+03 : f32
    %broadcast_in_dim3A_202 = vector.broadcast %jit3A_201 : f32 to vector<512x2048xf32>
    %select_n3A_203 = arith.select %eq3A_200, %neg3A_70, %broadcast_in_dim3A_202 : vector<512x2048xi1>, vector<512x2048xf32>
    %reduce_max3A_204 = arith.constant dense<0xFF800000> : vector<512xf32>
    %reduce_max3A_205 = vector.multi_reduction <maximumf>, %select_n3A_203, %reduce_max3A_204 [1] : vector<512x2048xf32> to vector<512xf32>
    %broadcast_in_dim3A_206 = vector.shape_cast %reduce_max3A_205 : vector<512xf32> to vector<512x1xf32>
    %eq3A_207 = vector.broadcast %broadcast_in_dim3A_206 : vector<512x1xf32> to vector<512x2048xf32>
    %eq3A_208 = arith.cmpf oeq, %neg3A_70, %eq3A_207 : vector<512x2048xf32>
    %jit3A_209 = arith.constant -3.000000e+38 : f32
    %broadcast_in_dim3A_210 = vector.broadcast %jit3A_209 : f32 to vector<512x2048xf32>
    %select_n3A_211 = arith.select %eq3A_208, %broadcast_in_dim3A_210, %select_n3A_195 : vector<512x2048xi1>, vector<512x2048xf32>
    %reduce_max3A_212 = arith.constant dense<0xFF800000> : vector<512xf32>
    %reduce_max3A_213 = vector.multi_reduction <maximumf>, %select_n3A_211, %reduce_max3A_212 [1] : vector<512x2048xf32> to vector<512xf32>
    %broadcast_in_dim3A_214 = vector.shape_cast %reduce_max3A_213 : vector<512xf32> to vector<512x1xf32>
    %eq3A_215 = vector.broadcast %broadcast_in_dim3A_214 : vector<512x1xf32> to vector<512x2048xf32>
    %eq3A_216 = arith.cmpf oeq, %select_n3A_211, %eq3A_215 : vector<512x2048xf32>
    %jit3A_217 = arith.constant -2.048000e+03 : f32
    %broadcast_in_dim3A_218 = vector.broadcast %jit3A_217 : f32 to vector<512x2048xf32>
    %select_n3A_219 = arith.select %eq3A_216, %neg3A_70, %broadcast_in_dim3A_218 : vector<512x2048xi1>, vector<512x2048xf32>
    %reduce_max3A_220 = arith.constant dense<0xFF800000> : vector<512xf32>
    %reduce_max3A_221 = vector.multi_reduction <maximumf>, %select_n3A_219, %reduce_max3A_220 [1] : vector<512x2048xf32> to vector<512xf32>
    %broadcast_in_dim3A_222 = vector.shape_cast %reduce_max3A_221 : vector<512xf32> to vector<512x1xf32>
    %eq3A_223 = vector.broadcast %broadcast_in_dim3A_222 : vector<512x1xf32> to vector<512x2048xf32>
    %eq3A_224 = arith.cmpf oeq, %neg3A_70, %eq3A_223 : vector<512x2048xf32>
    %jit3A_225 = arith.constant -3.000000e+38 : f32
    %broadcast_in_dim3A_226 = vector.broadcast %jit3A_225 : f32 to vector<512x2048xf32>
    %select_n3A_227 = arith.select %eq3A_224, %broadcast_in_dim3A_226, %select_n3A_211 : vector<512x2048xi1>, vector<512x2048xf32>
    %reduce_max3A_228 = arith.constant dense<0xFF800000> : vector<512xf32>
    %reduce_max3A_229 = vector.multi_reduction <maximumf>, %select_n3A_227, %reduce_max3A_228 [1] : vector<512x2048xf32> to vector<512xf32>
    %broadcast_in_dim3A_230 = vector.shape_cast %reduce_max3A_229 : vector<512xf32> to vector<512x1xf32>
    %eq3A_231 = vector.broadcast %broadcast_in_dim3A_230 : vector<512x1xf32> to vector<512x2048xf32>
    %eq3A_232 = arith.cmpf oeq, %select_n3A_227, %eq3A_231 : vector<512x2048xf32>
    %jit3A_233 = arith.constant -2.048000e+03 : f32
    %broadcast_in_dim3A_234 = vector.broadcast %jit3A_233 : f32 to vector<512x2048xf32>
    %select_n3A_235 = arith.select %eq3A_232, %neg3A_70, %broadcast_in_dim3A_234 : vector<512x2048xi1>, vector<512x2048xf32>
    %reduce_max3A_236 = arith.constant dense<0xFF800000> : vector<512xf32>
    %reduce_max3A_237 = vector.multi_reduction <maximumf>, %select_n3A_235, %reduce_max3A_236 [1] : vector<512x2048xf32> to vector<512xf32>
    %broadcast_in_dim3A_238 = vector.shape_cast %reduce_max3A_237 : vector<512xf32> to vector<512x1xf32>
    %eq3A_239 = vector.broadcast %broadcast_in_dim3A_238 : vector<512x1xf32> to vector<512x2048xf32>
    %eq3A_240 = arith.cmpf oeq, %neg3A_70, %eq3A_239 : vector<512x2048xf32>
    %jit3A_241 = arith.constant -3.000000e+38 : f32
    %broadcast_in_dim3A_242 = vector.broadcast %jit3A_241 : f32 to vector<512x2048xf32>
    %select_n3A_243 = arith.select %eq3A_240, %broadcast_in_dim3A_242, %select_n3A_227 : vector<512x2048xi1>, vector<512x2048xf32>
    %reduce_max3A_244 = arith.constant dense<0xFF800000> : vector<512xf32>
    %reduce_max3A_245 = vector.multi_reduction <maximumf>, %select_n3A_243, %reduce_max3A_244 [1] : vector<512x2048xf32> to vector<512xf32>
    %broadcast_in_dim3A_246 = vector.shape_cast %reduce_max3A_245 : vector<512xf32> to vector<512x1xf32>
    %eq3A_247 = vector.broadcast %broadcast_in_dim3A_246 : vector<512x1xf32> to vector<512x2048xf32>
    %eq3A_248 = arith.cmpf oeq, %select_n3A_243, %eq3A_247 : vector<512x2048xf32>
    %jit3A_249 = arith.constant -2.048000e+03 : f32
    %broadcast_in_dim3A_250 = vector.broadcast %jit3A_249 : f32 to vector<512x2048xf32>
    %select_n3A_251 = arith.select %eq3A_248, %neg3A_70, %broadcast_in_dim3A_250 : vector<512x2048xi1>, vector<512x2048xf32>
    %reduce_max3A_252 = arith.constant dense<0xFF800000> : vector<512xf32>
    %reduce_max3A_253 = vector.multi_reduction <maximumf>, %select_n3A_251, %reduce_max3A_252 [1] : vector<512x2048xf32> to vector<512xf32>
    %broadcast_in_dim3A_254 = vector.shape_cast %reduce_max3A_253 : vector<512xf32> to vector<512x1xf32>
    %eq3A_255 = vector.broadcast %broadcast_in_dim3A_254 : vector<512x1xf32> to vector<512x2048xf32>
    %eq3A_256 = arith.cmpf oeq, %neg3A_70, %eq3A_255 : vector<512x2048xf32>
    %jit3A_257 = arith.constant -3.000000e+38 : f32
    %broadcast_in_dim3A_258 = vector.broadcast %jit3A_257 : f32 to vector<512x2048xf32>
    %select_n3A_259 = arith.select %eq3A_256, %broadcast_in_dim3A_258, %select_n3A_243 : vector<512x2048xi1>, vector<512x2048xf32>
    %reduce_max3A_260 = arith.constant dense<0xFF800000> : vector<512xf32>
    %reduce_max3A_261 = vector.multi_reduction <maximumf>, %select_n3A_259, %reduce_max3A_260 [1] : vector<512x2048xf32> to vector<512xf32>
    %broadcast_in_dim3A_262 = vector.shape_cast %reduce_max3A_261 : vector<512xf32> to vector<512x1xf32>
    %eq3A_263 = vector.broadcast %broadcast_in_dim3A_262 : vector<512x1xf32> to vector<512x2048xf32>
    %eq3A_264 = arith.cmpf oeq, %select_n3A_259, %eq3A_263 : vector<512x2048xf32>
    %jit3A_265 = arith.constant -2.048000e+03 : f32
    %broadcast_in_dim3A_266 = vector.broadcast %jit3A_265 : f32 to vector<512x2048xf32>
    %select_n3A_267 = arith.select %eq3A_264, %neg3A_70, %broadcast_in_dim3A_266 : vector<512x2048xi1>, vector<512x2048xf32>
    %reduce_max3A_268 = arith.constant dense<0xFF800000> : vector<512xf32>
    %reduce_max3A_269 = vector.multi_reduction <maximumf>, %select_n3A_267, %reduce_max3A_268 [1] : vector<512x2048xf32> to vector<512xf32>
    %broadcast_in_dim3A_270 = vector.shape_cast %reduce_max3A_269 : vector<512xf32> to vector<512x1xf32>
    %eq3A_271 = vector.broadcast %broadcast_in_dim3A_270 : vector<512x1xf32> to vector<512x2048xf32>
    %eq3A_272 = arith.cmpf oeq, %neg3A_70, %eq3A_271 : vector<512x2048xf32>
    %jit3A_273 = arith.constant -3.000000e+38 : f32
    %broadcast_in_dim3A_274 = vector.broadcast %jit3A_273 : f32 to vector<512x2048xf32>
    %select_n3A_275 = arith.select %eq3A_272, %broadcast_in_dim3A_274, %select_n3A_259 : vector<512x2048xi1>, vector<512x2048xf32>
    %reduce_max3A_276 = arith.constant dense<0xFF800000> : vector<512xf32>
    %reduce_max3A_277 = vector.multi_reduction <maximumf>, %select_n3A_275, %reduce_max3A_276 [1] : vector<512x2048xf32> to vector<512xf32>
    %broadcast_in_dim3A_278 = vector.shape_cast %reduce_max3A_277 : vector<512xf32> to vector<512x1xf32>
    %eq3A_279 = vector.broadcast %broadcast_in_dim3A_278 : vector<512x1xf32> to vector<512x2048xf32>
    %eq3A_280 = arith.cmpf oeq, %select_n3A_275, %eq3A_279 : vector<512x2048xf32>
    %jit3A_281 = arith.constant -2.048000e+03 : f32
    %broadcast_in_dim3A_282 = vector.broadcast %jit3A_281 : f32 to vector<512x2048xf32>
    %select_n3A_283 = arith.select %eq3A_280, %neg3A_70, %broadcast_in_dim3A_282 : vector<512x2048xi1>, vector<512x2048xf32>
    %reduce_max3A_284 = arith.constant dense<0xFF800000> : vector<512xf32>
    %reduce_max3A_285 = vector.multi_reduction <maximumf>, %select_n3A_283, %reduce_max3A_284 [1] : vector<512x2048xf32> to vector<512xf32>
    %broadcast_in_dim3A_286 = vector.shape_cast %reduce_max3A_285 : vector<512xf32> to vector<512x1xf32>
    %eq3A_287 = vector.broadcast %broadcast_in_dim3A_286 : vector<512x1xf32> to vector<512x2048xf32>
    %eq3A_288 = arith.cmpf oeq, %neg3A_70, %eq3A_287 : vector<512x2048xf32>
    %jit3A_289 = arith.constant -3.000000e+38 : f32
    %broadcast_in_dim3A_290 = vector.broadcast %jit3A_289 : f32 to vector<512x2048xf32>
    %select_n3A_291 = arith.select %eq3A_288, %broadcast_in_dim3A_290, %select_n3A_275 : vector<512x2048xi1>, vector<512x2048xf32>
    %reduce_max3A_292 = arith.constant dense<0xFF800000> : vector<512xf32>
    %reduce_max3A_293 = vector.multi_reduction <maximumf>, %select_n3A_291, %reduce_max3A_292 [1] : vector<512x2048xf32> to vector<512xf32>
    %broadcast_in_dim3A_294 = vector.shape_cast %reduce_max3A_293 : vector<512xf32> to vector<512x1xf32>
    %eq3A_295 = vector.broadcast %broadcast_in_dim3A_294 : vector<512x1xf32> to vector<512x2048xf32>
    %eq3A_296 = arith.cmpf oeq, %select_n3A_291, %eq3A_295 : vector<512x2048xf32>
    %jit3A_297 = arith.constant -2.048000e+03 : f32
    %broadcast_in_dim3A_298 = vector.broadcast %jit3A_297 : f32 to vector<512x2048xf32>
    %select_n3A_299 = arith.select %eq3A_296, %neg3A_70, %broadcast_in_dim3A_298 : vector<512x2048xi1>, vector<512x2048xf32>
    %reduce_max3A_300 = arith.constant dense<0xFF800000> : vector<512xf32>
    %reduce_max3A_301 = vector.multi_reduction <maximumf>, %select_n3A_299, %reduce_max3A_300 [1] : vector<512x2048xf32> to vector<512xf32>
    %broadcast_in_dim3A_302 = vector.shape_cast %reduce_max3A_301 : vector<512xf32> to vector<512x1xf32>
    %eq3A_303 = vector.broadcast %broadcast_in_dim3A_302 : vector<512x1xf32> to vector<512x2048xf32>
    %eq3A_304 = arith.cmpf oeq, %neg3A_70, %eq3A_303 : vector<512x2048xf32>
    %jit3A_305 = arith.constant -3.000000e+38 : f32
    %broadcast_in_dim3A_306 = vector.broadcast %jit3A_305 : f32 to vector<512x2048xf32>
    %select_n3A_307 = arith.select %eq3A_304, %broadcast_in_dim3A_306, %select_n3A_291 : vector<512x2048xi1>, vector<512x2048xf32>
    %reduce_max3A_308 = arith.constant dense<0xFF800000> : vector<512xf32>
    %reduce_max3A_309 = vector.multi_reduction <maximumf>, %select_n3A_307, %reduce_max3A_308 [1] : vector<512x2048xf32> to vector<512xf32>
    %broadcast_in_dim3A_310 = vector.shape_cast %reduce_max3A_309 : vector<512xf32> to vector<512x1xf32>
    %eq3A_311 = vector.broadcast %broadcast_in_dim3A_310 : vector<512x1xf32> to vector<512x2048xf32>
    %eq3A_312 = arith.cmpf oeq, %select_n3A_307, %eq3A_311 : vector<512x2048xf32>
    %jit3A_313 = arith.constant -2.048000e+03 : f32
    %broadcast_in_dim3A_314 = vector.broadcast %jit3A_313 : f32 to vector<512x2048xf32>
    %select_n3A_315 = arith.select %eq3A_312, %neg3A_70, %broadcast_in_dim3A_314 : vector<512x2048xi1>, vector<512x2048xf32>
    %reduce_max3A_316 = arith.constant dense<0xFF800000> : vector<512xf32>
    %reduce_max3A_317 = vector.multi_reduction <maximumf>, %select_n3A_315, %reduce_max3A_316 [1] : vector<512x2048xf32> to vector<512xf32>
    %broadcast_in_dim3A_318 = vector.shape_cast %reduce_max3A_317 : vector<512xf32> to vector<512x1xf32>
    %concatenate3A = tpu.concatenate %neg3A_79, %broadcast_in_dim3A_94, %broadcast_in_dim3A_110, %broadcast_in_dim3A_126, %broadcast_in_dim3A_142, %broadcast_in_dim3A_158, %broadcast_in_dim3A_174, %broadcast_in_dim3A_190, %broadcast_in_dim3A_206, %broadcast_in_dim3A_222, %broadcast_in_dim3A_238, %broadcast_in_dim3A_254, %broadcast_in_dim3A_270, %broadcast_in_dim3A_286, %broadcast_in_dim3A_302, %broadcast_in_dim3A_318 in 1 : vector<512x1xf32>, vector<512x1xf32>, vector<512x1xf32>, vector<512x1xf32>, vector<512x1xf32>, vector<512x1xf32>, vector<512x1xf32>, vector<512x1xf32>, vector<512x1xf32>, vector<512x1xf32>, vector<512x1xf32>, vector<512x1xf32>, vector<512x1xf32>, vector<512x1xf32>, vector<512x1xf32>, vector<512x1xf32> -> vector<512x16xf32>
    %neg3A_319 = arith.constant 0.000000e+00 : f32
    %neg3A_320 = vector.broadcast %neg3A_319 : f32 to vector<512x16xf32>
    %neg3A_321 = arith.subf %neg3A_320, %concatenate3A : vector<512x16xf32>
    %convert_element_type3A_322 = arith.fptosi %neg3A_321 : vector<512x16xf32> to vector<512x16xi32>
    %add3A_323 = vector.broadcast %mul3A_31 : i32 to vector<512x16xi32>
    %add3A_324 = arith.addi %convert_element_type3A_322, %add3A_323 : vector<512x16xi32>
    %swap3A = arith.constant 0 : index
    %swap3A_325 = arith.constant 0 : index
    %swap3A_326 = arith.constant 0 : index
    %swap3A_327 = vector.load %arg3[%swap3A, %swap3A_325, %swap3A_326] : memref<1x512x16xi32, #tpu.memory_space<vmem>>, vector<1x512x16xi32>
    %swap3A_328 = vector.shape_cast %swap3A_327 : vector<1x512x16xi32> to vector<512x16xi32>
    %swap3A_329 = vector.shape_cast %add3A_324 : vector<512x16xi32> to vector<1x512x16xi32>
    tpu.vector_store %arg3[%swap3A, %swap3A_325, %swap3A_326], %swap3A_329 {strides = array<i32>} : memref<1x512x16xi32, #tpu.memory_space<vmem>>, vector<1x512x16xi32>,
    return
  }
  func.func @transform_0(%arg0: i32) -> (i32, i32, i32) {
    %jit3A = arith.constant 4 : i32
    %div3A = arith.divsi %arg0, %jit3A : i32
    %sign3A = arith.constant 0 : i32
    %sign3A_0 = arith.cmpi sgt, %arg0, %sign3A : i32
    %sign3A_1 = arith.extui %sign3A_0 : i1 to i32
    %sign3A_2 = arith.constant 0 : i32
    %sign3A_3 = arith.cmpi slt, %arg0, %sign3A_2 : i32
    %sign3A_4 = arith.extui %sign3A_3 : i1 to i32
    %sign3A_5 = arith.subi %sign3A_1, %sign3A_4 : i32
    %sign3A_6 = arith.constant 0 : i32
    %sign3A_7 = arith.cmpi sgt, %jit3A, %sign3A_6 : i32
    %sign3A_8 = arith.extui %sign3A_7 : i1 to i32
    %sign3A_9 = arith.constant 0 : i32
    %sign3A_10 = arith.cmpi slt, %jit3A, %sign3A_9 : i32
    %sign3A_11 = arith.extui %sign3A_10 : i1 to i32
    %sign3A_12 = arith.subi %sign3A_8, %sign3A_11 : i32
    %ne3A = arith.cmpi ne, %sign3A_5, %sign3A_12 : i32
    %rem3A = arith.remsi %arg0, %jit3A : i32
    %ne3A_13 = arith.constant 0 : i32
    %ne3A_14 = arith.cmpi ne, %rem3A, %ne3A_13 : i32
    %and3A = arith.andi %ne3A, %ne3A_14 : i1
    %sub3A = arith.constant 1 : i32
    %sub3A_15 = arith.subi %div3A, %sub3A : i32
    %select_n3A = arith.select %and3A, %sub3A_15, %div3A : i32
    %add3A = arith.constant 2 : i32
    %add3A_16 = arith.addi %add3A, %select_n3A : i32
    %c0_i32 = arith.constant 0 : i32
    %c0_i32_17 = arith.constant 0 : i32
    %c0_i32_18 = arith.constant 0 : i32
    return %add3A_16, %c0_i32, %c0_i32_17 : i32, i32, i32
  }
  func.func @transform_1(%arg0: i32) -> (i32, i32, i32) {
    %jit3A = arith.constant 4 : i32
    %div3A = arith.divsi %arg0, %jit3A : i32
    %sign3A = arith.constant 0 : i32
    %sign3A_0 = arith.cmpi sgt, %arg0, %sign3A : i32
    %sign3A_1 = arith.extui %sign3A_0 : i1 to i32
    %sign3A_2 = arith.constant 0 : i32
    %sign3A_3 = arith.cmpi slt, %arg0, %sign3A_2 : i32
    %sign3A_4 = arith.extui %sign3A_3 : i1 to i32
    %sign3A_5 = arith.subi %sign3A_1, %sign3A_4 : i32
    %sign3A_6 = arith.constant 0 : i32
    %sign3A_7 = arith.cmpi sgt, %jit3A, %sign3A_6 : i32
    %sign3A_8 = arith.extui %sign3A_7 : i1 to i32
    %sign3A_9 = arith.constant 0 : i32
    %sign3A_10 = arith.cmpi slt, %jit3A, %sign3A_9 : i32
    %sign3A_11 = arith.extui %sign3A_10 : i1 to i32
    %sign3A_12 = arith.subi %sign3A_8, %sign3A_11 : i32
    %ne3A = arith.cmpi ne, %sign3A_5, %sign3A_12 : i32
    %rem3A = arith.remsi %arg0, %jit3A : i32
    %ne3A_13 = arith.constant 0 : i32
    %ne3A_14 = arith.cmpi ne, %rem3A, %ne3A_13 : i32
    %and3A = arith.andi %ne3A, %ne3A_14 : i1
    %sub3A = arith.constant 1 : i32
    %sub3A_15 = arith.subi %div3A, %sub3A : i32
    %select_n3A = arith.select %and3A, %sub3A_15, %div3A : i32
    %add3A = arith.constant 2 : i32
    %add3A_16 = arith.addi %add3A, %select_n3A : i32
    %jit3A_17 = arith.constant 4 : i32
    %eq3A = arith.constant 0 : i32
    %eq3A_18 = arith.cmpi eq, %jit3A_17, %eq3A : i32
    %jit3A_19 = arith.constant 1 : i32
    %select_n3A_20 = arith.select %eq3A_18, %jit3A_19, %jit3A_17 : i32
    %rem3A_21 = arith.remsi %arg0, %select_n3A_20 : i32
    %ne3A_22 = arith.constant 0 : i32
    %ne3A_23 = arith.cmpi ne, %rem3A_21, %ne3A_22 : i32
    %lt3A = arith.constant 0 : i32
    %lt3A_24 = arith.cmpi slt, %rem3A_21, %lt3A : i32
    %lt3A_25 = arith.constant 0 : i32
    %lt3A_26 = arith.cmpi slt, %select_n3A_20, %lt3A_25 : i32
    %ne3A_27 = arith.xori %lt3A_24, %lt3A_26 : i1
    %and3A_28 = arith.andi %ne3A_27, %ne3A_23 : i1
    %add3A_29 = arith.addi %rem3A_21, %select_n3A_20 : i32
    %select_n3A_30 = arith.select %and3A_28, %add3A_29, %rem3A_21 : i32
    %c0_i32 = arith.constant 0 : i32
    %c0_i32_31 = arith.constant 0 : i32
    return %add3A_16, %c0_i32, %select_n3A_30 : i32, i32, i32
  }
  func.func @transform_2(%arg0: i32) -> (i32, i32, i32) {
    %jit3A = arith.constant 4 : i32
    %div3A = arith.divsi %arg0, %jit3A : i32
    %sign3A = arith.constant 0 : i32
    %sign3A_0 = arith.cmpi sgt, %arg0, %sign3A : i32
    %sign3A_1 = arith.extui %sign3A_0 : i1 to i32
    %sign3A_2 = arith.constant 0 : i32
    %sign3A_3 = arith.cmpi slt, %arg0, %sign3A_2 : i32
    %sign3A_4 = arith.extui %sign3A_3 : i1 to i32
    %sign3A_5 = arith.subi %sign3A_1, %sign3A_4 : i32
    %sign3A_6 = arith.constant 0 : i32
    %sign3A_7 = arith.cmpi sgt, %jit3A, %sign3A_6 : i32
    %sign3A_8 = arith.extui %sign3A_7 : i1 to i32
    %sign3A_9 = arith.constant 0 : i32
    %sign3A_10 = arith.cmpi slt, %jit3A, %sign3A_9 : i32
    %sign3A_11 = arith.extui %sign3A_10 : i1 to i32
    %sign3A_12 = arith.subi %sign3A_8, %sign3A_11 : i32
    %ne3A = arith.cmpi ne, %sign3A_5, %sign3A_12 : i32
    %rem3A = arith.remsi %arg0, %jit3A : i32
    %ne3A_13 = arith.constant 0 : i32
    %ne3A_14 = arith.cmpi ne, %rem3A, %ne3A_13 : i32
    %and3A = arith.andi %ne3A, %ne3A_14 : i1
    %sub3A = arith.constant 1 : i32
    %sub3A_15 = arith.subi %div3A, %sub3A : i32
    %select_n3A = arith.select %and3A, %sub3A_15, %div3A : i32
    %jit3A_16 = arith.constant 4 : i32
    %eq3A = arith.constant 0 : i32
    %eq3A_17 = arith.cmpi eq, %jit3A_16, %eq3A : i32
    %jit3A_18 = arith.constant 1 : i32
    %select_n3A_19 = arith.select %eq3A_17, %jit3A_18, %jit3A_16 : i32
    %rem3A_20 = arith.remsi %arg0, %select_n3A_19 : i32
    %ne3A_21 = arith.constant 0 : i32
    %ne3A_22 = arith.cmpi ne, %rem3A_20, %ne3A_21 : i32
    %lt3A = arith.constant 0 : i32
    %lt3A_23 = arith.cmpi slt, %rem3A_20, %lt3A : i32
    %lt3A_24 = arith.constant 0 : i32
    %lt3A_25 = arith.cmpi slt, %select_n3A_19, %lt3A_24 : i32
    %ne3A_26 = arith.xori %lt3A_23, %lt3A_25 : i1
    %and3A_27 = arith.andi %ne3A_26, %ne3A_22 : i1
    %add3A = arith.addi %rem3A_20, %select_n3A_19 : i32
    %select_n3A_28 = arith.select %and3A_27, %add3A, %rem3A_20 : i32
    %c0_i32 = arith.constant 0 : i32
    %c0_i32_29 = arith.constant 0 : i32
    return %select_n3A, %select_n3A_28, %c0_i32 : i32, i32, i32
  }
}

module attributes {stable_mosaic.version = 14 : i64} {
  func.func @_edge_body(%arg0: i32, %arg1: memref<8192x128xf32, #tpu.memory_space<vmem>>, %arg2: memref<1x512x128xf32, #tpu.memory_space<vmem>>, %arg3: memref<1x128x512xf32, #tpu.memory_space<vmem>>, %arg4: memref<128x128xf32, #tpu.memory_space<vmem>>, %arg5: memref<1x128xf32, #tpu.memory_space<vmem>>, %arg6: memref<128x128xf32, #tpu.memory_space<vmem>>, %arg7: memref<128x1xf32, #tpu.memory_space<vmem>>, %arg8: memref<1x128x512xf32, #tpu.memory_space<vmem>>) attributes {dimension_semantics = [#tpu.dimension_semantics<arbitrary>], iteration_bounds = array<i64: 8>, scalar_prefetch = 0 : i64, scratch_operands = 0 : i64, tpu.core_type = #tpu.core_type<tc>, window_params = [{transform_indices = @transform_0, window_bounds = array<i64: 8192, 128>}, {transform_indices = @transform_1, window_bounds = array<i64: 1, 512, 128>}, {transform_indices = @transform_2, window_bounds = array<i64: 1, 128, 512>}, {pipeline_mode = #tpu.pipeline_mode<synchronous>, transform_indices = @transform_3, window_bounds = array<i64: 128, 128>}, {pipeline_mode = #tpu.pipeline_mode<synchronous>, transform_indices = @transform_4, window_bounds = array<i64: 1, 128>}, {pipeline_mode = #tpu.pipeline_mode<synchronous>, transform_indices = @transform_5, window_bounds = array<i64: 128, 128>}, {pipeline_mode = #tpu.pipeline_mode<synchronous>, transform_indices = @transform_6, window_bounds = array<i64: 128, 1>}, {transform_indices = @transform_7, window_bounds = array<i64: 1, 128, 512>}]} {
    %get3A = arith.constant 0 : index
    %get3A_0 = arith.constant 0 : index
    %get3A_1 = vector.load %arg1[%get3A, %get3A_0] : memref<8192x128xf32, #tpu.memory_space<vmem>>, vector<8192x128xf32>
    %reshape3A = vector.shape_cast %get3A_1 : vector<8192x128xf32> to vector<512x16x128xf32>
    %get3A_2 = arith.constant 0 : index
    %get3A_3 = arith.constant 0 : index
    %get3A_4 = arith.constant 0 : index
    %get3A_5 = vector.load %arg2[%get3A_2, %get3A_3, %get3A_4] : memref<1x512x128xf32, #tpu.memory_space<vmem>>, vector<1x512x128xf32>
    %get3A_6 = vector.shape_cast %get3A_5 : vector<1x512x128xf32> to vector<512x128xf32>
    %broadcast_in_dim3A = vector.shape_cast %get3A_6 : vector<512x128xf32> to vector<512x1x128xf32>
    %add3A = vector.broadcast %broadcast_in_dim3A : vector<512x1x128xf32> to vector<512x16x128xf32>
    %add3A_7 = arith.addf %reshape3A, %add3A : vector<512x16x128xf32>
    %max3A = arith.constant 0.000000e+00 : f32
    %max3A_8 = vector.broadcast %max3A : f32 to vector<512x16x128xf32>
    %max3A_9 = arith.maximumf %add3A_7, %max3A_8 : vector<512x16x128xf32>
    %reshape3A_10 = vector.shape_cast %max3A_9 : vector<512x16x128xf32> to vector<8192x128xf32>
    %get3A_11 = arith.constant 0 : index
    %get3A_12 = arith.constant 0 : index
    %get3A_13 = vector.load %arg4[%get3A_11, %get3A_12] : memref<128x128xf32, #tpu.memory_space<vmem>>, vector<128x128xf32>
    %dot_general3A = arith.constant dense<0.000000e+00> : vector<8192x128xf32>
    %dot_general3A_14 = tpu.matmul %reshape3A_10, %get3A_13, %dot_general3A {dimension_numbers = #tpu.dot_dimension_numbers<[1], [0], [0], [1], [0, 0, 1, 1], [], []>, transpose_lhs_hint = false} : vector<8192x128xf32>, vector<128x128xf32>, vector<8192x128xf32> -> vector<8192x128xf32>
    %get3A_15 = arith.constant 0 : index
    %get3A_16 = arith.constant 0 : index
    %get3A_17 = vector.load %arg5[%get3A_15, %get3A_16] : memref<1x128xf32, #tpu.memory_space<vmem>>, vector<1x128xf32>
    %add3A_18 = vector.broadcast %get3A_17 : vector<1x128xf32> to vector<8192x128xf32>
    %add3A_19 = arith.addf %dot_general3A_14, %add3A_18 : vector<8192x128xf32>
    %max3A_20 = arith.constant 0.000000e+00 : f32
    %max3A_21 = vector.broadcast %max3A_20 : f32 to vector<8192x128xf32>
    %max3A_22 = arith.maximumf %add3A_19, %max3A_21 : vector<8192x128xf32>
    %reshape3A_23 = vector.shape_cast %max3A_22 : vector<8192x128xf32> to vector<512x16x128xf32>
    %get3A_24 = arith.constant 0 : index
    %get3A_25 = arith.constant 0 : index
    %get3A_26 = vector.load %arg6[%get3A_24, %get3A_25] : memref<128x128xf32, #tpu.memory_space<vmem>>, vector<128x128xf32>
    %broadcast_in_dim3A_27 = arith.constant -3.000000e+38 : f32
    %broadcast_in_dim3A_28 = vector.broadcast %broadcast_in_dim3A_27 : f32 to vector<128x512xf32>
    %slice3A = vector.extract_strided_slice %reshape3A_23 {offsets = [0, 0, 0], sizes = [512, 1, 128], strides = [1, 1, 1]} : vector<512x16x128xf32> to vector<512x1x128xf32>
    %squeeze3A = vector.shape_cast %slice3A : vector<512x1x128xf32> to vector<512x128xf32>
    %dot_general3A_29 = arith.constant dense<0.000000e+00> : vector<128x512xf32>
    %dot_general3A_30 = tpu.matmul %get3A_26, %squeeze3A, %dot_general3A_29 {dimension_numbers = #tpu.dot_dimension_numbers<[1], [1], [0], [0], [0, 0, 1, 0], [], []>, transpose_lhs_hint = false} : vector<128x128xf32>, vector<512x128xf32>, vector<128x512xf32> -> vector<128x512xf32>
    %max3A_31 = arith.maximumf %broadcast_in_dim3A_28, %dot_general3A_30 : vector<128x512xf32>
    %slice3A_32 = vector.extract_strided_slice %reshape3A_23 {offsets = [0, 1, 0], sizes = [512, 1, 128], strides = [1, 1, 1]} : vector<512x16x128xf32> to vector<512x1x128xf32>
    %squeeze3A_33 = vector.shape_cast %slice3A_32 : vector<512x1x128xf32> to vector<512x128xf32>
    %dot_general3A_34 = arith.constant dense<0.000000e+00> : vector<128x512xf32>
    %dot_general3A_35 = tpu.matmul %get3A_26, %squeeze3A_33, %dot_general3A_34 {dimension_numbers = #tpu.dot_dimension_numbers<[1], [1], [0], [0], [0, 0, 1, 0], [], []>, transpose_lhs_hint = false} : vector<128x128xf32>, vector<512x128xf32>, vector<128x512xf32> -> vector<128x512xf32>
    %max3A_36 = arith.maximumf %max3A_31, %dot_general3A_35 : vector<128x512xf32>
    %slice3A_37 = vector.extract_strided_slice %reshape3A_23 {offsets = [0, 2, 0], sizes = [512, 1, 128], strides = [1, 1, 1]} : vector<512x16x128xf32> to vector<512x1x128xf32>
    %squeeze3A_38 = vector.shape_cast %slice3A_37 : vector<512x1x128xf32> to vector<512x128xf32>
    %dot_general3A_39 = arith.constant dense<0.000000e+00> : vector<128x512xf32>
    %dot_general3A_40 = tpu.matmul %get3A_26, %squeeze3A_38, %dot_general3A_39 {dimension_numbers = #tpu.dot_dimension_numbers<[1], [1], [0], [0], [0, 0, 1, 0], [], []>, transpose_lhs_hint = false} : vector<128x128xf32>, vector<512x128xf32>, vector<128x512xf32> -> vector<128x512xf32>
    %max3A_41 = arith.maximumf %max3A_36, %dot_general3A_40 : vector<128x512xf32>
    %slice3A_42 = vector.extract_strided_slice %reshape3A_23 {offsets = [0, 3, 0], sizes = [512, 1, 128], strides = [1, 1, 1]} : vector<512x16x128xf32> to vector<512x1x128xf32>
    %squeeze3A_43 = vector.shape_cast %slice3A_42 : vector<512x1x128xf32> to vector<512x128xf32>
    %dot_general3A_44 = arith.constant dense<0.000000e+00> : vector<128x512xf32>
    %dot_general3A_45 = tpu.matmul %get3A_26, %squeeze3A_43, %dot_general3A_44 {dimension_numbers = #tpu.dot_dimension_numbers<[1], [1], [0], [0], [0, 0, 1, 0], [], []>, transpose_lhs_hint = false} : vector<128x128xf32>, vector<512x128xf32>, vector<128x512xf32> -> vector<128x512xf32>
    %max3A_46 = arith.maximumf %max3A_41, %dot_general3A_45 : vector<128x512xf32>
    %slice3A_47 = vector.extract_strided_slice %reshape3A_23 {offsets = [0, 4, 0], sizes = [512, 1, 128], strides = [1, 1, 1]} : vector<512x16x128xf32> to vector<512x1x128xf32>
    %squeeze3A_48 = vector.shape_cast %slice3A_47 : vector<512x1x128xf32> to vector<512x128xf32>
    %dot_general3A_49 = arith.constant dense<0.000000e+00> : vector<128x512xf32>
    %dot_general3A_50 = tpu.matmul %get3A_26, %squeeze3A_48, %dot_general3A_49 {dimension_numbers = #tpu.dot_dimension_numbers<[1], [1], [0], [0], [0, 0, 1, 0], [], []>, transpose_lhs_hint = false} : vector<128x128xf32>, vector<512x128xf32>, vector<128x512xf32> -> vector<128x512xf32>
    %max3A_51 = arith.maximumf %max3A_46, %dot_general3A_50 : vector<128x512xf32>
    %slice3A_52 = vector.extract_strided_slice %reshape3A_23 {offsets = [0, 5, 0], sizes = [512, 1, 128], strides = [1, 1, 1]} : vector<512x16x128xf32> to vector<512x1x128xf32>
    %squeeze3A_53 = vector.shape_cast %slice3A_52 : vector<512x1x128xf32> to vector<512x128xf32>
    %dot_general3A_54 = arith.constant dense<0.000000e+00> : vector<128x512xf32>
    %dot_general3A_55 = tpu.matmul %get3A_26, %squeeze3A_53, %dot_general3A_54 {dimension_numbers = #tpu.dot_dimension_numbers<[1], [1], [0], [0], [0, 0, 1, 0], [], []>, transpose_lhs_hint = false} : vector<128x128xf32>, vector<512x128xf32>, vector<128x512xf32> -> vector<128x512xf32>
    %max3A_56 = arith.maximumf %max3A_51, %dot_general3A_55 : vector<128x512xf32>
    %slice3A_57 = vector.extract_strided_slice %reshape3A_23 {offsets = [0, 6, 0], sizes = [512, 1, 128], strides = [1, 1, 1]} : vector<512x16x128xf32> to vector<512x1x128xf32>
    %squeeze3A_58 = vector.shape_cast %slice3A_57 : vector<512x1x128xf32> to vector<512x128xf32>
    %dot_general3A_59 = arith.constant dense<0.000000e+00> : vector<128x512xf32>
    %dot_general3A_60 = tpu.matmul %get3A_26, %squeeze3A_58, %dot_general3A_59 {dimension_numbers = #tpu.dot_dimension_numbers<[1], [1], [0], [0], [0, 0, 1, 0], [], []>, transpose_lhs_hint = false} : vector<128x128xf32>, vector<512x128xf32>, vector<128x512xf32> -> vector<128x512xf32>
    %max3A_61 = arith.maximumf %max3A_56, %dot_general3A_60 : vector<128x512xf32>
    %slice3A_62 = vector.extract_strided_slice %reshape3A_23 {offsets = [0, 7, 0], sizes = [512, 1, 128], strides = [1, 1, 1]} : vector<512x16x128xf32> to vector<512x1x128xf32>
    %squeeze3A_63 = vector.shape_cast %slice3A_62 : vector<512x1x128xf32> to vector<512x128xf32>
    %dot_general3A_64 = arith.constant dense<0.000000e+00> : vector<128x512xf32>
    %dot_general3A_65 = tpu.matmul %get3A_26, %squeeze3A_63, %dot_general3A_64 {dimension_numbers = #tpu.dot_dimension_numbers<[1], [1], [0], [0], [0, 0, 1, 0], [], []>, transpose_lhs_hint = false} : vector<128x128xf32>, vector<512x128xf32>, vector<128x512xf32> -> vector<128x512xf32>
    %max3A_66 = arith.maximumf %max3A_61, %dot_general3A_65 : vector<128x512xf32>
    %slice3A_67 = vector.extract_strided_slice %reshape3A_23 {offsets = [0, 8, 0], sizes = [512, 1, 128], strides = [1, 1, 1]} : vector<512x16x128xf32> to vector<512x1x128xf32>
    %squeeze3A_68 = vector.shape_cast %slice3A_67 : vector<512x1x128xf32> to vector<512x128xf32>
    %dot_general3A_69 = arith.constant dense<0.000000e+00> : vector<128x512xf32>
    %dot_general3A_70 = tpu.matmul %get3A_26, %squeeze3A_68, %dot_general3A_69 {dimension_numbers = #tpu.dot_dimension_numbers<[1], [1], [0], [0], [0, 0, 1, 0], [], []>, transpose_lhs_hint = false} : vector<128x128xf32>, vector<512x128xf32>, vector<128x512xf32> -> vector<128x512xf32>
    %max3A_71 = arith.maximumf %max3A_66, %dot_general3A_70 : vector<128x512xf32>
    %slice3A_72 = vector.extract_strided_slice %reshape3A_23 {offsets = [0, 9, 0], sizes = [512, 1, 128], strides = [1, 1, 1]} : vector<512x16x128xf32> to vector<512x1x128xf32>
    %squeeze3A_73 = vector.shape_cast %slice3A_72 : vector<512x1x128xf32> to vector<512x128xf32>
    %dot_general3A_74 = arith.constant dense<0.000000e+00> : vector<128x512xf32>
    %dot_general3A_75 = tpu.matmul %get3A_26, %squeeze3A_73, %dot_general3A_74 {dimension_numbers = #tpu.dot_dimension_numbers<[1], [1], [0], [0], [0, 0, 1, 0], [], []>, transpose_lhs_hint = false} : vector<128x128xf32>, vector<512x128xf32>, vector<128x512xf32> -> vector<128x512xf32>
    %max3A_76 = arith.maximumf %max3A_71, %dot_general3A_75 : vector<128x512xf32>
    %slice3A_77 = vector.extract_strided_slice %reshape3A_23 {offsets = [0, 10, 0], sizes = [512, 1, 128], strides = [1, 1, 1]} : vector<512x16x128xf32> to vector<512x1x128xf32>
    %squeeze3A_78 = vector.shape_cast %slice3A_77 : vector<512x1x128xf32> to vector<512x128xf32>
    %dot_general3A_79 = arith.constant dense<0.000000e+00> : vector<128x512xf32>
    %dot_general3A_80 = tpu.matmul %get3A_26, %squeeze3A_78, %dot_general3A_79 {dimension_numbers = #tpu.dot_dimension_numbers<[1], [1], [0], [0], [0, 0, 1, 0], [], []>, transpose_lhs_hint = false} : vector<128x128xf32>, vector<512x128xf32>, vector<128x512xf32> -> vector<128x512xf32>
    %max3A_81 = arith.maximumf %max3A_76, %dot_general3A_80 : vector<128x512xf32>
    %slice3A_82 = vector.extract_strided_slice %reshape3A_23 {offsets = [0, 11, 0], sizes = [512, 1, 128], strides = [1, 1, 1]} : vector<512x16x128xf32> to vector<512x1x128xf32>
    %squeeze3A_83 = vector.shape_cast %slice3A_82 : vector<512x1x128xf32> to vector<512x128xf32>
    %dot_general3A_84 = arith.constant dense<0.000000e+00> : vector<128x512xf32>
    %dot_general3A_85 = tpu.matmul %get3A_26, %squeeze3A_83, %dot_general3A_84 {dimension_numbers = #tpu.dot_dimension_numbers<[1], [1], [0], [0], [0, 0, 1, 0], [], []>, transpose_lhs_hint = false} : vector<128x128xf32>, vector<512x128xf32>, vector<128x512xf32> -> vector<128x512xf32>
    %max3A_86 = arith.maximumf %max3A_81, %dot_general3A_85 : vector<128x512xf32>
    %slice3A_87 = vector.extract_strided_slice %reshape3A_23 {offsets = [0, 12, 0], sizes = [512, 1, 128], strides = [1, 1, 1]} : vector<512x16x128xf32> to vector<512x1x128xf32>
    %squeeze3A_88 = vector.shape_cast %slice3A_87 : vector<512x1x128xf32> to vector<512x128xf32>
    %dot_general3A_89 = arith.constant dense<0.000000e+00> : vector<128x512xf32>
    %dot_general3A_90 = tpu.matmul %get3A_26, %squeeze3A_88, %dot_general3A_89 {dimension_numbers = #tpu.dot_dimension_numbers<[1], [1], [0], [0], [0, 0, 1, 0], [], []>, transpose_lhs_hint = false} : vector<128x128xf32>, vector<512x128xf32>, vector<128x512xf32> -> vector<128x512xf32>
    %max3A_91 = arith.maximumf %max3A_86, %dot_general3A_90 : vector<128x512xf32>
    %slice3A_92 = vector.extract_strided_slice %reshape3A_23 {offsets = [0, 13, 0], sizes = [512, 1, 128], strides = [1, 1, 1]} : vector<512x16x128xf32> to vector<512x1x128xf32>
    %squeeze3A_93 = vector.shape_cast %slice3A_92 : vector<512x1x128xf32> to vector<512x128xf32>
    %dot_general3A_94 = arith.constant dense<0.000000e+00> : vector<128x512xf32>
    %dot_general3A_95 = tpu.matmul %get3A_26, %squeeze3A_93, %dot_general3A_94 {dimension_numbers = #tpu.dot_dimension_numbers<[1], [1], [0], [0], [0, 0, 1, 0], [], []>, transpose_lhs_hint = false} : vector<128x128xf32>, vector<512x128xf32>, vector<128x512xf32> -> vector<128x512xf32>
    %max3A_96 = arith.maximumf %max3A_91, %dot_general3A_95 : vector<128x512xf32>
    %slice3A_97 = vector.extract_strided_slice %reshape3A_23 {offsets = [0, 14, 0], sizes = [512, 1, 128], strides = [1, 1, 1]} : vector<512x16x128xf32> to vector<512x1x128xf32>
    %squeeze3A_98 = vector.shape_cast %slice3A_97 : vector<512x1x128xf32> to vector<512x128xf32>
    %dot_general3A_99 = arith.constant dense<0.000000e+00> : vector<128x512xf32>
    %dot_general3A_100 = tpu.matmul %get3A_26, %squeeze3A_98, %dot_general3A_99 {dimension_numbers = #tpu.dot_dimension_numbers<[1], [1], [0], [0], [0, 0, 1, 0], [], []>, transpose_lhs_hint = false} : vector<128x128xf32>, vector<512x128xf32>, vector<128x512xf32> -> vector<128x512xf32>
    %max3A_101 = arith.maximumf %max3A_96, %dot_general3A_100 : vector<128x512xf32>
    %slice3A_102 = vector.extract_strided_slice %reshape3A_23 {offsets = [0, 15, 0], sizes = [512, 1, 128], strides = [1, 1, 1]} : vector<512x16x128xf32> to vector<512x1x128xf32>
    %squeeze3A_103 = vector.shape_cast %slice3A_102 : vector<512x1x128xf32> to vector<512x128xf32>
    %dot_general3A_104 = arith.constant dense<0.000000e+00> : vector<128x512xf32>
    %dot_general3A_105 = tpu.matmul %get3A_26, %squeeze3A_103, %dot_general3A_104 {dimension_numbers = #tpu.dot_dimension_numbers<[1], [1], [0], [0], [0, 0, 1, 0], [], []>, transpose_lhs_hint = false} : vector<128x128xf32>, vector<512x128xf32>, vector<128x512xf32> -> vector<128x512xf32>
    %max3A_106 = arith.maximumf %max3A_101, %dot_general3A_105 : vector<128x512xf32>
    %get3A_107 = arith.constant 0 : index
    %get3A_108 = arith.constant 0 : index
    %get3A_109 = arith.constant 0 : index
    %get3A_110 = vector.load %arg3[%get3A_107, %get3A_108, %get3A_109] : memref<1x128x512xf32, #tpu.memory_space<vmem>>, vector<1x128x512xf32>
    %get3A_111 = vector.shape_cast %get3A_110 : vector<1x128x512xf32> to vector<128x512xf32>
    %add3A_112 = arith.addf %get3A_111, %max3A_106 : vector<128x512xf32>
    %get3A_113 = arith.constant 0 : index
    %get3A_114 = arith.constant 0 : index
    %get3A_115 = vector.load %arg7[%get3A_113, %get3A_114] : memref<128x1xf32, #tpu.memory_space<vmem>>, vector<128x1xf32>
    %add3A_116 = vector.broadcast %get3A_115 : vector<128x1xf32> to vector<128x512xf32>
    %add3A_117 = arith.addf %add3A_112, %add3A_116 : vector<128x512xf32>
    %max3A_118 = arith.constant 0.000000e+00 : f32
    %max3A_119 = vector.broadcast %max3A_118 : f32 to vector<128x512xf32>
    %max3A_120 = arith.maximumf %add3A_117, %max3A_119 : vector<128x512xf32>
    %swap3A = arith.constant 0 : index
    %swap3A_121 = arith.constant 0 : index
    %swap3A_122 = arith.constant 0 : index
    %swap3A_123 = vector.load %arg8[%swap3A, %swap3A_121, %swap3A_122] : memref<1x128x512xf32, #tpu.memory_space<vmem>>, vector<1x128x512xf32>
    %swap3A_124 = vector.shape_cast %swap3A_123 : vector<1x128x512xf32> to vector<128x512xf32>
    %swap3A_125 = vector.shape_cast %max3A_120 : vector<128x512xf32> to vector<1x128x512xf32>
    tpu.vector_store %arg8[%swap3A, %swap3A_121, %swap3A_122], %swap3A_125 {strides = array<i32>} : memref<1x128x512xf32, #tpu.memory_space<vmem>>, vector<1x128x512xf32>,
    return
  }
  func.func @transform_0(%arg0: i32) -> (i32, i32) {
    %c0_i32 = arith.constant 0 : i32
    %c0_i32_0 = arith.constant 0 : i32
    return %arg0, %c0_i32 : i32, i32
  }
  func.func @transform_1(%arg0: i32) -> (i32, i32, i32) {
    %jit3A = arith.constant 4 : i32
    %div3A = arith.divsi %arg0, %jit3A : i32
    %sign3A = arith.constant 0 : i32
    %sign3A_0 = arith.cmpi sgt, %arg0, %sign3A : i32
    %sign3A_1 = arith.extui %sign3A_0 : i1 to i32
    %sign3A_2 = arith.constant 0 : i32
    %sign3A_3 = arith.cmpi slt, %arg0, %sign3A_2 : i32
    %sign3A_4 = arith.extui %sign3A_3 : i1 to i32
    %sign3A_5 = arith.subi %sign3A_1, %sign3A_4 : i32
    %sign3A_6 = arith.constant 0 : i32
    %sign3A_7 = arith.cmpi sgt, %jit3A, %sign3A_6 : i32
    %sign3A_8 = arith.extui %sign3A_7 : i1 to i32
    %sign3A_9 = arith.constant 0 : i32
    %sign3A_10 = arith.cmpi slt, %jit3A, %sign3A_9 : i32
    %sign3A_11 = arith.extui %sign3A_10 : i1 to i32
    %sign3A_12 = arith.subi %sign3A_8, %sign3A_11 : i32
    %ne3A = arith.cmpi ne, %sign3A_5, %sign3A_12 : i32
    %rem3A = arith.remsi %arg0, %jit3A : i32
    %ne3A_13 = arith.constant 0 : i32
    %ne3A_14 = arith.cmpi ne, %rem3A, %ne3A_13 : i32
    %and3A = arith.andi %ne3A, %ne3A_14 : i1
    %sub3A = arith.constant 1 : i32
    %sub3A_15 = arith.subi %div3A, %sub3A : i32
    %select_n3A = arith.select %and3A, %sub3A_15, %div3A : i32
    %add3A = arith.constant 0 : i32
    %add3A_16 = arith.addi %add3A, %select_n3A : i32
    %jit3A_17 = arith.constant 4 : i32
    %eq3A = arith.constant 0 : i32
    %eq3A_18 = arith.cmpi eq, %jit3A_17, %eq3A : i32
    %jit3A_19 = arith.constant 1 : i32
    %select_n3A_20 = arith.select %eq3A_18, %jit3A_19, %jit3A_17 : i32
    %rem3A_21 = arith.remsi %arg0, %select_n3A_20 : i32
    %ne3A_22 = arith.constant 0 : i32
    %ne3A_23 = arith.cmpi ne, %rem3A_21, %ne3A_22 : i32
    %lt3A = arith.constant 0 : i32
    %lt3A_24 = arith.cmpi slt, %rem3A_21, %lt3A : i32
    %lt3A_25 = arith.constant 0 : i32
    %lt3A_26 = arith.cmpi slt, %select_n3A_20, %lt3A_25 : i32
    %ne3A_27 = arith.xori %lt3A_24, %lt3A_26 : i1
    %and3A_28 = arith.andi %ne3A_27, %ne3A_23 : i1
    %add3A_29 = arith.addi %rem3A_21, %select_n3A_20 : i32
    %select_n3A_30 = arith.select %and3A_28, %add3A_29, %rem3A_21 : i32
    %c0_i32 = arith.constant 0 : i32
    %c0_i32_31 = arith.constant 0 : i32
    return %add3A_16, %select_n3A_30, %c0_i32 : i32, i32, i32
  }
  func.func @transform_2(%arg0: i32) -> (i32, i32, i32) {
    %jit3A = arith.constant 4 : i32
    %div3A = arith.divsi %arg0, %jit3A : i32
    %sign3A = arith.constant 0 : i32
    %sign3A_0 = arith.cmpi sgt, %arg0, %sign3A : i32
    %sign3A_1 = arith.extui %sign3A_0 : i1 to i32
    %sign3A_2 = arith.constant 0 : i32
    %sign3A_3 = arith.cmpi slt, %arg0, %sign3A_2 : i32
    %sign3A_4 = arith.extui %sign3A_3 : i1 to i32
    %sign3A_5 = arith.subi %sign3A_1, %sign3A_4 : i32
    %sign3A_6 = arith.constant 0 : i32
    %sign3A_7 = arith.cmpi sgt, %jit3A, %sign3A_6 : i32
    %sign3A_8 = arith.extui %sign3A_7 : i1 to i32
    %sign3A_9 = arith.constant 0 : i32
    %sign3A_10 = arith.cmpi slt, %jit3A, %sign3A_9 : i32
    %sign3A_11 = arith.extui %sign3A_10 : i1 to i32
    %sign3A_12 = arith.subi %sign3A_8, %sign3A_11 : i32
    %ne3A = arith.cmpi ne, %sign3A_5, %sign3A_12 : i32
    %rem3A = arith.remsi %arg0, %jit3A : i32
    %ne3A_13 = arith.constant 0 : i32
    %ne3A_14 = arith.cmpi ne, %rem3A, %ne3A_13 : i32
    %and3A = arith.andi %ne3A, %ne3A_14 : i1
    %sub3A = arith.constant 1 : i32
    %sub3A_15 = arith.subi %div3A, %sub3A : i32
    %select_n3A = arith.select %and3A, %sub3A_15, %div3A : i32
    %add3A = arith.constant 0 : i32
    %add3A_16 = arith.addi %add3A, %select_n3A : i32
    %jit3A_17 = arith.constant 4 : i32
    %eq3A = arith.constant 0 : i32
    %eq3A_18 = arith.cmpi eq, %jit3A_17, %eq3A : i32
    %jit3A_19 = arith.constant 1 : i32
    %select_n3A_20 = arith.select %eq3A_18, %jit3A_19, %jit3A_17 : i32
    %rem3A_21 = arith.remsi %arg0, %select_n3A_20 : i32
    %ne3A_22 = arith.constant 0 : i32
    %ne3A_23 = arith.cmpi ne, %rem3A_21, %ne3A_22 : i32
    %lt3A = arith.constant 0 : i32
    %lt3A_24 = arith.cmpi slt, %rem3A_21, %lt3A : i32
    %lt3A_25 = arith.constant 0 : i32
    %lt3A_26 = arith.cmpi slt, %select_n3A_20, %lt3A_25 : i32
    %ne3A_27 = arith.xori %lt3A_24, %lt3A_26 : i1
    %and3A_28 = arith.andi %ne3A_27, %ne3A_23 : i1
    %add3A_29 = arith.addi %rem3A_21, %select_n3A_20 : i32
    %select_n3A_30 = arith.select %and3A_28, %add3A_29, %rem3A_21 : i32
    %c0_i32 = arith.constant 0 : i32
    %c0_i32_31 = arith.constant 0 : i32
    return %add3A_16, %c0_i32, %select_n3A_30 : i32, i32, i32
  }
  func.func @transform_3(%arg0: i32) -> (i32, i32) {
    %c0_i32 = arith.constant 0 : i32
    %c0_i32_0 = arith.constant 0 : i32
    %c0_i32_1 = arith.constant 0 : i32
    return %c0_i32, %c0_i32_0 : i32, i32
  }
  func.func @transform_4(%arg0: i32) -> (i32, i32) {
    %c0_i32 = arith.constant 0 : i32
    %c0_i32_0 = arith.constant 0 : i32
    %c0_i32_1 = arith.constant 0 : i32
    return %c0_i32, %c0_i32_0 : i32, i32
  }
  func.func @transform_5(%arg0: i32) -> (i32, i32) {
    %c0_i32 = arith.constant 0 : i32
    %c0_i32_0 = arith.constant 0 : i32
    %c0_i32_1 = arith.constant 0 : i32
    return %c0_i32, %c0_i32_0 : i32, i32
  }
  func.func @transform_6(%arg0: i32) -> (i32, i32) {
    %c0_i32 = arith.constant 0 : i32
    %c0_i32_0 = arith.constant 0 : i32
    %c0_i32_1 = arith.constant 0 : i32
    return %c0_i32, %c0_i32_0 : i32, i32
  }
  func.func @transform_7(%arg0: i32) -> (i32, i32, i32) {
    %jit3A = arith.constant 4 : i32
    %div3A = arith.divsi %arg0, %jit3A : i32
    %sign3A = arith.constant 0 : i32
    %sign3A_0 = arith.cmpi sgt, %arg0, %sign3A : i32
    %sign3A_1 = arith.extui %sign3A_0 : i1 to i32
    %sign3A_2 = arith.constant 0 : i32
    %sign3A_3 = arith.cmpi slt, %arg0, %sign3A_2 : i32
    %sign3A_4 = arith.extui %sign3A_3 : i1 to i32
    %sign3A_5 = arith.subi %sign3A_1, %sign3A_4 : i32
    %sign3A_6 = arith.constant 0 : i32
    %sign3A_7 = arith.cmpi sgt, %jit3A, %sign3A_6 : i32
    %sign3A_8 = arith.extui %sign3A_7 : i1 to i32
    %sign3A_9 = arith.constant 0 : i32
    %sign3A_10 = arith.cmpi slt, %jit3A, %sign3A_9 : i32
    %sign3A_11 = arith.extui %sign3A_10 : i1 to i32
    %sign3A_12 = arith.subi %sign3A_8, %sign3A_11 : i32
    %ne3A = arith.cmpi ne, %sign3A_5, %sign3A_12 : i32
    %rem3A = arith.remsi %arg0, %jit3A : i32
    %ne3A_13 = arith.constant 0 : i32
    %ne3A_14 = arith.cmpi ne, %rem3A, %ne3A_13 : i32
    %and3A = arith.andi %ne3A, %ne3A_14 : i1
    %sub3A = arith.constant 1 : i32
    %sub3A_15 = arith.subi %div3A, %sub3A : i32
    %select_n3A = arith.select %and3A, %sub3A_15, %div3A : i32
    %add3A = arith.constant 0 : i32
    %add3A_16 = arith.addi %add3A, %select_n3A : i32
    %jit3A_17 = arith.constant 4 : i32
    %eq3A = arith.constant 0 : i32
    %eq3A_18 = arith.cmpi eq, %jit3A_17, %eq3A : i32
    %jit3A_19 = arith.constant 1 : i32
    %select_n3A_20 = arith.select %eq3A_18, %jit3A_19, %jit3A_17 : i32
    %rem3A_21 = arith.remsi %arg0, %select_n3A_20 : i32
    %ne3A_22 = arith.constant 0 : i32
    %ne3A_23 = arith.cmpi ne, %rem3A_21, %ne3A_22 : i32
    %lt3A = arith.constant 0 : i32
    %lt3A_24 = arith.cmpi slt, %rem3A_21, %lt3A : i32
    %lt3A_25 = arith.constant 0 : i32
    %lt3A_26 = arith.cmpi slt, %select_n3A_20, %lt3A_25 : i32
    %ne3A_27 = arith.xori %lt3A_24, %lt3A_26 : i1
    %and3A_28 = arith.andi %ne3A_27, %ne3A_23 : i1
    %add3A_29 = arith.addi %rem3A_21, %select_n3A_20 : i32
    %select_n3A_30 = arith.select %and3A_28, %add3A_29, %rem3A_21 : i32
    %c0_i32 = arith.constant 0 : i32
    %c0_i32_31 = arith.constant 0 : i32
    return %add3A_16, %c0_i32, %select_n3A_30 : i32, i32, i32
  }
}

module attributes {stable_mosaic.version = 14 : i64} {
  func.func @_edge_body(%arg0: i32, %arg1: memref<8192x128xf32, #tpu.memory_space<vmem>>, %arg2: memref<1x512x128xf32, #tpu.memory_space<vmem>>, %arg3: memref<1x128x512xf32, #tpu.memory_space<vmem>>, %arg4: memref<128x128xf32, #tpu.memory_space<vmem>>, %arg5: memref<1x128xf32, #tpu.memory_space<vmem>>, %arg6: memref<128x128xf32, #tpu.memory_space<vmem>>, %arg7: memref<128x1xf32, #tpu.memory_space<vmem>>, %arg8: memref<1x128x512xf32, #tpu.memory_space<vmem>>) attributes {dimension_semantics = [#tpu.dimension_semantics<arbitrary>], iteration_bounds = array<i64: 8>, scalar_prefetch = 0 : i64, scratch_operands = 0 : i64, tpu.core_type = #tpu.core_type<tc>, window_params = [{transform_indices = @transform_0, window_bounds = array<i64: 8192, 128>}, {transform_indices = @transform_1, window_bounds = array<i64: 1, 512, 128>}, {transform_indices = @transform_2, window_bounds = array<i64: 1, 128, 512>}, {pipeline_mode = #tpu.pipeline_mode<synchronous>, transform_indices = @transform_3, window_bounds = array<i64: 128, 128>}, {pipeline_mode = #tpu.pipeline_mode<synchronous>, transform_indices = @transform_4, window_bounds = array<i64: 1, 128>}, {pipeline_mode = #tpu.pipeline_mode<synchronous>, transform_indices = @transform_5, window_bounds = array<i64: 128, 128>}, {pipeline_mode = #tpu.pipeline_mode<synchronous>, transform_indices = @transform_6, window_bounds = array<i64: 128, 1>}, {transform_indices = @transform_7, window_bounds = array<i64: 1, 128, 512>}]} {
    %get3A = arith.constant 0 : index
    %get3A_0 = arith.constant 0 : index
    %get3A_1 = vector.load %arg1[%get3A, %get3A_0] : memref<8192x128xf32, #tpu.memory_space<vmem>>, vector<8192x128xf32>
    %reshape3A = vector.shape_cast %get3A_1 : vector<8192x128xf32> to vector<512x16x128xf32>
    %get3A_2 = arith.constant 0 : index
    %get3A_3 = arith.constant 0 : index
    %get3A_4 = arith.constant 0 : index
    %get3A_5 = vector.load %arg2[%get3A_2, %get3A_3, %get3A_4] : memref<1x512x128xf32, #tpu.memory_space<vmem>>, vector<1x512x128xf32>
    %get3A_6 = vector.shape_cast %get3A_5 : vector<1x512x128xf32> to vector<512x128xf32>
    %broadcast_in_dim3A = vector.shape_cast %get3A_6 : vector<512x128xf32> to vector<512x1x128xf32>
    %add3A = vector.broadcast %broadcast_in_dim3A : vector<512x1x128xf32> to vector<512x16x128xf32>
    %add3A_7 = arith.addf %reshape3A, %add3A : vector<512x16x128xf32>
    %max3A = arith.constant 0.000000e+00 : f32
    %max3A_8 = vector.broadcast %max3A : f32 to vector<512x16x128xf32>
    %max3A_9 = arith.maximumf %add3A_7, %max3A_8 : vector<512x16x128xf32>
    %reshape3A_10 = vector.shape_cast %max3A_9 : vector<512x16x128xf32> to vector<8192x128xf32>
    %get3A_11 = arith.constant 0 : index
    %get3A_12 = arith.constant 0 : index
    %get3A_13 = vector.load %arg4[%get3A_11, %get3A_12] : memref<128x128xf32, #tpu.memory_space<vmem>>, vector<128x128xf32>
    %dot_general3A = arith.constant dense<0.000000e+00> : vector<8192x128xf32>
    %dot_general3A_14 = tpu.matmul %reshape3A_10, %get3A_13, %dot_general3A {dimension_numbers = #tpu.dot_dimension_numbers<[1], [0], [0], [1], [0, 0, 1, 1], [], []>, transpose_lhs_hint = false} : vector<8192x128xf32>, vector<128x128xf32>, vector<8192x128xf32> -> vector<8192x128xf32>
    %get3A_15 = arith.constant 0 : index
    %get3A_16 = arith.constant 0 : index
    %get3A_17 = vector.load %arg5[%get3A_15, %get3A_16] : memref<1x128xf32, #tpu.memory_space<vmem>>, vector<1x128xf32>
    %add3A_18 = vector.broadcast %get3A_17 : vector<1x128xf32> to vector<8192x128xf32>
    %add3A_19 = arith.addf %dot_general3A_14, %add3A_18 : vector<8192x128xf32>
    %max3A_20 = arith.constant 0.000000e+00 : f32
    %max3A_21 = vector.broadcast %max3A_20 : f32 to vector<8192x128xf32>
    %max3A_22 = arith.maximumf %add3A_19, %max3A_21 : vector<8192x128xf32>
    %reshape3A_23 = vector.shape_cast %max3A_22 : vector<8192x128xf32> to vector<512x16x128xf32>
    %get3A_24 = arith.constant 0 : index
    %get3A_25 = arith.constant 0 : index
    %get3A_26 = vector.load %arg6[%get3A_24, %get3A_25] : memref<128x128xf32, #tpu.memory_space<vmem>>, vector<128x128xf32>
    %broadcast_in_dim3A_27 = arith.constant -3.000000e+38 : f32
    %broadcast_in_dim3A_28 = vector.broadcast %broadcast_in_dim3A_27 : f32 to vector<128x512xf32>
    %slice3A = vector.extract_strided_slice %reshape3A_23 {offsets = [0, 0, 0], sizes = [512, 1, 128], strides = [1, 1, 1]} : vector<512x16x128xf32> to vector<512x1x128xf32>
    %squeeze3A = vector.shape_cast %slice3A : vector<512x1x128xf32> to vector<512x128xf32>
    %dot_general3A_29 = arith.constant dense<0.000000e+00> : vector<128x512xf32>
    %dot_general3A_30 = tpu.matmul %get3A_26, %squeeze3A, %dot_general3A_29 {dimension_numbers = #tpu.dot_dimension_numbers<[1], [1], [0], [0], [0, 0, 1, 0], [], []>, transpose_lhs_hint = false} : vector<128x128xf32>, vector<512x128xf32>, vector<128x512xf32> -> vector<128x512xf32>
    %max3A_31 = arith.maximumf %broadcast_in_dim3A_28, %dot_general3A_30 : vector<128x512xf32>
    %slice3A_32 = vector.extract_strided_slice %reshape3A_23 {offsets = [0, 1, 0], sizes = [512, 1, 128], strides = [1, 1, 1]} : vector<512x16x128xf32> to vector<512x1x128xf32>
    %squeeze3A_33 = vector.shape_cast %slice3A_32 : vector<512x1x128xf32> to vector<512x128xf32>
    %dot_general3A_34 = arith.constant dense<0.000000e+00> : vector<128x512xf32>
    %dot_general3A_35 = tpu.matmul %get3A_26, %squeeze3A_33, %dot_general3A_34 {dimension_numbers = #tpu.dot_dimension_numbers<[1], [1], [0], [0], [0, 0, 1, 0], [], []>, transpose_lhs_hint = false} : vector<128x128xf32>, vector<512x128xf32>, vector<128x512xf32> -> vector<128x512xf32>
    %max3A_36 = arith.maximumf %max3A_31, %dot_general3A_35 : vector<128x512xf32>
    %slice3A_37 = vector.extract_strided_slice %reshape3A_23 {offsets = [0, 2, 0], sizes = [512, 1, 128], strides = [1, 1, 1]} : vector<512x16x128xf32> to vector<512x1x128xf32>
    %squeeze3A_38 = vector.shape_cast %slice3A_37 : vector<512x1x128xf32> to vector<512x128xf32>
    %dot_general3A_39 = arith.constant dense<0.000000e+00> : vector<128x512xf32>
    %dot_general3A_40 = tpu.matmul %get3A_26, %squeeze3A_38, %dot_general3A_39 {dimension_numbers = #tpu.dot_dimension_numbers<[1], [1], [0], [0], [0, 0, 1, 0], [], []>, transpose_lhs_hint = false} : vector<128x128xf32>, vector<512x128xf32>, vector<128x512xf32> -> vector<128x512xf32>
    %max3A_41 = arith.maximumf %max3A_36, %dot_general3A_40 : vector<128x512xf32>
    %slice3A_42 = vector.extract_strided_slice %reshape3A_23 {offsets = [0, 3, 0], sizes = [512, 1, 128], strides = [1, 1, 1]} : vector<512x16x128xf32> to vector<512x1x128xf32>
    %squeeze3A_43 = vector.shape_cast %slice3A_42 : vector<512x1x128xf32> to vector<512x128xf32>
    %dot_general3A_44 = arith.constant dense<0.000000e+00> : vector<128x512xf32>
    %dot_general3A_45 = tpu.matmul %get3A_26, %squeeze3A_43, %dot_general3A_44 {dimension_numbers = #tpu.dot_dimension_numbers<[1], [1], [0], [0], [0, 0, 1, 0], [], []>, transpose_lhs_hint = false} : vector<128x128xf32>, vector<512x128xf32>, vector<128x512xf32> -> vector<128x512xf32>
    %max3A_46 = arith.maximumf %max3A_41, %dot_general3A_45 : vector<128x512xf32>
    %slice3A_47 = vector.extract_strided_slice %reshape3A_23 {offsets = [0, 4, 0], sizes = [512, 1, 128], strides = [1, 1, 1]} : vector<512x16x128xf32> to vector<512x1x128xf32>
    %squeeze3A_48 = vector.shape_cast %slice3A_47 : vector<512x1x128xf32> to vector<512x128xf32>
    %dot_general3A_49 = arith.constant dense<0.000000e+00> : vector<128x512xf32>
    %dot_general3A_50 = tpu.matmul %get3A_26, %squeeze3A_48, %dot_general3A_49 {dimension_numbers = #tpu.dot_dimension_numbers<[1], [1], [0], [0], [0, 0, 1, 0], [], []>, transpose_lhs_hint = false} : vector<128x128xf32>, vector<512x128xf32>, vector<128x512xf32> -> vector<128x512xf32>
    %max3A_51 = arith.maximumf %max3A_46, %dot_general3A_50 : vector<128x512xf32>
    %slice3A_52 = vector.extract_strided_slice %reshape3A_23 {offsets = [0, 5, 0], sizes = [512, 1, 128], strides = [1, 1, 1]} : vector<512x16x128xf32> to vector<512x1x128xf32>
    %squeeze3A_53 = vector.shape_cast %slice3A_52 : vector<512x1x128xf32> to vector<512x128xf32>
    %dot_general3A_54 = arith.constant dense<0.000000e+00> : vector<128x512xf32>
    %dot_general3A_55 = tpu.matmul %get3A_26, %squeeze3A_53, %dot_general3A_54 {dimension_numbers = #tpu.dot_dimension_numbers<[1], [1], [0], [0], [0, 0, 1, 0], [], []>, transpose_lhs_hint = false} : vector<128x128xf32>, vector<512x128xf32>, vector<128x512xf32> -> vector<128x512xf32>
    %max3A_56 = arith.maximumf %max3A_51, %dot_general3A_55 : vector<128x512xf32>
    %slice3A_57 = vector.extract_strided_slice %reshape3A_23 {offsets = [0, 6, 0], sizes = [512, 1, 128], strides = [1, 1, 1]} : vector<512x16x128xf32> to vector<512x1x128xf32>
    %squeeze3A_58 = vector.shape_cast %slice3A_57 : vector<512x1x128xf32> to vector<512x128xf32>
    %dot_general3A_59 = arith.constant dense<0.000000e+00> : vector<128x512xf32>
    %dot_general3A_60 = tpu.matmul %get3A_26, %squeeze3A_58, %dot_general3A_59 {dimension_numbers = #tpu.dot_dimension_numbers<[1], [1], [0], [0], [0, 0, 1, 0], [], []>, transpose_lhs_hint = false} : vector<128x128xf32>, vector<512x128xf32>, vector<128x512xf32> -> vector<128x512xf32>
    %max3A_61 = arith.maximumf %max3A_56, %dot_general3A_60 : vector<128x512xf32>
    %slice3A_62 = vector.extract_strided_slice %reshape3A_23 {offsets = [0, 7, 0], sizes = [512, 1, 128], strides = [1, 1, 1]} : vector<512x16x128xf32> to vector<512x1x128xf32>
    %squeeze3A_63 = vector.shape_cast %slice3A_62 : vector<512x1x128xf32> to vector<512x128xf32>
    %dot_general3A_64 = arith.constant dense<0.000000e+00> : vector<128x512xf32>
    %dot_general3A_65 = tpu.matmul %get3A_26, %squeeze3A_63, %dot_general3A_64 {dimension_numbers = #tpu.dot_dimension_numbers<[1], [1], [0], [0], [0, 0, 1, 0], [], []>, transpose_lhs_hint = false} : vector<128x128xf32>, vector<512x128xf32>, vector<128x512xf32> -> vector<128x512xf32>
    %max3A_66 = arith.maximumf %max3A_61, %dot_general3A_65 : vector<128x512xf32>
    %slice3A_67 = vector.extract_strided_slice %reshape3A_23 {offsets = [0, 8, 0], sizes = [512, 1, 128], strides = [1, 1, 1]} : vector<512x16x128xf32> to vector<512x1x128xf32>
    %squeeze3A_68 = vector.shape_cast %slice3A_67 : vector<512x1x128xf32> to vector<512x128xf32>
    %dot_general3A_69 = arith.constant dense<0.000000e+00> : vector<128x512xf32>
    %dot_general3A_70 = tpu.matmul %get3A_26, %squeeze3A_68, %dot_general3A_69 {dimension_numbers = #tpu.dot_dimension_numbers<[1], [1], [0], [0], [0, 0, 1, 0], [], []>, transpose_lhs_hint = false} : vector<128x128xf32>, vector<512x128xf32>, vector<128x512xf32> -> vector<128x512xf32>
    %max3A_71 = arith.maximumf %max3A_66, %dot_general3A_70 : vector<128x512xf32>
    %slice3A_72 = vector.extract_strided_slice %reshape3A_23 {offsets = [0, 9, 0], sizes = [512, 1, 128], strides = [1, 1, 1]} : vector<512x16x128xf32> to vector<512x1x128xf32>
    %squeeze3A_73 = vector.shape_cast %slice3A_72 : vector<512x1x128xf32> to vector<512x128xf32>
    %dot_general3A_74 = arith.constant dense<0.000000e+00> : vector<128x512xf32>
    %dot_general3A_75 = tpu.matmul %get3A_26, %squeeze3A_73, %dot_general3A_74 {dimension_numbers = #tpu.dot_dimension_numbers<[1], [1], [0], [0], [0, 0, 1, 0], [], []>, transpose_lhs_hint = false} : vector<128x128xf32>, vector<512x128xf32>, vector<128x512xf32> -> vector<128x512xf32>
    %max3A_76 = arith.maximumf %max3A_71, %dot_general3A_75 : vector<128x512xf32>
    %slice3A_77 = vector.extract_strided_slice %reshape3A_23 {offsets = [0, 10, 0], sizes = [512, 1, 128], strides = [1, 1, 1]} : vector<512x16x128xf32> to vector<512x1x128xf32>
    %squeeze3A_78 = vector.shape_cast %slice3A_77 : vector<512x1x128xf32> to vector<512x128xf32>
    %dot_general3A_79 = arith.constant dense<0.000000e+00> : vector<128x512xf32>
    %dot_general3A_80 = tpu.matmul %get3A_26, %squeeze3A_78, %dot_general3A_79 {dimension_numbers = #tpu.dot_dimension_numbers<[1], [1], [0], [0], [0, 0, 1, 0], [], []>, transpose_lhs_hint = false} : vector<128x128xf32>, vector<512x128xf32>, vector<128x512xf32> -> vector<128x512xf32>
    %max3A_81 = arith.maximumf %max3A_76, %dot_general3A_80 : vector<128x512xf32>
    %slice3A_82 = vector.extract_strided_slice %reshape3A_23 {offsets = [0, 11, 0], sizes = [512, 1, 128], strides = [1, 1, 1]} : vector<512x16x128xf32> to vector<512x1x128xf32>
    %squeeze3A_83 = vector.shape_cast %slice3A_82 : vector<512x1x128xf32> to vector<512x128xf32>
    %dot_general3A_84 = arith.constant dense<0.000000e+00> : vector<128x512xf32>
    %dot_general3A_85 = tpu.matmul %get3A_26, %squeeze3A_83, %dot_general3A_84 {dimension_numbers = #tpu.dot_dimension_numbers<[1], [1], [0], [0], [0, 0, 1, 0], [], []>, transpose_lhs_hint = false} : vector<128x128xf32>, vector<512x128xf32>, vector<128x512xf32> -> vector<128x512xf32>
    %max3A_86 = arith.maximumf %max3A_81, %dot_general3A_85 : vector<128x512xf32>
    %slice3A_87 = vector.extract_strided_slice %reshape3A_23 {offsets = [0, 12, 0], sizes = [512, 1, 128], strides = [1, 1, 1]} : vector<512x16x128xf32> to vector<512x1x128xf32>
    %squeeze3A_88 = vector.shape_cast %slice3A_87 : vector<512x1x128xf32> to vector<512x128xf32>
    %dot_general3A_89 = arith.constant dense<0.000000e+00> : vector<128x512xf32>
    %dot_general3A_90 = tpu.matmul %get3A_26, %squeeze3A_88, %dot_general3A_89 {dimension_numbers = #tpu.dot_dimension_numbers<[1], [1], [0], [0], [0, 0, 1, 0], [], []>, transpose_lhs_hint = false} : vector<128x128xf32>, vector<512x128xf32>, vector<128x512xf32> -> vector<128x512xf32>
    %max3A_91 = arith.maximumf %max3A_86, %dot_general3A_90 : vector<128x512xf32>
    %slice3A_92 = vector.extract_strided_slice %reshape3A_23 {offsets = [0, 13, 0], sizes = [512, 1, 128], strides = [1, 1, 1]} : vector<512x16x128xf32> to vector<512x1x128xf32>
    %squeeze3A_93 = vector.shape_cast %slice3A_92 : vector<512x1x128xf32> to vector<512x128xf32>
    %dot_general3A_94 = arith.constant dense<0.000000e+00> : vector<128x512xf32>
    %dot_general3A_95 = tpu.matmul %get3A_26, %squeeze3A_93, %dot_general3A_94 {dimension_numbers = #tpu.dot_dimension_numbers<[1], [1], [0], [0], [0, 0, 1, 0], [], []>, transpose_lhs_hint = false} : vector<128x128xf32>, vector<512x128xf32>, vector<128x512xf32> -> vector<128x512xf32>
    %max3A_96 = arith.maximumf %max3A_91, %dot_general3A_95 : vector<128x512xf32>
    %slice3A_97 = vector.extract_strided_slice %reshape3A_23 {offsets = [0, 14, 0], sizes = [512, 1, 128], strides = [1, 1, 1]} : vector<512x16x128xf32> to vector<512x1x128xf32>
    %squeeze3A_98 = vector.shape_cast %slice3A_97 : vector<512x1x128xf32> to vector<512x128xf32>
    %dot_general3A_99 = arith.constant dense<0.000000e+00> : vector<128x512xf32>
    %dot_general3A_100 = tpu.matmul %get3A_26, %squeeze3A_98, %dot_general3A_99 {dimension_numbers = #tpu.dot_dimension_numbers<[1], [1], [0], [0], [0, 0, 1, 0], [], []>, transpose_lhs_hint = false} : vector<128x128xf32>, vector<512x128xf32>, vector<128x512xf32> -> vector<128x512xf32>
    %max3A_101 = arith.maximumf %max3A_96, %dot_general3A_100 : vector<128x512xf32>
    %slice3A_102 = vector.extract_strided_slice %reshape3A_23 {offsets = [0, 15, 0], sizes = [512, 1, 128], strides = [1, 1, 1]} : vector<512x16x128xf32> to vector<512x1x128xf32>
    %squeeze3A_103 = vector.shape_cast %slice3A_102 : vector<512x1x128xf32> to vector<512x128xf32>
    %dot_general3A_104 = arith.constant dense<0.000000e+00> : vector<128x512xf32>
    %dot_general3A_105 = tpu.matmul %get3A_26, %squeeze3A_103, %dot_general3A_104 {dimension_numbers = #tpu.dot_dimension_numbers<[1], [1], [0], [0], [0, 0, 1, 0], [], []>, transpose_lhs_hint = false} : vector<128x128xf32>, vector<512x128xf32>, vector<128x512xf32> -> vector<128x512xf32>
    %max3A_106 = arith.maximumf %max3A_101, %dot_general3A_105 : vector<128x512xf32>
    %get3A_107 = arith.constant 0 : index
    %get3A_108 = arith.constant 0 : index
    %get3A_109 = arith.constant 0 : index
    %get3A_110 = vector.load %arg3[%get3A_107, %get3A_108, %get3A_109] : memref<1x128x512xf32, #tpu.memory_space<vmem>>, vector<1x128x512xf32>
    %get3A_111 = vector.shape_cast %get3A_110 : vector<1x128x512xf32> to vector<128x512xf32>
    %add3A_112 = arith.addf %get3A_111, %max3A_106 : vector<128x512xf32>
    %get3A_113 = arith.constant 0 : index
    %get3A_114 = arith.constant 0 : index
    %get3A_115 = vector.load %arg7[%get3A_113, %get3A_114] : memref<128x1xf32, #tpu.memory_space<vmem>>, vector<128x1xf32>
    %add3A_116 = vector.broadcast %get3A_115 : vector<128x1xf32> to vector<128x512xf32>
    %add3A_117 = arith.addf %add3A_112, %add3A_116 : vector<128x512xf32>
    %max3A_118 = arith.constant 0.000000e+00 : f32
    %max3A_119 = vector.broadcast %max3A_118 : f32 to vector<128x512xf32>
    %max3A_120 = arith.maximumf %add3A_117, %max3A_119 : vector<128x512xf32>
    %swap3A = arith.constant 0 : index
    %swap3A_121 = arith.constant 0 : index
    %swap3A_122 = arith.constant 0 : index
    %swap3A_123 = vector.load %arg8[%swap3A, %swap3A_121, %swap3A_122] : memref<1x128x512xf32, #tpu.memory_space<vmem>>, vector<1x128x512xf32>
    %swap3A_124 = vector.shape_cast %swap3A_123 : vector<1x128x512xf32> to vector<128x512xf32>
    %swap3A_125 = vector.shape_cast %max3A_120 : vector<128x512xf32> to vector<1x128x512xf32>
    tpu.vector_store %arg8[%swap3A, %swap3A_121, %swap3A_122], %swap3A_125 {strides = array<i32>} : memref<1x128x512xf32, #tpu.memory_space<vmem>>, vector<1x128x512xf32>,
    return
  }
  func.func @transform_0(%arg0: i32) -> (i32, i32) {
    %c0_i32 = arith.constant 0 : i32
    %c0_i32_0 = arith.constant 0 : i32
    return %arg0, %c0_i32 : i32, i32
  }
  func.func @transform_1(%arg0: i32) -> (i32, i32, i32) {
    %jit3A = arith.constant 4 : i32
    %div3A = arith.divsi %arg0, %jit3A : i32
    %sign3A = arith.constant 0 : i32
    %sign3A_0 = arith.cmpi sgt, %arg0, %sign3A : i32
    %sign3A_1 = arith.extui %sign3A_0 : i1 to i32
    %sign3A_2 = arith.constant 0 : i32
    %sign3A_3 = arith.cmpi slt, %arg0, %sign3A_2 : i32
    %sign3A_4 = arith.extui %sign3A_3 : i1 to i32
    %sign3A_5 = arith.subi %sign3A_1, %sign3A_4 : i32
    %sign3A_6 = arith.constant 0 : i32
    %sign3A_7 = arith.cmpi sgt, %jit3A, %sign3A_6 : i32
    %sign3A_8 = arith.extui %sign3A_7 : i1 to i32
    %sign3A_9 = arith.constant 0 : i32
    %sign3A_10 = arith.cmpi slt, %jit3A, %sign3A_9 : i32
    %sign3A_11 = arith.extui %sign3A_10 : i1 to i32
    %sign3A_12 = arith.subi %sign3A_8, %sign3A_11 : i32
    %ne3A = arith.cmpi ne, %sign3A_5, %sign3A_12 : i32
    %rem3A = arith.remsi %arg0, %jit3A : i32
    %ne3A_13 = arith.constant 0 : i32
    %ne3A_14 = arith.cmpi ne, %rem3A, %ne3A_13 : i32
    %and3A = arith.andi %ne3A, %ne3A_14 : i1
    %sub3A = arith.constant 1 : i32
    %sub3A_15 = arith.subi %div3A, %sub3A : i32
    %select_n3A = arith.select %and3A, %sub3A_15, %div3A : i32
    %add3A = arith.constant 2 : i32
    %add3A_16 = arith.addi %add3A, %select_n3A : i32
    %jit3A_17 = arith.constant 4 : i32
    %eq3A = arith.constant 0 : i32
    %eq3A_18 = arith.cmpi eq, %jit3A_17, %eq3A : i32
    %jit3A_19 = arith.constant 1 : i32
    %select_n3A_20 = arith.select %eq3A_18, %jit3A_19, %jit3A_17 : i32
    %rem3A_21 = arith.remsi %arg0, %select_n3A_20 : i32
    %ne3A_22 = arith.constant 0 : i32
    %ne3A_23 = arith.cmpi ne, %rem3A_21, %ne3A_22 : i32
    %lt3A = arith.constant 0 : i32
    %lt3A_24 = arith.cmpi slt, %rem3A_21, %lt3A : i32
    %lt3A_25 = arith.constant 0 : i32
    %lt3A_26 = arith.cmpi slt, %select_n3A_20, %lt3A_25 : i32
    %ne3A_27 = arith.xori %lt3A_24, %lt3A_26 : i1
    %and3A_28 = arith.andi %ne3A_27, %ne3A_23 : i1
    %add3A_29 = arith.addi %rem3A_21, %select_n3A_20 : i32
    %select_n3A_30 = arith.select %and3A_28, %add3A_29, %rem3A_21 : i32
    %c0_i32 = arith.constant 0 : i32
    %c0_i32_31 = arith.constant 0 : i32
    return %add3A_16, %select_n3A_30, %c0_i32 : i32, i32, i32
  }
  func.func @transform_2(%arg0: i32) -> (i32, i32, i32) {
    %jit3A = arith.constant 4 : i32
    %div3A = arith.divsi %arg0, %jit3A : i32
    %sign3A = arith.constant 0 : i32
    %sign3A_0 = arith.cmpi sgt, %arg0, %sign3A : i32
    %sign3A_1 = arith.extui %sign3A_0 : i1 to i32
    %sign3A_2 = arith.constant 0 : i32
    %sign3A_3 = arith.cmpi slt, %arg0, %sign3A_2 : i32
    %sign3A_4 = arith.extui %sign3A_3 : i1 to i32
    %sign3A_5 = arith.subi %sign3A_1, %sign3A_4 : i32
    %sign3A_6 = arith.constant 0 : i32
    %sign3A_7 = arith.cmpi sgt, %jit3A, %sign3A_6 : i32
    %sign3A_8 = arith.extui %sign3A_7 : i1 to i32
    %sign3A_9 = arith.constant 0 : i32
    %sign3A_10 = arith.cmpi slt, %jit3A, %sign3A_9 : i32
    %sign3A_11 = arith.extui %sign3A_10 : i1 to i32
    %sign3A_12 = arith.subi %sign3A_8, %sign3A_11 : i32
    %ne3A = arith.cmpi ne, %sign3A_5, %sign3A_12 : i32
    %rem3A = arith.remsi %arg0, %jit3A : i32
    %ne3A_13 = arith.constant 0 : i32
    %ne3A_14 = arith.cmpi ne, %rem3A, %ne3A_13 : i32
    %and3A = arith.andi %ne3A, %ne3A_14 : i1
    %sub3A = arith.constant 1 : i32
    %sub3A_15 = arith.subi %div3A, %sub3A : i32
    %select_n3A = arith.select %and3A, %sub3A_15, %div3A : i32
    %add3A = arith.constant 2 : i32
    %add3A_16 = arith.addi %add3A, %select_n3A : i32
    %jit3A_17 = arith.constant 4 : i32
    %eq3A = arith.constant 0 : i32
    %eq3A_18 = arith.cmpi eq, %jit3A_17, %eq3A : i32
    %jit3A_19 = arith.constant 1 : i32
    %select_n3A_20 = arith.select %eq3A_18, %jit3A_19, %jit3A_17 : i32
    %rem3A_21 = arith.remsi %arg0, %select_n3A_20 : i32
    %ne3A_22 = arith.constant 0 : i32
    %ne3A_23 = arith.cmpi ne, %rem3A_21, %ne3A_22 : i32
    %lt3A = arith.constant 0 : i32
    %lt3A_24 = arith.cmpi slt, %rem3A_21, %lt3A : i32
    %lt3A_25 = arith.constant 0 : i32
    %lt3A_26 = arith.cmpi slt, %select_n3A_20, %lt3A_25 : i32
    %ne3A_27 = arith.xori %lt3A_24, %lt3A_26 : i1
    %and3A_28 = arith.andi %ne3A_27, %ne3A_23 : i1
    %add3A_29 = arith.addi %rem3A_21, %select_n3A_20 : i32
    %select_n3A_30 = arith.select %and3A_28, %add3A_29, %rem3A_21 : i32
    %c0_i32 = arith.constant 0 : i32
    %c0_i32_31 = arith.constant 0 : i32
    return %add3A_16, %c0_i32, %select_n3A_30 : i32, i32, i32
  }
  func.func @transform_3(%arg0: i32) -> (i32, i32) {
    %c0_i32 = arith.constant 0 : i32
    %c0_i32_0 = arith.constant 0 : i32
    %c0_i32_1 = arith.constant 0 : i32
    return %c0_i32, %c0_i32_0 : i32, i32
  }
  func.func @transform_4(%arg0: i32) -> (i32, i32) {
    %c0_i32 = arith.constant 0 : i32
    %c0_i32_0 = arith.constant 0 : i32
    %c0_i32_1 = arith.constant 0 : i32
    return %c0_i32, %c0_i32_0 : i32, i32
  }
  func.func @transform_5(%arg0: i32) -> (i32, i32) {
    %c0_i32 = arith.constant 0 : i32
    %c0_i32_0 = arith.constant 0 : i32
    %c0_i32_1 = arith.constant 0 : i32
    return %c0_i32, %c0_i32_0 : i32, i32
  }
  func.func @transform_6(%arg0: i32) -> (i32, i32) {
    %c0_i32 = arith.constant 0 : i32
    %c0_i32_0 = arith.constant 0 : i32
    %c0_i32_1 = arith.constant 0 : i32
    return %c0_i32, %c0_i32_0 : i32, i32
  }
  func.func @transform_7(%arg0: i32) -> (i32, i32, i32) {
    %jit3A = arith.constant 4 : i32
    %div3A = arith.divsi %arg0, %jit3A : i32
    %sign3A = arith.constant 0 : i32
    %sign3A_0 = arith.cmpi sgt, %arg0, %sign3A : i32
    %sign3A_1 = arith.extui %sign3A_0 : i1 to i32
    %sign3A_2 = arith.constant 0 : i32
    %sign3A_3 = arith.cmpi slt, %arg0, %sign3A_2 : i32
    %sign3A_4 = arith.extui %sign3A_3 : i1 to i32
    %sign3A_5 = arith.subi %sign3A_1, %sign3A_4 : i32
    %sign3A_6 = arith.constant 0 : i32
    %sign3A_7 = arith.cmpi sgt, %jit3A, %sign3A_6 : i32
    %sign3A_8 = arith.extui %sign3A_7 : i1 to i32
    %sign3A_9 = arith.constant 0 : i32
    %sign3A_10 = arith.cmpi slt, %jit3A, %sign3A_9 : i32
    %sign3A_11 = arith.extui %sign3A_10 : i1 to i32
    %sign3A_12 = arith.subi %sign3A_8, %sign3A_11 : i32
    %ne3A = arith.cmpi ne, %sign3A_5, %sign3A_12 : i32
    %rem3A = arith.remsi %arg0, %jit3A : i32
    %ne3A_13 = arith.constant 0 : i32
    %ne3A_14 = arith.cmpi ne, %rem3A, %ne3A_13 : i32
    %and3A = arith.andi %ne3A, %ne3A_14 : i1
    %sub3A = arith.constant 1 : i32
    %sub3A_15 = arith.subi %div3A, %sub3A : i32
    %select_n3A = arith.select %and3A, %sub3A_15, %div3A : i32
    %add3A = arith.constant 2 : i32
    %add3A_16 = arith.addi %add3A, %select_n3A : i32
    %jit3A_17 = arith.constant 4 : i32
    %eq3A = arith.constant 0 : i32
    %eq3A_18 = arith.cmpi eq, %jit3A_17, %eq3A : i32
    %jit3A_19 = arith.constant 1 : i32
    %select_n3A_20 = arith.select %eq3A_18, %jit3A_19, %jit3A_17 : i32
    %rem3A_21 = arith.remsi %arg0, %select_n3A_20 : i32
    %ne3A_22 = arith.constant 0 : i32
    %ne3A_23 = arith.cmpi ne, %rem3A_21, %ne3A_22 : i32
    %lt3A = arith.constant 0 : i32
    %lt3A_24 = arith.cmpi slt, %rem3A_21, %lt3A : i32
    %lt3A_25 = arith.constant 0 : i32
    %lt3A_26 = arith.cmpi slt, %select_n3A_20, %lt3A_25 : i32
    %ne3A_27 = arith.xori %lt3A_24, %lt3A_26 : i1
    %and3A_28 = arith.andi %ne3A_27, %ne3A_23 : i1
    %add3A_29 = arith.addi %rem3A_21, %select_n3A_20 : i32
    %select_n3A_30 = arith.select %and3A_28, %add3A_29, %rem3A_21 : i32
    %c0_i32 = arith.constant 0 : i32
    %c0_i32_31 = arith.constant 0 : i32
    return %add3A_16, %c0_i32, %select_n3A_30 : i32, i32, i32
  }
}

</mosaic_0001>

<sc_bundles>
// kernel: kernel.12.cloned.1.call-start
scs
__scs_entry_jumppad:
0x0: {  	(pc) =	sbr.rel $0x88, $3  }
0x1: {  	(tag) =	ssettag $0x0;
	lr =	simm.s32 $0x1  }
0x2: {  	[smem:$0x3F94] =	sst lr;
	_ =	strace $0xD0000000  }
0x3: {  	_ = 	snop  }
0x4: {  	_ = 	snop  }
0x5: {  	_ = 	snop  }
0x6: {  	_ = 	snop  }
0x7: {  	_ = 	snop  }
__scs_overlays_trampoline_lowered:
0x8: {  	[smem:$0x3FA3] =	sst s0  }
0x9: {  	[smem:$0x3FA4] =	sst s1  }
0xa: {  	[smem:$0x3FA5] =	sst s2  }
0xb: {  	[smem:$0x3FA6] =	sst s3  }
0xc: {  	[smem:$0x3FA7] =	sst s4  }
0xd: {  	[smem:$0x3FA8] =	sst s5  }
0xe: {  	[smem:$0x3FA9] =	sst s6  }
0xf: {  	[smem:$0x3FAA] =	sst s7  }
0x10: {  	[smem:$0x3FAB] =	sst s8  }
0x11: {  	[smem:$0x3FAC] =	sst s9;
	s0 =	simm.s32 @!p0 $0x0  }
0x12: {  	s1 =	sld [smem:$0x3F92];
	s0 =	simm.s32 @p0 $0x1  }
0x13: {  	[smem:$0x3FAD] =	sst s0;
	s0 =	simm.s32 @!p1 $0x0  }
0x14: {  	s2 =	sld [smem:$0x3F91];
	s0 =	simm.s32 @p1 $0x1  }
0x15: {  	[smem:$0x3FAE] =	sst s0;
	s0 =	simm.s32 @!p2 $0x0  }
0x16: {  	s3 =	sld [smem:$0x3FDB];
	s0 =	simm.s32 @p2 $0x1  }
0x17: {  	s4 =	simm.s32 $0x1BF5;
	[smem:$0x3FB0] =	sst s0  }
0x18: {  	s0 =	sld [smem:$0x3F93];
	_ =	swait.ge [sflag:s4], $0x0  }
0x19: {  	s7 =	sld [smem:$0x3F94]  }
0x1a: {  	s8 =	sadd.s32 $0xFFFFE003, lr  }
0x1b: {  	s9 =	sadd.s32 $0xFFFFFEF7, lr;
	s5 =	simm.s32 $0xFFFFFFFF;
	p2 =	slt.u32 s8, $0xFFFFF086  }
0x1c: {  	p1 =	slt.u32 s9, $0xF7A;
	s5 =	simm.s32 @!p2 $0x0  }
0x1d: {  	s5 =	simm.s32 @p1 $0x1;
	p0 =	seq.s32 s7, s2  }
0x1e: {  	s7 =	smul.u32 @!p0 $0xF7A, s2;
	p2 =	seq.s32 @!p0 s5, $0x0  }
0x1f: {  	s9 =	smul.u32 $0xF7A, s1;
	s8 =	simm.s32 @!p0 $0x1BF5;
	p2 =	por !p2, p0  }
0x20: {  	[sflag:s8] =	ssyncset.s32 @!p0 $0xFFFFF086;
	s6 =	sadd.s32 @!p0 s3, s7;
	s7 =	simm.s32 @!p0 $0x108  }
0x21: {  	s3 =	sadd.s32 s3, s9;
	s6 =	sadd.s32 @!p0 $0x88, s6;
	s7 =	simm.s32 @p2 $0x1082  }
0x22: {  	[simem:s7], [sflag:s8] =	dma.local @!p0 [hbm:s6], $0xF7A  }
0x23: {  	s9 =	sor.u32 $0xD0000000, s2;
	s6 =	simm.s32 $0x108;
	_ =	swait.ge @!p0 [sflag:s8], $0x0  }
0x24: {  	s3 =	sadd.s32 $0x88, s3;
	s6 =	simm.s32 @!p1 $0x1082;
	[sflag:s4] =	ssyncset.s32 $0xFFFFF086  }
0x25: {  	[simem:s6], [sflag:s4] =	dma.local [hbm:s3], $0xF7A  }
0x26: {  	[smem:$0x3F94] =	sst s1;
	(tag) =	ssettag s2;
	_ =	strace s9  }
0x27: {  	s1 =	sld [smem:$0x3FA4]  }
0x28: {  	s2 =	sld [smem:$0x3FA5]  }
0x29: {  	s4 =	sld [smem:$0x3FA7]  }
0x2a: {  	p0 =	seq.s32 s5, $0x0;
	s5 =	sld [smem:$0x3FA8]  }
0x2b: {  	s6 =	sld [smem:$0x3FA9]  }
0x2c: {  	s7 =	sld [smem:$0x3FAA]  }
0x2d: {  	s3 =	simm.s32 $0x108;
	s8 =	sld [smem:$0x3FAB]  }
0x2e: {  	s3 =	simm.s32 @!p0 $0x1082;
	s9 =	sld [smem:$0x3FAC]  }
0x2f: {  	lr =	sadd.s32 s0, s3;
	s0 =	sld [smem:$0x3FA3]  }
0x30: {  	s3 =	sld [smem:$0x3FA6]  }
0x31: {  	[smem:$0x3FAF] =	sst s10  }
0x32: {  	s10 =	sld [smem:$0x3FAD];
	_ =	sdelay $0x3  }
0x33: {  	p0 =	seq.s32 s10, $0x1;
	s10 =	sld [smem:$0x3FAF];
	_ =	sdelay $0x3  }
0x34: {  	[smem:$0x3FAF] =	sst s10  }
0x35: {  	s10 =	sld [smem:$0x3FAE];
	_ =	sdelay $0x3  }
0x36: {  	p1 =	seq.s32 s10, $0x1;
	s10 =	sld [smem:$0x3FAF];
	_ =	sdelay $0x3  }
0x37: {  	[smem:$0x3FAF] =	sst s10  }
0x38: {  	s10 =	sld [smem:$0x3FB0]  }
0x39: {  	_ = 	snop;
	(pc) =	sbr.ind lr, $3  }
0x3a: {  	_ = 	snop  }
0x3b: {  	_ = 	snop  }
0x3c: {  	p2 =	seq.s32 s10, $0x1;
	s10 =	sld [smem:$0x3FAF]  }
0x3d: {  	_ =	shalt  }
0x3e: {  	_ =	shalt  }
0x3f: {  	_ =	shalt  }
0x40: {  	_ =	shalt  }
0x41: {  	_ =	shalt  }
0x42: {  	_ =	shalt  }
0x43: {  	_ =	shalt  }
0x44: {  	_ =	shalt  }
0x45: {  	_ =	shalt  }
0x46: {  	_ =	shalt  }
0x47: {  	_ =	shalt  }
0x48: {  	_ =	shalt  }
0x49: {  	_ =	shalt  }
0x4a: {  	_ =	shalt  }
0x4b: {  	_ =	shalt  }
0x4c: {  	_ =	shalt  }
0x4d: {  	_ =	shalt  }
0x4e: {  	_ =	shalt  }
0x4f: {  	_ =	shalt  }
0x50: {  	_ =	shalt  }
0x51: {  	_ =	shalt  }
0x52: {  	_ =	shalt  }
0x53: {  	_ =	shalt  }
0x54: {  	_ =	shalt  }
0x55: {  	_ =	shalt  }
0x56: {  	_ =	shalt  }
0x57: {  	_ =	shalt  }
0x58: {  	_ =	shalt  }
0x59: {  	_ =	shalt  }
0x5a: {  	_ =	shalt  }
0x5b: {  	_ =	shalt  }
0x5c: {  	_ =	shalt  }
0x5d: {  	_ =	shalt  }
0x5e: {  	_ =	shalt  }
0x5f: {  	_ =	shalt  }
0x60: {  	_ =	shalt  }
0x61: {  	_ =	shalt  }
0x62: {  	_ =	shalt  }
0x63: {  	_ =	shalt  }
0x64: {  	_ =	shalt  }
0x65: {  	_ =	shalt  }
0x66: {  	_ =	shalt  }
0x67: {  	_ =	shalt  }
0x68: {  	_ =	shalt  }
0x69: {  	_ =	shalt  }
0x6a: {  	_ =	shalt  }
0x6b: {  	_ =	shalt  }
0x6c: {  	_ =	shalt  }
0x6d: {  	_ =	shalt  }
0x6e: {  	_ =	shalt  }
0x6f: {  	_ =	shalt  }
0x70: {  	_ =	shalt  }
0x71: {  	_ =	shalt  }
0x72: {  	_ =	shalt  }
0x73: {  	_ =	shalt  }
0x74: {  	_ =	shalt  }
0x75: {  	_ =	shalt  }
0x76: {  	_ =	shalt  }
0x77: {  	_ =	shalt  }
0x78: {  	_ =	shalt  }
0x79: {  	_ =	shalt  }
0x7a: {  	_ =	shalt  }
0x7b: {  	_ =	shalt  }
0x7c: {  	_ =	shalt  }
0x7d: {  	_ =	shalt  }
0x7e: {  	_ =	shalt  }
0x7f: {  	_ =	shalt  }
0x80: {  	_ =	shalt  }
0x81: {  	_ =	shalt  }
0x82: {  	_ =	shalt  }
0x83: {  	_ =	shalt  }
0x84: {  	_ =	shalt  }
0x85: {  	_ =	shalt  }
0x86: {  	_ =	shalt  }
0x87: {  	_ =	shalt  }
.Lfunc_end0:
.L_simem_size_0:
called_computation.1_lowered:
.L_overlay_start_0:
0x88: {  	s2 =	sld [smem:$0x3FD9]  }
0x89: {  	s3 =	sld [smem:$0x3FFE];
	_ =	sdelay $0x1  }
0x8a: {  	s1 =	srdreg.scid  }
0x8b: {  	s0 =	sand.u32 $0x1, s1  }
0x8c: {  	s17 =	sshll.u32 s0, $0xA;
	s2 =	sadd.s32 s3, s2  }
0x8d: {  	s2 =	sadd.s32 s2, s17  }
0x8e: {  	[smem:$0x3FBB] =	sst s2  }
0x8f: {  	_ = 	snop  }
0x90: {  	(tm) =	ssettm $0x1  }
0x91: {  	s18 =	sld [smem:$0x3FFB];
	_ =	sdelay $0x3  }
0x92: {  	_ =	strace s18  }
0x93: {  	s2 =	sld [smem:$0x3FFC];
	_ =	sdelay $0x3  }
0x94: {  	_ =	strace s2  }
0x95: {  	s2 =	sld [smem:$0x3FFD];
	_ =	sdelay $0x3  }
0x96: {  	_ =	strace s2  }
0x97: {  	_ =	strace $0x8FFFFFFF  }
0x98: {  	s19 =	sld [smem:$0x3FDB];
	_ =	sdelay $0x1  }
0x99: {  	s20 =	simm.s32 $_scs_section_size  }
0x9a: {  	s4 =	simm.s32 $_size__tile_overlayer_lowered;
	s5 =	simm.s32 $_tile_overlayer_lowered  }
0x9b: {  	s6 =	simm.s32 $0x1BFF;
	s21 =	sshll.u32 s5, $0x1;
	s3 =	sadd.s32 s20, s19  }
0x9c: {  	s22 =	simm.s32 $0x0;
	s4 =	sshll.u32 s4, $0x1;
	s5 =	sadd.s32 s21, s3  }
0x9d: {  	[timem:s22], [sflag:s6] =	dma.local [hbm:s5], s4  }
0x9e: {  	_ =	swait.ge [sflag:s6], s4  }
0x9f: {  	s4 =	ssub.s32 $0x0, s4;
	[sflag:s6] =	ssyncset.done $0x0  }
0xa0: {  	[sflag:s6] =	ssyncadd.s32 s4;
	_ =	sdelay $0x1  }
0xa1: {  	s23 =	simm.s32 $0x1B8B  }
0xa2: {  	_ =	swait.ge [sflag:s23], $0x1  }
0xa3: {  	[sflag:s23] =	ssyncset.done $0x0  }
0xa4: {  	[sflag:s23] =	ssyncadd.s32 $0xFFFFFFFF  }
0xa5: {  	s4 =	sld [smem:$0x0]  }
0xa6: {  	s5 =	sand.u32 $0xFFFFFFFE, s1  }
0xa7: {  	p0 =	sne.s32 s1, s5  }
0xa8: {  	s5 =	sshll.u32 @p0 s5, $0xE  }
0xa9: {  	s5 =	sadd.s32 @p0 $0x11B8D, s5;
	s6 =	sshll.u32 @p0 s4, $0x11  }
0xaa: {  	s5 =	sor.u32 @p0 s6, s5  }
0xab: {  	[sflag:s5] =	ssyncadd.remote.s32 @p0 $0x1;
	_ =	sdelay $0x1  }
0xac: {  	s5 =	simm.s32 @p0 $0x1B8D  }
0xad: {  	_ =	swait.eq @p0 [sflag:s5], $0x1  }
0xae: {  	[sflag:s5] =	ssyncadd.s32 @p0 $0xFFFFFFFF  }
0xaf: {  	s6 =	sshll.u32 @!p0 s1, $0xE  }
0xb0: {  	s6 =	sor.u32 @!p0 $0x4000, s6;
	s5 =	simm.s32 @!p0 $0x1B8D  }
0xb1: {  	s4 =	sshll.u32 @!p0 s4, $0x11;
	s6 =	sadd.s32 @!p0 $0x11B8D, s6;
	_ =	swait.eq @!p0 [sflag:s5], $0x1  }
0xb2: {  	s4 =	sor.u32 @!p0 s4, s6;
	[sflag:s5] =	ssyncadd.s32 @!p0 $0xFFFFFFFF  }
0xb3: {  	s25 =	simm.s32 $0x1B8E;
	s24 =	sld [smem:$0x3FFE];
	[sflag:s4] =	ssyncadd.remote.s32 @!p0 $0x1  }
0xb4: {  	s26 =	simm.s32 $execute0_lowered;
	[smem:$0x3FD2] =	sst s25  }
0xb5: {  	s5 =	sshll.u32 s26, $0x1;
	_ =	strace $0x80000049;
	[dreg:$0x1] =	wrdreg $0xFFFFFFFF  }
0xb6: {  	s28 =	simm.s32 $_size_execute0_lowered;
	s3 =	sadd.s32 s3, s5;
	[dreg:$0x0] =	wrdreg $0x0  }
0xb7: {  	s5 =	sshll.u32 s28, $0x1;
	[dreg:$0x2] =	wrdreg s3  }
0xb8: {  	[dreg:$0x3] =	wrdreg s5  }
0xb9: {  	[dreg:$0x4] =	wrdreg $0xC0  }
0xba: {  	_ =	task [dreg:s22], $0x5FFFF  }
0xbb: {  	[dreg:$0x1] =	wrdreg $0xFFFFFFFF  }
0xbc: {  	[dreg:$0x0] =	wrdreg $0x60  }
0xbd: {  	[dreg:$0x2] =	wrdreg s24  }
0xbe: {  	[dreg:$0x3] =	wrdreg $0xA  }
0xbf: {  	_ =	task.clear_ibuf [dreg:s22], $0x4FFFF;
	_ =	strace $0x90000049  }
0xc0: {  	s29 =	simm.s32 $0xA;
	_ =	strace $0x8000004B  }
0xc1: {  	_ =	swait.ge [sflag:s29], $0x1  }
0xc2: {  	[sflag:s29] =	ssyncadd.s32 $0xFFFFFFFF  }
0xc3: {  	_ =	strace $0x9000004B  }
0xc4: {  	_ =	sfence  }
0xc5: {  	s30 =	sld [smem:$0x0];
	_ =	sdelay $0x2  }
0xc6: {  	s31 =	sshll.u32 s1, $0xD;
	s1 =	sshrl.u32 s1, $0x2  }
0xc7: {  	s4 =	sand.u32 $0x4000, s31;
	s1 =	sadd.s32 s1, s30  }
0xc8: {  	s0 =	sor.u32 s4, s0;
	s1 =	sshll.u32 s1, $0x11  }
0xc9: {  	s0 =	sor.u32 s1, s0  }
0xca: {  	s0 =	sadd.s32 $0x8F2B, s0  }
0xcb: {  	[sflag:s0] =	ssyncadd.remote.s32 $0x1  }
0xcc: {  	_ =	sfence.sel $0xFFFF  }
0xcd: {  	[dreg:$0x0] =	wrdreg $0xFFFFFFFF;
	(pc) =	sbr.abs _section_cstart, $3  }
0xce: {  	[dreg:$0x1] =	wrdreg $0xFFFFFFFF  }
0xcf: {  	_ =	task.clear_ibuf [dreg:s22], $0x2FFFF;
	_ =	strace $0x9FFFFFFF  }
0xd0: {  	(tm) =	ssettm $0x7FFFFFFF  }
0xd1: {  	_ =	shalt  }
tec
execute0_lowered:
.L_overlay_start_1:
0x0: {  	(tag) =	ssettag $0x1  }
0x1: {  	s0 =	srdreg.scid;
	s1 =	stileid.u32  }
0x2: {  	s3 =	rddreg [dreg:$0x0];
	s0 =	sand.u32 $0x1, s0;
	s1 =	sshll.u32 s1, $0x1  }
0x3: {  	s2 =	simm.s32 $0x0;
	s30 =	simm.s32 $0x9;
	s1 =	sor.u32 s0, s1  }
0x4: {  	s26 =	simm.s32 $0x100;
	[smem:$0x7FF] =	sst s2;
	s4 =	sshll.u32 s1, $0x8  }
0x5: {  	_ =	strace $0x8000004A;
	s1 =	sshll.u32 s1, $0xF;
	s4 =	sadd.s32 s4, s3  }
0x6: {  	[dreg:$0x13] =	wrdreg s26;
	s1 =	sadd.s32 s1, s3;
	s4 =	sadd.s32 $0x124800, s4  }
0x7: {  	s9 =	simm.s32 $0x4800;
	s11 =	sadd.s32 $0x126800, s1;
	[dreg:$0x2] =	wrdreg s4  }
0x8: {  	s8 =	simm.s32 $0x8800;
	s12 =	sadd.s32 $0x12C800, s1;
	[dreg:$0x3] =	wrdreg s11  }
0x9: {  	s31 =	simm.s32 $0x180;
	s13 =	sadd.s32 $0x12D000, s1;
	[dreg:$0x4] =	wrdreg s12  }
0xa: {  	s7 =	simm.s32 $0xC800;
	s14 =	sadd.s32 $0x12D800, s1;
	[dreg:$0x5] =	wrdreg s13  }
0xb: {  	s29 =	simm.s32 $0x200;
	s15 =	sadd.s32 $0x12E000, s1;
	[dreg:$0x6] =	wrdreg s14  }
0xc: {  	s28 =	simm.s32 $0x280;
	s16 =	sadd.s32 $0x127000, s1;
	[dreg:$0x7] =	wrdreg s15  }
0xd: {  	s6 =	simm.s32 $0x8;
	s17 =	sadd.s32 $0x127800, s1;
	[dreg:$0x8] =	wrdreg s16  }
0xe: {  	p0 =	por $0x0, $0x0;
	s18 =	sadd.s32 $0x128000, s1;
	[dreg:$0x9] =	wrdreg s17  }
0xf: {  	s10 =	sadd.s32 $0x4800, s3;
	s19 =	sadd.s32 $0x128800, s1;
	[dreg:$0xa] =	wrdreg s18  }
0x10: {  	s0 =	ssub.s32 $0x2, s0;
	s20 =	sadd.s32 $0x129000, s1;
	[dreg:$0xb] =	wrdreg s19  }
0x11: {  	s26 =	simm.s32 $0x300;
	s21 =	sadd.s32 $0x129800, s1;
	[dreg:$0xc] =	wrdreg s20  }
0x12: {  	s5 =	sshrl.u32 s0, $0x1;
	s22 =	sadd.s32 $0x12A000, s1;
	[dreg:$0xd] =	wrdreg s21  }
0x13: {  	s0 =	ssub.s32 s0, s5;
	s23 =	sadd.s32 $0x12A800, s1;
	[dreg:$0xe] =	wrdreg s22  }
0x14: {  	s3 =	simm.s32 $0x5;
	s24 =	sadd.s32 $0x12B000, s1;
	[dreg:$0xf] =	wrdreg s23  }
0x15: {  	s5 =	simm.s32 $0x7;
	s25 =	sadd.s32 $0x12B800, s1;
	[dreg:$0x10] =	wrdreg s24  }
0x16: {  	s1 =	sadd.s32 $0x12C000, s1;
	s0 =	smax.u32 s0, $0x1;
	[dreg:$0x11] =	wrdreg s25  }
0x17: {  	[dreg:$0x12] =	wrdreg s1;
	s13 =	simm.s32 $0x80;
	s11 =	simm.s32 $0x800  }
0x18: {  	s16 =	simm.s32 $0x1;
	s15 =	simm.s32 $0x2;
	p1 =	sne.s32 s0, $0x1  }
.Ltmp0:
0x19: {  	s4 =	simm.s32 $0x6;
	s14 =	simm.s32 $0x3;
	(pc) =	sbr.rel @!p1 .LBB2_3-.Ltmp0, $4  }
0x1a: {  	s12 =	simm.s32 $0x4;
	s25 =	simm.s32 $0x380;
	s24 =	simm.s32 $0x400  }
0x1b: {  	s23 =	simm.s32 $0x480;
	s1 =	sadd.s32 $0xFFFFFFFF, s0;
	s22 =	simm.s32 $0x500  }
0x1c: {  	s21 =	simm.s32 $0x580;
	s20 =	simm.s32 $0x600;
	s19 =	simm.s32 $0x680  }
0x1d: {  	s18 =	simm.s32 $0x700;
	s17 =	simm.s32 $0x780;
	s0 =	rddreg [dreg:$0x2]  }
0x1e: {  	[tilespmem:s2], [sflag:$0x9] =	stream.linear.gather [hbm4b:s0+s2], $0x800, $0x38;
	[tilespmem:$0x10800] =	vst v63  }
0x1f: {  	_ =	swait.ge [sflag:s30], $0x800  }
0x20: {  	[sflag:s30] =	ssyncset.done $0x0  }
0x21: {  	[sflag:s30] =	ssyncadd.s32 $0xFFFFF800  }
0x22: {  	[tilespmem:s11], [sflag:$0x1] =	stream.indirect.gather [hbm4b:s10+s13], $0x80, s2, s13, $0xb8;
	[tilespmem:$0x10800] =	vst v63  }
0x23: {  	_ = 	snop  }
0x24: {  	[tilespmem:s9], [sflag:$0x2] =	stream.indirect.gather [hbm4b:s10+s13], $0x80, s13, s13, $0xb8;
	[tilespmem:$0x10800] =	vst v63  }
0x25: {  	s0 =	rddreg [dreg:$0x13]  }
0x26: {  	[tilespmem:s8], [sflag:$0x3] =	stream.indirect.gather [hbm4b:s10+s13], $0x80, s0, s13, $0xb8;
	[tilespmem:$0x10800] =	vst v63  }
0x27: {  	_ = 	snop  }
0x28: {  	[tilespmem:s7], [sflag:$0x4] =	stream.indirect.gather [hbm4b:s10+s13], $0x80, s31, s13, $0xb8;
	[tilespmem:$0x10800] =	vst v63  }
0x29: {  	_ =	swait.ge [sflag:s16], $0x4000  }
0x2a: {  	[sflag:s16] =	ssyncset.done $0x0  }
0x2b: {  	s0 =	rddreg [dreg:$0x3];
	[sflag:s16] =	ssyncadd.s32 $0xFFFFC000  }
0x2c: {  	[hbm4b:s0+s2] =	stream.linear.scatter [tilespmem:s11], [sflag:$0x5], $0x4000, $0x38;
	[tilespmem:$0x10800] =	vst v63  }
0x2d: {  	_ =	swait.ge [sflag:s3], $0x4000  }
0x2e: {  	[sflag:s3] =	ssyncset.done $0x0  }
0x2f: {  	[sflag:s3] =	ssyncadd.s32 $0xFFFFC000  }
0x30: {  	[tilespmem:s11], [sflag:$0x1] =	stream.indirect.gather [hbm4b:s10+s13], $0x80, s29, s13, $0xb8;
	[tilespmem:$0x10800] =	vst v63  }
0x31: {  	_ =	swait.ge [sflag:s15], $0x4000  }
0x32: {  	[sflag:s15] =	ssyncset.done $0x0  }
0x33: {  	s0 =	rddreg [dreg:$0x8];
	[sflag:s15] =	ssyncadd.s32 $0xFFFFC000  }
0x34: {  	[hbm4b:s0+s2] =	stream.linear.scatter [tilespmem:s9], [sflag:$0x6], $0x4000, $0x38;
	[tilespmem:$0x10800] =	vst v63  }
0x35: {  	_ =	swait.ge [sflag:s4], $0x4000  }
0x36: {  	[sflag:s4] =	ssyncset.done $0x0  }
0x37: {  	[sflag:s4] =	ssyncadd.s32 $0xFFFFC000  }
0x38: {  	[tilespmem:s9], [sflag:$0x2] =	stream.indirect.gather [hbm4b:s10+s13], $0x80, s28, s13, $0xb8;
	[tilespmem:$0x10800] =	vst v63  }
0x39: {  	_ =	swait.ge [sflag:s14], $0x4000  }
0x3a: {  	[sflag:s14] =	ssyncset.done $0x0  }
0x3b: {  	s0 =	rddreg [dreg:$0x9];
	[sflag:s14] =	ssyncadd.s32 $0xFFFFC000  }
0x3c: {  	[hbm4b:s0+s2] =	stream.linear.scatter [tilespmem:s8], [sflag:$0x7], $0x4000, $0x38;
	[tilespmem:$0x10800] =	vst v63  }
0x3d: {  	_ =	swait.ge [sflag:s5], $0x4000  }
0x3e: {  	[sflag:s5] =	ssyncset.done $0x0  }
0x3f: {  	[sflag:s5] =	ssyncadd.s32 $0xFFFFC000  }
0x40: {  	[tilespmem:s8], [sflag:$0x3] =	stream.indirect.gather [hbm4b:s10+s13], $0x80, s26, s13, $0xb8;
	[tilespmem:$0x10800] =	vst v63  }
0x41: {  	_ =	swait.ge [sflag:s12], $0x4000  }
0x42: {  	[sflag:s12] =	ssyncset.done $0x0  }
0x43: {  	s0 =	rddreg [dreg:$0xa];
	[sflag:s12] =	ssyncadd.s32 $0xFFFFC000  }
0x44: {  	[hbm4b:s0+s2] =	stream.linear.scatter [tilespmem:s7], [sflag:$0x8], $0x4000, $0x38;
	[tilespmem:$0x10800] =	vst v63  }
0x45: {  	_ =	swait.ge [sflag:s6], $0x4000  }
0x46: {  	[sflag:s6] =	ssyncset.done $0x0  }
0x47: {  	[sflag:s6] =	ssyncadd.s32 $0xFFFFC000  }
0x48: {  	[tilespmem:s7], [sflag:$0x4] =	stream.indirect.gather [hbm4b:s10+s13], $0x80, s25, s13, $0xb8;
	[tilespmem:$0x10800] =	vst v63  }
0x49: {  	_ =	swait.ge [sflag:s16], $0x4000  }
0x4a: {  	[sflag:s16] =	ssyncset.done $0x0  }
0x4b: {  	s0 =	rddreg [dreg:$0xb];
	[sflag:s16] =	ssyncadd.s32 $0xFFFFC000  }
0x4c: {  	[hbm4b:s0+s2] =	stream.linear.scatter [tilespmem:s11], [sflag:$0x5], $0x4000, $0x38;
	[tilespmem:$0x10800] =	vst v63  }
0x4d: {  	_ =	swait.ge [sflag:s3], $0x4000  }
0x4e: {  	[sflag:s3] =	ssyncset.done $0x0  }
0x4f: {  	[sflag:s3] =	ssyncadd.s32 $0xFFFFC000  }
0x50: {  	[tilespmem:s11], [sflag:$0x1] =	stream.indirect.gather [hbm4b:s10+s13], $0x80, s24, s13, $0xb8;
	[tilespmem:$0x10800] =	vst v63  }
0x51: {  	_ =	swait.ge [sflag:s15], $0x4000  }
0x52: {  	[sflag:s15] =	ssyncset.done $0x0  }
0x53: {  	s0 =	rddreg [dreg:$0xc];
	[sflag:s15] =	ssyncadd.s32 $0xFFFFC000  }
0x54: {  	[hbm4b:s0+s2] =	stream.linear.scatter [tilespmem:s9], [sflag:$0x6], $0x4000, $0x38;
	[tilespmem:$0x10800] =	vst v63  }
0x55: {  	_ =	swait.ge [sflag:s4], $0x4000  }
0x56: {  	[sflag:s4] =	ssyncset.done $0x0  }
0x57: {  	[sflag:s4] =	ssyncadd.s32 $0xFFFFC000  }
0x58: {  	[tilespmem:s9], [sflag:$0x2] =	stream.indirect.gather [hbm4b:s10+s13], $0x80, s23, s13, $0xb8;
	[tilespmem:$0x10800] =	vst v63  }
0x59: {  	_ =	swait.ge [sflag:s14], $0x4000  }
0x5a: {  	[sflag:s14] =	ssyncset.done $0x0  }
0x5b: {  	s0 =	rddreg [dreg:$0xd];
	[sflag:s14] =	ssyncadd.s32 $0xFFFFC000  }
0x5c: {  	[hbm4b:s0+s2] =	stream.linear.scatter [tilespmem:s8], [sflag:$0x7], $0x4000, $0x38;
	[tilespmem:$0x10800] =	vst v63  }
0x5d: {  	_ =	swait.ge [sflag:s5], $0x4000  }
0x5e: {  	[sflag:s5] =	ssyncset.done $0x0  }
0x5f: {  	[sflag:s5] =	ssyncadd.s32 $0xFFFFC000  }
0x60: {  	[tilespmem:s8], [sflag:$0x3] =	stream.indirect.gather [hbm4b:s10+s13], $0x80, s22, s13, $0xb8;
	[tilespmem:$0x10800] =	vst v63  }
0x61: {  	_ =	swait.ge [sflag:s12], $0x4000  }
0x62: {  	[sflag:s12] =	ssyncset.done $0x0  }
0x63: {  	s0 =	rddreg [dreg:$0xe];
	[sflag:s12] =	ssyncadd.s32 $0xFFFFC000  }
0x64: {  	[hbm4b:s0+s2] =	stream.linear.scatter [tilespmem:s7], [sflag:$0x8], $0x4000, $0x38;
	[tilespmem:$0x10800] =	vst v63  }
0x65: {  	_ =	swait.ge [sflag:s6], $0x4000  }
0x66: {  	[sflag:s6] =	ssyncset.done $0x0  }
0x67: {  	[sflag:s6] =	ssyncadd.s32 $0xFFFFC000  }
0x68: {  	[tilespmem:s7], [sflag:$0x4] =	stream.indirect.gather [hbm4b:s10+s13], $0x80, s21, s13, $0xb8;
	[tilespmem:$0x10800] =	vst v63  }
0x69: {  	_ =	swait.ge [sflag:s16], $0x4000  }
0x6a: {  	[sflag:s16] =	ssyncset.done $0x0  }
0x6b: {  	s0 =	rddreg [dreg:$0xf];
	[sflag:s16] =	ssyncadd.s32 $0xFFFFC000  }
0x6c: {  	[hbm4b:s0+s2] =	stream.linear.scatter [tilespmem:s11], [sflag:$0x5], $0x4000, $0x38;
	[tilespmem:$0x10800] =	vst v63  }
0x6d: {  	_ =	swait.ge [sflag:s3], $0x4000  }
0x6e: {  	[sflag:s3] =	ssyncset.done $0x0  }
0x6f: {  	[sflag:s3] =	ssyncadd.s32 $0xFFFFC000  }
0x70: {  	[tilespmem:s11], [sflag:$0x1] =	stream.indirect.gather [hbm4b:s10+s13], $0x80, s20, s13, $0xb8;
	[tilespmem:$0x10800] =	vst v63  }
0x71: {  	_ =	swait.ge [sflag:s15], $0x4000  }
0x72: {  	[sflag:s15] =	ssyncset.done $0x0  }
0x73: {  	s0 =	rddreg [dreg:$0x10];
	[sflag:s15] =	ssyncadd.s32 $0xFFFFC000  }
0x74: {  	[hbm4b:s0+s2] =	stream.linear.scatter [tilespmem:s9], [sflag:$0x6], $0x4000, $0x38;
	[tilespmem:$0x10800] =	vst v63  }
0x75: {  	_ =	swait.ge [sflag:s4], $0x4000  }
0x76: {  	[sflag:s4] =	ssyncset.done $0x0  }
0x77: {  	[sflag:s4] =	ssyncadd.s32 $0xFFFFC000  }
0x78: {  	[tilespmem:s9], [sflag:$0x2] =	stream.indirect.gather [hbm4b:s10+s13], $0x80, s19, s13, $0xb8;
	[tilespmem:$0x10800] =	vst v63  }
0x79: {  	_ =	swait.ge [sflag:s14], $0x4000  }
0x7a: {  	[sflag:s14] =	ssyncset.done $0x0  }
0x7b: {  	s0 =	rddreg [dreg:$0x11];
	[sflag:s14] =	ssyncadd.s32 $0xFFFFC000  }
0x7c: {  	[hbm4b:s0+s2] =	stream.linear.scatter [tilespmem:s8], [sflag:$0x7], $0x4000, $0x38;
	[tilespmem:$0x10800] =	vst v63  }
0x7d: {  	_ =	swait.ge [sflag:s5], $0x4000  }
0x7e: {  	[sflag:s5] =	ssyncset.done $0x0  }
0x7f: {  	[sflag:s5] =	ssyncadd.s32 $0xFFFFC000  }
0x80: {  	[tilespmem:s8], [sflag:$0x3] =	stream.indirect.gather [hbm4b:s10+s13], $0x80, s18, s13, $0xb8;
	[tilespmem:$0x10800] =	vst v63  }
0x81: {  	_ =	swait.ge [sflag:s12], $0x4000  }
0x82: {  	[sflag:s12] =	ssyncset.done $0x0  }
0x83: {  	s0 =	rddreg [dreg:$0x12];
	[sflag:s12] =	ssyncadd.s32 $0xFFFFC000  }
0x84: {  	[hbm4b:s0+s2] =	stream.linear.scatter [tilespmem:s7], [sflag:$0x8], $0x4000, $0x38;
	[tilespmem:$0x10800] =	vst v63  }
0x85: {  	_ =	swait.ge [sflag:s6], $0x4000  }
0x86: {  	[sflag:s6] =	ssyncset.done $0x0  }
0x87: {  	[sflag:s6] =	ssyncadd.s32 $0xFFFFC000  }
0x88: {  	[tilespmem:s7], [sflag:$0x4] =	stream.indirect.gather [hbm4b:s10+s13], $0x80, s17, s13, $0xb8;
	[tilespmem:$0x10800] =	vst v63  }
0x89: {  	_ =	swait.ge [sflag:s16], $0x4000  }
0x8a: {  	[sflag:s16] =	ssyncset.done $0x0  }
0x8b: {  	s0 =	rddreg [dreg:$0x4];
	[sflag:s16] =	ssyncadd.s32 $0xFFFFC000  }
0x8c: {  	[hbm4b:s0+s2] =	stream.linear.scatter [tilespmem:s11], [sflag:$0x5], $0x4000, $0x38;
	[tilespmem:$0x10800] =	vst v63  }
0x8d: {  	_ =	swait.ge [sflag:s15], $0x4000  }
0x8e: {  	[sflag:s15] =	ssyncset.done $0x0  }
0x8f: {  	s0 =	rddreg [dreg:$0x5];
	[sflag:s15] =	ssyncadd.s32 $0xFFFFC000  }
0x90: {  	[hbm4b:s0+s2] =	stream.linear.scatter [tilespmem:s9], [sflag:$0x6], $0x4000, $0x38;
	[tilespmem:$0x10800] =	vst v63  }
0x91: {  	_ =	swait.ge [sflag:s14], $0x4000  }
0x92: {  	[sflag:s14] =	ssyncset.done $0x0  }
0x93: {  	s0 =	rddreg [dreg:$0x6];
	[sflag:s14] =	ssyncadd.s32 $0xFFFFC000  }
0x94: {  	[hbm4b:s0+s2] =	stream.linear.scatter [tilespmem:s8], [sflag:$0x7], $0x4000, $0x38;
	[tilespmem:$0x10800] =	vst v63  }
0x95: {  	_ =	swait.ge [sflag:s12], $0x4000  }
0x96: {  	[sflag:s12] =	ssyncset.done $0x0  }
0x97: {  	s0 =	rddreg [dreg:$0x7];
	[sflag:s12] =	ssyncadd.s32 $0xFFFFC000  }
0x98: {  	[hbm4b:s0+s2] =	stream.linear.scatter [tilespmem:s7], [sflag:$0x8], $0x4000, $0x38;
	[tilespmem:$0x10800] =	vst v63  }
0x99: {  	_ =	swait.ge [sflag:s3], $0x4000  }
0x9a: {  	[sflag:s3] =	ssyncset.done $0x0  }
0x9b: {  	[sflag:s3] =	ssyncadd.s32 $0xFFFFC000  }
0x9c: {  	_ =	swait.ge [sflag:s4], $0x4000  }
0x9d: {  	[sflag:s4] =	ssyncset.done $0x0  }
0x9e: {  	p1 =	sne.s32 s1, $0x1;
	[sflag:s4] =	ssyncadd.s32 $0xFFFFC000  }
.Ltmp1:
0x9f: {  	_ =	swait.ge [sflag:s5], $0x4000;
	(pc) =	sbr.rel @!p1 .LBB2_3-.Ltmp1, $4  }
0xa0: {  	[sflag:s5] =	ssyncset.done $0x0  }
0xa1: {  	[sflag:s5] =	ssyncadd.s32 $0xFFFFC000  }
0xa2: {  	s1 =	sadd.s32 $0xFFFFFFFF, s1;
	_ =	swait.ge [sflag:s6], $0x4000  }
0xa3: {  	p0 =	por $0x1, $0x1;
	s0 =	rddreg [dreg:$0x2];
	[sflag:s6] =	ssyncset.done $0x0  }
.LBB2_2:
0xa4: {  	[sflag:s6] =	ssyncadd.s32 $0xFFFFC000  }
0xa5: {  	[tilespmem:s2], [sflag:$0x9] =	stream.linear.gather [hbm4b:s0+s2], $0x800, $0x38;
	[tilespmem:$0x10800] =	vst v63  }
0xa6: {  	_ =	swait.ge [sflag:s30], $0x800  }
0xa7: {  	[sflag:s30] =	ssyncset.done $0x0  }
0xa8: {  	[sflag:s30] =	ssyncadd.s32 $0xFFFFF800  }
0xa9: {  	[tilespmem:s11], [sflag:$0x1] =	stream.indirect.gather [hbm4b:s10+s13], $0x80, s2, s13, $0xb8;
	[tilespmem:$0x10800] =	vst v63  }
0xaa: {  	_ = 	snop  }
0xab: {  	[tilespmem:s9], [sflag:$0x2] =	stream.indirect.gather [hbm4b:s10+s13], $0x80, s13, s13, $0xb8;
	[tilespmem:$0x10800] =	vst v63  }
0xac: {  	s0 =	rddreg [dreg:$0x13]  }
0xad: {  	[tilespmem:s8], [sflag:$0x3] =	stream.indirect.gather [hbm4b:s10+s13], $0x80, s0, s13, $0xb8;
	[tilespmem:$0x10800] =	vst v63  }
0xae: {  	_ = 	snop  }
0xaf: {  	[tilespmem:s7], [sflag:$0x4] =	stream.indirect.gather [hbm4b:s10+s13], $0x80, s31, s13, $0xb8;
	[tilespmem:$0x10800] =	vst v63  }
0xb0: {  	_ =	swait.ge [sflag:s16], $0x4000  }
0xb1: {  	[sflag:s16] =	ssyncset.done $0x0  }
0xb2: {  	s0 =	rddreg [dreg:$0x3];
	[sflag:s16] =	ssyncadd.s32 $0xFFFFC000  }
0xb3: {  	[hbm4b:s0+s2] =	stream.linear.scatter [tilespmem:s11], [sflag:$0x5], $0x4000, $0x38;
	[tilespmem:$0x10800] =	vst v63  }
0xb4: {  	_ =	swait.ge [sflag:s3], $0x4000  }
0xb5: {  	[sflag:s3] =	ssyncset.done $0x0  }
0xb6: {  	[sflag:s3] =	ssyncadd.s32 $0xFFFFC000  }
0xb7: {  	[tilespmem:s11], [sflag:$0x1] =	stream.indirect.gather [hbm4b:s10+s13], $0x80, s29, s13, $0xb8;
	[tilespmem:$0x10800] =	vst v63  }
0xb8: {  	_ =	swait.ge [sflag:s15], $0x4000  }
0xb9: {  	[sflag:s15] =	ssyncset.done $0x0  }
0xba: {  	s0 =	rddreg [dreg:$0x8];
	[sflag:s15] =	ssyncadd.s32 $0xFFFFC000  }
0xbb: {  	[hbm4b:s0+s2] =	stream.linear.scatter [tilespmem:s9], [sflag:$0x6], $0x4000, $0x38;
	[tilespmem:$0x10800] =	vst v63  }
0xbc: {  	_ =	swait.ge [sflag:s4], $0x4000  }
0xbd: {  	[sflag:s4] =	ssyncset.done $0x0  }
0xbe: {  	[sflag:s4] =	ssyncadd.s32 $0xFFFFC000  }
0xbf: {  	[tilespmem:s9], [sflag:$0x2] =	stream.indirect.gather [hbm4b:s10+s13], $0x80, s28, s13, $0xb8;
	[tilespmem:$0x10800] =	vst v63  }
0xc0: {  	_ =	swait.ge [sflag:s14], $0x4000  }
0xc1: {  	[sflag:s14] =	ssyncset.done $0x0  }
0xc2: {  	s0 =	rddreg [dreg:$0x9];
	[sflag:s14] =	ssyncadd.s32 $0xFFFFC000  }
0xc3: {  	[hbm4b:s0+s2] =	stream.linear.scatter [tilespmem:s8], [sflag:$0x7], $0x4000, $0x38;
	[tilespmem:$0x10800] =	vst v63  }
0xc4: {  	_ =	swait.ge [sflag:s5], $0x4000  }
0xc5: {  	[sflag:s5] =	ssyncset.done $0x0  }
0xc6: {  	[sflag:s5] =	ssyncadd.s32 $0xFFFFC000  }
0xc7: {  	[tilespmem:s8], [sflag:$0x3] =	stream.indirect.gather [hbm4b:s10+s13], $0x80, s26, s13, $0xb8;
	[tilespmem:$0x10800] =	vst v63  }
0xc8: {  	_ =	swait.ge [sflag:s12], $0x4000  }
0xc9: {  	[sflag:s12] =	ssyncset.done $0x0  }
0xca: {  	s0 =	rddreg [dreg:$0xa];
	[sflag:s12] =	ssyncadd.s32 $0xFFFFC000  }
0xcb: {  	[hbm4b:s0+s2] =	stream.linear.scatter [tilespmem:s7], [sflag:$0x8], $0x4000, $0x38;
	[tilespmem:$0x10800] =	vst v63  }
0xcc: {  	_ =	swait.ge [sflag:s6], $0x4000  }
0xcd: {  	[sflag:s6] =	ssyncset.done $0x0  }
0xce: {  	[sflag:s6] =	ssyncadd.s32 $0xFFFFC000  }
0xcf: {  	[tilespmem:s7], [sflag:$0x4] =	stream.indirect.gather [hbm4b:s10+s13], $0x80, s25, s13, $0xb8;
	[tilespmem:$0x10800] =	vst v63  }
0xd0: {  	_ =	swait.ge [sflag:s16], $0x4000  }
0xd1: {  	[sflag:s16] =	ssyncset.done $0x0  }
0xd2: {  	s0 =	rddreg [dreg:$0xb];
	[sflag:s16] =	ssyncadd.s32 $0xFFFFC000  }
0xd3: {  	[hbm4b:s0+s2] =	stream.linear.scatter [tilespmem:s11], [sflag:$0x5], $0x4000, $0x38;
	[tilespmem:$0x10800] =	vst v63  }
0xd4: {  	_ =	swait.ge [sflag:s3], $0x4000  }
0xd5: {  	[sflag:s3] =	ssyncset.done $0x0  }
0xd6: {  	[sflag:s3] =	ssyncadd.s32 $0xFFFFC000  }
0xd7: {  	[tilespmem:s11], [sflag:$0x1] =	stream.indirect.gather [hbm4b:s10+s13], $0x80, s24, s13, $0xb8;
	[tilespmem:$0x10800] =	vst v63  }
0xd8: {  	_ =	swait.ge [sflag:s15], $0x4000  }
0xd9: {  	[sflag:s15] =	ssyncset.done $0x0  }
0xda: {  	s0 =	rddreg [dreg:$0xc];
	[sflag:s15] =	ssyncadd.s32 $0xFFFFC000  }
0xdb: {  	[hbm4b:s0+s2] =	stream.linear.scatter [tilespmem:s9], [sflag:$0x6], $0x4000, $0x38;
	[tilespmem:$0x10800] =	vst v63  }
0xdc: {  	_ =	swait.ge [sflag:s4], $0x4000  }
0xdd: {  	[sflag:s4] =	ssyncset.done $0x0  }
0xde: {  	[sflag:s4] =	ssyncadd.s32 $0xFFFFC000  }
0xdf: {  	[tilespmem:s9], [sflag:$0x2] =	stream.indirect.gather [hbm4b:s10+s13], $0x80, s23, s13, $0xb8;
	[tilespmem:$0x10800] =	vst v63  }
0xe0: {  	_ =	swait.ge [sflag:s14], $0x4000  }
0xe1: {  	[sflag:s14] =	ssyncset.done $0x0  }
0xe2: {  	s0 =	rddreg [dreg:$0xd];
	[sflag:s14] =	ssyncadd.s32 $0xFFFFC000  }
0xe3: {  	[hbm4b:s0+s2] =	stream.linear.scatter [tilespmem:s8], [sflag:$0x7], $0x4000, $0x38;
	[tilespmem:$0x10800] =	vst v63  }
0xe4: {  	_ =	swait.ge [sflag:s5], $0x4000  }
0xe5: {  	[sflag:s5] =	ssyncset.done $0x0  }
0xe6: {  	[sflag:s5] =	ssyncadd.s32 $0xFFFFC000  }
0xe7: {  	[tilespmem:s8], [sflag:$0x3] =	stream.indirect.gather [hbm4b:s10+s13], $0x80, s22, s13, $0xb8;
	[tilespmem:$0x10800] =	vst v63  }
0xe8: {  	_ =	swait.ge [sflag:s12], $0x4000  }
0xe9: {  	[sflag:s12] =	ssyncset.done $0x0  }
0xea: {  	s0 =	rddreg [dreg:$0xe];
	[sflag:s12] =	ssyncadd.s32 $0xFFFFC000  }
0xeb: {  	[hbm4b:s0+s2] =	stream.linear.scatter [tilespmem:s7], [sflag:$0x8], $0x4000, $0x38;
	[tilespmem:$0x10800] =	vst v63  }
0xec: {  	_ =	swait.ge [sflag:s6], $0x4000  }
0xed: {  	[sflag:s6] =	ssyncset.done $0x0  }
0xee: {  	[sflag:s6] =	ssyncadd.s32 $0xFFFFC000  }
0xef: {  	[tilespmem:s7], [sflag:$0x4] =	stream.indirect.gather [hbm4b:s10+s13], $0x80, s21, s13, $0xb8;
	[tilespmem:$0x10800] =	vst v63  }
0xf0: {  	_ =	swait.ge [sflag:s16], $0x4000  }
0xf1: {  	[sflag:s16] =	ssyncset.done $0x0  }
0xf2: {  	s0 =	rddreg [dreg:$0xf];
	[sflag:s16] =	ssyncadd.s32 $0xFFFFC000  }
0xf3: {  	[hbm4b:s0+s2] =	stream.linear.scatter [tilespmem:s11], [sflag:$0x5], $0x4000, $0x38;
	[tilespmem:$0x10800] =	vst v63  }
0xf4: {  	_ =	swait.ge [sflag:s3], $0x4000  }
0xf5: {  	[sflag:s3] =	ssyncset.done $0x0  }
0xf6: {  	[sflag:s3] =	ssyncadd.s32 $0xFFFFC000  }
0xf7: {  	[tilespmem:s11], [sflag:$0x1] =	stream.indirect.gather [hbm4b:s10+s13], $0x80, s20, s13, $0xb8;
	[tilespmem:$0x10800] =	vst v63  }
0xf8: {  	_ =	swait.ge [sflag:s15], $0x4000  }
0xf9: {  	[sflag:s15] =	ssyncset.done $0x0  }
0xfa: {  	s0 =	rddreg [dreg:$0x10];
	[sflag:s15] =	ssyncadd.s32 $0xFFFFC000  }
0xfb: {  	[hbm4b:s0+s2] =	stream.linear.scatter [tilespmem:s9], [sflag:$0x6], $0x4000, $0x38;
	[tilespmem:$0x10800] =	vst v63  }
0xfc: {  	_ =	swait.ge [sflag:s4], $0x4000  }
0xfd: {  	[sflag:s4] =	ssyncset.done $0x0  }
0xfe: {  	[sflag:s4] =	ssyncadd.s32 $0xFFFFC000  }
0xff: {  	[tilespmem:s9], [sflag:$0x2] =	stream.indirect.gather [hbm4b:s10+s13], $0x80, s19, s13, $0xb8;
	[tilespmem:$0x10800] =	vst v63  }
0x100: {  	_ =	swait.ge [sflag:s14], $0x4000  }
0x101: {  	[sflag:s14] =	ssyncset.done $0x0  }
0x102: {  	s0 =	rddreg [dreg:$0x11];
	[sflag:s14] =	ssyncadd.s32 $0xFFFFC000  }
0x103: {  	[hbm4b:s0+s2] =	stream.linear.scatter [tilespmem:s8], [sflag:$0x7], $0x4000, $0x38;
	[tilespmem:$0x10800] =	vst v63  }
0x104: {  	_ =	swait.ge [sflag:s5], $0x4000  }
0x105: {  	[sflag:s5] =	ssyncset.done $0x0  }
0x106: {  	[sflag:s5] =	ssyncadd.s32 $0xFFFFC000  }
0x107: {  	[tilespmem:s8], [sflag:$0x3] =	stream.indirect.gather [hbm4b:s10+s13], $0x80, s18, s13, $0xb8;
	[tilespmem:$0x10800] =	vst v63  }
0x108: {  	_ =	swait.ge [sflag:s12], $0x4000  }
0x109: {  	[sflag:s12] =	ssyncset.done $0x0  }
0x10a: {  	s0 =	rddreg [dreg:$0x12];
	[sflag:s12] =	ssyncadd.s32 $0xFFFFC000  }
0x10b: {  	[hbm4b:s0+s2] =	stream.linear.scatter [tilespmem:s7], [sflag:$0x8], $0x4000, $0x38;
	[tilespmem:$0x10800] =	vst v63  }
0x10c: {  	_ =	swait.ge [sflag:s6], $0x4000  }
0x10d: {  	[sflag:s6] =	ssyncset.done $0x0  }
0x10e: {  	[sflag:s6] =	ssyncadd.s32 $0xFFFFC000  }
0x10f: {  	[tilespmem:s7], [sflag:$0x4] =	stream.indirect.gather [hbm4b:s10+s13], $0x80, s17, s13, $0xb8;
	[tilespmem:$0x10800] =	vst v63  }
0x110: {  	_ =	swait.ge [sflag:s16], $0x4000  }
0x111: {  	[sflag:s16] =	ssyncset.done $0x0  }
0x112: {  	s0 =	rddreg [dreg:$0x4];
	[sflag:s16] =	ssyncadd.s32 $0xFFFFC000  }
0x113: {  	[hbm4b:s0+s2] =	stream.linear.scatter [tilespmem:s11], [sflag:$0x5], $0x4000, $0x38;
	[tilespmem:$0x10800] =	vst v63  }
0x114: {  	_ =	swait.ge [sflag:s15], $0x4000  }
0x115: {  	[sflag:s15] =	ssyncset.done $0x0  }
0x116: {  	s0 =	rddreg [dreg:$0x5];
	[sflag:s15] =	ssyncadd.s32 $0xFFFFC000  }
0x117: {  	[hbm4b:s0+s2] =	stream.linear.scatter [tilespmem:s9], [sflag:$0x6], $0x4000, $0x38;
	[tilespmem:$0x10800] =	vst v63  }
0x118: {  	_ =	swait.ge [sflag:s14], $0x4000  }
0x119: {  	[sflag:s14] =	ssyncset.done $0x0  }
0x11a: {  	s0 =	rddreg [dreg:$0x6];
	[sflag:s14] =	ssyncadd.s32 $0xFFFFC000  }
0x11b: {  	[hbm4b:s0+s2] =	stream.linear.scatter [tilespmem:s8], [sflag:$0x7], $0x4000, $0x38;
	[tilespmem:$0x10800] =	vst v63  }
0x11c: {  	_ =	swait.ge [sflag:s12], $0x4000  }
0x11d: {  	[sflag:s12] =	ssyncset.done $0x0  }
0x11e: {  	s0 =	rddreg [dreg:$0x7];
	[sflag:s12] =	ssyncadd.s32 $0xFFFFC000  }
0x11f: {  	[hbm4b:s0+s2] =	stream.linear.scatter [tilespmem:s7], [sflag:$0x8], $0x4000, $0x38;
	[tilespmem:$0x10800] =	vst v63  }
0x120: {  	_ =	swait.ge [sflag:s3], $0x4000  }
0x121: {  	[sflag:s3] =	ssyncset.done $0x0  }
0x122: {  	[sflag:s3] =	ssyncadd.s32 $0xFFFFC000  }
0x123: {  	_ =	swait.ge [sflag:s4], $0x4000  }
0x124: {  	[sflag:s4] =	ssyncset.done $0x0  }
0x125: {  	p1 =	sne.s32 s1, $0x1;
	[sflag:s4] =	ssyncadd.s32 $0xFFFFC000  }
.Ltmp2:
0x126: {  	_ =	swait.ge [sflag:s5], $0x4000;
	(pc) =	sbr.rel @p1 .LBB2_2-.Ltmp2, $4  }
0x127: {  	[sflag:s5] =	ssyncset.done $0x0  }
0x128: {  	[sflag:s5] =	ssyncadd.s32 $0xFFFFC000  }
0x129: {  	_ =	swait.ge [sflag:s6], $0x4000  }
0x12a: {  	s1 =	sadd.s32 $0xFFFFFFFF, s1;
	s0 =	rddreg [dreg:$0x2];
	[sflag:s6] =	ssyncset.done $0x0  }
.LBB2_3:
0x12b: {  	[sflag:s6] =	ssyncadd.s32 @p0 $0xFFFFC000  }
0x12c: {  	[tilespmem:s2], [sflag:$0x9] =	stream.linear.gather [hbm4b:s0+s2], $0x800, $0x38;
	[tilespmem:$0x10800] =	vst v63  }
0x12d: {  	_ =	swait.ge [sflag:s30], $0x800  }
0x12e: {  	[sflag:s30] =	ssyncset.done $0x0  }
0x12f: {  	[sflag:s30] =	ssyncadd.s32 $0xFFFFF800  }
0x130: {  	[tilespmem:s11], [sflag:$0x1] =	stream.indirect.gather [hbm4b:s10+s13], $0x80, s2, s13, $0xb8;
	[tilespmem:$0x10800] =	vst v63  }
0x131: {  	_ = 	snop  }
0x132: {  	[tilespmem:s9], [sflag:$0x2] =	stream.indirect.gather [hbm4b:s10+s13], $0x80, s13, s13, $0xb8;
	[tilespmem:$0x10800] =	vst v63  }
0x133: {  	s1 =	rddreg [dreg:$0x13]  }
0x134: {  	[tilespmem:s8], [sflag:$0x3] =	stream.indirect.gather [hbm4b:s10+s13], $0x80, s1, s13, $0xb8;
	[tilespmem:$0x10800] =	vst v63  }
0x135: {  	_ = 	snop  }
0x136: {  	[tilespmem:s7], [sflag:$0x4] =	stream.indirect.gather [hbm4b:s10+s13], $0x80, s31, s13, $0xb8;
	[tilespmem:$0x10800] =	vst v63  }
0x137: {  	_ =	swait.ge [sflag:s16], $0x4000  }
0x138: {  	[sflag:s16] =	ssyncset.done $0x0  }
0x139: {  	s30 =	rddreg [dreg:$0x3];
	[sflag:s16] =	ssyncadd.s32 $0xFFFFC000  }
0x13a: {  	[hbm4b:s30+s2] =	stream.linear.scatter [tilespmem:s11], [sflag:$0x5], $0x4000, $0x38;
	[tilespmem:$0x10800] =	vst v63  }
0x13b: {  	_ =	swait.ge [sflag:s3], $0x4000  }
0x13c: {  	[sflag:s3] =	ssyncset.done $0x0  }
0x13d: {  	[sflag:s3] =	ssyncadd.s32 $0xFFFFC000  }
0x13e: {  	[tilespmem:s11], [sflag:$0x1] =	stream.indirect.gather [hbm4b:s10+s13], $0x80, s29, s13, $0xb8;
	[tilespmem:$0x10800] =	vst v63  }
0x13f: {  	_ =	swait.ge [sflag:s15], $0x4000  }
0x140: {  	[sflag:s15] =	ssyncset.done $0x0  }
0x141: {  	s31 =	rddreg [dreg:$0x8];
	[sflag:s15] =	ssyncadd.s32 $0xFFFFC000  }
0x142: {  	[hbm4b:s31+s2] =	stream.linear.scatter [tilespmem:s9], [sflag:$0x6], $0x4000, $0x38;
	[tilespmem:$0x10800] =	vst v63  }
0x143: {  	_ =	swait.ge [sflag:s4], $0x4000  }
0x144: {  	[sflag:s4] =	ssyncset.done $0x0  }
0x145: {  	[sflag:s4] =	ssyncadd.s32 $0xFFFFC000  }
0x146: {  	[tilespmem:s9], [sflag:$0x2] =	stream.indirect.gather [hbm4b:s10+s13], $0x80, s28, s13, $0xb8;
	[tilespmem:$0x10800] =	vst v63  }
0x147: {  	_ =	swait.ge [sflag:s14], $0x4000  }
0x148: {  	[sflag:s14] =	ssyncset.done $0x0  }
0x149: {  	s1 =	rddreg [dreg:$0x9];
	[sflag:s14] =	ssyncadd.s32 $0xFFFFC000  }
0x14a: {  	[hbm4b:s1+s2] =	stream.linear.scatter [tilespmem:s8], [sflag:$0x7], $0x4000, $0x38;
	[tilespmem:$0x10800] =	vst v63  }
0x14b: {  	_ =	swait.ge [sflag:s5], $0x4000  }
0x14c: {  	[sflag:s5] =	ssyncset.done $0x0  }
0x14d: {  	[sflag:s5] =	ssyncadd.s32 $0xFFFFC000  }
0x14e: {  	[tilespmem:s8], [sflag:$0x3] =	stream.indirect.gather [hbm4b:s10+s13], $0x80, s26, s13, $0xb8;
	[tilespmem:$0x10800] =	vst v63  }
0x14f: {  	_ =	swait.ge [sflag:s12], $0x4000  }
0x150: {  	[sflag:s12] =	ssyncset.done $0x0  }
0x151: {  	s28 =	rddreg [dreg:$0xa];
	[sflag:s12] =	ssyncadd.s32 $0xFFFFC000  }
0x152: {  	[hbm4b:s28+s2] =	stream.linear.scatter [tilespmem:s7], [sflag:$0x8], $0x4000, $0x38;
	[tilespmem:$0x10800] =	vst v63  }
0x153: {  	_ =	swait.ge [sflag:s6], $0x4000  }
0x154: {  	[sflag:s6] =	ssyncset.done $0x0  }
0x155: {  	[sflag:s6] =	ssyncadd.s32 $0xFFFFC000  }
0x156: {  	[tilespmem:s7], [sflag:$0x4] =	stream.indirect.gather [hbm4b:s10+s13], $0x80, s25, s13, $0xb8;
	[tilespmem:$0x10800] =	vst v63  }
0x157: {  	_ =	swait.ge [sflag:s16], $0x4000  }
0x158: {  	[sflag:s16] =	ssyncset.done $0x0  }
0x159: {  	s29 =	rddreg [dreg:$0xb];
	[sflag:s16] =	ssyncadd.s32 $0xFFFFC000  }
0x15a: {  	[hbm4b:s29+s2] =	stream.linear.scatter [tilespmem:s11], [sflag:$0x5], $0x4000, $0x38;
	[tilespmem:$0x10800] =	vst v63  }
0x15b: {  	_ =	swait.ge [sflag:s3], $0x4000  }
0x15c: {  	[sflag:s3] =	ssyncset.done $0x0  }
0x15d: {  	[sflag:s3] =	ssyncadd.s32 $0xFFFFC000  }
0x15e: {  	[tilespmem:s11], [sflag:$0x1] =	stream.indirect.gather [hbm4b:s10+s13], $0x80, s24, s13, $0xb8;
	[tilespmem:$0x10800] =	vst v63  }
0x15f: {  	_ =	swait.ge [sflag:s15], $0x4000  }
0x160: {  	[sflag:s15] =	ssyncset.done $0x0  }
0x161: {  	s30 =	rddreg [dreg:$0xc];
	[sflag:s15] =	ssyncadd.s32 $0xFFFFC000  }
0x162: {  	[hbm4b:s30+s2] =	stream.linear.scatter [tilespmem:s9], [sflag:$0x6], $0x4000, $0x38;
	[tilespmem:$0x10800] =	vst v63  }
0x163: {  	_ =	swait.ge [sflag:s4], $0x4000  }
0x164: {  	[sflag:s4] =	ssyncset.done $0x0  }
0x165: {  	[sflag:s4] =	ssyncadd.s32 $0xFFFFC000  }
0x166: {  	[tilespmem:s9], [sflag:$0x2] =	stream.indirect.gather [hbm4b:s10+s13], $0x80, s23, s13, $0xb8;
	[tilespmem:$0x10800] =	vst v63  }
0x167: {  	_ =	swait.ge [sflag:s14], $0x4000  }
0x168: {  	[sflag:s14] =	ssyncset.done $0x0  }
0x169: {  	s31 =	rddreg [dreg:$0xd];
	[sflag:s14] =	ssyncadd.s32 $0xFFFFC000  }
0x16a: {  	[hbm4b:s31+s2] =	stream.linear.scatter [tilespmem:s8], [sflag:$0x7], $0x4000, $0x38;
	[tilespmem:$0x10800] =	vst v63  }
0x16b: {  	_ =	swait.ge [sflag:s5], $0x4000  }
0x16c: {  	[sflag:s5] =	ssyncset.done $0x0  }
0x16d: {  	[sflag:s5] =	ssyncadd.s32 $0xFFFFC000  }
0x16e: {  	[tilespmem:s8], [sflag:$0x3] =	stream.indirect.gather [hbm4b:s10+s13], $0x80, s22, s13, $0xb8;
	[tilespmem:$0x10800] =	vst v63  }
0x16f: {  	_ =	swait.ge [sflag:s12], $0x4000  }
0x170: {  	[sflag:s12] =	ssyncset.done $0x0  }
0x171: {  	s1 =	rddreg [dreg:$0xe];
	[sflag:s12] =	ssyncadd.s32 $0xFFFFC000  }
0x172: {  	[hbm4b:s1+s2] =	stream.linear.scatter [tilespmem:s7], [sflag:$0x8], $0x4000, $0x38;
	[tilespmem:$0x10800] =	vst v63  }
0x173: {  	_ =	swait.ge [sflag:s6], $0x4000  }
0x174: {  	[sflag:s6] =	ssyncset.done $0x0  }
0x175: {  	[sflag:s6] =	ssyncadd.s32 $0xFFFFC000  }
0x176: {  	[tilespmem:s7], [sflag:$0x4] =	stream.indirect.gather [hbm4b:s10+s13], $0x80, s21, s13, $0xb8;
	[tilespmem:$0x10800] =	vst v63  }
0x177: {  	_ =	swait.ge [sflag:s16], $0x4000  }
0x178: {  	[sflag:s16] =	ssyncset.done $0x0  }
0x179: {  	s22 =	rddreg [dreg:$0xf];
	[sflag:s16] =	ssyncadd.s32 $0xFFFFC000  }
0x17a: {  	[hbm4b:s22+s2] =	stream.linear.scatter [tilespmem:s11], [sflag:$0x5], $0x4000, $0x38;
	[tilespmem:$0x10800] =	vst v63  }
0x17b: {  	_ =	swait.ge [sflag:s3], $0x4000  }
0x17c: {  	[sflag:s3] =	ssyncset.done $0x0  }
0x17d: {  	[sflag:s3] =	ssyncadd.s32 $0xFFFFC000  }
0x17e: {  	[tilespmem:s11], [sflag:$0x1] =	stream.indirect.gather [hbm4b:s10+s13], $0x80, s20, s13, $0xb8;
	[tilespmem:$0x10800] =	vst v63  }
0x17f: {  	_ =	swait.ge [sflag:s15], $0x4000  }
0x180: {  	[sflag:s15] =	ssyncset.done $0x0  }
0x181: {  	s23 =	rddreg [dreg:$0x10];
	[sflag:s15] =	ssyncadd.s32 $0xFFFFC000  }
0x182: {  	[hbm4b:s23+s2] =	stream.linear.scatter [tilespmem:s9], [sflag:$0x6], $0x4000, $0x38;
	[tilespmem:$0x10800] =	vst v63  }
0x183: {  	_ =	swait.ge [sflag:s4], $0x4000  }
0x184: {  	[sflag:s4] =	ssyncset.done $0x0  }
0x185: {  	[sflag:s4] =	ssyncadd.s32 $0xFFFFC000  }
0x186: {  	[tilespmem:s9], [sflag:$0x2] =	stream.indirect.gather [hbm4b:s10+s13], $0x80, s19, s13, $0xb8;
	[tilespmem:$0x10800] =	vst v63  }
0x187: {  	_ =	swait.ge [sflag:s14], $0x4000  }
0x188: {  	[sflag:s14] =	ssyncset.done $0x0  }
0x189: {  	s24 =	rddreg [dreg:$0x11];
	[sflag:s14] =	ssyncadd.s32 $0xFFFFC000  }
0x18a: {  	[hbm4b:s24+s2] =	stream.linear.scatter [tilespmem:s8], [sflag:$0x7], $0x4000, $0x38;
	[tilespmem:$0x10800] =	vst v63  }
0x18b: {  	_ =	swait.ge [sflag:s5], $0x4000  }
0x18c: {  	[sflag:s5] =	ssyncset.done $0x0  }
0x18d: {  	[sflag:s5] =	ssyncadd.s32 $0xFFFFC000  }
0x18e: {  	[tilespmem:s8], [sflag:$0x3] =	stream.indirect.gather [hbm4b:s10+s13], $0x80, s18, s13, $0xb8;
	[tilespmem:$0x10800] =	vst v63  }
0x18f: {  	_ =	swait.ge [sflag:s12], $0x4000  }
0x190: {  	[sflag:s12] =	ssyncset.done $0x0  }
0x191: {  	s25 =	rddreg [dreg:$0x12];
	[sflag:s12] =	ssyncadd.s32 $0xFFFFC000  }
0x192: {  	[hbm4b:s25+s2] =	stream.linear.scatter [tilespmem:s7], [sflag:$0x8], $0x4000, $0x38;
	[tilespmem:$0x10800] =	vst v63  }
0x193: {  	_ =	swait.ge [sflag:s6], $0x4000  }
0x194: {  	[sflag:s6] =	ssyncset.done $0x0  }
0x195: {  	[sflag:s6] =	ssyncadd.s32 $0xFFFFC000  }
0x196: {  	[tilespmem:s7], [sflag:$0x4] =	stream.indirect.gather [hbm4b:s10+s13], $0x80, s17, s13, $0xb8;
	[tilespmem:$0x10800] =	vst v63  }
0x197: {  	_ =	swait.ge [sflag:s16], $0x4000  }
0x198: {  	[sflag:s16] =	ssyncset.done $0x0  }
0x199: {  	s26 =	rddreg [dreg:$0x4];
	[sflag:s16] =	ssyncadd.s32 $0xFFFFC000  }
0x19a: {  	[hbm4b:s26+s2] =	stream.linear.scatter [tilespmem:s11], [sflag:$0x5], $0x4000, $0x38;
	[tilespmem:$0x10800] =	vst v63  }
0x19b: {  	_ =	swait.ge [sflag:s15], $0x4000  }
0x19c: {  	[sflag:s15] =	ssyncset.done $0x0  }
0x19d: {  	s28 =	rddreg [dreg:$0x5];
	[sflag:s15] =	ssyncadd.s32 $0xFFFFC000  }
0x19e: {  	[hbm4b:s28+s2] =	stream.linear.scatter [tilespmem:s9], [sflag:$0x6], $0x4000, $0x38;
	[tilespmem:$0x10800] =	vst v63  }
0x19f: {  	_ =	swait.ge [sflag:s14], $0x4000  }
0x1a0: {  	[sflag:s14] =	ssyncset.done $0x0  }
0x1a1: {  	s29 =	rddreg [dreg:$0x6];
	[sflag:s14] =	ssyncadd.s32 $0xFFFFC000  }
0x1a2: {  	[hbm4b:s29+s2] =	stream.linear.scatter [tilespmem:s8], [sflag:$0x7], $0x4000, $0x38;
	[tilespmem:$0x10800] =	vst v63  }
0x1a3: {  	_ =	swait.ge [sflag:s12], $0x4000  }
0x1a4: {  	[sflag:s12] =	ssyncset.done $0x0  }
0x1a5: {  	s30 =	rddreg [dreg:$0x7];
	[sflag:s12] =	ssyncadd.s32 $0xFFFFC000  }
0x1a6: {  	[hbm4b:s30+s2] =	stream.linear.scatter [tilespmem:s7], [sflag:$0x8], $0x4000, $0x38;
	[tilespmem:$0x10800] =	vst v63  }
0x1a7: {  	_ =	swait.ge [sflag:s3], $0x4000  }
0x1a8: {  	[sflag:s3] =	ssyncset.done $0x0  }
0x1a9: {  	[sflag:s3] =	ssyncadd.s32 $0xFFFFC000  }
0x1aa: {  	_ =	swait.ge [sflag:s4], $0x4000  }
0x1ab: {  	[sflag:s4] =	ssyncset.done $0x0  }
0x1ac: {  	[sflag:s4] =	ssyncadd.s32 $0xFFFFC000  }
0x1ad: {  	_ =	swait.ge [sflag:s5], $0x4000  }
0x1ae: {  	[sflag:s5] =	ssyncset.done $0x0  }
0x1af: {  	[sflag:s5] =	ssyncadd.s32 $0xFFFFC000  }
0x1b0: {  	_ =	swait.ge [sflag:s6], $0x4000  }
0x1b1: {  	[sflag:s6] =	ssyncset.done $0x0  }
0x1b2: {  	[sflag:s6] =	ssyncadd.s32 $0xFFFFC000  }
0x1b3: {  	_ =	sfence.sel $0x180000  }
0x1b4: {  	[bflag:$0x0] =	sbarrier.arrive $0xFFFF  }
0x1b5: {  	_ =	strace $0x9000004A  }
0x1b6: {  	s31 =	stileid.u32;
	[bflag:$0x2] =	sbarrier.arrive $0xFFFF  }
0x1b7: {  	p0 =	sne.s32 s31, $0x0;
	s0 =	rddreg [dreg:$0x1]  }
0x1b8: {  	s0 =	sadd.s32 @!p0 $0x100000, s0  }
0x1b9: {  	[sflag:s0] =	ssyncadd.tile.s32 @!p0 $0x1;
	_ =	shalt  }
.Lfunc_end2:
_tile_overlayer_lowered:
.L_overlay_start_2:
0x1ba: {  	(tag) =	ssettag $0x2  }
0x1bb: {  	s0 =	rddreg [dreg:$0x0];
	s2 =	stileid.u32  }
0x1bc: {  	s1 =	rddreg [dreg:$0x1];
	p0 =	sne.s32 s2, $0x0  }
0x1bd: {  	s3 =	rddreg [dreg:$0x2];
	[bflag:$0x3] =	sbarrier.arrive $0xFFFF;
	s2 =	simm.s32 @!p0 $0x1C09  }
0x1be: {  	[timem:s3], [sflag:s2] =	dma.local @!p0 [hbm:s0], s1  }
0x1bf: {  	s0 =	simm.s32 @!p0 $0x9  }
0x1c0: {  	_ =	swait.ge @!p0 [sflag:s0], s1  }
0x1c1: {  	s1 =	ssub.s32 @!p0 $0x0, s1;
	[sflag:s0] =	ssyncset.done @!p0 $0x0  }
0x1c2: {  	[sflag:s0] =	ssyncadd.s32 @!p0 s1  }
0x1c3: {  	[bflag:$0x3] =	sbarrier.arrive $0xFFFF  }
0x1c4: {  	_ =	shalt  }

// kernel: kernel.9.cloned.1.call-start
scs
__scs_entry_jumppad:
0x0: {  	(pc) =	sbr.rel $0x88, $3  }
0x1: {  	(tag) =	ssettag $0x0;
	lr =	simm.s32 $0x1  }
0x2: {  	[smem:$0x3F94] =	sst lr;
	_ =	strace $0xD0000000  }
0x3: {  	_ = 	snop  }
0x4: {  	_ = 	snop  }
0x5: {  	_ = 	snop  }
0x6: {  	_ = 	snop  }
0x7: {  	_ = 	snop  }
__scs_overlays_trampoline_lowered:
0x8: {  	[smem:$0x3FA3] =	sst s0  }
0x9: {  	[smem:$0x3FA4] =	sst s1  }
0xa: {  	[smem:$0x3FA5] =	sst s2  }
0xb: {  	[smem:$0x3FA6] =	sst s3  }
0xc: {  	[smem:$0x3FA7] =	sst s4  }
0xd: {  	[smem:$0x3FA8] =	sst s5  }
0xe: {  	[smem:$0x3FA9] =	sst s6  }
0xf: {  	[smem:$0x3FAA] =	sst s7  }
0x10: {  	[smem:$0x3FAB] =	sst s8  }
0x11: {  	[smem:$0x3FAC] =	sst s9;
	s0 =	simm.s32 @!p0 $0x0  }
0x12: {  	s1 =	sld [smem:$0x3F92];
	s0 =	simm.s32 @p0 $0x1  }
0x13: {  	[smem:$0x3FAD] =	sst s0;
	s0 =	simm.s32 @!p1 $0x0  }
0x14: {  	s2 =	sld [smem:$0x3F91];
	s0 =	simm.s32 @p1 $0x1  }
0x15: {  	[smem:$0x3FAE] =	sst s0;
	s0 =	simm.s32 @!p2 $0x0  }
0x16: {  	s3 =	sld [smem:$0x3FDB];
	s0 =	simm.s32 @p2 $0x1  }
0x17: {  	s4 =	simm.s32 $0x1BF5;
	[smem:$0x3FB0] =	sst s0  }
0x18: {  	s0 =	sld [smem:$0x3F93];
	_ =	swait.ge [sflag:s4], $0x0  }
0x19: {  	s7 =	sld [smem:$0x3F94]  }
0x1a: {  	s8 =	sadd.s32 $0xFFFFE003, lr  }
0x1b: {  	s9 =	sadd.s32 $0xFFFFFEF7, lr;
	s5 =	simm.s32 $0xFFFFFFFF;
	p2 =	slt.u32 s8, $0xFFFFF086  }
0x1c: {  	p1 =	slt.u32 s9, $0xF7A;
	s5 =	simm.s32 @!p2 $0x0  }
0x1d: {  	s5 =	simm.s32 @p1 $0x1;
	p0 =	seq.s32 s7, s2  }
0x1e: {  	s7 =	smul.u32 @!p0 $0xF7A, s2;
	p2 =	seq.s32 @!p0 s5, $0x0  }
0x1f: {  	s9 =	smul.u32 $0xF7A, s1;
	s8 =	simm.s32 @!p0 $0x1BF5;
	p2 =	por !p2, p0  }
0x20: {  	[sflag:s8] =	ssyncset.s32 @!p0 $0xFFFFF086;
	s6 =	sadd.s32 @!p0 s3, s7;
	s7 =	simm.s32 @!p0 $0x108  }
0x21: {  	s3 =	sadd.s32 s3, s9;
	s6 =	sadd.s32 @!p0 $0x88, s6;
	s7 =	simm.s32 @p2 $0x1082  }
0x22: {  	[simem:s7], [sflag:s8] =	dma.local @!p0 [hbm:s6], $0xF7A  }
0x23: {  	s9 =	sor.u32 $0xD0000000, s2;
	s6 =	simm.s32 $0x108;
	_ =	swait.ge @!p0 [sflag:s8], $0x0  }
0x24: {  	s3 =	sadd.s32 $0x88, s3;
	s6 =	simm.s32 @!p1 $0x1082;
	[sflag:s4] =	ssyncset.s32 $0xFFFFF086  }
0x25: {  	[simem:s6], [sflag:s4] =	dma.local [hbm:s3], $0xF7A  }
0x26: {  	[smem:$0x3F94] =	sst s1;
	(tag) =	ssettag s2;
	_ =	strace s9  }
0x27: {  	s1 =	sld [smem:$0x3FA4]  }
0x28: {  	s2 =	sld [smem:$0x3FA5]  }
0x29: {  	s4 =	sld [smem:$0x3FA7]  }
0x2a: {  	p0 =	seq.s32 s5, $0x0;
	s5 =	sld [smem:$0x3FA8]  }
0x2b: {  	s6 =	sld [smem:$0x3FA9]  }
0x2c: {  	s7 =	sld [smem:$0x3FAA]  }
0x2d: {  	s3 =	simm.s32 $0x108;
	s8 =	sld [smem:$0x3FAB]  }
0x2e: {  	s3 =	simm.s32 @!p0 $0x1082;
	s9 =	sld [smem:$0x3FAC]  }
0x2f: {  	lr =	sadd.s32 s0, s3;
	s0 =	sld [smem:$0x3FA3]  }
0x30: {  	s3 =	sld [smem:$0x3FA6]  }
0x31: {  	[smem:$0x3FAF] =	sst s10  }
0x32: {  	s10 =	sld [smem:$0x3FAD];
	_ =	sdelay $0x3  }
0x33: {  	p0 =	seq.s32 s10, $0x1;
	s10 =	sld [smem:$0x3FAF];
	_ =	sdelay $0x3  }
0x34: {  	[smem:$0x3FAF] =	sst s10  }
0x35: {  	s10 =	sld [smem:$0x3FAE];
	_ =	sdelay $0x3  }
0x36: {  	p1 =	seq.s32 s10, $0x1;
	s10 =	sld [smem:$0x3FAF];
	_ =	sdelay $0x3  }
0x37: {  	[smem:$0x3FAF] =	sst s10  }
0x38: {  	s10 =	sld [smem:$0x3FB0]  }
0x39: {  	_ = 	snop;
	(pc) =	sbr.ind lr, $3  }
0x3a: {  	_ = 	snop  }
0x3b: {  	_ = 	snop  }
0x3c: {  	p2 =	seq.s32 s10, $0x1;
	s10 =	sld [smem:$0x3FAF]  }
0x3d: {  	_ =	shalt  }
0x3e: {  	_ =	shalt  }
0x3f: {  	_ =	shalt  }
0x40: {  	_ =	shalt  }
0x41: {  	_ =	shalt  }
0x42: {  	_ =	shalt  }
0x43: {  	_ =	shalt  }
0x44: {  	_ =	shalt  }
0x45: {  	_ =	shalt  }
0x46: {  	_ =	shalt  }
0x47: {  	_ =	shalt  }
0x48: {  	_ =	shalt  }
0x49: {  	_ =	shalt  }
0x4a: {  	_ =	shalt  }
0x4b: {  	_ =	shalt  }
0x4c: {  	_ =	shalt  }
0x4d: {  	_ =	shalt  }
0x4e: {  	_ =	shalt  }
0x4f: {  	_ =	shalt  }
0x50: {  	_ =	shalt  }
0x51: {  	_ =	shalt  }
0x52: {  	_ =	shalt  }
0x53: {  	_ =	shalt  }
0x54: {  	_ =	shalt  }
0x55: {  	_ =	shalt  }
0x56: {  	_ =	shalt  }
0x57: {  	_ =	shalt  }
0x58: {  	_ =	shalt  }
0x59: {  	_ =	shalt  }
0x5a: {  	_ =	shalt  }
0x5b: {  	_ =	shalt  }
0x5c: {  	_ =	shalt  }
0x5d: {  	_ =	shalt  }
0x5e: {  	_ =	shalt  }
0x5f: {  	_ =	shalt  }
0x60: {  	_ =	shalt  }
0x61: {  	_ =	shalt  }
0x62: {  	_ =	shalt  }
0x63: {  	_ =	shalt  }
0x64: {  	_ =	shalt  }
0x65: {  	_ =	shalt  }
0x66: {  	_ =	shalt  }
0x67: {  	_ =	shalt  }
0x68: {  	_ =	shalt  }
0x69: {  	_ =	shalt  }
0x6a: {  	_ =	shalt  }
0x6b: {  	_ =	shalt  }
0x6c: {  	_ =	shalt  }
0x6d: {  	_ =	shalt  }
0x6e: {  	_ =	shalt  }
0x6f: {  	_ =	shalt  }
0x70: {  	_ =	shalt  }
0x71: {  	_ =	shalt  }
0x72: {  	_ =	shalt  }
0x73: {  	_ =	shalt  }
0x74: {  	_ =	shalt  }
0x75: {  	_ =	shalt  }
0x76: {  	_ =	shalt  }
0x77: {  	_ =	shalt  }
0x78: {  	_ =	shalt  }
0x79: {  	_ =	shalt  }
0x7a: {  	_ =	shalt  }
0x7b: {  	_ =	shalt  }
0x7c: {  	_ =	shalt  }
0x7d: {  	_ =	shalt  }
0x7e: {  	_ =	shalt  }
0x7f: {  	_ =	shalt  }
0x80: {  	_ =	shalt  }
0x81: {  	_ =	shalt  }
0x82: {  	_ =	shalt  }
0x83: {  	_ =	shalt  }
0x84: {  	_ =	shalt  }
0x85: {  	_ =	shalt  }
0x86: {  	_ =	shalt  }
0x87: {  	_ =	shalt  }
.Lfunc_end0:
.L_simem_size_0:
called_computation_lowered:
.L_overlay_start_0:
0x88: {  	s2 =	sld [smem:$0x3FD9]  }
0x89: {  	s3 =	sld [smem:$0x3FFE];
	_ =	sdelay $0x1  }
0x8a: {  	s1 =	srdreg.scid  }
0x8b: {  	s0 =	sand.u32 $0x1, s1  }
0x8c: {  	s16 =	sshll.u32 s0, $0xA;
	s2 =	sadd.s32 s3, s2  }
0x8d: {  	s2 =	sadd.s32 s2, s16  }
0x8e: {  	[smem:$0x3FBB] =	sst s2  }
0x8f: {  	_ = 	snop  }
0x90: {  	(tm) =	ssettm $0x1  }
0x91: {  	s17 =	sld [smem:$0x3FFB];
	_ =	sdelay $0x3  }
0x92: {  	_ =	strace s17  }
0x93: {  	s2 =	sld [smem:$0x3FFC];
	_ =	sdelay $0x3  }
0x94: {  	_ =	strace s2  }
0x95: {  	s2 =	sld [smem:$0x3FFD];
	_ =	sdelay $0x3  }
0x96: {  	_ =	strace s2  }
0x97: {  	_ =	strace $0x8FFFFFFF  }
0x98: {  	s18 =	sld [smem:$0x3FDB];
	_ =	sdelay $0x1  }
0x99: {  	s19 =	simm.s32 $_scs_section_size  }
0x9a: {  	s4 =	simm.s32 $_size__tile_overlayer_lowered;
	s5 =	simm.s32 $_tile_overlayer_lowered  }
0x9b: {  	s22 =	simm.s32 $0x1BFF;
	s21 =	sshll.u32 s5, $0x1;
	s2 =	sadd.s32 s19, s18  }
0x9c: {  	s6 =	simm.s32 $0x0;
	s20 =	sshll.u32 s4, $0x1;
	s4 =	sadd.s32 s21, s2  }
0x9d: {  	[timem:s6], [sflag:s22] =	dma.local [hbm:s4], s20  }
0x9e: {  	_ =	swait.ge [sflag:s22], s20  }
0x9f: {  	s3 =	ssub.s32 $0x0, s20;
	[sflag:s22] =	ssyncset.done $0x0  }
0xa0: {  	[sflag:s22] =	ssyncadd.s32 s3;
	_ =	sdelay $0x1  }
0xa1: {  	s23 =	simm.s32 $0x1B8B  }
0xa2: {  	_ =	swait.ge [sflag:s23], $0x1  }
0xa3: {  	[sflag:s23] =	ssyncset.done $0x0  }
0xa4: {  	s25 =	simm.s32 $0x1B8E;
	s24 =	sld [smem:$0x3FFE];
	[sflag:s23] =	ssyncadd.s32 $0xFFFFFFFF  }
0xa5: {  	s26 =	simm.s32 $execute0_lowered;
	[smem:$0x3FD2] =	sst s25  }
0xa6: {  	s4 =	sshll.u32 s26, $0x1;
	_ =	strace $0x80000046;
	[dreg:$0x1] =	wrdreg $0xFFFFFFFF  }
0xa7: {  	s28 =	simm.s32 $_size_execute0_lowered;
	s2 =	sadd.s32 s2, s4;
	[dreg:$0x0] =	wrdreg $0x0  }
0xa8: {  	s4 =	sshll.u32 s28, $0x1;
	[dreg:$0x2] =	wrdreg s2  }
0xa9: {  	[dreg:$0x3] =	wrdreg s4  }
0xaa: {  	[dreg:$0x4] =	wrdreg $0xC0  }
0xab: {  	_ =	task [dreg:s6], $0x5FFFF  }
0xac: {  	[dreg:$0x1] =	wrdreg $0xFFFFFFFF  }
0xad: {  	[dreg:$0x0] =	wrdreg $0x60  }
0xae: {  	[dreg:$0x2] =	wrdreg s24  }
0xaf: {  	[dreg:$0x3] =	wrdreg $0x9  }
0xb0: {  	_ =	task.clear_ibuf [dreg:s6], $0x4FFFF;
	_ =	strace $0x90000046  }
0xb1: {  	s29 =	simm.s32 $0x9;
	_ =	strace $0x80000048  }
0xb2: {  	_ =	swait.ge [sflag:s29], $0x1  }
0xb3: {  	[sflag:s29] =	ssyncadd.s32 $0xFFFFFFFF  }
0xb4: {  	_ =	strace $0x90000048  }
0xb5: {  	_ =	sfence  }
0xb6: {  	s30 =	sld [smem:$0x0];
	_ =	sdelay $0x2  }
0xb7: {  	s31 =	sshll.u32 s1, $0xD;
	s1 =	sshrl.u32 s1, $0x2  }
0xb8: {  	s3 =	sand.u32 $0x4000, s31;
	s1 =	sadd.s32 s1, s30  }
0xb9: {  	s0 =	sor.u32 s3, s0;
	s1 =	sshll.u32 s1, $0x11  }
0xba: {  	s0 =	sor.u32 s1, s0  }
0xbb: {  	s0 =	sadd.s32 $0x8F2B, s0  }
0xbc: {  	[sflag:s0] =	ssyncadd.remote.s32 $0x1  }
0xbd: {  	_ =	sfence.sel $0xFFFF  }
0xbe: {  	[dreg:$0x0] =	wrdreg $0xFFFFFFFF;
	(pc) =	sbr.abs _section_cstart, $3  }
0xbf: {  	[dreg:$0x1] =	wrdreg $0xFFFFFFFF  }
0xc0: {  	_ =	task.clear_ibuf [dreg:s6], $0x2FFFF;
	_ =	strace $0x9FFFFFFF  }
0xc1: {  	(tm) =	ssettm $0x7FFFFFFF  }
tec
execute0_lowered:
.L_overlay_start_1:
0x0: {  	(tag) =	ssettag $0x1  }
0x1: {  	s0 =	srdreg.scid;
	s1 =	stileid.u32  }
0x2: {  	s3 =	rddreg [dreg:$0x0];
	s0 =	sand.u32 $0x1, s0;
	s1 =	sshll.u32 s1, $0x1  }
0x3: {  	s2 =	simm.s32 $0x0;
	s30 =	simm.s32 $0x9;
	s1 =	sor.u32 s0, s1  }
0x4: {  	s26 =	simm.s32 $0x100;
	[smem:$0x7FF] =	sst s2;
	s4 =	sshll.u32 s1, $0x8  }
0x5: {  	_ =	strace $0x80000047;
	s1 =	sshll.u32 s1, $0xF;
	s4 =	sadd.s32 s4, s3  }
0x6: {  	[dreg:$0x13] =	wrdreg s26;
	s1 =	sadd.s32 s1, s3;
	s4 =	sadd.s32 $0x2800, s4  }
0x7: {  	s9 =	simm.s32 $0x4800;
	s11 =	sadd.s32 $0x24800, s1;
	[dreg:$0x2] =	wrdreg s4  }
0x8: {  	s8 =	simm.s32 $0x8800;
	s12 =	sadd.s32 $0x2A800, s1;
	[dreg:$0x3] =	wrdreg s11  }
0x9: {  	s31 =	simm.s32 $0x180;
	s13 =	sadd.s32 $0x2B000, s1;
	[dreg:$0x4] =	wrdreg s12  }
0xa: {  	s7 =	simm.s32 $0xC800;
	s14 =	sadd.s32 $0x2B800, s1;
	[dreg:$0x5] =	wrdreg s13  }
0xb: {  	s29 =	simm.s32 $0x200;
	s15 =	sadd.s32 $0x2C000, s1;
	[dreg:$0x6] =	wrdreg s14  }
0xc: {  	s28 =	simm.s32 $0x280;
	s16 =	sadd.s32 $0x25000, s1;
	[dreg:$0x7] =	wrdreg s15  }
0xd: {  	s6 =	simm.s32 $0x8;
	s17 =	sadd.s32 $0x25800, s1;
	[dreg:$0x8] =	wrdreg s16  }
0xe: {  	p0 =	por $0x0, $0x0;
	s18 =	sadd.s32 $0x26000, s1;
	[dreg:$0x9] =	wrdreg s17  }
0xf: {  	s10 =	sadd.s32 $0x4800, s3;
	s19 =	sadd.s32 $0x26800, s1;
	[dreg:$0xa] =	wrdreg s18  }
0x10: {  	s0 =	ssub.s32 $0x2, s0;
	s20 =	sadd.s32 $0x27000, s1;
	[dreg:$0xb] =	wrdreg s19  }
0x11: {  	s26 =	simm.s32 $0x300;
	s21 =	sadd.s32 $0x27800, s1;
	[dreg:$0xc] =	wrdreg s20  }
0x12: {  	s5 =	sshrl.u32 s0, $0x1;
	s22 =	sadd.s32 $0x28000, s1;
	[dreg:$0xd] =	wrdreg s21  }
0x13: {  	s0 =	ssub.s32 s0, s5;
	s23 =	sadd.s32 $0x28800, s1;
	[dreg:$0xe] =	wrdreg s22  }
0x14: {  	s3 =	simm.s32 $0x5;
	s24 =	sadd.s32 $0x29000, s1;
	[dreg:$0xf] =	wrdreg s23  }
0x15: {  	s5 =	simm.s32 $0x7;
	s25 =	sadd.s32 $0x29800, s1;
	[dreg:$0x10] =	wrdreg s24  }
0x16: {  	s1 =	sadd.s32 $0x2A000, s1;
	s0 =	smax.u32 s0, $0x1;
	[dreg:$0x11] =	wrdreg s25  }
0x17: {  	[dreg:$0x12] =	wrdreg s1;
	s13 =	simm.s32 $0x80;
	s11 =	simm.s32 $0x800  }
0x18: {  	s16 =	simm.s32 $0x1;
	s15 =	simm.s32 $0x2;
	p1 =	sne.s32 s0, $0x1  }
.Ltmp0:
0x19: {  	s4 =	simm.s32 $0x6;
	s14 =	simm.s32 $0x3;
	(pc) =	sbr.rel @!p1 .LBB2_3-.Ltmp0, $4  }
0x1a: {  	s12 =	simm.s32 $0x4;
	s25 =	simm.s32 $0x380;
	s24 =	simm.s32 $0x400  }
0x1b: {  	s23 =	simm.s32 $0x480;
	s1 =	sadd.s32 $0xFFFFFFFF, s0;
	s22 =	simm.s32 $0x500  }
0x1c: {  	s21 =	simm.s32 $0x580;
	s20 =	simm.s32 $0x600;
	s19 =	simm.s32 $0x680  }
0x1d: {  	s18 =	simm.s32 $0x700;
	s17 =	simm.s32 $0x780;
	s0 =	rddreg [dreg:$0x2]  }
0x1e: {  	[tilespmem:s2], [sflag:$0x9] =	stream.linear.gather [hbm4b:s0+s2], $0x800, $0x38;
	[tilespmem:$0x10800] =	vst v63  }
0x1f: {  	_ =	swait.ge [sflag:s30], $0x800  }
0x20: {  	[sflag:s30] =	ssyncset.done $0x0  }
0x21: {  	[sflag:s30] =	ssyncadd.s32 $0xFFFFF800  }
0x22: {  	[tilespmem:s11], [sflag:$0x1] =	stream.indirect.gather [hbm4b:s10+s13], $0x80, s2, s13, $0xb8;
	[tilespmem:$0x10800] =	vst v63  }
0x23: {  	_ = 	snop  }
0x24: {  	[tilespmem:s9], [sflag:$0x2] =	stream.indirect.gather [hbm4b:s10+s13], $0x80, s13, s13, $0xb8;
	[tilespmem:$0x10800] =	vst v63  }
0x25: {  	s0 =	rddreg [dreg:$0x13]  }
0x26: {  	[tilespmem:s8], [sflag:$0x3] =	stream.indirect.gather [hbm4b:s10+s13], $0x80, s0, s13, $0xb8;
	[tilespmem:$0x10800] =	vst v63  }
0x27: {  	_ = 	snop  }
0x28: {  	[tilespmem:s7], [sflag:$0x4] =	stream.indirect.gather [hbm4b:s10+s13], $0x80, s31, s13, $0xb8;
	[tilespmem:$0x10800] =	vst v63  }
0x29: {  	_ =	swait.ge [sflag:s16], $0x4000  }
0x2a: {  	[sflag:s16] =	ssyncset.done $0x0  }
0x2b: {  	s0 =	rddreg [dreg:$0x3];
	[sflag:s16] =	ssyncadd.s32 $0xFFFFC000  }
0x2c: {  	[hbm4b:s0+s2] =	stream.linear.scatter [tilespmem:s11], [sflag:$0x5], $0x4000, $0x38;
	[tilespmem:$0x10800] =	vst v63  }
0x2d: {  	_ =	swait.ge [sflag:s3], $0x4000  }
0x2e: {  	[sflag:s3] =	ssyncset.done $0x0  }
0x2f: {  	[sflag:s3] =	ssyncadd.s32 $0xFFFFC000  }
0x30: {  	[tilespmem:s11], [sflag:$0x1] =	stream.indirect.gather [hbm4b:s10+s13], $0x80, s29, s13, $0xb8;
	[tilespmem:$0x10800] =	vst v63  }
0x31: {  	_ =	swait.ge [sflag:s15], $0x4000  }
0x32: {  	[sflag:s15] =	ssyncset.done $0x0  }
0x33: {  	s0 =	rddreg [dreg:$0x8];
	[sflag:s15] =	ssyncadd.s32 $0xFFFFC000  }
0x34: {  	[hbm4b:s0+s2] =	stream.linear.scatter [tilespmem:s9], [sflag:$0x6], $0x4000, $0x38;
	[tilespmem:$0x10800] =	vst v63  }
0x35: {  	_ =	swait.ge [sflag:s4], $0x4000  }
0x36: {  	[sflag:s4] =	ssyncset.done $0x0  }
0x37: {  	[sflag:s4] =	ssyncadd.s32 $0xFFFFC000  }
0x38: {  	[tilespmem:s9], [sflag:$0x2] =	stream.indirect.gather [hbm4b:s10+s13], $0x80, s28, s13, $0xb8;
	[tilespmem:$0x10800] =	vst v63  }
0x39: {  	_ =	swait.ge [sflag:s14], $0x4000  }
0x3a: {  	[sflag:s14] =	ssyncset.done $0x0  }
0x3b: {  	s0 =	rddreg [dreg:$0x9];
	[sflag:s14] =	ssyncadd.s32 $0xFFFFC000  }
0x3c: {  	[hbm4b:s0+s2] =	stream.linear.scatter [tilespmem:s8], [sflag:$0x7], $0x4000, $0x38;
	[tilespmem:$0x10800] =	vst v63  }
0x3d: {  	_ =	swait.ge [sflag:s5], $0x4000  }
0x3e: {  	[sflag:s5] =	ssyncset.done $0x0  }
0x3f: {  	[sflag:s5] =	ssyncadd.s32 $0xFFFFC000  }
0x40: {  	[tilespmem:s8], [sflag:$0x3] =	stream.indirect.gather [hbm4b:s10+s13], $0x80, s26, s13, $0xb8;
	[tilespmem:$0x10800] =	vst v63  }
0x41: {  	_ =	swait.ge [sflag:s12], $0x4000  }
0x42: {  	[sflag:s12] =	ssyncset.done $0x0  }
0x43: {  	s0 =	rddreg [dreg:$0xa];
	[sflag:s12] =	ssyncadd.s32 $0xFFFFC000  }
0x44: {  	[hbm4b:s0+s2] =	stream.linear.scatter [tilespmem:s7], [sflag:$0x8], $0x4000, $0x38;
	[tilespmem:$0x10800] =	vst v63  }
0x45: {  	_ =	swait.ge [sflag:s6], $0x4000  }
0x46: {  	[sflag:s6] =	ssyncset.done $0x0  }
0x47: {  	[sflag:s6] =	ssyncadd.s32 $0xFFFFC000  }
0x48: {  	[tilespmem:s7], [sflag:$0x4] =	stream.indirect.gather [hbm4b:s10+s13], $0x80, s25, s13, $0xb8;
	[tilespmem:$0x10800] =	vst v63  }
0x49: {  	_ =	swait.ge [sflag:s16], $0x4000  }
0x4a: {  	[sflag:s16] =	ssyncset.done $0x0  }
0x4b: {  	s0 =	rddreg [dreg:$0xb];
	[sflag:s16] =	ssyncadd.s32 $0xFFFFC000  }
0x4c: {  	[hbm4b:s0+s2] =	stream.linear.scatter [tilespmem:s11], [sflag:$0x5], $0x4000, $0x38;
	[tilespmem:$0x10800] =	vst v63  }
0x4d: {  	_ =	swait.ge [sflag:s3], $0x4000  }
0x4e: {  	[sflag:s3] =	ssyncset.done $0x0  }
0x4f: {  	[sflag:s3] =	ssyncadd.s32 $0xFFFFC000  }
0x50: {  	[tilespmem:s11], [sflag:$0x1] =	stream.indirect.gather [hbm4b:s10+s13], $0x80, s24, s13, $0xb8;
	[tilespmem:$0x10800] =	vst v63  }
0x51: {  	_ =	swait.ge [sflag:s15], $0x4000  }
0x52: {  	[sflag:s15] =	ssyncset.done $0x0  }
0x53: {  	s0 =	rddreg [dreg:$0xc];
	[sflag:s15] =	ssyncadd.s32 $0xFFFFC000  }
0x54: {  	[hbm4b:s0+s2] =	stream.linear.scatter [tilespmem:s9], [sflag:$0x6], $0x4000, $0x38;
	[tilespmem:$0x10800] =	vst v63  }
0x55: {  	_ =	swait.ge [sflag:s4], $0x4000  }
0x56: {  	[sflag:s4] =	ssyncset.done $0x0  }
0x57: {  	[sflag:s4] =	ssyncadd.s32 $0xFFFFC000  }
0x58: {  	[tilespmem:s9], [sflag:$0x2] =	stream.indirect.gather [hbm4b:s10+s13], $0x80, s23, s13, $0xb8;
	[tilespmem:$0x10800] =	vst v63  }
0x59: {  	_ =	swait.ge [sflag:s14], $0x4000  }
0x5a: {  	[sflag:s14] =	ssyncset.done $0x0  }
0x5b: {  	s0 =	rddreg [dreg:$0xd];
	[sflag:s14] =	ssyncadd.s32 $0xFFFFC000  }
0x5c: {  	[hbm4b:s0+s2] =	stream.linear.scatter [tilespmem:s8], [sflag:$0x7], $0x4000, $0x38;
	[tilespmem:$0x10800] =	vst v63  }
0x5d: {  	_ =	swait.ge [sflag:s5], $0x4000  }
0x5e: {  	[sflag:s5] =	ssyncset.done $0x0  }
0x5f: {  	[sflag:s5] =	ssyncadd.s32 $0xFFFFC000  }
0x60: {  	[tilespmem:s8], [sflag:$0x3] =	stream.indirect.gather [hbm4b:s10+s13], $0x80, s22, s13, $0xb8;
	[tilespmem:$0x10800] =	vst v63  }
0x61: {  	_ =	swait.ge [sflag:s12], $0x4000  }
0x62: {  	[sflag:s12] =	ssyncset.done $0x0  }
0x63: {  	s0 =	rddreg [dreg:$0xe];
	[sflag:s12] =	ssyncadd.s32 $0xFFFFC000  }
0x64: {  	[hbm4b:s0+s2] =	stream.linear.scatter [tilespmem:s7], [sflag:$0x8], $0x4000, $0x38;
	[tilespmem:$0x10800] =	vst v63  }
0x65: {  	_ =	swait.ge [sflag:s6], $0x4000  }
0x66: {  	[sflag:s6] =	ssyncset.done $0x0  }
0x67: {  	[sflag:s6] =	ssyncadd.s32 $0xFFFFC000  }
0x68: {  	[tilespmem:s7], [sflag:$0x4] =	stream.indirect.gather [hbm4b:s10+s13], $0x80, s21, s13, $0xb8;
	[tilespmem:$0x10800] =	vst v63  }
0x69: {  	_ =	swait.ge [sflag:s16], $0x4000  }
0x6a: {  	[sflag:s16] =	ssyncset.done $0x0  }
0x6b: {  	s0 =	rddreg [dreg:$0xf];
	[sflag:s16] =	ssyncadd.s32 $0xFFFFC000  }
0x6c: {  	[hbm4b:s0+s2] =	stream.linear.scatter [tilespmem:s11], [sflag:$0x5], $0x4000, $0x38;
	[tilespmem:$0x10800] =	vst v63  }
0x6d: {  	_ =	swait.ge [sflag:s3], $0x4000  }
0x6e: {  	[sflag:s3] =	ssyncset.done $0x0  }
0x6f: {  	[sflag:s3] =	ssyncadd.s32 $0xFFFFC000  }
0x70: {  	[tilespmem:s11], [sflag:$0x1] =	stream.indirect.gather [hbm4b:s10+s13], $0x80, s20, s13, $0xb8;
	[tilespmem:$0x10800] =	vst v63  }
0x71: {  	_ =	swait.ge [sflag:s15], $0x4000  }
0x72: {  	[sflag:s15] =	ssyncset.done $0x0  }
0x73: {  	s0 =	rddreg [dreg:$0x10];
	[sflag:s15] =	ssyncadd.s32 $0xFFFFC000  }
0x74: {  	[hbm4b:s0+s2] =	stream.linear.scatter [tilespmem:s9], [sflag:$0x6], $0x4000, $0x38;
	[tilespmem:$0x10800] =	vst v63  }
0x75: {  	_ =	swait.ge [sflag:s4], $0x4000  }
0x76: {  	[sflag:s4] =	ssyncset.done $0x0  }
0x77: {  	[sflag:s4] =	ssyncadd.s32 $0xFFFFC000  }
0x78: {  	[tilespmem:s9], [sflag:$0x2] =	stream.indirect.gather [hbm4b:s10+s13], $0x80, s19, s13, $0xb8;
	[tilespmem:$0x10800] =	vst v63  }
0x79: {  	_ =	swait.ge [sflag:s14], $0x4000  }
0x7a: {  	[sflag:s14] =	ssyncset.done $0x0  }
0x7b: {  	s0 =	rddreg [dreg:$0x11];
	[sflag:s14] =	ssyncadd.s32 $0xFFFFC000  }
0x7c: {  	[hbm4b:s0+s2] =	stream.linear.scatter [tilespmem:s8], [sflag:$0x7], $0x4000, $0x38;
	[tilespmem:$0x10800] =	vst v63  }
0x7d: {  	_ =	swait.ge [sflag:s5], $0x4000  }
0x7e: {  	[sflag:s5] =	ssyncset.done $0x0  }
0x7f: {  	[sflag:s5] =	ssyncadd.s32 $0xFFFFC000  }
0x80: {  	[tilespmem:s8], [sflag:$0x3] =	stream.indirect.gather [hbm4b:s10+s13], $0x80, s18, s13, $0xb8;
	[tilespmem:$0x10800] =	vst v63  }
0x81: {  	_ =	swait.ge [sflag:s12], $0x4000  }
0x82: {  	[sflag:s12] =	ssyncset.done $0x0  }
0x83: {  	s0 =	rddreg [dreg:$0x12];
	[sflag:s12] =	ssyncadd.s32 $0xFFFFC000  }
0x84: {  	[hbm4b:s0+s2] =	stream.linear.scatter [tilespmem:s7], [sflag:$0x8], $0x4000, $0x38;
	[tilespmem:$0x10800] =	vst v63  }
0x85: {  	_ =	swait.ge [sflag:s6], $0x4000  }
0x86: {  	[sflag:s6] =	ssyncset.done $0x0  }
0x87: {  	[sflag:s6] =	ssyncadd.s32 $0xFFFFC000  }
0x88: {  	[tilespmem:s7], [sflag:$0x4] =	stream.indirect.gather [hbm4b:s10+s13], $0x80, s17, s13, $0xb8;
	[tilespmem:$0x10800] =	vst v63  }
0x89: {  	_ =	swait.ge [sflag:s16], $0x4000  }
0x8a: {  	[sflag:s16] =	ssyncset.done $0x0  }
0x8b: {  	s0 =	rddreg [dreg:$0x4];
	[sflag:s16] =	ssyncadd.s32 $0xFFFFC000  }
0x8c: {  	[hbm4b:s0+s2] =	stream.linear.scatter [tilespmem:s11], [sflag:$0x5], $0x4000, $0x38;
	[tilespmem:$0x10800] =	vst v63  }
0x8d: {  	_ =	swait.ge [sflag:s15], $0x4000  }
0x8e: {  	[sflag:s15] =	ssyncset.done $0x0  }
0x8f: {  	s0 =	rddreg [dreg:$0x5];
	[sflag:s15] =	ssyncadd.s32 $0xFFFFC000  }
0x90: {  	[hbm4b:s0+s2] =	stream.linear.scatter [tilespmem:s9], [sflag:$0x6], $0x4000, $0x38;
	[tilespmem:$0x10800] =	vst v63  }
0x91: {  	_ =	swait.ge [sflag:s14], $0x4000  }
0x92: {  	[sflag:s14] =	ssyncset.done $0x0  }
0x93: {  	s0 =	rddreg [dreg:$0x6];
	[sflag:s14] =	ssyncadd.s32 $0xFFFFC000  }
0x94: {  	[hbm4b:s0+s2] =	stream.linear.scatter [tilespmem:s8], [sflag:$0x7], $0x4000, $0x38;
	[tilespmem:$0x10800] =	vst v63  }
0x95: {  	_ =	swait.ge [sflag:s12], $0x4000  }
0x96: {  	[sflag:s12] =	ssyncset.done $0x0  }
0x97: {  	s0 =	rddreg [dreg:$0x7];
	[sflag:s12] =	ssyncadd.s32 $0xFFFFC000  }
0x98: {  	[hbm4b:s0+s2] =	stream.linear.scatter [tilespmem:s7], [sflag:$0x8], $0x4000, $0x38;
	[tilespmem:$0x10800] =	vst v63  }
0x99: {  	_ =	swait.ge [sflag:s3], $0x4000  }
0x9a: {  	[sflag:s3] =	ssyncset.done $0x0  }
0x9b: {  	[sflag:s3] =	ssyncadd.s32 $0xFFFFC000  }
0x9c: {  	_ =	swait.ge [sflag:s4], $0x4000  }
0x9d: {  	[sflag:s4] =	ssyncset.done $0x0  }
0x9e: {  	p1 =	sne.s32 s1, $0x1;
	[sflag:s4] =	ssyncadd.s32 $0xFFFFC000  }
.Ltmp1:
0x9f: {  	_ =	swait.ge [sflag:s5], $0x4000;
	(pc) =	sbr.rel @!p1 .LBB2_3-.Ltmp1, $4  }
0xa0: {  	[sflag:s5] =	ssyncset.done $0x0  }
0xa1: {  	[sflag:s5] =	ssyncadd.s32 $0xFFFFC000  }
0xa2: {  	s1 =	sadd.s32 $0xFFFFFFFF, s1;
	_ =	swait.ge [sflag:s6], $0x4000  }
0xa3: {  	p0 =	por $0x1, $0x1;
	s0 =	rddreg [dreg:$0x2];
	[sflag:s6] =	ssyncset.done $0x0  }
.LBB2_2:
0xa4: {  	[sflag:s6] =	ssyncadd.s32 $0xFFFFC000  }
0xa5: {  	[tilespmem:s2], [sflag:$0x9] =	stream.linear.gather [hbm4b:s0+s2], $0x800, $0x38;
	[tilespmem:$0x10800] =	vst v63  }
0xa6: {  	_ =	swait.ge [sflag:s30], $0x800  }
0xa7: {  	[sflag:s30] =	ssyncset.done $0x0  }
0xa8: {  	[sflag:s30] =	ssyncadd.s32 $0xFFFFF800  }
0xa9: {  	[tilespmem:s11], [sflag:$0x1] =	stream.indirect.gather [hbm4b:s10+s13], $0x80, s2, s13, $0xb8;
	[tilespmem:$0x10800] =	vst v63  }
0xaa: {  	_ = 	snop  }
0xab: {  	[tilespmem:s9], [sflag:$0x2] =	stream.indirect.gather [hbm4b:s10+s13], $0x80, s13, s13, $0xb8;
	[tilespmem:$0x10800] =	vst v63  }
0xac: {  	s0 =	rddreg [dreg:$0x13]  }
0xad: {  	[tilespmem:s8], [sflag:$0x3] =	stream.indirect.gather [hbm4b:s10+s13], $0x80, s0, s13, $0xb8;
	[tilespmem:$0x10800] =	vst v63  }
0xae: {  	_ = 	snop  }
0xaf: {  	[tilespmem:s7], [sflag:$0x4] =	stream.indirect.gather [hbm4b:s10+s13], $0x80, s31, s13, $0xb8;
	[tilespmem:$0x10800] =	vst v63  }
0xb0: {  	_ =	swait.ge [sflag:s16], $0x4000  }
0xb1: {  	[sflag:s16] =	ssyncset.done $0x0  }
0xb2: {  	s0 =	rddreg [dreg:$0x3];
	[sflag:s16] =	ssyncadd.s32 $0xFFFFC000  }
0xb3: {  	[hbm4b:s0+s2] =	stream.linear.scatter [tilespmem:s11], [sflag:$0x5], $0x4000, $0x38;
	[tilespmem:$0x10800] =	vst v63  }
0xb4: {  	_ =	swait.ge [sflag:s3], $0x4000  }
0xb5: {  	[sflag:s3] =	ssyncset.done $0x0  }
0xb6: {  	[sflag:s3] =	ssyncadd.s32 $0xFFFFC000  }
0xb7: {  	[tilespmem:s11], [sflag:$0x1] =	stream.indirect.gather [hbm4b:s10+s13], $0x80, s29, s13, $0xb8;
	[tilespmem:$0x10800] =	vst v63  }
0xb8: {  	_ =	swait.ge [sflag:s15], $0x4000  }
0xb9: {  	[sflag:s15] =	ssyncset.done $0x0  }
0xba: {  	s0 =	rddreg [dreg:$0x8];
	[sflag:s15] =	ssyncadd.s32 $0xFFFFC000  }
0xbb: {  	[hbm4b:s0+s2] =	stream.linear.scatter [tilespmem:s9], [sflag:$0x6], $0x4000, $0x38;
	[tilespmem:$0x10800] =	vst v63  }
0xbc: {  	_ =	swait.ge [sflag:s4], $0x4000  }
0xbd: {  	[sflag:s4] =	ssyncset.done $0x0  }
0xbe: {  	[sflag:s4] =	ssyncadd.s32 $0xFFFFC000  }
0xbf: {  	[tilespmem:s9], [sflag:$0x2] =	stream.indirect.gather [hbm4b:s10+s13], $0x80, s28, s13, $0xb8;
	[tilespmem:$0x10800] =	vst v63  }
0xc0: {  	_ =	swait.ge [sflag:s14], $0x4000  }
0xc1: {  	[sflag:s14] =	ssyncset.done $0x0  }
0xc2: {  	s0 =	rddreg [dreg:$0x9];
	[sflag:s14] =	ssyncadd.s32 $0xFFFFC000  }
0xc3: {  	[hbm4b:s0+s2] =	stream.linear.scatter [tilespmem:s8], [sflag:$0x7], $0x4000, $0x38;
	[tilespmem:$0x10800] =	vst v63  }
0xc4: {  	_ =	swait.ge [sflag:s5], $0x4000  }
0xc5: {  	[sflag:s5] =	ssyncset.done $0x0  }
0xc6: {  	[sflag:s5] =	ssyncadd.s32 $0xFFFFC000  }
0xc7: {  	[tilespmem:s8], [sflag:$0x3] =	stream.indirect.gather [hbm4b:s10+s13], $0x80, s26, s13, $0xb8;
	[tilespmem:$0x10800] =	vst v63  }
0xc8: {  	_ =	swait.ge [sflag:s12], $0x4000  }
0xc9: {  	[sflag:s12] =	ssyncset.done $0x0  }
0xca: {  	s0 =	rddreg [dreg:$0xa];
	[sflag:s12] =	ssyncadd.s32 $0xFFFFC000  }
0xcb: {  	[hbm4b:s0+s2] =	stream.linear.scatter [tilespmem:s7], [sflag:$0x8], $0x4000, $0x38;
	[tilespmem:$0x10800] =	vst v63  }
0xcc: {  	_ =	swait.ge [sflag:s6], $0x4000  }
0xcd: {  	[sflag:s6] =	ssyncset.done $0x0  }
0xce: {  	[sflag:s6] =	ssyncadd.s32 $0xFFFFC000  }
0xcf: {  	[tilespmem:s7], [sflag:$0x4] =	stream.indirect.gather [hbm4b:s10+s13], $0x80, s25, s13, $0xb8;
	[tilespmem:$0x10800] =	vst v63  }
0xd0: {  	_ =	swait.ge [sflag:s16], $0x4000  }
0xd1: {  	[sflag:s16] =	ssyncset.done $0x0  }
0xd2: {  	s0 =	rddreg [dreg:$0xb];
	[sflag:s16] =	ssyncadd.s32 $0xFFFFC000  }
0xd3: {  	[hbm4b:s0+s2] =	stream.linear.scatter [tilespmem:s11], [sflag:$0x5], $0x4000, $0x38;
	[tilespmem:$0x10800] =	vst v63  }
0xd4: {  	_ =	swait.ge [sflag:s3], $0x4000  }
0xd5: {  	[sflag:s3] =	ssyncset.done $0x0  }
0xd6: {  	[sflag:s3] =	ssyncadd.s32 $0xFFFFC000  }
0xd7: {  	[tilespmem:s11], [sflag:$0x1] =	stream.indirect.gather [hbm4b:s10+s13], $0x80, s24, s13, $0xb8;
	[tilespmem:$0x10800] =	vst v63  }
0xd8: {  	_ =	swait.ge [sflag:s15], $0x4000  }
0xd9: {  	[sflag:s15] =	ssyncset.done $0x0  }
0xda: {  	s0 =	rddreg [dreg:$0xc];
	[sflag:s15] =	ssyncadd.s32 $0xFFFFC000  }
0xdb: {  	[hbm4b:s0+s2] =	stream.linear.scatter [tilespmem:s9], [sflag:$0x6], $0x4000, $0x38;
	[tilespmem:$0x10800] =	vst v63  }
0xdc: {  	_ =	swait.ge [sflag:s4], $0x4000  }
0xdd: {  	[sflag:s4] =	ssyncset.done $0x0  }
0xde: {  	[sflag:s4] =	ssyncadd.s32 $0xFFFFC000  }
0xdf: {  	[tilespmem:s9], [sflag:$0x2] =	stream.indirect.gather [hbm4b:s10+s13], $0x80, s23, s13, $0xb8;
	[tilespmem:$0x10800] =	vst v63  }
0xe0: {  	_ =	swait.ge [sflag:s14], $0x4000  }
0xe1: {  	[sflag:s14] =	ssyncset.done $0x0  }
0xe2: {  	s0 =	rddreg [dreg:$0xd];
	[sflag:s14] =	ssyncadd.s32 $0xFFFFC000  }
0xe3: {  	[hbm4b:s0+s2] =	stream.linear.scatter [tilespmem:s8], [sflag:$0x7], $0x4000, $0x38;
	[tilespmem:$0x10800] =	vst v63  }
0xe4: {  	_ =	swait.ge [sflag:s5], $0x4000  }
0xe5: {  	[sflag:s5] =	ssyncset.done $0x0  }
0xe6: {  	[sflag:s5] =	ssyncadd.s32 $0xFFFFC000  }
0xe7: {  	[tilespmem:s8], [sflag:$0x3] =	stream.indirect.gather [hbm4b:s10+s13], $0x80, s22, s13, $0xb8;
	[tilespmem:$0x10800] =	vst v63  }
0xe8: {  	_ =	swait.ge [sflag:s12], $0x4000  }
0xe9: {  	[sflag:s12] =	ssyncset.done $0x0  }
0xea: {  	s0 =	rddreg [dreg:$0xe];
	[sflag:s12] =	ssyncadd.s32 $0xFFFFC000  }
0xeb: {  	[hbm4b:s0+s2] =	stream.linear.scatter [tilespmem:s7], [sflag:$0x8], $0x4000, $0x38;
	[tilespmem:$0x10800] =	vst v63  }
0xec: {  	_ =	swait.ge [sflag:s6], $0x4000  }
0xed: {  	[sflag:s6] =	ssyncset.done $0x0  }
0xee: {  	[sflag:s6] =	ssyncadd.s32 $0xFFFFC000  }
0xef: {  	[tilespmem:s7], [sflag:$0x4] =	stream.indirect.gather [hbm4b:s10+s13], $0x80, s21, s13, $0xb8;
	[tilespmem:$0x10800] =	vst v63  }
0xf0: {  	_ =	swait.ge [sflag:s16], $0x4000  }
0xf1: {  	[sflag:s16] =	ssyncset.done $0x0  }
0xf2: {  	s0 =	rddreg [dreg:$0xf];
	[sflag:s16] =	ssyncadd.s32 $0xFFFFC000  }
0xf3: {  	[hbm4b:s0+s2] =	stream.linear.scatter [tilespmem:s11], [sflag:$0x5], $0x4000, $0x38;
	[tilespmem:$0x10800] =	vst v63  }
0xf4: {  	_ =	swait.ge [sflag:s3], $0x4000  }
0xf5: {  	[sflag:s3] =	ssyncset.done $0x0  }
0xf6: {  	[sflag:s3] =	ssyncadd.s32 $0xFFFFC000  }
0xf7: {  	[tilespmem:s11], [sflag:$0x1] =	stream.indirect.gather [hbm4b:s10+s13], $0x80, s20, s13, $0xb8;
	[tilespmem:$0x10800] =	vst v63  }
0xf8: {  	_ =	swait.ge [sflag:s15], $0x4000  }
0xf9: {  	[sflag:s15] =	ssyncset.done $0x0  }
0xfa: {  	s0 =	rddreg [dreg:$0x10];
	[sflag:s15] =	ssyncadd.s32 $0xFFFFC000  }
0xfb: {  	[hbm4b:s0+s2] =	stream.linear.scatter [tilespmem:s9], [sflag:$0x6], $0x4000, $0x38;
	[tilespmem:$0x10800] =	vst v63  }
0xfc: {  	_ =	swait.ge [sflag:s4], $0x4000  }
0xfd: {  	[sflag:s4] =	ssyncset.done $0x0  }
0xfe: {  	[sflag:s4] =	ssyncadd.s32 $0xFFFFC000  }
0xff: {  	[tilespmem:s9], [sflag:$0x2] =	stream.indirect.gather [hbm4b:s10+s13], $0x80, s19, s13, $0xb8;
	[tilespmem:$0x10800] =	vst v63  }
0x100: {  	_ =	swait.ge [sflag:s14], $0x4000  }
0x101: {  	[sflag:s14] =	ssyncset.done $0x0  }
0x102: {  	s0 =	rddreg [dreg:$0x11];
	[sflag:s14] =	ssyncadd.s32 $0xFFFFC000  }
0x103: {  	[hbm4b:s0+s2] =	stream.linear.scatter [tilespmem:s8], [sflag:$0x7], $0x4000, $0x38;
	[tilespmem:$0x10800] =	vst v63  }
0x104: {  	_ =	swait.ge [sflag:s5], $0x4000  }
0x105: {  	[sflag:s5] =	ssyncset.done $0x0  }
0x106: {  	[sflag:s5] =	ssyncadd.s32 $0xFFFFC000  }
0x107: {  	[tilespmem:s8], [sflag:$0x3] =	stream.indirect.gather [hbm4b:s10+s13], $0x80, s18, s13, $0xb8;
	[tilespmem:$0x10800] =	vst v63  }
0x108: {  	_ =	swait.ge [sflag:s12], $0x4000  }
0x109: {  	[sflag:s12] =	ssyncset.done $0x0  }
0x10a: {  	s0 =	rddreg [dreg:$0x12];
	[sflag:s12] =	ssyncadd.s32 $0xFFFFC000  }
0x10b: {  	[hbm4b:s0+s2] =	stream.linear.scatter [tilespmem:s7], [sflag:$0x8], $0x4000, $0x38;
	[tilespmem:$0x10800] =	vst v63  }
0x10c: {  	_ =	swait.ge [sflag:s6], $0x4000  }
0x10d: {  	[sflag:s6] =	ssyncset.done $0x0  }
0x10e: {  	[sflag:s6] =	ssyncadd.s32 $0xFFFFC000  }
0x10f: {  	[tilespmem:s7], [sflag:$0x4] =	stream.indirect.gather [hbm4b:s10+s13], $0x80, s17, s13, $0xb8;
	[tilespmem:$0x10800] =	vst v63  }
0x110: {  	_ =	swait.ge [sflag:s16], $0x4000  }
0x111: {  	[sflag:s16] =	ssyncset.done $0x0  }
0x112: {  	s0 =	rddreg [dreg:$0x4];
	[sflag:s16] =	ssyncadd.s32 $0xFFFFC000  }
0x113: {  	[hbm4b:s0+s2] =	stream.linear.scatter [tilespmem:s11], [sflag:$0x5], $0x4000, $0x38;
	[tilespmem:$0x10800] =	vst v63  }
0x114: {  	_ =	swait.ge [sflag:s15], $0x4000  }
0x115: {  	[sflag:s15] =	ssyncset.done $0x0  }
0x116: {  	s0 =	rddreg [dreg:$0x5];
	[sflag:s15] =	ssyncadd.s32 $0xFFFFC000  }
0x117: {  	[hbm4b:s0+s2] =	stream.linear.scatter [tilespmem:s9], [sflag:$0x6], $0x4000, $0x38;
	[tilespmem:$0x10800] =	vst v63  }
0x118: {  	_ =	swait.ge [sflag:s14], $0x4000  }
0x119: {  	[sflag:s14] =	ssyncset.done $0x0  }
0x11a: {  	s0 =	rddreg [dreg:$0x6];
	[sflag:s14] =	ssyncadd.s32 $0xFFFFC000  }
0x11b: {  	[hbm4b:s0+s2] =	stream.linear.scatter [tilespmem:s8], [sflag:$0x7], $0x4000, $0x38;
	[tilespmem:$0x10800] =	vst v63  }
0x11c: {  	_ =	swait.ge [sflag:s12], $0x4000  }
0x11d: {  	[sflag:s12] =	ssyncset.done $0x0  }
0x11e: {  	s0 =	rddreg [dreg:$0x7];
	[sflag:s12] =	ssyncadd.s32 $0xFFFFC000  }
0x11f: {  	[hbm4b:s0+s2] =	stream.linear.scatter [tilespmem:s7], [sflag:$0x8], $0x4000, $0x38;
	[tilespmem:$0x10800] =	vst v63  }
0x120: {  	_ =	swait.ge [sflag:s3], $0x4000  }
0x121: {  	[sflag:s3] =	ssyncset.done $0x0  }
0x122: {  	[sflag:s3] =	ssyncadd.s32 $0xFFFFC000  }
0x123: {  	_ =	swait.ge [sflag:s4], $0x4000  }
0x124: {  	[sflag:s4] =	ssyncset.done $0x0  }
0x125: {  	p1 =	sne.s32 s1, $0x1;
	[sflag:s4] =	ssyncadd.s32 $0xFFFFC000  }
.Ltmp2:
0x126: {  	_ =	swait.ge [sflag:s5], $0x4000;
	(pc) =	sbr.rel @p1 .LBB2_2-.Ltmp2, $4  }
0x127: {  	[sflag:s5] =	ssyncset.done $0x0  }
0x128: {  	[sflag:s5] =	ssyncadd.s32 $0xFFFFC000  }
0x129: {  	_ =	swait.ge [sflag:s6], $0x4000  }
0x12a: {  	s1 =	sadd.s32 $0xFFFFFFFF, s1;
	s0 =	rddreg [dreg:$0x2];
	[sflag:s6] =	ssyncset.done $0x0  }
.LBB2_3:
0x12b: {  	[sflag:s6] =	ssyncadd.s32 @p0 $0xFFFFC000  }
0x12c: {  	[tilespmem:s2], [sflag:$0x9] =	stream.linear.gather [hbm4b:s0+s2], $0x800, $0x38;
	[tilespmem:$0x10800] =	vst v63  }
0x12d: {  	_ =	swait.ge [sflag:s30], $0x800  }
0x12e: {  	[sflag:s30] =	ssyncset.done $0x0  }
0x12f: {  	[sflag:s30] =	ssyncadd.s32 $0xFFFFF800  }
0x130: {  	[tilespmem:s11], [sflag:$0x1] =	stream.indirect.gather [hbm4b:s10+s13], $0x80, s2, s13, $0xb8;
	[tilespmem:$0x10800] =	vst v63  }
0x131: {  	_ = 	snop  }
0x132: {  	[tilespmem:s9], [sflag:$0x2] =	stream.indirect.gather [hbm4b:s10+s13], $0x80, s13, s13, $0xb8;
	[tilespmem:$0x10800] =	vst v63  }
0x133: {  	s1 =	rddreg [dreg:$0x13]  }
0x134: {  	[tilespmem:s8], [sflag:$0x3] =	stream.indirect.gather [hbm4b:s10+s13], $0x80, s1, s13, $0xb8;
	[tilespmem:$0x10800] =	vst v63  }
0x135: {  	_ = 	snop  }
0x136: {  	[tilespmem:s7], [sflag:$0x4] =	stream.indirect.gather [hbm4b:s10+s13], $0x80, s31, s13, $0xb8;
	[tilespmem:$0x10800] =	vst v63  }
0x137: {  	_ =	swait.ge [sflag:s16], $0x4000  }
0x138: {  	[sflag:s16] =	ssyncset.done $0x0  }
0x139: {  	s30 =	rddreg [dreg:$0x3];
	[sflag:s16] =	ssyncadd.s32 $0xFFFFC000  }
0x13a: {  	[hbm4b:s30+s2] =	stream.linear.scatter [tilespmem:s11], [sflag:$0x5], $0x4000, $0x38;
	[tilespmem:$0x10800] =	vst v63  }
0x13b: {  	_ =	swait.ge [sflag:s3], $0x4000  }
0x13c: {  	[sflag:s3] =	ssyncset.done $0x0  }
0x13d: {  	[sflag:s3] =	ssyncadd.s32 $0xFFFFC000  }
0x13e: {  	[tilespmem:s11], [sflag:$0x1] =	stream.indirect.gather [hbm4b:s10+s13], $0x80, s29, s13, $0xb8;
	[tilespmem:$0x10800] =	vst v63  }
0x13f: {  	_ =	swait.ge [sflag:s15], $0x4000  }
0x140: {  	[sflag:s15] =	ssyncset.done $0x0  }
0x141: {  	s31 =	rddreg [dreg:$0x8];
	[sflag:s15] =	ssyncadd.s32 $0xFFFFC000  }
0x142: {  	[hbm4b:s31+s2] =	stream.linear.scatter [tilespmem:s9], [sflag:$0x6], $0x4000, $0x38;
	[tilespmem:$0x10800] =	vst v63  }
0x143: {  	_ =	swait.ge [sflag:s4], $0x4000  }
0x144: {  	[sflag:s4] =	ssyncset.done $0x0  }
0x145: {  	[sflag:s4] =	ssyncadd.s32 $0xFFFFC000  }
0x146: {  	[tilespmem:s9], [sflag:$0x2] =	stream.indirect.gather [hbm4b:s10+s13], $0x80, s28, s13, $0xb8;
	[tilespmem:$0x10800] =	vst v63  }
0x147: {  	_ =	swait.ge [sflag:s14], $0x4000  }
0x148: {  	[sflag:s14] =	ssyncset.done $0x0  }
0x149: {  	s1 =	rddreg [dreg:$0x9];
	[sflag:s14] =	ssyncadd.s32 $0xFFFFC000  }
0x14a: {  	[hbm4b:s1+s2] =	stream.linear.scatter [tilespmem:s8], [sflag:$0x7], $0x4000, $0x38;
	[tilespmem:$0x10800] =	vst v63  }
0x14b: {  	_ =	swait.ge [sflag:s5], $0x4000  }
0x14c: {  	[sflag:s5] =	ssyncset.done $0x0  }
0x14d: {  	[sflag:s5] =	ssyncadd.s32 $0xFFFFC000  }
0x14e: {  	[tilespmem:s8], [sflag:$0x3] =	stream.indirect.gather [hbm4b:s10+s13], $0x80, s26, s13, $0xb8;
	[tilespmem:$0x10800] =	vst v63  }
0x14f: {  	_ =	swait.ge [sflag:s12], $0x4000  }
0x150: {  	[sflag:s12] =	ssyncset.done $0x0  }
0x151: {  	s28 =	rddreg [dreg:$0xa];
	[sflag:s12] =	ssyncadd.s32 $0xFFFFC000  }
0x152: {  	[hbm4b:s28+s2] =	stream.linear.scatter [tilespmem:s7], [sflag:$0x8], $0x4000, $0x38;
	[tilespmem:$0x10800] =	vst v63  }
0x153: {  	_ =	swait.ge [sflag:s6], $0x4000  }
0x154: {  	[sflag:s6] =	ssyncset.done $0x0  }
0x155: {  	[sflag:s6] =	ssyncadd.s32 $0xFFFFC000  }
0x156: {  	[tilespmem:s7], [sflag:$0x4] =	stream.indirect.gather [hbm4b:s10+s13], $0x80, s25, s13, $0xb8;
	[tilespmem:$0x10800] =	vst v63  }
0x157: {  	_ =	swait.ge [sflag:s16], $0x4000  }
0x158: {  	[sflag:s16] =	ssyncset.done $0x0  }
0x159: {  	s29 =	rddreg [dreg:$0xb];
	[sflag:s16] =	ssyncadd.s32 $0xFFFFC000  }
0x15a: {  	[hbm4b:s29+s2] =	stream.linear.scatter [tilespmem:s11], [sflag:$0x5], $0x4000, $0x38;
	[tilespmem:$0x10800] =	vst v63  }
0x15b: {  	_ =	swait.ge [sflag:s3], $0x4000  }
0x15c: {  	[sflag:s3] =	ssyncset.done $0x0  }
0x15d: {  	[sflag:s3] =	ssyncadd.s32 $0xFFFFC000  }
0x15e: {  	[tilespmem:s11], [sflag:$0x1] =	stream.indirect.gather [hbm4b:s10+s13], $0x80, s24, s13, $0xb8;
	[tilespmem:$0x10800] =	vst v63  }
0x15f: {  	_ =	swait.ge [sflag:s15], $0x4000  }
0x160: {  	[sflag:s15] =	ssyncset.done $0x0  }
0x161: {  	s30 =	rddreg [dreg:$0xc];
	[sflag:s15] =	ssyncadd.s32 $0xFFFFC000  }
0x162: {  	[hbm4b:s30+s2] =	stream.linear.scatter [tilespmem:s9], [sflag:$0x6], $0x4000, $0x38;
	[tilespmem:$0x10800] =	vst v63  }
0x163: {  	_ =	swait.ge [sflag:s4], $0x4000  }
0x164: {  	[sflag:s4] =	ssyncset.done $0x0  }
0x165: {  	[sflag:s4] =	ssyncadd.s32 $0xFFFFC000  }
0x166: {  	[tilespmem:s9], [sflag:$0x2] =	stream.indirect.gather [hbm4b:s10+s13], $0x80, s23, s13, $0xb8;
	[tilespmem:$0x10800] =	vst v63  }
0x167: {  	_ =	swait.ge [sflag:s14], $0x4000  }
0x168: {  	[sflag:s14] =	ssyncset.done $0x0  }
0x169: {  	s31 =	rddreg [dreg:$0xd];
	[sflag:s14] =	ssyncadd.s32 $0xFFFFC000  }
0x16a: {  	[hbm4b:s31+s2] =	stream.linear.scatter [tilespmem:s8], [sflag:$0x7], $0x4000, $0x38;
	[tilespmem:$0x10800] =	vst v63  }
0x16b: {  	_ =	swait.ge [sflag:s5], $0x4000  }
0x16c: {  	[sflag:s5] =	ssyncset.done $0x0  }
0x16d: {  	[sflag:s5] =	ssyncadd.s32 $0xFFFFC000  }
0x16e: {  	[tilespmem:s8], [sflag:$0x3] =	stream.indirect.gather [hbm4b:s10+s13], $0x80, s22, s13, $0xb8;
	[tilespmem:$0x10800] =	vst v63  }
0x16f: {  	_ =	swait.ge [sflag:s12], $0x4000  }
0x170: {  	[sflag:s12] =	ssyncset.done $0x0  }
0x171: {  	s1 =	rddreg [dreg:$0xe];
	[sflag:s12] =	ssyncadd.s32 $0xFFFFC000  }
0x172: {  	[hbm4b:s1+s2] =	stream.linear.scatter [tilespmem:s7], [sflag:$0x8], $0x4000, $0x38;
	[tilespmem:$0x10800] =	vst v63  }
0x173: {  	_ =	swait.ge [sflag:s6], $0x4000  }
0x174: {  	[sflag:s6] =	ssyncset.done $0x0  }
0x175: {  	[sflag:s6] =	ssyncadd.s32 $0xFFFFC000  }
0x176: {  	[tilespmem:s7], [sflag:$0x4] =	stream.indirect.gather [hbm4b:s10+s13], $0x80, s21, s13, $0xb8;
	[tilespmem:$0x10800] =	vst v63  }
0x177: {  	_ =	swait.ge [sflag:s16], $0x4000  }
0x178: {  	[sflag:s16] =	ssyncset.done $0x0  }
0x179: {  	s22 =	rddreg [dreg:$0xf];
	[sflag:s16] =	ssyncadd.s32 $0xFFFFC000  }
0x17a: {  	[hbm4b:s22+s2] =	stream.linear.scatter [tilespmem:s11], [sflag:$0x5], $0x4000, $0x38;
	[tilespmem:$0x10800] =	vst v63  }
0x17b: {  	_ =	swait.ge [sflag:s3], $0x4000  }
0x17c: {  	[sflag:s3] =	ssyncset.done $0x0  }
0x17d: {  	[sflag:s3] =	ssyncadd.s32 $0xFFFFC000  }
0x17e: {  	[tilespmem:s11], [sflag:$0x1] =	stream.indirect.gather [hbm4b:s10+s13], $0x80, s20, s13, $0xb8;
	[tilespmem:$0x10800] =	vst v63  }
0x17f: {  	_ =	swait.ge [sflag:s15], $0x4000  }
0x180: {  	[sflag:s15] =	ssyncset.done $0x0  }
0x181: {  	s23 =	rddreg [dreg:$0x10];
	[sflag:s15] =	ssyncadd.s32 $0xFFFFC000  }
0x182: {  	[hbm4b:s23+s2] =	stream.linear.scatter [tilespmem:s9], [sflag:$0x6], $0x4000, $0x38;
	[tilespmem:$0x10800] =	vst v63  }
0x183: {  	_ =	swait.ge [sflag:s4], $0x4000  }
0x184: {  	[sflag:s4] =	ssyncset.done $0x0  }
0x185: {  	[sflag:s4] =	ssyncadd.s32 $0xFFFFC000  }
0x186: {  	[tilespmem:s9], [sflag:$0x2] =	stream.indirect.gather [hbm4b:s10+s13], $0x80, s19, s13, $0xb8;
	[tilespmem:$0x10800] =	vst v63  }
0x187: {  	_ =	swait.ge [sflag:s14], $0x4000  }
0x188: {  	[sflag:s14] =	ssyncset.done $0x0  }
0x189: {  	s24 =	rddreg [dreg:$0x11];
	[sflag:s14] =	ssyncadd.s32 $0xFFFFC000  }
0x18a: {  	[hbm4b:s24+s2] =	stream.linear.scatter [tilespmem:s8], [sflag:$0x7], $0x4000, $0x38;
	[tilespmem:$0x10800] =	vst v63  }
0x18b: {  	_ =	swait.ge [sflag:s5], $0x4000  }
0x18c: {  	[sflag:s5] =	ssyncset.done $0x0  }
0x18d: {  	[sflag:s5] =	ssyncadd.s32 $0xFFFFC000  }
0x18e: {  	[tilespmem:s8], [sflag:$0x3] =	stream.indirect.gather [hbm4b:s10+s13], $0x80, s18, s13, $0xb8;
	[tilespmem:$0x10800] =	vst v63  }
0x18f: {  	_ =	swait.ge [sflag:s12], $0x4000  }
0x190: {  	[sflag:s12] =	ssyncset.done $0x0  }
0x191: {  	s25 =	rddreg [dreg:$0x12];
	[sflag:s12] =	ssyncadd.s32 $0xFFFFC000  }
0x192: {  	[hbm4b:s25+s2] =	stream.linear.scatter [tilespmem:s7], [sflag:$0x8], $0x4000, $0x38;
	[tilespmem:$0x10800] =	vst v63  }
0x193: {  	_ =	swait.ge [sflag:s6], $0x4000  }
0x194: {  	[sflag:s6] =	ssyncset.done $0x0  }
0x195: {  	[sflag:s6] =	ssyncadd.s32 $0xFFFFC000  }
0x196: {  	[tilespmem:s7], [sflag:$0x4] =	stream.indirect.gather [hbm4b:s10+s13], $0x80, s17, s13, $0xb8;
	[tilespmem:$0x10800] =	vst v63  }
0x197: {  	_ =	swait.ge [sflag:s16], $0x4000  }
0x198: {  	[sflag:s16] =	ssyncset.done $0x0  }
0x199: {  	s26 =	rddreg [dreg:$0x4];
	[sflag:s16] =	ssyncadd.s32 $0xFFFFC000  }
0x19a: {  	[hbm4b:s26+s2] =	stream.linear.scatter [tilespmem:s11], [sflag:$0x5], $0x4000, $0x38;
	[tilespmem:$0x10800] =	vst v63  }
0x19b: {  	_ =	swait.ge [sflag:s15], $0x4000  }
0x19c: {  	[sflag:s15] =	ssyncset.done $0x0  }
0x19d: {  	s28 =	rddreg [dreg:$0x5];
	[sflag:s15] =	ssyncadd.s32 $0xFFFFC000  }
0x19e: {  	[hbm4b:s28+s2] =	stream.linear.scatter [tilespmem:s9], [sflag:$0x6], $0x4000, $0x38;
	[tilespmem:$0x10800] =	vst v63  }
0x19f: {  	_ =	swait.ge [sflag:s14], $0x4000  }
0x1a0: {  	[sflag:s14] =	ssyncset.done $0x0  }
0x1a1: {  	s29 =	rddreg [dreg:$0x6];
	[sflag:s14] =	ssyncadd.s32 $0xFFFFC000  }
0x1a2: {  	[hbm4b:s29+s2] =	stream.linear.scatter [tilespmem:s8], [sflag:$0x7], $0x4000, $0x38;
	[tilespmem:$0x10800] =	vst v63  }
0x1a3: {  	_ =	swait.ge [sflag:s12], $0x4000  }
0x1a4: {  	[sflag:s12] =	ssyncset.done $0x0  }
0x1a5: {  	s30 =	rddreg [dreg:$0x7];
	[sflag:s12] =	ssyncadd.s32 $0xFFFFC000  }
0x1a6: {  	[hbm4b:s30+s2] =	stream.linear.scatter [tilespmem:s7], [sflag:$0x8], $0x4000, $0x38;
	[tilespmem:$0x10800] =	vst v63  }
0x1a7: {  	_ =	swait.ge [sflag:s3], $0x4000  }
0x1a8: {  	[sflag:s3] =	ssyncset.done $0x0  }
0x1a9: {  	[sflag:s3] =	ssyncadd.s32 $0xFFFFC000  }
0x1aa: {  	_ =	swait.ge [sflag:s4], $0x4000  }
0x1ab: {  	[sflag:s4] =	ssyncset.done $0x0  }
0x1ac: {  	[sflag:s4] =	ssyncadd.s32 $0xFFFFC000  }
0x1ad: {  	_ =	swait.ge [sflag:s5], $0x4000  }
0x1ae: {  	[sflag:s5] =	ssyncset.done $0x0  }
0x1af: {  	[sflag:s5] =	ssyncadd.s32 $0xFFFFC000  }
0x1b0: {  	_ =	swait.ge [sflag:s6], $0x4000  }
0x1b1: {  	[sflag:s6] =	ssyncset.done $0x0  }
0x1b2: {  	[sflag:s6] =	ssyncadd.s32 $0xFFFFC000  }
0x1b3: {  	_ =	sfence.sel $0x180000  }
0x1b4: {  	[bflag:$0x0] =	sbarrier.arrive $0xFFFF  }
0x1b5: {  	_ =	strace $0x90000047  }
0x1b6: {  	s31 =	stileid.u32;
	[bflag:$0x2] =	sbarrier.arrive $0xFFFF  }
0x1b7: {  	p0 =	sne.s32 s31, $0x0;
	s0 =	rddreg [dreg:$0x1]  }
0x1b8: {  	s0 =	sadd.s32 @!p0 $0x100000, s0  }
0x1b9: {  	[sflag:s0] =	ssyncadd.tile.s32 @!p0 $0x1;
	_ =	shalt  }
.Lfunc_end2:
_tile_overlayer_lowered:
.L_overlay_start_2:
0x1ba: {  	(tag) =	ssettag $0x2  }
0x1bb: {  	s0 =	rddreg [dreg:$0x0];
	s2 =	stileid.u32  }
0x1bc: {  	s1 =	rddreg [dreg:$0x1];
	p0 =	sne.s32 s2, $0x0  }
0x1bd: {  	s3 =	rddreg [dreg:$0x2];
	[bflag:$0x3] =	sbarrier.arrive $0xFFFF;
	s2 =	simm.s32 @!p0 $0x1C09  }
0x1be: {  	[timem:s3], [sflag:s2] =	dma.local @!p0 [hbm:s0], s1  }
0x1bf: {  	s0 =	simm.s32 @!p0 $0x9  }
0x1c0: {  	_ =	swait.ge @!p0 [sflag:s0], s1  }
0x1c1: {  	s1 =	ssub.s32 @!p0 $0x0, s1;
	[sflag:s0] =	ssyncset.done @!p0 $0x0  }
0x1c2: {  	[sflag:s0] =	ssyncadd.s32 @!p0 s1  }
0x1c3: {  	[bflag:$0x3] =	sbarrier.arrive $0xFFFF  }
0x1c4: {  	_ =	shalt  }

</sc_bundles>
